<compile_context>
chip_gen: v7x
topology: tpu7x:2x2x1
jax: 0.10.2.dev20260603
libtpu: 0.0.44.dev20260713+nightly
codegen_flags: <defaults>
</compile_context>

<pallas_src>
import functools

import jax
import jax.numpy as jnp
from jax import lax
from jax.experimental import pallas as pl
from jax.experimental.pallas import tpu as pltpu
from jax.experimental.pallas import tpu_sc as plsc

N = 10000
D = 128
E = 320000
C = 10

NC = 2
NS = 16
NW = NC * NS
CHUNK = 128
CPT0 = 109
CPT1 = 49
E_PAD = NS * CHUNK * (CPT0 + CPT1)
RPT = 640
ZROWS = 128
ACC_ROWS = NS * RPT


@functools.partial(
    pl.kernel,
    out_type=jax.ShapeDtypeStruct((NC, ACC_ROWS, D), jnp.float32),
    mesh=plsc.VectorSubcoreMesh(core_axis_name="c", subcore_axis_name="s",
                                num_cores=NC, num_subcores=NS),
    scratch_types=[
        pltpu.VMEM((2 * CHUNK,), jnp.int32),
        pltpu.VMEM((2 * CHUNK,), jnp.int32),
        pltpu.VMEM((CHUNK,), jnp.int32),
        pltpu.VMEM((CHUNK,), jnp.int32),
        pltpu.VMEM((CHUNK, D), jnp.float32),
        pltpu.VMEM((CHUNK, D), jnp.float32),
        pltpu.VMEM_SHARED((ACC_ROWS, D), jnp.float32),
        pltpu.SemaphoreType.DMA,
        pltpu.SemaphoreType.DMA,
    ],
)
def _sc_agg(x_hbm, idx_hbm, zeros_hbm, out_hbm,
            comb0_v, comb1_v, dst0_v, dst1_v, rows0_v, rows1_v,
            acc_sh, sem0, sem1):
    cid = lax.axis_index("c")
    sid = lax.axis_index("s")
    wid = cid * NS + sid
    comb_v = (comb0_v, comb1_v)
    dst_v = (dst0_v, dst1_v)
    rows_v = (rows0_v, rows1_v)
    sem = (sem0, sem1)

    def drain(b):
        pltpu.make_async_copy(x_hbm.at[pl.ds(0, CHUNK)], rows_v[b],
                              sem[b]).wait()

    pltpu.sync_copy(zeros_hbm, rows0_v)
    for r in range(RPT // ZROWS):
        pltpu.sync_copy(rows0_v, acc_sh.at[pl.ds(sid * RPT + r * ZROWS, ZROWS)])
    plsc.subcore_barrier()

    def run_pipe(base, cpt):
        def idx_load(j, b):
            off = base + j * (2 * CHUNK)
            pltpu.sync_copy(idx_hbm.at[pl.ds(off, 2 * CHUNK)], comb_v[b])
            for k in range(CHUNK // 16):
                dst_v[b][pl.ds(16 * k, 16)] = \
                    comb_v[b][pl.ds(CHUNK + 16 * k, 16)]

        def gather(b):
            pltpu.async_copy(x_hbm.at[comb_v[b].at[pl.ds(0, CHUNK)]],
                             rows_v[b], sem[b])

        def slot_step(j, b):
            drain(b)
            pltpu.sync_copy(rows_v[b], acc_sh.at[dst_v[b]], add=True)
            idx_load(j + 2, b)
            gather(b)

        idx_load(0, 0)
        gather(0)
        idx_load(1, 1)
        gather(1)

        def chunk_body(m, carry):
            slot_step(2 * m, 0)
            slot_step(2 * m + 1, 1)
            return carry

        lax.fori_loop(0, (cpt - 3) // 2, chunk_body, 0)
        drain(0)
        pltpu.sync_copy(rows0_v, acc_sh.at[dst0_v], add=True)
        idx_load(cpt - 1, 0)
        gather(0)
        drain(1)
        pltpu.sync_copy(rows1_v, acc_sh.at[dst1_v], add=True)
        drain(0)
        pltpu.sync_copy(rows0_v, acc_sh.at[dst0_v], add=True)

    @pl.when(cid == 0)
    def _():
        run_pipe(sid * (CPT0 * 2 * CHUNK), CPT0)

    @pl.when(cid == 1)
    def _():
        run_pipe((NS * CPT0 + sid * CPT1) * (2 * CHUNK), CPT1)

    plsc.subcore_barrier()

    pltpu.sync_copy(acc_sh.at[pl.ds(sid * RPT, RPT)],
                    out_hbm.at[cid, pl.ds(sid * RPT, RPT)])


def _mlp_block(h, wa_ref, ba_ref, wb_ref, bb_ref):
    h = jnp.maximum(
        jnp.dot(h, wa_ref[...], preferred_element_type=jnp.float32)
        + ba_ref[...], 0.0)
    return (jnp.dot(h, wb_ref[...], preferred_element_type=jnp.float32)
            + bb_ref[...])


def _tc_mlp1_body(x_ref, a_ref, wa_ref, ba_ref, wb_ref, bb_ref, o_ref):
    h = x_ref[...] + a_ref[0] + a_ref[1]
    h = _mlp_block(h, wa_ref, ba_ref, wb_ref, bb_ref)
    o_ref[...] = jnp.maximum(h, 0.0)


def _tc_mlp2_body(x_ref, a_ref, wa_ref, ba_ref, wb_ref, bb_ref,
                  wfc_ref, bfc_ref, o_ref):
    h = x_ref[...] + a_ref[0] + a_ref[1]
    h = _mlp_block(h, wa_ref, ba_ref, wb_ref, bb_ref)
    logits = (jnp.dot(h, wfc_ref[...], preferred_element_type=jnp.float32)
              + bfc_ref[...])
    m = jnp.max(logits, axis=1, keepdims=True)
    e = jnp.exp(logits - m)
    s = jnp.sum(e, axis=1, keepdims=True)
    o_ref[...] = logits - m - jnp.log(s)


_BLK = 1000
_GRID = N // _BLK


def _row_spec():
    return pl.BlockSpec((_BLK, D), lambda i: (i, 0))


def _agg_spec():
    return pl.BlockSpec((NC, _BLK, D), lambda i: (0, i, 0))


def _w_spec():
    return pl.BlockSpec((D, D), lambda i: (0, 0))


def _b_spec():
    return pl.BlockSpec((1, D), lambda i: (0, 0))


_AGG_SHAPE = (NC, ACC_ROWS, D)

_tc_mlp1 = pl.pallas_call(
    _tc_mlp1_body,
    grid=(_GRID,),
    in_specs=[_row_spec(), _agg_spec(), _w_spec(), _b_spec(),
              _w_spec(), _b_spec()],
    out_specs=_row_spec(),
    out_shape=jax.ShapeDtypeStruct((N, D), jnp.float32),
)

_tc_mlp2 = pl.pallas_call(
    _tc_mlp2_body,
    grid=(_GRID,),
    in_specs=[_row_spec(), _agg_spec(), _w_spec(), _b_spec(),
              _w_spec(), _b_spec(), _w_spec(), _b_spec()],
    out_specs=_row_spec(),
    out_shape=jax.ShapeDtypeStruct((N, D), jnp.float32),
)


def kernel(x, edge_index, batch, W1a, b1a, W1b, b1b, W2a, b2a, W2b, b2b,
           Wfc, bfc):
    del batch
    src = edge_index[0].astype(jnp.int32)
    dst = edge_index[1].astype(jnp.int32)
    pad = E_PAD - E
    src_p = jnp.concatenate([src, jnp.zeros((pad,), jnp.int32)])
    dst_p = jnp.concatenate([dst, jnp.full((pad,), N, jnp.int32)])
    idx_p = jnp.stack([src_p.reshape(-1, CHUNK), dst_p.reshape(-1, CHUNK)],
                      axis=1).reshape(-1)
    zeros = jnp.zeros((ZROWS, D), jnp.float32)

    agg1 = _sc_agg(x, idx_p, zeros)
    h1 = _tc_mlp1(x, agg1, W1a, b1a.reshape(1, D), W1b, b1b.reshape(1, D))

    agg2 = _sc_agg(h1, idx_p, zeros)
    wfc_p = jnp.zeros((D, D), jnp.float32).at[:, :C].set(Wfc)
    bfc_p = jnp.full((1, D), -1e30, jnp.float32).at[0, :C].set(bfc)
    out = _tc_mlp2(h1, agg2, W2a, b2a.reshape(1, D), W2b, b2b.reshape(1, D),
                   wfc_p, bfc_p)
    return out[:, :C]

# --- scband reference (transcript-rebuilt; emitter-appended) ---
"""Pipeline reference for scband-gin-1168231104920 (READ-ONLY COPY).

The authoritative reference and input builder live on the scoring server;
editing this copy changes nothing except your own understanding.
"""

import jax, jax.numpy as jnp
import numpy as np

N = 10000
E = 320000
D = 128
H = 128
C = 10


def setup_inputs(seed: int = 0) -> dict:
    key = jax.random.key(seed)
    ks = jax.random.split(key, 16)
    x = jax.random.normal(ks[0], (N, D), dtype=jnp.float32)
    edge_index = jax.random.randint(ks[1], (2, E), 0, N, dtype=jnp.int64)
    batch = jnp.sort(jax.random.randint(ks[2], (N,), 0, 32, dtype=jnp.int64))
    s = 0.02
    W1a = jax.random.normal(ks[3], (D, H), dtype=jnp.float32) * s
    b1a = jnp.zeros((H,), dtype=jnp.float32)
    W1b = jax.random.normal(ks[4], (H, H), dtype=jnp.float32) * s
    b1b = jnp.zeros((H,), dtype=jnp.float32)
    W2a = jax.random.normal(ks[5], (H, H), dtype=jnp.float32) * s
    b2a = jnp.zeros((H,), dtype=jnp.float32)
    W2b = jax.random.normal(ks[6], (H, H), dtype=jnp.float32) * s
    b2b = jnp.zeros((H,), dtype=jnp.float32)
    Wfc = jax.random.normal(ks[7], (H, C), dtype=jnp.float32) * s
    bfc = jnp.zeros((C,), dtype=jnp.float32)
    return {"x": x, "edge_index": edge_index, "batch": batch,
            "W1a": W1a, "b1a": b1a, "W1b": W1b, "b1b": b1b,
            "W2a": W2a, "b2a": b2a, "W2b": W2b, "b2b": b2b,
            "Wfc": Wfc, "bfc": bfc}


def _gin_conv(x, src, dst, Wa, ba, Wb, bb):
    # GINConv with eps=0: MLP((1+eps)*x + sum_{j->i} x_j)
    agg = jnp.zeros_like(x).at[dst].add(x[src])
    h = x + agg
    h = jnp.maximum(h @ Wa + ba, 0.0)
    return h @ Wb + bb


def reference(x, edge_index, batch, W1a, b1a, W1b, b1b, W2a, b2a, W2b, b2b, Wfc, bfc):
    src = edge_index[0]
    dst = edge_index[1]
    h = _gin_conv(x, src, dst, W1a, b1a, W1b, b1b)
    h = jnp.maximum(h, 0.0)
    h = _gin_conv(h, src, dst, W2a, b2a, W2b, b2b)
    logits = h @ Wfc + bfc
    return jax.nn.log_softmax(logits, axis=1)

if __name__ == "__main__":
    import jax
    _d = setup_inputs()
    print(jax.jit(kernel)(*tuple(_d.values())))

</pallas_src>

<mosaic_0001>
#map = affine_map<(d0, d1) -> (0, 0)>
#map1 = affine_map<(d0, d1) -> (0)>
#map2 = affine_map<(d0, d1) -> (0, 0, 0)>
module attributes {stable_mosaic.version = 14 : i64} {
  func.func @_sc_agg(%arg0: i32, %arg1: i32, %arg2: memref<10000x128xf32, #tpu.memory_space<hbm>>, %arg3: memref<647168xi32, #tpu.memory_space<hbm>>, %arg4: memref<128x128xf32, #tpu.memory_space<hbm>>, %arg5: memref<2x10240x128xf32, #tpu.memory_space<hbm>>, %arg6: memref<256xi32, #tpu.memory_space<vmem>>, %arg7: memref<256xi32, #tpu.memory_space<vmem>>, %arg8: memref<128xi32, #tpu.memory_space<vmem>>, %arg9: memref<128xi32, #tpu.memory_space<vmem>>, %arg10: memref<128x128xf32, #tpu.memory_space<vmem>>, %arg11: memref<128x128xf32, #tpu.memory_space<vmem>>, %arg12: memref<10240x128xf32, #tpu.memory_space<vmem_shared>>, %arg13: memref<!tpu.dma_semaphore, #tpu.memory_space<semaphore_mem>>, %arg14: memref<!tpu.dma_semaphore, #tpu.memory_space<semaphore_mem>>) attributes {dimension_semantics = [#tpu.dimension_semantics<core_parallel>, #tpu.dimension_semantics<subcore_parallel>], iteration_bounds = array<i64: 2, 16>, scalar_prefetch = 0 : i64, scratch_operands = 9 : i64, tpu.core_type = #tpu.core_type<sc_vector_subcore>, window_params = [{transform_indices = #map}, {transform_indices = #map1}, {transform_indices = #map}, {transform_indices = #map2}]} {
    %mul3A = arith.constant 16 : i32
    %mul3A_0 = arith.muli %arg0, %mul3A : i32
    %add3A = arith.addi %mul3A_0, %arg1 : i32
    "tpu.region"() ({
      %run_scoped3A = tpu.sem_alloc : memref<!tpu.dma_semaphore, #tpu.memory_space<semaphore_mem>>
      tpu.enqueue_dma source(%arg4 : memref<128x128xf32, #tpu.memory_space<hbm>>) target(%arg10 : memref<128x128xf32, #tpu.memory_space<vmem>>) target_semaphore(%run_scoped3A : memref<!tpu.dma_semaphore, #tpu.memory_space<semaphore_mem>>)
      tpu.wait_dma2 semaphore(%run_scoped3A : memref<!tpu.dma_semaphore, #tpu.memory_space<semaphore_mem>>) src(%arg4 : memref<128x128xf32, #tpu.memory_space<hbm>>) dst(%arg10 : memref<128x128xf32, #tpu.memory_space<vmem>>)
      tpu.yield
    }) : () -> ()
    %mul3A_1 = arith.constant 640 : i32
    %mul3A_2 = arith.muli %arg1, %mul3A_1 : i32
    %add3A_3 = arith.constant 0 : i32
    %add3A_4 = arith.addi %mul3A_2, %add3A_3 : i32
    "tpu.region"() ({
      %run_scoped3A = tpu.sem_alloc : memref<!tpu.dma_semaphore, #tpu.memory_space<semaphore_mem>>
      %dma_start3A = arith.constant 0 : i32
      %dma_start3A_33 = tpu.memref_slice %arg12[%add3A_4, %dma_start3A] : memref<10240x128xf32, #tpu.memory_space<vmem_shared>> -> memref<128x128xf32, #tpu.memory_space<vmem_shared>>
      %dma_start3A_34 = arith.constant 0 : i32
      %dma_start3A_35 = tpu.memref_slice %arg12[%add3A_4, %dma_start3A_34] : memref<10240x128xf32, #tpu.memory_space<vmem_shared>> -> memref<128x128xf32, #tpu.memory_space<vmem_shared>>
      tpu.enqueue_dma source(%arg10 : memref<128x128xf32, #tpu.memory_space<vmem>>) target(%dma_start3A_35 : memref<128x128xf32, #tpu.memory_space<vmem_shared>>) target_semaphore(%run_scoped3A : memref<!tpu.dma_semaphore, #tpu.memory_space<semaphore_mem>>)
      %dma_wait3A = arith.constant 0 : i32
      %dma_wait3A_36 = tpu.memref_slice %arg12[%add3A_4, %dma_wait3A] : memref<10240x128xf32, #tpu.memory_space<vmem_shared>> -> memref<128x128xf32, #tpu.memory_space<vmem_shared>>
      %dma_wait3A_37 = arith.constant 0 : i32
      %dma_wait3A_38 = tpu.memref_slice %arg12[%add3A_4, %dma_wait3A_37] : memref<10240x128xf32, #tpu.memory_space<vmem_shared>> -> memref<128x128xf32, #tpu.memory_space<vmem_shared>>
      tpu.wait_dma2 semaphore(%run_scoped3A : memref<!tpu.dma_semaphore, #tpu.memory_space<semaphore_mem>>) src(%arg10 : memref<128x128xf32, #tpu.memory_space<vmem>>) dst(%dma_wait3A_38 : memref<128x128xf32, #tpu.memory_space<vmem_shared>>)
      tpu.yield
    }) : () -> ()
    %mul3A_5 = arith.constant 640 : i32
    %mul3A_6 = arith.muli %arg1, %mul3A_5 : i32
    %add3A_7 = arith.constant 128 : i32
    %add3A_8 = arith.addi %mul3A_6, %add3A_7 : i32
    "tpu.region"() ({
      %run_scoped3A = tpu.sem_alloc : memref<!tpu.dma_semaphore, #tpu.memory_space<semaphore_mem>>
      %dma_start3A = arith.constant 0 : i32
      %dma_start3A_33 = tpu.memref_slice %arg12[%add3A_8, %dma_start3A] : memref<10240x128xf32, #tpu.memory_space<vmem_shared>> -> memref<128x128xf32, #tpu.memory_space<vmem_shared>>
      %dma_start3A_34 = arith.constant 0 : i32
      %dma_start3A_35 = tpu.memref_slice %arg12[%add3A_8, %dma_start3A_34] : memref<10240x128xf32, #tpu.memory_space<vmem_shared>> -> memref<128x128xf32, #tpu.memory_space<vmem_shared>>
      tpu.enqueue_dma source(%arg10 : memref<128x128xf32, #tpu.memory_space<vmem>>) target(%dma_start3A_35 : memref<128x128xf32, #tpu.memory_space<vmem_shared>>) target_semaphore(%run_scoped3A : memref<!tpu.dma_semaphore, #tpu.memory_space<semaphore_mem>>)
      %dma_wait3A = arith.constant 0 : i32
      %dma_wait3A_36 = tpu.memref_slice %arg12[%add3A_8, %dma_wait3A] : memref<10240x128xf32, #tpu.memory_space<vmem_shared>> -> memref<128x128xf32, #tpu.memory_space<vmem_shared>>
      %dma_wait3A_37 = arith.constant 0 : i32
      %dma_wait3A_38 = tpu.memref_slice %arg12[%add3A_8, %dma_wait3A_37] : memref<10240x128xf32, #tpu.memory_space<vmem_shared>> -> memref<128x128xf32, #tpu.memory_space<vmem_shared>>
      tpu.wait_dma2 semaphore(%run_scoped3A : memref<!tpu.dma_semaphore, #tpu.memory_space<semaphore_mem>>) src(%arg10 : memref<128x128xf32, #tpu.memory_space<vmem>>) dst(%dma_wait3A_38 : memref<128x128xf32, #tpu.memory_space<vmem_shared>>)
      tpu.yield
    }) : () -> ()
    %mul3A_9 = arith.constant 640 : i32
    %mul3A_10 = arith.muli %arg1, %mul3A_9 : i32
    %add3A_11 = arith.constant 256 : i32
    %add3A_12 = arith.addi %mul3A_10, %add3A_11 : i32
    "tpu.region"() ({
      %run_scoped3A = tpu.sem_alloc : memref<!tpu.dma_semaphore, #tpu.memory_space<semaphore_mem>>
      %dma_start3A = arith.constant 0 : i32
      %dma_start3A_33 = tpu.memref_slice %arg12[%add3A_12, %dma_start3A] : memref<10240x128xf32, #tpu.memory_space<vmem_shared>> -> memref<128x128xf32, #tpu.memory_space<vmem_shared>>
      %dma_start3A_34 = arith.constant 0 : i32
      %dma_start3A_35 = tpu.memref_slice %arg12[%add3A_12, %dma_start3A_34] : memref<10240x128xf32, #tpu.memory_space<vmem_shared>> -> memref<128x128xf32, #tpu.memory_space<vmem_shared>>
      tpu.enqueue_dma source(%arg10 : memref<128x128xf32, #tpu.memory_space<vmem>>) target(%dma_start3A_35 : memref<128x128xf32, #tpu.memory_space<vmem_shared>>) target_semaphore(%run_scoped3A : memref<!tpu.dma_semaphore, #tpu.memory_space<semaphore_mem>>)
      %dma_wait3A = arith.constant 0 : i32
      %dma_wait3A_36 = tpu.memref_slice %arg12[%add3A_12, %dma_wait3A] : memref<10240x128xf32, #tpu.memory_space<vmem_shared>> -> memref<128x128xf32, #tpu.memory_space<vmem_shared>>
      %dma_wait3A_37 = arith.constant 0 : i32
      %dma_wait3A_38 = tpu.memref_slice %arg12[%add3A_12, %dma_wait3A_37] : memref<10240x128xf32, #tpu.memory_space<vmem_shared>> -> memref<128x128xf32, #tpu.memory_space<vmem_shared>>
      tpu.wait_dma2 semaphore(%run_scoped3A : memref<!tpu.dma_semaphore, #tpu.memory_space<semaphore_mem>>) src(%arg10 : memref<128x128xf32, #tpu.memory_space<vmem>>) dst(%dma_wait3A_38 : memref<128x128xf32, #tpu.memory_space<vmem_shared>>)
      tpu.yield
    }) : () -> ()
    %mul3A_13 = arith.constant 640 : i32
    %mul3A_14 = arith.muli %arg1, %mul3A_13 : i32
    %add3A_15 = arith.constant 384 : i32
    %add3A_16 = arith.addi %mul3A_14, %add3A_15 : i32
    "tpu.region"() ({
      %run_scoped3A = tpu.sem_alloc : memref<!tpu.dma_semaphore, #tpu.memory_space<semaphore_mem>>
      %dma_start3A = arith.constant 0 : i32
      %dma_start3A_33 = tpu.memref_slice %arg12[%add3A_16, %dma_start3A] : memref<10240x128xf32, #tpu.memory_space<vmem_shared>> -> memref<128x128xf32, #tpu.memory_space<vmem_shared>>
      %dma_start3A_34 = arith.constant 0 : i32
      %dma_start3A_35 = tpu.memref_slice %arg12[%add3A_16, %dma_start3A_34] : memref<10240x128xf32, #tpu.memory_space<vmem_shared>> -> memref<128x128xf32, #tpu.memory_space<vmem_shared>>
      tpu.enqueue_dma source(%arg10 : memref<128x128xf32, #tpu.memory_space<vmem>>) target(%dma_start3A_35 : memref<128x128xf32, #tpu.memory_space<vmem_shared>>) target_semaphore(%run_scoped3A : memref<!tpu.dma_semaphore, #tpu.memory_space<semaphore_mem>>)
      %dma_wait3A = arith.constant 0 : i32
      %dma_wait3A_36 = tpu.memref_slice %arg12[%add3A_16, %dma_wait3A] : memref<10240x128xf32, #tpu.memory_space<vmem_shared>> -> memref<128x128xf32, #tpu.memory_space<vmem_shared>>
      %dma_wait3A_37 = arith.constant 0 : i32
      %dma_wait3A_38 = tpu.memref_slice %arg12[%add3A_16, %dma_wait3A_37] : memref<10240x128xf32, #tpu.memory_space<vmem_shared>> -> memref<128x128xf32, #tpu.memory_space<vmem_shared>>
      tpu.wait_dma2 semaphore(%run_scoped3A : memref<!tpu.dma_semaphore, #tpu.memory_space<semaphore_mem>>) src(%arg10 : memref<128x128xf32, #tpu.memory_space<vmem>>) dst(%dma_wait3A_38 : memref<128x128xf32, #tpu.memory_space<vmem_shared>>)
      tpu.yield
    }) : () -> ()
    %mul3A_17 = arith.constant 640 : i32
    %mul3A_18 = arith.muli %arg1, %mul3A_17 : i32
    %add3A_19 = arith.constant 512 : i32
    %add3A_20 = arith.addi %mul3A_18, %add3A_19 : i32
    "tpu.region"() ({
      %run_scoped3A = tpu.sem_alloc : memref<!tpu.dma_semaphore, #tpu.memory_space<semaphore_mem>>
      %dma_start3A = arith.constant 0 : i32
      %dma_start3A_33 = tpu.memref_slice %arg12[%add3A_20, %dma_start3A] : memref<10240x128xf32, #tpu.memory_space<vmem_shared>> -> memref<128x128xf32, #tpu.memory_space<vmem_shared>>
      %dma_start3A_34 = arith.constant 0 : i32
      %dma_start3A_35 = tpu.memref_slice %arg12[%add3A_20, %dma_start3A_34] : memref<10240x128xf32, #tpu.memory_space<vmem_shared>> -> memref<128x128xf32, #tpu.memory_space<vmem_shared>>
      tpu.enqueue_dma source(%arg10 : memref<128x128xf32, #tpu.memory_space<vmem>>) target(%dma_start3A_35 : memref<128x128xf32, #tpu.memory_space<vmem_shared>>) target_semaphore(%run_scoped3A : memref<!tpu.dma_semaphore, #tpu.memory_space<semaphore_mem>>)
      %dma_wait3A = arith.constant 0 : i32
      %dma_wait3A_36 = tpu.memref_slice %arg12[%add3A_20, %dma_wait3A] : memref<10240x128xf32, #tpu.memory_space<vmem_shared>> -> memref<128x128xf32, #tpu.memory_space<vmem_shared>>
      %dma_wait3A_37 = arith.constant 0 : i32
      %dma_wait3A_38 = tpu.memref_slice %arg12[%add3A_20, %dma_wait3A_37] : memref<10240x128xf32, #tpu.memory_space<vmem_shared>> -> memref<128x128xf32, #tpu.memory_space<vmem_shared>>
      tpu.wait_dma2 semaphore(%run_scoped3A : memref<!tpu.dma_semaphore, #tpu.memory_space<semaphore_mem>>) src(%arg10 : memref<128x128xf32, #tpu.memory_space<vmem>>) dst(%dma_wait3A_38 : memref<128x128xf32, #tpu.memory_space<vmem_shared>>)
      tpu.yield
    }) : () -> ()
    %barrier3A = arith.constant 0 : index
    tpu.barrier barrier_id(%barrier3A)
    %eq3A = arith.constant 0 : i32
    %eq3A_21 = arith.cmpi eq, %arg0, %eq3A : i32
    %convert_element_type3A = arith.extui %eq3A_21 : i1 to i32
    %cond3A = arith.constant 0 : i32
    %cond3A_22 = arith.cmpi ne, %convert_element_type3A, %cond3A : i32
    scf.if %cond3A_22 {
      %mul3A_33 = arith.constant 27904 : i32
      %mul3A_34 = arith.muli %arg1, %mul3A_33 : i32
      %add3A_35 = arith.constant 0 : i32
      %add3A_36 = arith.addi %mul3A_34, %add3A_35 : i32
      "tpu.region"() ({
        %run_scoped3A = tpu.sem_alloc : memref<!tpu.dma_semaphore, #tpu.memory_space<semaphore_mem>>
        %dma_start3A_243 = tpu.memref_slice %arg3[%add3A_36] : memref<647168xi32, #tpu.memory_space<hbm>> -> memref<256xi32, #tpu.memory_space<hbm>>
        %dma_start3A_244 = tpu.memref_slice %arg3[%add3A_36] : memref<647168xi32, #tpu.memory_space<hbm>> -> memref<256xi32, #tpu.memory_space<hbm>>
        tpu.enqueue_dma source(%dma_start3A_244 : memref<256xi32, #tpu.memory_space<hbm>>) target(%arg6 : memref<256xi32, #tpu.memory_space<vmem>>) target_semaphore(%run_scoped3A : memref<!tpu.dma_semaphore, #tpu.memory_space<semaphore_mem>>)
        %dma_wait3A_245 = tpu.memref_slice %arg3[%add3A_36] : memref<647168xi32, #tpu.memory_space<hbm>> -> memref<256xi32, #tpu.memory_space<hbm>>
        %dma_wait3A_246 = tpu.memref_slice %arg3[%add3A_36] : memref<647168xi32, #tpu.memory_space<hbm>> -> memref<256xi32, #tpu.memory_space<hbm>>
        tpu.wait_dma2 semaphore(%run_scoped3A : memref<!tpu.dma_semaphore, #tpu.memory_space<semaphore_mem>>) src(%dma_wait3A_246 : memref<256xi32, #tpu.memory_space<hbm>>) dst(%arg6 : memref<256xi32, #tpu.memory_space<vmem>>)
        tpu.yield
      }) : () -> ()
      %get3A = arith.constant 128 : index
      %get3A_37 = tpu.vector_load %arg6[%get3A] {strides = array<i32>} : memref<256xi32, #tpu.memory_space<vmem>>, vector<16xi32>,
      %get3A_38 = vector.shape_cast %get3A_37 : vector<16xi32> to vector<16xi32>
      %swap3A = arith.constant 0 : index
      %swap3A_39 = tpu.vector_load %arg8[%swap3A] {strides = array<i32>} : memref<128xi32, #tpu.memory_space<vmem>>, vector<16xi32>,
      %swap3A_40 = vector.shape_cast %swap3A_39 : vector<16xi32> to vector<16xi32>
      %swap3A_41 = vector.shape_cast %get3A_38 : vector<16xi32> to vector<16xi32>
      tpu.vector_store %arg8[%swap3A], %swap3A_41 {strides = array<i32>} : memref<128xi32, #tpu.memory_space<vmem>>, vector<16xi32>,
      %get3A_42 = arith.constant 144 : index
      %get3A_43 = tpu.vector_load %arg6[%get3A_42] {strides = array<i32>} : memref<256xi32, #tpu.memory_space<vmem>>, vector<16xi32>,
      %get3A_44 = vector.shape_cast %get3A_43 : vector<16xi32> to vector<16xi32>
      %swap3A_45 = arith.constant 16 : index
      %swap3A_46 = tpu.vector_load %arg8[%swap3A_45] {strides = array<i32>} : memref<128xi32, #tpu.memory_space<vmem>>, vector<16xi32>,
      %swap3A_47 = vector.shape_cast %swap3A_46 : vector<16xi32> to vector<16xi32>
      %swap3A_48 = vector.shape_cast %get3A_44 : vector<16xi32> to vector<16xi32>
      tpu.vector_store %arg8[%swap3A_45], %swap3A_48 {strides = array<i32>} : memref<128xi32, #tpu.memory_space<vmem>>, vector<16xi32>,
      %get3A_49 = arith.constant 160 : index
      %get3A_50 = tpu.vector_load %arg6[%get3A_49] {strides = array<i32>} : memref<256xi32, #tpu.memory_space<vmem>>, vector<16xi32>,
      %get3A_51 = vector.shape_cast %get3A_50 : vector<16xi32> to vector<16xi32>
      %swap3A_52 = arith.constant 32 : index
      %swap3A_53 = tpu.vector_load %arg8[%swap3A_52] {strides = array<i32>} : memref<128xi32, #tpu.memory_space<vmem>>, vector<16xi32>,
      %swap3A_54 = vector.shape_cast %swap3A_53 : vector<16xi32> to vector<16xi32>
      %swap3A_55 = vector.shape_cast %get3A_51 : vector<16xi32> to vector<16xi32>
      tpu.vector_store %arg8[%swap3A_52], %swap3A_55 {strides = array<i32>} : memref<128xi32, #tpu.memory_space<vmem>>, vector<16xi32>,
      %get3A_56 = arith.constant 176 : index
      %get3A_57 = tpu.vector_load %arg6[%get3A_56] {strides = array<i32>} : memref<256xi32, #tpu.memory_space<vmem>>, vector<16xi32>,
      %get3A_58 = vector.shape_cast %get3A_57 : vector<16xi32> to vector<16xi32>
      %swap3A_59 = arith.constant 48 : index
      %swap3A_60 = tpu.vector_load %arg8[%swap3A_59] {strides = array<i32>} : memref<128xi32, #tpu.memory_space<vmem>>, vector<16xi32>,
      %swap3A_61 = vector.shape_cast %swap3A_60 : vector<16xi32> to vector<16xi32>
      %swap3A_62 = vector.shape_cast %get3A_58 : vector<16xi32> to vector<16xi32>
      tpu.vector_store %arg8[%swap3A_59], %swap3A_62 {strides = array<i32>} : memref<128xi32, #tpu.memory_space<vmem>>, vector<16xi32>,
      %get3A_63 = arith.constant 192 : index
      %get3A_64 = tpu.vector_load %arg6[%get3A_63] {strides = array<i32>} : memref<256xi32, #tpu.memory_space<vmem>>, vector<16xi32>,
      %get3A_65 = vector.shape_cast %get3A_64 : vector<16xi32> to vector<16xi32>
      %swap3A_66 = arith.constant 64 : index
      %swap3A_67 = tpu.vector_load %arg8[%swap3A_66] {strides = array<i32>} : memref<128xi32, #tpu.memory_space<vmem>>, vector<16xi32>,
      %swap3A_68 = vector.shape_cast %swap3A_67 : vector<16xi32> to vector<16xi32>
      %swap3A_69 = vector.shape_cast %get3A_65 : vector<16xi32> to vector<16xi32>
      tpu.vector_store %arg8[%swap3A_66], %swap3A_69 {strides = array<i32>} : memref<128xi32, #tpu.memory_space<vmem>>, vector<16xi32>,
      %get3A_70 = arith.constant 208 : index
      %get3A_71 = tpu.vector_load %arg6[%get3A_70] {strides = array<i32>} : memref<256xi32, #tpu.memory_space<vmem>>, vector<16xi32>,
      %get3A_72 = vector.shape_cast %get3A_71 : vector<16xi32> to vector<16xi32>
      %swap3A_73 = arith.constant 80 : index
      %swap3A_74 = tpu.vector_load %arg8[%swap3A_73] {strides = array<i32>} : memref<128xi32, #tpu.memory_space<vmem>>, vector<16xi32>,
      %swap3A_75 = vector.shape_cast %swap3A_74 : vector<16xi32> to vector<16xi32>
      %swap3A_76 = vector.shape_cast %get3A_72 : vector<16xi32> to vector<16xi32>
      tpu.vector_store %arg8[%swap3A_73], %swap3A_76 {strides = array<i32>} : memref<128xi32, #tpu.memory_space<vmem>>, vector<16xi32>,
      %get3A_77 = arith.constant 224 : index
      %get3A_78 = tpu.vector_load %arg6[%get3A_77] {strides = array<i32>} : memref<256xi32, #tpu.memory_space<vmem>>, vector<16xi32>,
      %get3A_79 = vector.shape_cast %get3A_78 : vector<16xi32> to vector<16xi32>
      %swap3A_80 = arith.constant 96 : index
      %swap3A_81 = tpu.vector_load %arg8[%swap3A_80] {strides = array<i32>} : memref<128xi32, #tpu.memory_space<vmem>>, vector<16xi32>,
      %swap3A_82 = vector.shape_cast %swap3A_81 : vector<16xi32> to vector<16xi32>
      %swap3A_83 = vector.shape_cast %get3A_79 : vector<16xi32> to vector<16xi32>
      tpu.vector_store %arg8[%swap3A_80], %swap3A_83 {strides = array<i32>} : memref<128xi32, #tpu.memory_space<vmem>>, vector<16xi32>,
      %get3A_84 = arith.constant 240 : index
      %get3A_85 = tpu.vector_load %arg6[%get3A_84] {strides = array<i32>} : memref<256xi32, #tpu.memory_space<vmem>>, vector<16xi32>,
      %get3A_86 = vector.shape_cast %get3A_85 : vector<16xi32> to vector<16xi32>
      %swap3A_87 = arith.constant 112 : index
      %swap3A_88 = tpu.vector_load %arg8[%swap3A_87] {strides = array<i32>} : memref<128xi32, #tpu.memory_space<vmem>>, vector<16xi32>,
      %swap3A_89 = vector.shape_cast %swap3A_88 : vector<16xi32> to vector<16xi32>
      %swap3A_90 = vector.shape_cast %get3A_86 : vector<16xi32> to vector<16xi32>
      tpu.vector_store %arg8[%swap3A_87], %swap3A_90 {strides = array<i32>} : memref<128xi32, #tpu.memory_space<vmem>>, vector<16xi32>,
      %dma_start3A = arith.constant 0 : i32
      %dma_start3A_91 = tpu.memref_slice %arg6[%dma_start3A] : memref<256xi32, #tpu.memory_space<vmem>> -> memref<128xi32, #tpu.memory_space<vmem>>
      %dma_start3A_92 = arith.constant 0 : i32
      %dma_start3A_93 = arith.constant 0 : i32
      %dma_start3A_94 = tpu.memref_slice %arg2[%dma_start3A_92, %dma_start3A_93] : memref<10000x128xf32, #tpu.memory_space<hbm>> -> memref<10000x128xf32, #tpu.memory_space<hbm>>
      tpu.enqueue_indirect_dma source(%dma_start3A_94 : memref<10000x128xf32, #tpu.memory_space<hbm>>) target(%arg10 : memref<128x128xf32, #tpu.memory_space<vmem>>) offsets(%dma_start3A_91 : memref<128xi32, #tpu.memory_space<vmem>>) semaphore(%arg13 : memref<!tpu.dma_semaphore, #tpu.memory_space<semaphore_mem>>)
      %add3A_95 = arith.constant 256 : i32
      %add3A_96 = arith.addi %mul3A_34, %add3A_95 : i32
      "tpu.region"() ({
        %run_scoped3A = tpu.sem_alloc : memref<!tpu.dma_semaphore, #tpu.memory_space<semaphore_mem>>
        %dma_start3A_243 = tpu.memref_slice %arg3[%add3A_96] : memref<647168xi32, #tpu.memory_space<hbm>> -> memref<256xi32, #tpu.memory_space<hbm>>
        %dma_start3A_244 = tpu.memref_slice %arg3[%add3A_96] : memref<647168xi32, #tpu.memory_space<hbm>> -> memref<256xi32, #tpu.memory_space<hbm>>
        tpu.enqueue_dma source(%dma_start3A_244 : memref<256xi32, #tpu.memory_space<hbm>>) target(%arg7 : memref<256xi32, #tpu.memory_space<vmem>>) target_semaphore(%run_scoped3A : memref<!tpu.dma_semaphore, #tpu.memory_space<semaphore_mem>>)
        %dma_wait3A_245 = tpu.memref_slice %arg3[%add3A_96] : memref<647168xi32, #tpu.memory_space<hbm>> -> memref<256xi32, #tpu.memory_space<hbm>>
        %dma_wait3A_246 = tpu.memref_slice %arg3[%add3A_96] : memref<647168xi32, #tpu.memory_space<hbm>> -> memref<256xi32, #tpu.memory_space<hbm>>
        tpu.wait_dma2 semaphore(%run_scoped3A : memref<!tpu.dma_semaphore, #tpu.memory_space<semaphore_mem>>) src(%dma_wait3A_246 : memref<256xi32, #tpu.memory_space<hbm>>) dst(%arg7 : memref<256xi32, #tpu.memory_space<vmem>>)
        tpu.yield
      }) : () -> ()
      %get3A_97 = arith.constant 128 : index
      %get3A_98 = tpu.vector_load %arg7[%get3A_97] {strides = array<i32>} : memref<256xi32, #tpu.memory_space<vmem>>, vector<16xi32>,
      %get3A_99 = vector.shape_cast %get3A_98 : vector<16xi32> to vector<16xi32>
      %swap3A_100 = arith.constant 0 : index
      %swap3A_101 = tpu.vector_load %arg9[%swap3A_100] {strides = array<i32>} : memref<128xi32, #tpu.memory_space<vmem>>, vector<16xi32>,
      %swap3A_102 = vector.shape_cast %swap3A_101 : vector<16xi32> to vector<16xi32>
      %swap3A_103 = vector.shape_cast %get3A_99 : vector<16xi32> to vector<16xi32>
      tpu.vector_store %arg9[%swap3A_100], %swap3A_103 {strides = array<i32>} : memref<128xi32, #tpu.memory_space<vmem>>, vector<16xi32>,
      %get3A_104 = arith.constant 144 : index
      %get3A_105 = tpu.vector_load %arg7[%get3A_104] {strides = array<i32>} : memref<256xi32, #tpu.memory_space<vmem>>, vector<16xi32>,
      %get3A_106 = vector.shape_cast %get3A_105 : vector<16xi32> to vector<16xi32>
      %swap3A_107 = arith.constant 16 : index
      %swap3A_108 = tpu.vector_load %arg9[%swap3A_107] {strides = array<i32>} : memref<128xi32, #tpu.memory_space<vmem>>, vector<16xi32>,
      %swap3A_109 = vector.shape_cast %swap3A_108 : vector<16xi32> to vector<16xi32>
      %swap3A_110 = vector.shape_cast %get3A_106 : vector<16xi32> to vector<16xi32>
      tpu.vector_store %arg9[%swap3A_107], %swap3A_110 {strides = array<i32>} : memref<128xi32, #tpu.memory_space<vmem>>, vector<16xi32>,
      %get3A_111 = arith.constant 160 : index
      %get3A_112 = tpu.vector_load %arg7[%get3A_111] {strides = array<i32>} : memref<256xi32, #tpu.memory_space<vmem>>, vector<16xi32>,
      %get3A_113 = vector.shape_cast %get3A_112 : vector<16xi32> to vector<16xi32>
      %swap3A_114 = arith.constant 32 : index
      %swap3A_115 = tpu.vector_load %arg9[%swap3A_114] {strides = array<i32>} : memref<128xi32, #tpu.memory_space<vmem>>, vector<16xi32>,
      %swap3A_116 = vector.shape_cast %swap3A_115 : vector<16xi32> to vector<16xi32>
      %swap3A_117 = vector.shape_cast %get3A_113 : vector<16xi32> to vector<16xi32>
      tpu.vector_store %arg9[%swap3A_114], %swap3A_117 {strides = array<i32>} : memref<128xi32, #tpu.memory_space<vmem>>, vector<16xi32>,
      %get3A_118 = arith.constant 176 : index
      %get3A_119 = tpu.vector_load %arg7[%get3A_118] {strides = array<i32>} : memref<256xi32, #tpu.memory_space<vmem>>, vector<16xi32>,
      %get3A_120 = vector.shape_cast %get3A_119 : vector<16xi32> to vector<16xi32>
      %swap3A_121 = arith.constant 48 : index
      %swap3A_122 = tpu.vector_load %arg9[%swap3A_121] {strides = array<i32>} : memref<128xi32, #tpu.memory_space<vmem>>, vector<16xi32>,
      %swap3A_123 = vector.shape_cast %swap3A_122 : vector<16xi32> to vector<16xi32>
      %swap3A_124 = vector.shape_cast %get3A_120 : vector<16xi32> to vector<16xi32>
      tpu.vector_store %arg9[%swap3A_121], %swap3A_124 {strides = array<i32>} : memref<128xi32, #tpu.memory_space<vmem>>, vector<16xi32>,
      %get3A_125 = arith.constant 192 : index
      %get3A_126 = tpu.vector_load %arg7[%get3A_125] {strides = array<i32>} : memref<256xi32, #tpu.memory_space<vmem>>, vector<16xi32>,
      %get3A_127 = vector.shape_cast %get3A_126 : vector<16xi32> to vector<16xi32>
      %swap3A_128 = arith.constant 64 : index
      %swap3A_129 = tpu.vector_load %arg9[%swap3A_128] {strides = array<i32>} : memref<128xi32, #tpu.memory_space<vmem>>, vector<16xi32>,
      %swap3A_130 = vector.shape_cast %swap3A_129 : vector<16xi32> to vector<16xi32>
      %swap3A_131 = vector.shape_cast %get3A_127 : vector<16xi32> to vector<16xi32>
      tpu.vector_store %arg9[%swap3A_128], %swap3A_131 {strides = array<i32>} : memref<128xi32, #tpu.memory_space<vmem>>, vector<16xi32>,
      %get3A_132 = arith.constant 208 : index
      %get3A_133 = tpu.vector_load %arg7[%get3A_132] {strides = array<i32>} : memref<256xi32, #tpu.memory_space<vmem>>, vector<16xi32>,
      %get3A_134 = vector.shape_cast %get3A_133 : vector<16xi32> to vector<16xi32>
      %swap3A_135 = arith.constant 80 : index
      %swap3A_136 = tpu.vector_load %arg9[%swap3A_135] {strides = array<i32>} : memref<128xi32, #tpu.memory_space<vmem>>, vector<16xi32>,
      %swap3A_137 = vector.shape_cast %swap3A_136 : vector<16xi32> to vector<16xi32>
      %swap3A_138 = vector.shape_cast %get3A_134 : vector<16xi32> to vector<16xi32>
      tpu.vector_store %arg9[%swap3A_135], %swap3A_138 {strides = array<i32>} : memref<128xi32, #tpu.memory_space<vmem>>, vector<16xi32>,
      %get3A_139 = arith.constant 224 : index
      %get3A_140 = tpu.vector_load %arg7[%get3A_139] {strides = array<i32>} : memref<256xi32, #tpu.memory_space<vmem>>, vector<16xi32>,
      %get3A_141 = vector.shape_cast %get3A_140 : vector<16xi32> to vector<16xi32>
      %swap3A_142 = arith.constant 96 : index
      %swap3A_143 = tpu.vector_load %arg9[%swap3A_142] {strides = array<i32>} : memref<128xi32, #tpu.memory_space<vmem>>, vector<16xi32>,
      %swap3A_144 = vector.shape_cast %swap3A_143 : vector<16xi32> to vector<16xi32>
      %swap3A_145 = vector.shape_cast %get3A_141 : vector<16xi32> to vector<16xi32>
      tpu.vector_store %arg9[%swap3A_142], %swap3A_145 {strides = array<i32>} : memref<128xi32, #tpu.memory_space<vmem>>, vector<16xi32>,
      %get3A_146 = arith.constant 240 : index
      %get3A_147 = tpu.vector_load %arg7[%get3A_146] {strides = array<i32>} : memref<256xi32, #tpu.memory_space<vmem>>, vector<16xi32>,
      %get3A_148 = vector.shape_cast %get3A_147 : vector<16xi32> to vector<16xi32>
      %swap3A_149 = arith.constant 112 : index
      %swap3A_150 = tpu.vector_load %arg9[%swap3A_149] {strides = array<i32>} : memref<128xi32, #tpu.memory_space<vmem>>, vector<16xi32>,
      %swap3A_151 = vector.shape_cast %swap3A_150 : vector<16xi32> to vector<16xi32>
      %swap3A_152 = vector.shape_cast %get3A_148 : vector<16xi32> to vector<16xi32>
      tpu.vector_store %arg9[%swap3A_149], %swap3A_152 {strides = array<i32>} : memref<128xi32, #tpu.memory_space<vmem>>, vector<16xi32>,
      %dma_start3A_153 = arith.constant 0 : i32
      %dma_start3A_154 = tpu.memref_slice %arg7[%dma_start3A_153] : memref<256xi32, #tpu.memory_space<vmem>> -> memref<128xi32, #tpu.memory_space<vmem>>
      %dma_start3A_155 = arith.constant 0 : i32
      %dma_start3A_156 = arith.constant 0 : i32
      %dma_start3A_157 = tpu.memref_slice %arg2[%dma_start3A_155, %dma_start3A_156] : memref<10000x128xf32, #tpu.memory_space<hbm>> -> memref<10000x128xf32, #tpu.memory_space<hbm>>
      tpu.enqueue_indirect_dma source(%dma_start3A_157 : memref<10000x128xf32, #tpu.memory_space<hbm>>) target(%arg11 : memref<128x128xf32, #tpu.memory_space<vmem>>) offsets(%dma_start3A_154 : memref<128xi32, #tpu.memory_space<vmem>>) semaphore(%arg14 : memref<!tpu.dma_semaphore, #tpu.memory_space<semaphore_mem>>)
      %scan3A = arith.constant 0 : i32
      %scan3A_158 = arith.constant 0 : i32
      %scan3A_159 = arith.constant 53 : i32
      %scan3A_160 = arith.addi %scan3A_158, %scan3A_159 : i32
      %scan3A_161 = arith.constant 1 : i32
      scf.for %scan3A_243 = %scan3A_158 to %scan3A_160 step %scan3A_161  : i32 {
        %mul3A_244 = arith.constant 2 : i32
        %mul3A_245 = arith.muli %mul3A_244, %scan3A_243 : i32
        %dma_wait3A_246 = arith.constant 0 : i32
        %dma_wait3A_247 = arith.constant 0 : i32
        %dma_wait3A_248 = tpu.memref_slice %arg2[%dma_wait3A_246, %dma_wait3A_247] : memref<10000x128xf32, #tpu.memory_space<hbm>> -> memref<128x128xf32, #tpu.memory_space<hbm>>
        %dma_wait3A_249 = arith.constant 0 : i32
        %dma_wait3A_250 = arith.constant 0 : i32
        %dma_wait3A_251 = tpu.memref_slice %arg2[%dma_wait3A_249, %dma_wait3A_250] : memref<10000x128xf32, #tpu.memory_space<hbm>> -> memref<128x128xf32, #tpu.memory_space<hbm>>
        tpu.wait_dma2 semaphore(%arg13 : memref<!tpu.dma_semaphore, #tpu.memory_space<semaphore_mem>>) src(%dma_wait3A_251 : memref<128x128xf32, #tpu.memory_space<hbm>>) dst(%arg10 : memref<128x128xf32, #tpu.memory_space<vmem>>)
        "tpu.region"() ({
          %run_scoped3A = tpu.sem_alloc : memref<!tpu.dma_semaphore, #tpu.memory_space<semaphore_mem>>
          %dma_start3A_394 = arith.constant 0 : i32
          %dma_start3A_395 = arith.constant 0 : i32
          %dma_start3A_396 = tpu.memref_slice %arg12[%dma_start3A_394, %dma_start3A_395] : memref<10240x128xf32, #tpu.memory_space<vmem_shared>> -> memref<10240x128xf32, #tpu.memory_space<vmem_shared>>
          tpu.enqueue_indirect_dma source(%arg10 : memref<128x128xf32, #tpu.memory_space<vmem>>) target(%dma_start3A_396 : memref<10240x128xf32, #tpu.memory_space<vmem_shared>>) offsets(%arg8 : memref<128xi32, #tpu.memory_space<vmem>>) semaphore(%run_scoped3A : memref<!tpu.dma_semaphore, #tpu.memory_space<semaphore_mem>>) {add = true}
          %dma_wait3A_397 = arith.constant 0 : i32
          %dma_wait3A_398 = arith.constant 0 : i32
          %dma_wait3A_399 = tpu.memref_slice %arg12[%dma_wait3A_397, %dma_wait3A_398] : memref<10240x128xf32, #tpu.memory_space<vmem_shared>> -> memref<10240x128xf32, #tpu.memory_space<vmem_shared>>
          tpu.wait_indirect_dma semaphore(%run_scoped3A : memref<!tpu.dma_semaphore, #tpu.memory_space<semaphore_mem>>) src(%arg10 : memref<128x128xf32, #tpu.memory_space<vmem>>) dst(%dma_wait3A_399 : memref<10240x128xf32, #tpu.memory_space<vmem_shared>>)
          tpu.yield
        }) : () -> ()
        %add3A_252 = arith.constant 2 : i32
        %add3A_253 = arith.addi %mul3A_245, %add3A_252 : i32
        %mul3A_254 = arith.constant 256 : i32
        %mul3A_255 = arith.muli %add3A_253, %mul3A_254 : i32
        %add3A_256 = arith.addi %mul3A_34, %mul3A_255 : i32
        "tpu.region"() ({
          %run_scoped3A = tpu.sem_alloc : memref<!tpu.dma_semaphore, #tpu.memory_space<semaphore_mem>>
          %dma_start3A_394 = tpu.memref_slice %arg3[%add3A_256] : memref<647168xi32, #tpu.memory_space<hbm>> -> memref<256xi32, #tpu.memory_space<hbm>>
          %dma_start3A_395 = tpu.memref_slice %arg3[%add3A_256] : memref<647168xi32, #tpu.memory_space<hbm>> -> memref<256xi32, #tpu.memory_space<hbm>>
          tpu.enqueue_dma source(%dma_start3A_395 : memref<256xi32, #tpu.memory_space<hbm>>) target(%arg6 : memref<256xi32, #tpu.memory_space<vmem>>) target_semaphore(%run_scoped3A : memref<!tpu.dma_semaphore, #tpu.memory_space<semaphore_mem>>)
          %dma_wait3A_396 = tpu.memref_slice %arg3[%add3A_256] : memref<647168xi32, #tpu.memory_space<hbm>> -> memref<256xi32, #tpu.memory_space<hbm>>
          %dma_wait3A_397 = tpu.memref_slice %arg3[%add3A_256] : memref<647168xi32, #tpu.memory_space<hbm>> -> memref<256xi32, #tpu.memory_space<hbm>>
          tpu.wait_dma2 semaphore(%run_scoped3A : memref<!tpu.dma_semaphore, #tpu.memory_space<semaphore_mem>>) src(%dma_wait3A_397 : memref<256xi32, #tpu.memory_space<hbm>>) dst(%arg6 : memref<256xi32, #tpu.memory_space<vmem>>)
          tpu.yield
        }) : () -> ()
        %get3A_257 = arith.constant 128 : index
        %get3A_258 = tpu.vector_load %arg6[%get3A_257] {strides = array<i32>} : memref<256xi32, #tpu.memory_space<vmem>>, vector<16xi32>,
        %get3A_259 = vector.shape_cast %get3A_258 : vector<16xi32> to vector<16xi32>
        %swap3A_260 = arith.constant 0 : index
        %swap3A_261 = tpu.vector_load %arg8[%swap3A_260] {strides = array<i32>} : memref<128xi32, #tpu.memory_space<vmem>>, vector<16xi32>,
        %swap3A_262 = vector.shape_cast %swap3A_261 : vector<16xi32> to vector<16xi32>
        %swap3A_263 = vector.shape_cast %get3A_259 : vector<16xi32> to vector<16xi32>
        tpu.vector_store %arg8[%swap3A_260], %swap3A_263 {strides = array<i32>} : memref<128xi32, #tpu.memory_space<vmem>>, vector<16xi32>,
        %get3A_264 = arith.constant 144 : index
        %get3A_265 = tpu.vector_load %arg6[%get3A_264] {strides = array<i32>} : memref<256xi32, #tpu.memory_space<vmem>>, vector<16xi32>,
        %get3A_266 = vector.shape_cast %get3A_265 : vector<16xi32> to vector<16xi32>
        %swap3A_267 = arith.constant 16 : index
        %swap3A_268 = tpu.vector_load %arg8[%swap3A_267] {strides = array<i32>} : memref<128xi32, #tpu.memory_space<vmem>>, vector<16xi32>,
        %swap3A_269 = vector.shape_cast %swap3A_268 : vector<16xi32> to vector<16xi32>
        %swap3A_270 = vector.shape_cast %get3A_266 : vector<16xi32> to vector<16xi32>
        tpu.vector_store %arg8[%swap3A_267], %swap3A_270 {strides = array<i32>} : memref<128xi32, #tpu.memory_space<vmem>>, vector<16xi32>,
        %get3A_271 = arith.constant 160 : index
        %get3A_272 = tpu.vector_load %arg6[%get3A_271] {strides = array<i32>} : memref<256xi32, #tpu.memory_space<vmem>>, vector<16xi32>,
        %get3A_273 = vector.shape_cast %get3A_272 : vector<16xi32> to vector<16xi32>
        %swap3A_274 = arith.constant 32 : index
        %swap3A_275 = tpu.vector_load %arg8[%swap3A_274] {strides = array<i32>} : memref<128xi32, #tpu.memory_space<vmem>>, vector<16xi32>,
        %swap3A_276 = vector.shape_cast %swap3A_275 : vector<16xi32> to vector<16xi32>
        %swap3A_277 = vector.shape_cast %get3A_273 : vector<16xi32> to vector<16xi32>
        tpu.vector_store %arg8[%swap3A_274], %swap3A_277 {strides = array<i32>} : memref<128xi32, #tpu.memory_space<vmem>>, vector<16xi32>,
        %get3A_278 = arith.constant 176 : index
        %get3A_279 = tpu.vector_load %arg6[%get3A_278] {strides = array<i32>} : memref<256xi32, #tpu.memory_space<vmem>>, vector<16xi32>,
        %get3A_280 = vector.shape_cast %get3A_279 : vector<16xi32> to vector<16xi32>
        %swap3A_281 = arith.constant 48 : index
        %swap3A_282 = tpu.vector_load %arg8[%swap3A_281] {strides = array<i32>} : memref<128xi32, #tpu.memory_space<vmem>>, vector<16xi32>,
        %swap3A_283 = vector.shape_cast %swap3A_282 : vector<16xi32> to vector<16xi32>
        %swap3A_284 = vector.shape_cast %get3A_280 : vector<16xi32> to vector<16xi32>
        tpu.vector_store %arg8[%swap3A_281], %swap3A_284 {strides = array<i32>} : memref<128xi32, #tpu.memory_space<vmem>>, vector<16xi32>,
        %get3A_285 = arith.constant 192 : index
        %get3A_286 = tpu.vector_load %arg6[%get3A_285] {strides = array<i32>} : memref<256xi32, #tpu.memory_space<vmem>>, vector<16xi32>,
        %get3A_287 = vector.shape_cast %get3A_286 : vector<16xi32> to vector<16xi32>
        %swap3A_288 = arith.constant 64 : index
        %swap3A_289 = tpu.vector_load %arg8[%swap3A_288] {strides = array<i32>} : memref<128xi32, #tpu.memory_space<vmem>>, vector<16xi32>,
        %swap3A_290 = vector.shape_cast %swap3A_289 : vector<16xi32> to vector<16xi32>
        %swap3A_291 = vector.shape_cast %get3A_287 : vector<16xi32> to vector<16xi32>
        tpu.vector_store %arg8[%swap3A_288], %swap3A_291 {strides = array<i32>} : memref<128xi32, #tpu.memory_space<vmem>>, vector<16xi32>,
        %get3A_292 = arith.constant 208 : index
        %get3A_293 = tpu.vector_load %arg6[%get3A_292] {strides = array<i32>} : memref<256xi32, #tpu.memory_space<vmem>>, vector<16xi32>,
        %get3A_294 = vector.shape_cast %get3A_293 : vector<16xi32> to vector<16xi32>
        %swap3A_295 = arith.constant 80 : index
        %swap3A_296 = tpu.vector_load %arg8[%swap3A_295] {strides = array<i32>} : memref<128xi32, #tpu.memory_space<vmem>>, vector<16xi32>,
        %swap3A_297 = vector.shape_cast %swap3A_296 : vector<16xi32> to vector<16xi32>
        %swap3A_298 = vector.shape_cast %get3A_294 : vector<16xi32> to vector<16xi32>
        tpu.vector_store %arg8[%swap3A_295], %swap3A_298 {strides = array<i32>} : memref<128xi32, #tpu.memory_space<vmem>>, vector<16xi32>,
        %get3A_299 = arith.constant 224 : index
        %get3A_300 = tpu.vector_load %arg6[%get3A_299] {strides = array<i32>} : memref<256xi32, #tpu.memory_space<vmem>>, vector<16xi32>,
        %get3A_301 = vector.shape_cast %get3A_300 : vector<16xi32> to vector<16xi32>
        %swap3A_302 = arith.constant 96 : index
        %swap3A_303 = tpu.vector_load %arg8[%swap3A_302] {strides = array<i32>} : memref<128xi32, #tpu.memory_space<vmem>>, vector<16xi32>,
        %swap3A_304 = vector.shape_cast %swap3A_303 : vector<16xi32> to vector<16xi32>
        %swap3A_305 = vector.shape_cast %get3A_301 : vector<16xi32> to vector<16xi32>
        tpu.vector_store %arg8[%swap3A_302], %swap3A_305 {strides = array<i32>} : memref<128xi32, #tpu.memory_space<vmem>>, vector<16xi32>,
        %get3A_306 = arith.constant 240 : index
        %get3A_307 = tpu.vector_load %arg6[%get3A_306] {strides = array<i32>} : memref<256xi32, #tpu.memory_space<vmem>>, vector<16xi32>,
        %get3A_308 = vector.shape_cast %get3A_307 : vector<16xi32> to vector<16xi32>
        %swap3A_309 = arith.constant 112 : index
        %swap3A_310 = tpu.vector_load %arg8[%swap3A_309] {strides = array<i32>} : memref<128xi32, #tpu.memory_space<vmem>>, vector<16xi32>,
        %swap3A_311 = vector.shape_cast %swap3A_310 : vector<16xi32> to vector<16xi32>
        %swap3A_312 = vector.shape_cast %get3A_308 : vector<16xi32> to vector<16xi32>
        tpu.vector_store %arg8[%swap3A_309], %swap3A_312 {strides = array<i32>} : memref<128xi32, #tpu.memory_space<vmem>>, vector<16xi32>,
        %dma_start3A_313 = arith.constant 0 : i32
        %dma_start3A_314 = tpu.memref_slice %arg6[%dma_start3A_313] : memref<256xi32, #tpu.memory_space<vmem>> -> memref<128xi32, #tpu.memory_space<vmem>>
        %dma_start3A_315 = arith.constant 0 : i32
        %dma_start3A_316 = arith.constant 0 : i32
        %dma_start3A_317 = tpu.memref_slice %arg2[%dma_start3A_315, %dma_start3A_316] : memref<10000x128xf32, #tpu.memory_space<hbm>> -> memref<10000x128xf32, #tpu.memory_space<hbm>>
        tpu.enqueue_indirect_dma source(%dma_start3A_317 : memref<10000x128xf32, #tpu.memory_space<hbm>>) target(%arg10 : memref<128x128xf32, #tpu.memory_space<vmem>>) offsets(%dma_start3A_314 : memref<128xi32, #tpu.memory_space<vmem>>) semaphore(%arg13 : memref<!tpu.dma_semaphore, #tpu.memory_space<semaphore_mem>>)
        %mul3A_318 = arith.constant 2 : i32
        %mul3A_319 = arith.muli %mul3A_318, %scan3A_243 : i32
        %add3A_320 = arith.constant 1 : i32
        %add3A_321 = arith.addi %mul3A_319, %add3A_320 : i32
        %dma_wait3A_322 = arith.constant 0 : i32
        %dma_wait3A_323 = arith.constant 0 : i32
        %dma_wait3A_324 = tpu.memref_slice %arg2[%dma_wait3A_322, %dma_wait3A_323] : memref<10000x128xf32, #tpu.memory_space<hbm>> -> memref<128x128xf32, #tpu.memory_space<hbm>>
        %dma_wait3A_325 = arith.constant 0 : i32
        %dma_wait3A_326 = arith.constant 0 : i32
        %dma_wait3A_327 = tpu.memref_slice %arg2[%dma_wait3A_325, %dma_wait3A_326] : memref<10000x128xf32, #tpu.memory_space<hbm>> -> memref<128x128xf32, #tpu.memory_space<hbm>>
        tpu.wait_dma2 semaphore(%arg14 : memref<!tpu.dma_semaphore, #tpu.memory_space<semaphore_mem>>) src(%dma_wait3A_327 : memref<128x128xf32, #tpu.memory_space<hbm>>) dst(%arg11 : memref<128x128xf32, #tpu.memory_space<vmem>>)
        "tpu.region"() ({
          %run_scoped3A = tpu.sem_alloc : memref<!tpu.dma_semaphore, #tpu.memory_space<semaphore_mem>>
          %dma_start3A_394 = arith.constant 0 : i32
          %dma_start3A_395 = arith.constant 0 : i32
          %dma_start3A_396 = tpu.memref_slice %arg12[%dma_start3A_394, %dma_start3A_395] : memref<10240x128xf32, #tpu.memory_space<vmem_shared>> -> memref<10240x128xf32, #tpu.memory_space<vmem_shared>>
          tpu.enqueue_indirect_dma source(%arg11 : memref<128x128xf32, #tpu.memory_space<vmem>>) target(%dma_start3A_396 : memref<10240x128xf32, #tpu.memory_space<vmem_shared>>) offsets(%arg9 : memref<128xi32, #tpu.memory_space<vmem>>) semaphore(%run_scoped3A : memref<!tpu.dma_semaphore, #tpu.memory_space<semaphore_mem>>) {add = true}
          %dma_wait3A_397 = arith.constant 0 : i32
          %dma_wait3A_398 = arith.constant 0 : i32
          %dma_wait3A_399 = tpu.memref_slice %arg12[%dma_wait3A_397, %dma_wait3A_398] : memref<10240x128xf32, #tpu.memory_space<vmem_shared>> -> memref<10240x128xf32, #tpu.memory_space<vmem_shared>>
          tpu.wait_indirect_dma semaphore(%run_scoped3A : memref<!tpu.dma_semaphore, #tpu.memory_space<semaphore_mem>>) src(%arg11 : memref<128x128xf32, #tpu.memory_space<vmem>>) dst(%dma_wait3A_399 : memref<10240x128xf32, #tpu.memory_space<vmem_shared>>)
          tpu.yield
        }) : () -> ()
        %add3A_328 = arith.constant 2 : i32
        %add3A_329 = arith.addi %add3A_321, %add3A_328 : i32
        %mul3A_330 = arith.constant 256 : i32
        %mul3A_331 = arith.muli %add3A_329, %mul3A_330 : i32
        %add3A_332 = arith.addi %mul3A_34, %mul3A_331 : i32
        "tpu.region"() ({
          %run_scoped3A = tpu.sem_alloc : memref<!tpu.dma_semaphore, #tpu.memory_space<semaphore_mem>>
          %dma_start3A_394 = tpu.memref_slice %arg3[%add3A_332] : memref<647168xi32, #tpu.memory_space<hbm>> -> memref<256xi32, #tpu.memory_space<hbm>>
          %dma_start3A_395 = tpu.memref_slice %arg3[%add3A_332] : memref<647168xi32, #tpu.memory_space<hbm>> -> memref<256xi32, #tpu.memory_space<hbm>>
          tpu.enqueue_dma source(%dma_start3A_395 : memref<256xi32, #tpu.memory_space<hbm>>) target(%arg7 : memref<256xi32, #tpu.memory_space<vmem>>) target_semaphore(%run_scoped3A : memref<!tpu.dma_semaphore, #tpu.memory_space<semaphore_mem>>)
          %dma_wait3A_396 = tpu.memref_slice %arg3[%add3A_332] : memref<647168xi32, #tpu.memory_space<hbm>> -> memref<256xi32, #tpu.memory_space<hbm>>
          %dma_wait3A_397 = tpu.memref_slice %arg3[%add3A_332] : memref<647168xi32, #tpu.memory_space<hbm>> -> memref<256xi32, #tpu.memory_space<hbm>>
          tpu.wait_dma2 semaphore(%run_scoped3A : memref<!tpu.dma_semaphore, #tpu.memory_space<semaphore_mem>>) src(%dma_wait3A_397 : memref<256xi32, #tpu.memory_space<hbm>>) dst(%arg7 : memref<256xi32, #tpu.memory_space<vmem>>)
          tpu.yield
        }) : () -> ()
        %get3A_333 = arith.constant 128 : index
        %get3A_334 = tpu.vector_load %arg7[%get3A_333] {strides = array<i32>} : memref<256xi32, #tpu.memory_space<vmem>>, vector<16xi32>,
        %get3A_335 = vector.shape_cast %get3A_334 : vector<16xi32> to vector<16xi32>
        %swap3A_336 = arith.constant 0 : index
        %swap3A_337 = tpu.vector_load %arg9[%swap3A_336] {strides = array<i32>} : memref<128xi32, #tpu.memory_space<vmem>>, vector<16xi32>,
        %swap3A_338 = vector.shape_cast %swap3A_337 : vector<16xi32> to vector<16xi32>
        %swap3A_339 = vector.shape_cast %get3A_335 : vector<16xi32> to vector<16xi32>
        tpu.vector_store %arg9[%swap3A_336], %swap3A_339 {strides = array<i32>} : memref<128xi32, #tpu.memory_space<vmem>>, vector<16xi32>,
        %get3A_340 = arith.constant 144 : index
        %get3A_341 = tpu.vector_load %arg7[%get3A_340] {strides = array<i32>} : memref<256xi32, #tpu.memory_space<vmem>>, vector<16xi32>,
        %get3A_342 = vector.shape_cast %get3A_341 : vector<16xi32> to vector<16xi32>
        %swap3A_343 = arith.constant 16 : index
        %swap3A_344 = tpu.vector_load %arg9[%swap3A_343] {strides = array<i32>} : memref<128xi32, #tpu.memory_space<vmem>>, vector<16xi32>,
        %swap3A_345 = vector.shape_cast %swap3A_344 : vector<16xi32> to vector<16xi32>
        %swap3A_346 = vector.shape_cast %get3A_342 : vector<16xi32> to vector<16xi32>
        tpu.vector_store %arg9[%swap3A_343], %swap3A_346 {strides = array<i32>} : memref<128xi32, #tpu.memory_space<vmem>>, vector<16xi32>,
        %get3A_347 = arith.constant 160 : index
        %get3A_348 = tpu.vector_load %arg7[%get3A_347] {strides = array<i32>} : memref<256xi32, #tpu.memory_space<vmem>>, vector<16xi32>,
        %get3A_349 = vector.shape_cast %get3A_348 : vector<16xi32> to vector<16xi32>
        %swap3A_350 = arith.constant 32 : index
        %swap3A_351 = tpu.vector_load %arg9[%swap3A_350] {strides = array<i32>} : memref<128xi32, #tpu.memory_space<vmem>>, vector<16xi32>,
        %swap3A_352 = vector.shape_cast %swap3A_351 : vector<16xi32> to vector<16xi32>
        %swap3A_353 = vector.shape_cast %get3A_349 : vector<16xi32> to vector<16xi32>
        tpu.vector_store %arg9[%swap3A_350], %swap3A_353 {strides = array<i32>} : memref<128xi32, #tpu.memory_space<vmem>>, vector<16xi32>,
        %get3A_354 = arith.constant 176 : index
        %get3A_355 = tpu.vector_load %arg7[%get3A_354] {strides = array<i32>} : memref<256xi32, #tpu.memory_space<vmem>>, vector<16xi32>,
        %get3A_356 = vector.shape_cast %get3A_355 : vector<16xi32> to vector<16xi32>
        %swap3A_357 = arith.constant 48 : index
        %swap3A_358 = tpu.vector_load %arg9[%swap3A_357] {strides = array<i32>} : memref<128xi32, #tpu.memory_space<vmem>>, vector<16xi32>,
        %swap3A_359 = vector.shape_cast %swap3A_358 : vector<16xi32> to vector<16xi32>
        %swap3A_360 = vector.shape_cast %get3A_356 : vector<16xi32> to vector<16xi32>
        tpu.vector_store %arg9[%swap3A_357], %swap3A_360 {strides = array<i32>} : memref<128xi32, #tpu.memory_space<vmem>>, vector<16xi32>,
        %get3A_361 = arith.constant 192 : index
        %get3A_362 = tpu.vector_load %arg7[%get3A_361] {strides = array<i32>} : memref<256xi32, #tpu.memory_space<vmem>>, vector<16xi32>,
        %get3A_363 = vector.shape_cast %get3A_362 : vector<16xi32> to vector<16xi32>
        %swap3A_364 = arith.constant 64 : index
        %swap3A_365 = tpu.vector_load %arg9[%swap3A_364] {strides = array<i32>} : memref<128xi32, #tpu.memory_space<vmem>>, vector<16xi32>,
        %swap3A_366 = vector.shape_cast %swap3A_365 : vector<16xi32> to vector<16xi32>
        %swap3A_367 = vector.shape_cast %get3A_363 : vector<16xi32> to vector<16xi32>
        tpu.vector_store %arg9[%swap3A_364], %swap3A_367 {strides = array<i32>} : memref<128xi32, #tpu.memory_space<vmem>>, vector<16xi32>,
        %get3A_368 = arith.constant 208 : index
        %get3A_369 = tpu.vector_load %arg7[%get3A_368] {strides = array<i32>} : memref<256xi32, #tpu.memory_space<vmem>>, vector<16xi32>,
        %get3A_370 = vector.shape_cast %get3A_369 : vector<16xi32> to vector<16xi32>
        %swap3A_371 = arith.constant 80 : index
        %swap3A_372 = tpu.vector_load %arg9[%swap3A_371] {strides = array<i32>} : memref<128xi32, #tpu.memory_space<vmem>>, vector<16xi32>,
        %swap3A_373 = vector.shape_cast %swap3A_372 : vector<16xi32> to vector<16xi32>
        %swap3A_374 = vector.shape_cast %get3A_370 : vector<16xi32> to vector<16xi32>
        tpu.vector_store %arg9[%swap3A_371], %swap3A_374 {strides = array<i32>} : memref<128xi32, #tpu.memory_space<vmem>>, vector<16xi32>,
        %get3A_375 = arith.constant 224 : index
        %get3A_376 = tpu.vector_load %arg7[%get3A_375] {strides = array<i32>} : memref<256xi32, #tpu.memory_space<vmem>>, vector<16xi32>,
        %get3A_377 = vector.shape_cast %get3A_376 : vector<16xi32> to vector<16xi32>
        %swap3A_378 = arith.constant 96 : index
        %swap3A_379 = tpu.vector_load %arg9[%swap3A_378] {strides = array<i32>} : memref<128xi32, #tpu.memory_space<vmem>>, vector<16xi32>,
        %swap3A_380 = vector.shape_cast %swap3A_379 : vector<16xi32> to vector<16xi32>
        %swap3A_381 = vector.shape_cast %get3A_377 : vector<16xi32> to vector<16xi32>
        tpu.vector_store %arg9[%swap3A_378], %swap3A_381 {strides = array<i32>} : memref<128xi32, #tpu.memory_space<vmem>>, vector<16xi32>,
        %get3A_382 = arith.constant 240 : index
        %get3A_383 = tpu.vector_load %arg7[%get3A_382] {strides = array<i32>} : memref<256xi32, #tpu.memory_space<vmem>>, vector<16xi32>,
        %get3A_384 = vector.shape_cast %get3A_383 : vector<16xi32> to vector<16xi32>
        %swap3A_385 = arith.constant 112 : index
        %swap3A_386 = tpu.vector_load %arg9[%swap3A_385] {strides = array<i32>} : memref<128xi32, #tpu.memory_space<vmem>>, vector<16xi32>,
        %swap3A_387 = vector.shape_cast %swap3A_386 : vector<16xi32> to vector<16xi32>
        %swap3A_388 = vector.shape_cast %get3A_384 : vector<16xi32> to vector<16xi32>
        tpu.vector_store %arg9[%swap3A_385], %swap3A_388 {strides = array<i32>} : memref<128xi32, #tpu.memory_space<vmem>>, vector<16xi32>,
        %dma_start3A_389 = arith.constant 0 : i32
        %dma_start3A_390 = tpu.memref_slice %arg7[%dma_start3A_389] : memref<256xi32, #tpu.memory_space<vmem>> -> memref<128xi32, #tpu.memory_space<vmem>>
        %dma_start3A_391 = arith.constant 0 : i32
        %dma_start3A_392 = arith.constant 0 : i32
        %dma_start3A_393 = tpu.memref_slice %arg2[%dma_start3A_391, %dma_start3A_392] : memref<10000x128xf32, #tpu.memory_space<hbm>> -> memref<10000x128xf32, #tpu.memory_space<hbm>>
        tpu.enqueue_indirect_dma source(%dma_start3A_393 : memref<10000x128xf32, #tpu.memory_space<hbm>>) target(%arg11 : memref<128x128xf32, #tpu.memory_space<vmem>>) offsets(%dma_start3A_390 : memref<128xi32, #tpu.memory_space<vmem>>) semaphore(%arg14 : memref<!tpu.dma_semaphore, #tpu.memory_space<semaphore_mem>>)
      }
      %scan3A_162 = arith.constant 53 : i32
      %dma_wait3A = arith.constant 0 : i32
      %dma_wait3A_163 = arith.constant 0 : i32
      %dma_wait3A_164 = tpu.memref_slice %arg2[%dma_wait3A, %dma_wait3A_163] : memref<10000x128xf32, #tpu.memory_space<hbm>> -> memref<128x128xf32, #tpu.memory_space<hbm>>
      %dma_wait3A_165 = arith.constant 0 : i32
      %dma_wait3A_166 = arith.constant 0 : i32
      %dma_wait3A_167 = tpu.memref_slice %arg2[%dma_wait3A_165, %dma_wait3A_166] : memref<10000x128xf32, #tpu.memory_space<hbm>> -> memref<128x128xf32, #tpu.memory_space<hbm>>
      tpu.wait_dma2 semaphore(%arg13 : memref<!tpu.dma_semaphore, #tpu.memory_space<semaphore_mem>>) src(%dma_wait3A_167 : memref<128x128xf32, #tpu.memory_space<hbm>>) dst(%arg10 : memref<128x128xf32, #tpu.memory_space<vmem>>)
      "tpu.region"() ({
        %run_scoped3A = tpu.sem_alloc : memref<!tpu.dma_semaphore, #tpu.memory_space<semaphore_mem>>
        %dma_start3A_243 = arith.constant 0 : i32
        %dma_start3A_244 = arith.constant 0 : i32
        %dma_start3A_245 = tpu.memref_slice %arg12[%dma_start3A_243, %dma_start3A_244] : memref<10240x128xf32, #tpu.memory_space<vmem_shared>> -> memref<10240x128xf32, #tpu.memory_space<vmem_shared>>
        tpu.enqueue_indirect_dma source(%arg10 : memref<128x128xf32, #tpu.memory_space<vmem>>) target(%dma_start3A_245 : memref<10240x128xf32, #tpu.memory_space<vmem_shared>>) offsets(%arg8 : memref<128xi32, #tpu.memory_space<vmem>>) semaphore(%run_scoped3A : memref<!tpu.dma_semaphore, #tpu.memory_space<semaphore_mem>>) {add = true}
        %dma_wait3A_246 = arith.constant 0 : i32
        %dma_wait3A_247 = arith.constant 0 : i32
        %dma_wait3A_248 = tpu.memref_slice %arg12[%dma_wait3A_246, %dma_wait3A_247] : memref<10240x128xf32, #tpu.memory_space<vmem_shared>> -> memref<10240x128xf32, #tpu.memory_space<vmem_shared>>
        tpu.wait_indirect_dma semaphore(%run_scoped3A : memref<!tpu.dma_semaphore, #tpu.memory_space<semaphore_mem>>) src(%arg10 : memref<128x128xf32, #tpu.memory_space<vmem>>) dst(%dma_wait3A_248 : memref<10240x128xf32, #tpu.memory_space<vmem_shared>>)
        tpu.yield
      }) : () -> ()
      %add3A_168 = arith.constant 27648 : i32
      %add3A_169 = arith.addi %mul3A_34, %add3A_168 : i32
      "tpu.region"() ({
        %run_scoped3A = tpu.sem_alloc : memref<!tpu.dma_semaphore, #tpu.memory_space<semaphore_mem>>
        %dma_start3A_243 = tpu.memref_slice %arg3[%add3A_169] : memref<647168xi32, #tpu.memory_space<hbm>> -> memref<256xi32, #tpu.memory_space<hbm>>
        %dma_start3A_244 = tpu.memref_slice %arg3[%add3A_169] : memref<647168xi32, #tpu.memory_space<hbm>> -> memref<256xi32, #tpu.memory_space<hbm>>
        tpu.enqueue_dma source(%dma_start3A_244 : memref<256xi32, #tpu.memory_space<hbm>>) target(%arg6 : memref<256xi32, #tpu.memory_space<vmem>>) target_semaphore(%run_scoped3A : memref<!tpu.dma_semaphore, #tpu.memory_space<semaphore_mem>>)
        %dma_wait3A_245 = tpu.memref_slice %arg3[%add3A_169] : memref<647168xi32, #tpu.memory_space<hbm>> -> memref<256xi32, #tpu.memory_space<hbm>>
        %dma_wait3A_246 = tpu.memref_slice %arg3[%add3A_169] : memref<647168xi32, #tpu.memory_space<hbm>> -> memref<256xi32, #tpu.memory_space<hbm>>
        tpu.wait_dma2 semaphore(%run_scoped3A : memref<!tpu.dma_semaphore, #tpu.memory_space<semaphore_mem>>) src(%dma_wait3A_246 : memref<256xi32, #tpu.memory_space<hbm>>) dst(%arg6 : memref<256xi32, #tpu.memory_space<vmem>>)
        tpu.yield
      }) : () -> ()
      %get3A_170 = arith.constant 128 : index
      %get3A_171 = tpu.vector_load %arg6[%get3A_170] {strides = array<i32>} : memref<256xi32, #tpu.memory_space<vmem>>, vector<16xi32>,
      %get3A_172 = vector.shape_cast %get3A_171 : vector<16xi32> to vector<16xi32>
      %swap3A_173 = arith.constant 0 : index
      %swap3A_174 = tpu.vector_load %arg8[%swap3A_173] {strides = array<i32>} : memref<128xi32, #tpu.memory_space<vmem>>, vector<16xi32>,
      %swap3A_175 = vector.shape_cast %swap3A_174 : vector<16xi32> to vector<16xi32>
      %swap3A_176 = vector.shape_cast %get3A_172 : vector<16xi32> to vector<16xi32>
      tpu.vector_store %arg8[%swap3A_173], %swap3A_176 {strides = array<i32>} : memref<128xi32, #tpu.memory_space<vmem>>, vector<16xi32>,
      %get3A_177 = arith.constant 144 : index
      %get3A_178 = tpu.vector_load %arg6[%get3A_177] {strides = array<i32>} : memref<256xi32, #tpu.memory_space<vmem>>, vector<16xi32>,
      %get3A_179 = vector.shape_cast %get3A_178 : vector<16xi32> to vector<16xi32>
      %swap3A_180 = arith.constant 16 : index
      %swap3A_181 = tpu.vector_load %arg8[%swap3A_180] {strides = array<i32>} : memref<128xi32, #tpu.memory_space<vmem>>, vector<16xi32>,
      %swap3A_182 = vector.shape_cast %swap3A_181 : vector<16xi32> to vector<16xi32>
      %swap3A_183 = vector.shape_cast %get3A_179 : vector<16xi32> to vector<16xi32>
      tpu.vector_store %arg8[%swap3A_180], %swap3A_183 {strides = array<i32>} : memref<128xi32, #tpu.memory_space<vmem>>, vector<16xi32>,
      %get3A_184 = arith.constant 160 : index
      %get3A_185 = tpu.vector_load %arg6[%get3A_184] {strides = array<i32>} : memref<256xi32, #tpu.memory_space<vmem>>, vector<16xi32>,
      %get3A_186 = vector.shape_cast %get3A_185 : vector<16xi32> to vector<16xi32>
      %swap3A_187 = arith.constant 32 : index
      %swap3A_188 = tpu.vector_load %arg8[%swap3A_187] {strides = array<i32>} : memref<128xi32, #tpu.memory_space<vmem>>, vector<16xi32>,
      %swap3A_189 = vector.shape_cast %swap3A_188 : vector<16xi32> to vector<16xi32>
      %swap3A_190 = vector.shape_cast %get3A_186 : vector<16xi32> to vector<16xi32>
      tpu.vector_store %arg8[%swap3A_187], %swap3A_190 {strides = array<i32>} : memref<128xi32, #tpu.memory_space<vmem>>, vector<16xi32>,
      %get3A_191 = arith.constant 176 : index
      %get3A_192 = tpu.vector_load %arg6[%get3A_191] {strides = array<i32>} : memref<256xi32, #tpu.memory_space<vmem>>, vector<16xi32>,
      %get3A_193 = vector.shape_cast %get3A_192 : vector<16xi32> to vector<16xi32>
      %swap3A_194 = arith.constant 48 : index
      %swap3A_195 = tpu.vector_load %arg8[%swap3A_194] {strides = array<i32>} : memref<128xi32, #tpu.memory_space<vmem>>, vector<16xi32>,
      %swap3A_196 = vector.shape_cast %swap3A_195 : vector<16xi32> to vector<16xi32>
      %swap3A_197 = vector.shape_cast %get3A_193 : vector<16xi32> to vector<16xi32>
      tpu.vector_store %arg8[%swap3A_194], %swap3A_197 {strides = array<i32>} : memref<128xi32, #tpu.memory_space<vmem>>, vector<16xi32>,
      %get3A_198 = arith.constant 192 : index
      %get3A_199 = tpu.vector_load %arg6[%get3A_198] {strides = array<i32>} : memref<256xi32, #tpu.memory_space<vmem>>, vector<16xi32>,
      %get3A_200 = vector.shape_cast %get3A_199 : vector<16xi32> to vector<16xi32>
      %swap3A_201 = arith.constant 64 : index
      %swap3A_202 = tpu.vector_load %arg8[%swap3A_201] {strides = array<i32>} : memref<128xi32, #tpu.memory_space<vmem>>, vector<16xi32>,
      %swap3A_203 = vector.shape_cast %swap3A_202 : vector<16xi32> to vector<16xi32>
      %swap3A_204 = vector.shape_cast %get3A_200 : vector<16xi32> to vector<16xi32>
      tpu.vector_store %arg8[%swap3A_201], %swap3A_204 {strides = array<i32>} : memref<128xi32, #tpu.memory_space<vmem>>, vector<16xi32>,
      %get3A_205 = arith.constant 208 : index
      %get3A_206 = tpu.vector_load %arg6[%get3A_205] {strides = array<i32>} : memref<256xi32, #tpu.memory_space<vmem>>, vector<16xi32>,
      %get3A_207 = vector.shape_cast %get3A_206 : vector<16xi32> to vector<16xi32>
      %swap3A_208 = arith.constant 80 : index
      %swap3A_209 = tpu.vector_load %arg8[%swap3A_208] {strides = array<i32>} : memref<128xi32, #tpu.memory_space<vmem>>, vector<16xi32>,
      %swap3A_210 = vector.shape_cast %swap3A_209 : vector<16xi32> to vector<16xi32>
      %swap3A_211 = vector.shape_cast %get3A_207 : vector<16xi32> to vector<16xi32>
      tpu.vector_store %arg8[%swap3A_208], %swap3A_211 {strides = array<i32>} : memref<128xi32, #tpu.memory_space<vmem>>, vector<16xi32>,
      %get3A_212 = arith.constant 224 : index
      %get3A_213 = tpu.vector_load %arg6[%get3A_212] {strides = array<i32>} : memref<256xi32, #tpu.memory_space<vmem>>, vector<16xi32>,
      %get3A_214 = vector.shape_cast %get3A_213 : vector<16xi32> to vector<16xi32>
      %swap3A_215 = arith.constant 96 : index
      %swap3A_216 = tpu.vector_load %arg8[%swap3A_215] {strides = array<i32>} : memref<128xi32, #tpu.memory_space<vmem>>, vector<16xi32>,
      %swap3A_217 = vector.shape_cast %swap3A_216 : vector<16xi32> to vector<16xi32>
      %swap3A_218 = vector.shape_cast %get3A_214 : vector<16xi32> to vector<16xi32>
      tpu.vector_store %arg8[%swap3A_215], %swap3A_218 {strides = array<i32>} : memref<128xi32, #tpu.memory_space<vmem>>, vector<16xi32>,
      %get3A_219 = arith.constant 240 : index
      %get3A_220 = tpu.vector_load %arg6[%get3A_219] {strides = array<i32>} : memref<256xi32, #tpu.memory_space<vmem>>, vector<16xi32>,
      %get3A_221 = vector.shape_cast %get3A_220 : vector<16xi32> to vector<16xi32>
      %swap3A_222 = arith.constant 112 : index
      %swap3A_223 = tpu.vector_load %arg8[%swap3A_222] {strides = array<i32>} : memref<128xi32, #tpu.memory_space<vmem>>, vector<16xi32>,
      %swap3A_224 = vector.shape_cast %swap3A_223 : vector<16xi32> to vector<16xi32>
      %swap3A_225 = vector.shape_cast %get3A_221 : vector<16xi32> to vector<16xi32>
      tpu.vector_store %arg8[%swap3A_222], %swap3A_225 {strides = array<i32>} : memref<128xi32, #tpu.memory_space<vmem>>, vector<16xi32>,
      %dma_start3A_226 = arith.constant 0 : i32
      %dma_start3A_227 = tpu.memref_slice %arg6[%dma_start3A_226] : memref<256xi32, #tpu.memory_space<vmem>> -> memref<128xi32, #tpu.memory_space<vmem>>
      %dma_start3A_228 = arith.constant 0 : i32
      %dma_start3A_229 = arith.constant 0 : i32
      %dma_start3A_230 = tpu.memref_slice %arg2[%dma_start3A_228, %dma_start3A_229] : memref<10000x128xf32, #tpu.memory_space<hbm>> -> memref<10000x128xf32, #tpu.memory_space<hbm>>
      tpu.enqueue_indirect_dma source(%dma_start3A_230 : memref<10000x128xf32, #tpu.memory_space<hbm>>) target(%arg10 : memref<128x128xf32, #tpu.memory_space<vmem>>) offsets(%dma_start3A_227 : memref<128xi32, #tpu.memory_space<vmem>>) semaphore(%arg13 : memref<!tpu.dma_semaphore, #tpu.memory_space<semaphore_mem>>)
      %dma_wait3A_231 = arith.constant 0 : i32
      %dma_wait3A_232 = arith.constant 0 : i32
      %dma_wait3A_233 = tpu.memref_slice %arg2[%dma_wait3A_231, %dma_wait3A_232] : memref<10000x128xf32, #tpu.memory_space<hbm>> -> memref<128x128xf32, #tpu.memory_space<hbm>>
      %dma_wait3A_234 = arith.constant 0 : i32
      %dma_wait3A_235 = arith.constant 0 : i32
      %dma_wait3A_236 = tpu.memref_slice %arg2[%dma_wait3A_234, %dma_wait3A_235] : memref<10000x128xf32, #tpu.memory_space<hbm>> -> memref<128x128xf32, #tpu.memory_space<hbm>>
      tpu.wait_dma2 semaphore(%arg14 : memref<!tpu.dma_semaphore, #tpu.memory_space<semaphore_mem>>) src(%dma_wait3A_236 : memref<128x128xf32, #tpu.memory_space<hbm>>) dst(%arg11 : memref<128x128xf32, #tpu.memory_space<vmem>>)
      "tpu.region"() ({
        %run_scoped3A = tpu.sem_alloc : memref<!tpu.dma_semaphore, #tpu.memory_space<semaphore_mem>>
        %dma_start3A_243 = arith.constant 0 : i32
        %dma_start3A_244 = arith.constant 0 : i32
        %dma_start3A_245 = tpu.memref_slice %arg12[%dma_start3A_243, %dma_start3A_244] : memref<10240x128xf32, #tpu.memory_space<vmem_shared>> -> memref<10240x128xf32, #tpu.memory_space<vmem_shared>>
        tpu.enqueue_indirect_dma source(%arg11 : memref<128x128xf32, #tpu.memory_space<vmem>>) target(%dma_start3A_245 : memref<10240x128xf32, #tpu.memory_space<vmem_shared>>) offsets(%arg9 : memref<128xi32, #tpu.memory_space<vmem>>) semaphore(%run_scoped3A : memref<!tpu.dma_semaphore, #tpu.memory_space<semaphore_mem>>) {add = true}
        %dma_wait3A_246 = arith.constant 0 : i32
        %dma_wait3A_247 = arith.constant 0 : i32
        %dma_wait3A_248 = tpu.memref_slice %arg12[%dma_wait3A_246, %dma_wait3A_247] : memref<10240x128xf32, #tpu.memory_space<vmem_shared>> -> memref<10240x128xf32, #tpu.memory_space<vmem_shared>>
        tpu.wait_indirect_dma semaphore(%run_scoped3A : memref<!tpu.dma_semaphore, #tpu.memory_space<semaphore_mem>>) src(%arg11 : memref<128x128xf32, #tpu.memory_space<vmem>>) dst(%dma_wait3A_248 : memref<10240x128xf32, #tpu.memory_space<vmem_shared>>)
        tpu.yield
      }) : () -> ()
      %dma_wait3A_237 = arith.constant 0 : i32
      %dma_wait3A_238 = arith.constant 0 : i32
      %dma_wait3A_239 = tpu.memref_slice %arg2[%dma_wait3A_237, %dma_wait3A_238] : memref<10000x128xf32, #tpu.memory_space<hbm>> -> memref<128x128xf32, #tpu.memory_space<hbm>>
      %dma_wait3A_240 = arith.constant 0 : i32
      %dma_wait3A_241 = arith.constant 0 : i32
      %dma_wait3A_242 = tpu.memref_slice %arg2[%dma_wait3A_240, %dma_wait3A_241] : memref<10000x128xf32, #tpu.memory_space<hbm>> -> memref<128x128xf32, #tpu.memory_space<hbm>>
      tpu.wait_dma2 semaphore(%arg13 : memref<!tpu.dma_semaphore, #tpu.memory_space<semaphore_mem>>) src(%dma_wait3A_242 : memref<128x128xf32, #tpu.memory_space<hbm>>) dst(%arg10 : memref<128x128xf32, #tpu.memory_space<vmem>>)
      "tpu.region"() ({
        %run_scoped3A = tpu.sem_alloc : memref<!tpu.dma_semaphore, #tpu.memory_space<semaphore_mem>>
        %dma_start3A_243 = arith.constant 0 : i32
        %dma_start3A_244 = arith.constant 0 : i32
        %dma_start3A_245 = tpu.memref_slice %arg12[%dma_start3A_243, %dma_start3A_244] : memref<10240x128xf32, #tpu.memory_space<vmem_shared>> -> memref<10240x128xf32, #tpu.memory_space<vmem_shared>>
        tpu.enqueue_indirect_dma source(%arg10 : memref<128x128xf32, #tpu.memory_space<vmem>>) target(%dma_start3A_245 : memref<10240x128xf32, #tpu.memory_space<vmem_shared>>) offsets(%arg8 : memref<128xi32, #tpu.memory_space<vmem>>) semaphore(%run_scoped3A : memref<!tpu.dma_semaphore, #tpu.memory_space<semaphore_mem>>) {add = true}
        %dma_wait3A_246 = arith.constant 0 : i32
        %dma_wait3A_247 = arith.constant 0 : i32
        %dma_wait3A_248 = tpu.memref_slice %arg12[%dma_wait3A_246, %dma_wait3A_247] : memref<10240x128xf32, #tpu.memory_space<vmem_shared>> -> memref<10240x128xf32, #tpu.memory_space<vmem_shared>>
        tpu.wait_indirect_dma semaphore(%run_scoped3A : memref<!tpu.dma_semaphore, #tpu.memory_space<semaphore_mem>>) src(%arg10 : memref<128x128xf32, #tpu.memory_space<vmem>>) dst(%dma_wait3A_248 : memref<10240x128xf32, #tpu.memory_space<vmem_shared>>)
        tpu.yield
      }) : () -> ()
    } else {
    }
    %eq3A_23 = arith.constant 1 : i32
    %eq3A_24 = arith.cmpi eq, %arg0, %eq3A_23 : i32
    %convert_element_type3A_25 = arith.extui %eq3A_24 : i1 to i32
    %cond3A_26 = arith.constant 0 : i32
    %cond3A_27 = arith.cmpi ne, %convert_element_type3A_25, %cond3A_26 : i32
    scf.if %cond3A_27 {
      %mul3A_33 = arith.constant 49 : i32
      %mul3A_34 = arith.muli %arg1, %mul3A_33 : i32
      %add3A_35 = arith.constant 1744 : i32
      %add3A_36 = arith.addi %add3A_35, %mul3A_34 : i32
      %mul3A_37 = arith.constant 256 : i32
      %mul3A_38 = arith.muli %add3A_36, %mul3A_37 : i32
      %add3A_39 = arith.constant 0 : i32
      %add3A_40 = arith.addi %mul3A_38, %add3A_39 : i32
      "tpu.region"() ({
        %run_scoped3A = tpu.sem_alloc : memref<!tpu.dma_semaphore, #tpu.memory_space<semaphore_mem>>
        %dma_start3A_247 = tpu.memref_slice %arg3[%add3A_40] : memref<647168xi32, #tpu.memory_space<hbm>> -> memref<256xi32, #tpu.memory_space<hbm>>
        %dma_start3A_248 = tpu.memref_slice %arg3[%add3A_40] : memref<647168xi32, #tpu.memory_space<hbm>> -> memref<256xi32, #tpu.memory_space<hbm>>
        tpu.enqueue_dma source(%dma_start3A_248 : memref<256xi32, #tpu.memory_space<hbm>>) target(%arg6 : memref<256xi32, #tpu.memory_space<vmem>>) target_semaphore(%run_scoped3A : memref<!tpu.dma_semaphore, #tpu.memory_space<semaphore_mem>>)
        %dma_wait3A_249 = tpu.memref_slice %arg3[%add3A_40] : memref<647168xi32, #tpu.memory_space<hbm>> -> memref<256xi32, #tpu.memory_space<hbm>>
        %dma_wait3A_250 = tpu.memref_slice %arg3[%add3A_40] : memref<647168xi32, #tpu.memory_space<hbm>> -> memref<256xi32, #tpu.memory_space<hbm>>
        tpu.wait_dma2 semaphore(%run_scoped3A : memref<!tpu.dma_semaphore, #tpu.memory_space<semaphore_mem>>) src(%dma_wait3A_250 : memref<256xi32, #tpu.memory_space<hbm>>) dst(%arg6 : memref<256xi32, #tpu.memory_space<vmem>>)
        tpu.yield
      }) : () -> ()
      %get3A = arith.constant 128 : index
      %get3A_41 = tpu.vector_load %arg6[%get3A] {strides = array<i32>} : memref<256xi32, #tpu.memory_space<vmem>>, vector<16xi32>,
      %get3A_42 = vector.shape_cast %get3A_41 : vector<16xi32> to vector<16xi32>
      %swap3A = arith.constant 0 : index
      %swap3A_43 = tpu.vector_load %arg8[%swap3A] {strides = array<i32>} : memref<128xi32, #tpu.memory_space<vmem>>, vector<16xi32>,
      %swap3A_44 = vector.shape_cast %swap3A_43 : vector<16xi32> to vector<16xi32>
      %swap3A_45 = vector.shape_cast %get3A_42 : vector<16xi32> to vector<16xi32>
      tpu.vector_store %arg8[%swap3A], %swap3A_45 {strides = array<i32>} : memref<128xi32, #tpu.memory_space<vmem>>, vector<16xi32>,
      %get3A_46 = arith.constant 144 : index
      %get3A_47 = tpu.vector_load %arg6[%get3A_46] {strides = array<i32>} : memref<256xi32, #tpu.memory_space<vmem>>, vector<16xi32>,
      %get3A_48 = vector.shape_cast %get3A_47 : vector<16xi32> to vector<16xi32>
      %swap3A_49 = arith.constant 16 : index
      %swap3A_50 = tpu.vector_load %arg8[%swap3A_49] {strides = array<i32>} : memref<128xi32, #tpu.memory_space<vmem>>, vector<16xi32>,
      %swap3A_51 = vector.shape_cast %swap3A_50 : vector<16xi32> to vector<16xi32>
      %swap3A_52 = vector.shape_cast %get3A_48 : vector<16xi32> to vector<16xi32>
      tpu.vector_store %arg8[%swap3A_49], %swap3A_52 {strides = array<i32>} : memref<128xi32, #tpu.memory_space<vmem>>, vector<16xi32>,
      %get3A_53 = arith.constant 160 : index
      %get3A_54 = tpu.vector_load %arg6[%get3A_53] {strides = array<i32>} : memref<256xi32, #tpu.memory_space<vmem>>, vector<16xi32>,
      %get3A_55 = vector.shape_cast %get3A_54 : vector<16xi32> to vector<16xi32>
      %swap3A_56 = arith.constant 32 : index
      %swap3A_57 = tpu.vector_load %arg8[%swap3A_56] {strides = array<i32>} : memref<128xi32, #tpu.memory_space<vmem>>, vector<16xi32>,
      %swap3A_58 = vector.shape_cast %swap3A_57 : vector<16xi32> to vector<16xi32>
      %swap3A_59 = vector.shape_cast %get3A_55 : vector<16xi32> to vector<16xi32>
      tpu.vector_store %arg8[%swap3A_56], %swap3A_59 {strides = array<i32>} : memref<128xi32, #tpu.memory_space<vmem>>, vector<16xi32>,
      %get3A_60 = arith.constant 176 : index
      %get3A_61 = tpu.vector_load %arg6[%get3A_60] {strides = array<i32>} : memref<256xi32, #tpu.memory_space<vmem>>, vector<16xi32>,
      %get3A_62 = vector.shape_cast %get3A_61 : vector<16xi32> to vector<16xi32>
      %swap3A_63 = arith.constant 48 : index
      %swap3A_64 = tpu.vector_load %arg8[%swap3A_63] {strides = array<i32>} : memref<128xi32, #tpu.memory_space<vmem>>, vector<16xi32>,
      %swap3A_65 = vector.shape_cast %swap3A_64 : vector<16xi32> to vector<16xi32>
      %swap3A_66 = vector.shape_cast %get3A_62 : vector<16xi32> to vector<16xi32>
      tpu.vector_store %arg8[%swap3A_63], %swap3A_66 {strides = array<i32>} : memref<128xi32, #tpu.memory_space<vmem>>, vector<16xi32>,
      %get3A_67 = arith.constant 192 : index
      %get3A_68 = tpu.vector_load %arg6[%get3A_67] {strides = array<i32>} : memref<256xi32, #tpu.memory_space<vmem>>, vector<16xi32>,
      %get3A_69 = vector.shape_cast %get3A_68 : vector<16xi32> to vector<16xi32>
      %swap3A_70 = arith.constant 64 : index
      %swap3A_71 = tpu.vector_load %arg8[%swap3A_70] {strides = array<i32>} : memref<128xi32, #tpu.memory_space<vmem>>, vector<16xi32>,
      %swap3A_72 = vector.shape_cast %swap3A_71 : vector<16xi32> to vector<16xi32>
      %swap3A_73 = vector.shape_cast %get3A_69 : vector<16xi32> to vector<16xi32>
      tpu.vector_store %arg8[%swap3A_70], %swap3A_73 {strides = array<i32>} : memref<128xi32, #tpu.memory_space<vmem>>, vector<16xi32>,
      %get3A_74 = arith.constant 208 : index
      %get3A_75 = tpu.vector_load %arg6[%get3A_74] {strides = array<i32>} : memref<256xi32, #tpu.memory_space<vmem>>, vector<16xi32>,
      %get3A_76 = vector.shape_cast %get3A_75 : vector<16xi32> to vector<16xi32>
      %swap3A_77 = arith.constant 80 : index
      %swap3A_78 = tpu.vector_load %arg8[%swap3A_77] {strides = array<i32>} : memref<128xi32, #tpu.memory_space<vmem>>, vector<16xi32>,
      %swap3A_79 = vector.shape_cast %swap3A_78 : vector<16xi32> to vector<16xi32>
      %swap3A_80 = vector.shape_cast %get3A_76 : vector<16xi32> to vector<16xi32>
      tpu.vector_store %arg8[%swap3A_77], %swap3A_80 {strides = array<i32>} : memref<128xi32, #tpu.memory_space<vmem>>, vector<16xi32>,
      %get3A_81 = arith.constant 224 : index
      %get3A_82 = tpu.vector_load %arg6[%get3A_81] {strides = array<i32>} : memref<256xi32, #tpu.memory_space<vmem>>, vector<16xi32>,
      %get3A_83 = vector.shape_cast %get3A_82 : vector<16xi32> to vector<16xi32>
      %swap3A_84 = arith.constant 96 : index
      %swap3A_85 = tpu.vector_load %arg8[%swap3A_84] {strides = array<i32>} : memref<128xi32, #tpu.memory_space<vmem>>, vector<16xi32>,
      %swap3A_86 = vector.shape_cast %swap3A_85 : vector<16xi32> to vector<16xi32>
      %swap3A_87 = vector.shape_cast %get3A_83 : vector<16xi32> to vector<16xi32>
      tpu.vector_store %arg8[%swap3A_84], %swap3A_87 {strides = array<i32>} : memref<128xi32, #tpu.memory_space<vmem>>, vector<16xi32>,
      %get3A_88 = arith.constant 240 : index
      %get3A_89 = tpu.vector_load %arg6[%get3A_88] {strides = array<i32>} : memref<256xi32, #tpu.memory_space<vmem>>, vector<16xi32>,
      %get3A_90 = vector.shape_cast %get3A_89 : vector<16xi32> to vector<16xi32>
      %swap3A_91 = arith.constant 112 : index
      %swap3A_92 = tpu.vector_load %arg8[%swap3A_91] {strides = array<i32>} : memref<128xi32, #tpu.memory_space<vmem>>, vector<16xi32>,
      %swap3A_93 = vector.shape_cast %swap3A_92 : vector<16xi32> to vector<16xi32>
      %swap3A_94 = vector.shape_cast %get3A_90 : vector<16xi32> to vector<16xi32>
      tpu.vector_store %arg8[%swap3A_91], %swap3A_94 {strides = array<i32>} : memref<128xi32, #tpu.memory_space<vmem>>, vector<16xi32>,
      %dma_start3A = arith.constant 0 : i32
      %dma_start3A_95 = tpu.memref_slice %arg6[%dma_start3A] : memref<256xi32, #tpu.memory_space<vmem>> -> memref<128xi32, #tpu.memory_space<vmem>>
      %dma_start3A_96 = arith.constant 0 : i32
      %dma_start3A_97 = arith.constant 0 : i32
      %dma_start3A_98 = tpu.memref_slice %arg2[%dma_start3A_96, %dma_start3A_97] : memref<10000x128xf32, #tpu.memory_space<hbm>> -> memref<10000x128xf32, #tpu.memory_space<hbm>>
      tpu.enqueue_indirect_dma source(%dma_start3A_98 : memref<10000x128xf32, #tpu.memory_space<hbm>>) target(%arg10 : memref<128x128xf32, #tpu.memory_space<vmem>>) offsets(%dma_start3A_95 : memref<128xi32, #tpu.memory_space<vmem>>) semaphore(%arg13 : memref<!tpu.dma_semaphore, #tpu.memory_space<semaphore_mem>>)
      %add3A_99 = arith.constant 256 : i32
      %add3A_100 = arith.addi %mul3A_38, %add3A_99 : i32
      "tpu.region"() ({
        %run_scoped3A = tpu.sem_alloc : memref<!tpu.dma_semaphore, #tpu.memory_space<semaphore_mem>>
        %dma_start3A_247 = tpu.memref_slice %arg3[%add3A_100] : memref<647168xi32, #tpu.memory_space<hbm>> -> memref<256xi32, #tpu.memory_space<hbm>>
        %dma_start3A_248 = tpu.memref_slice %arg3[%add3A_100] : memref<647168xi32, #tpu.memory_space<hbm>> -> memref<256xi32, #tpu.memory_space<hbm>>
        tpu.enqueue_dma source(%dma_start3A_248 : memref<256xi32, #tpu.memory_space<hbm>>) target(%arg7 : memref<256xi32, #tpu.memory_space<vmem>>) target_semaphore(%run_scoped3A : memref<!tpu.dma_semaphore, #tpu.memory_space<semaphore_mem>>)
        %dma_wait3A_249 = tpu.memref_slice %arg3[%add3A_100] : memref<647168xi32, #tpu.memory_space<hbm>> -> memref<256xi32, #tpu.memory_space<hbm>>
        %dma_wait3A_250 = tpu.memref_slice %arg3[%add3A_100] : memref<647168xi32, #tpu.memory_space<hbm>> -> memref<256xi32, #tpu.memory_space<hbm>>
        tpu.wait_dma2 semaphore(%run_scoped3A : memref<!tpu.dma_semaphore, #tpu.memory_space<semaphore_mem>>) src(%dma_wait3A_250 : memref<256xi32, #tpu.memory_space<hbm>>) dst(%arg7 : memref<256xi32, #tpu.memory_space<vmem>>)
        tpu.yield
      }) : () -> ()
      %get3A_101 = arith.constant 128 : index
      %get3A_102 = tpu.vector_load %arg7[%get3A_101] {strides = array<i32>} : memref<256xi32, #tpu.memory_space<vmem>>, vector<16xi32>,
      %get3A_103 = vector.shape_cast %get3A_102 : vector<16xi32> to vector<16xi32>
      %swap3A_104 = arith.constant 0 : index
      %swap3A_105 = tpu.vector_load %arg9[%swap3A_104] {strides = array<i32>} : memref<128xi32, #tpu.memory_space<vmem>>, vector<16xi32>,
      %swap3A_106 = vector.shape_cast %swap3A_105 : vector<16xi32> to vector<16xi32>
      %swap3A_107 = vector.shape_cast %get3A_103 : vector<16xi32> to vector<16xi32>
      tpu.vector_store %arg9[%swap3A_104], %swap3A_107 {strides = array<i32>} : memref<128xi32, #tpu.memory_space<vmem>>, vector<16xi32>,
      %get3A_108 = arith.constant 144 : index
      %get3A_109 = tpu.vector_load %arg7[%get3A_108] {strides = array<i32>} : memref<256xi32, #tpu.memory_space<vmem>>, vector<16xi32>,
      %get3A_110 = vector.shape_cast %get3A_109 : vector<16xi32> to vector<16xi32>
      %swap3A_111 = arith.constant 16 : index
      %swap3A_112 = tpu.vector_load %arg9[%swap3A_111] {strides = array<i32>} : memref<128xi32, #tpu.memory_space<vmem>>, vector<16xi32>,
      %swap3A_113 = vector.shape_cast %swap3A_112 : vector<16xi32> to vector<16xi32>
      %swap3A_114 = vector.shape_cast %get3A_110 : vector<16xi32> to vector<16xi32>
      tpu.vector_store %arg9[%swap3A_111], %swap3A_114 {strides = array<i32>} : memref<128xi32, #tpu.memory_space<vmem>>, vector<16xi32>,
      %get3A_115 = arith.constant 160 : index
      %get3A_116 = tpu.vector_load %arg7[%get3A_115] {strides = array<i32>} : memref<256xi32, #tpu.memory_space<vmem>>, vector<16xi32>,
      %get3A_117 = vector.shape_cast %get3A_116 : vector<16xi32> to vector<16xi32>
      %swap3A_118 = arith.constant 32 : index
      %swap3A_119 = tpu.vector_load %arg9[%swap3A_118] {strides = array<i32>} : memref<128xi32, #tpu.memory_space<vmem>>, vector<16xi32>,
      %swap3A_120 = vector.shape_cast %swap3A_119 : vector<16xi32> to vector<16xi32>
      %swap3A_121 = vector.shape_cast %get3A_117 : vector<16xi32> to vector<16xi32>
      tpu.vector_store %arg9[%swap3A_118], %swap3A_121 {strides = array<i32>} : memref<128xi32, #tpu.memory_space<vmem>>, vector<16xi32>,
      %get3A_122 = arith.constant 176 : index
      %get3A_123 = tpu.vector_load %arg7[%get3A_122] {strides = array<i32>} : memref<256xi32, #tpu.memory_space<vmem>>, vector<16xi32>,
      %get3A_124 = vector.shape_cast %get3A_123 : vector<16xi32> to vector<16xi32>
      %swap3A_125 = arith.constant 48 : index
      %swap3A_126 = tpu.vector_load %arg9[%swap3A_125] {strides = array<i32>} : memref<128xi32, #tpu.memory_space<vmem>>, vector<16xi32>,
      %swap3A_127 = vector.shape_cast %swap3A_126 : vector<16xi32> to vector<16xi32>
      %swap3A_128 = vector.shape_cast %get3A_124 : vector<16xi32> to vector<16xi32>
      tpu.vector_store %arg9[%swap3A_125], %swap3A_128 {strides = array<i32>} : memref<128xi32, #tpu.memory_space<vmem>>, vector<16xi32>,
      %get3A_129 = arith.constant 192 : index
      %get3A_130 = tpu.vector_load %arg7[%get3A_129] {strides = array<i32>} : memref<256xi32, #tpu.memory_space<vmem>>, vector<16xi32>,
      %get3A_131 = vector.shape_cast %get3A_130 : vector<16xi32> to vector<16xi32>
      %swap3A_132 = arith.constant 64 : index
      %swap3A_133 = tpu.vector_load %arg9[%swap3A_132] {strides = array<i32>} : memref<128xi32, #tpu.memory_space<vmem>>, vector<16xi32>,
      %swap3A_134 = vector.shape_cast %swap3A_133 : vector<16xi32> to vector<16xi32>
      %swap3A_135 = vector.shape_cast %get3A_131 : vector<16xi32> to vector<16xi32>
      tpu.vector_store %arg9[%swap3A_132], %swap3A_135 {strides = array<i32>} : memref<128xi32, #tpu.memory_space<vmem>>, vector<16xi32>,
      %get3A_136 = arith.constant 208 : index
      %get3A_137 = tpu.vector_load %arg7[%get3A_136] {strides = array<i32>} : memref<256xi32, #tpu.memory_space<vmem>>, vector<16xi32>,
      %get3A_138 = vector.shape_cast %get3A_137 : vector<16xi32> to vector<16xi32>
      %swap3A_139 = arith.constant 80 : index
      %swap3A_140 = tpu.vector_load %arg9[%swap3A_139] {strides = array<i32>} : memref<128xi32, #tpu.memory_space<vmem>>, vector<16xi32>,
      %swap3A_141 = vector.shape_cast %swap3A_140 : vector<16xi32> to vector<16xi32>
      %swap3A_142 = vector.shape_cast %get3A_138 : vector<16xi32> to vector<16xi32>
      tpu.vector_store %arg9[%swap3A_139], %swap3A_142 {strides = array<i32>} : memref<128xi32, #tpu.memory_space<vmem>>, vector<16xi32>,
      %get3A_143 = arith.constant 224 : index
      %get3A_144 = tpu.vector_load %arg7[%get3A_143] {strides = array<i32>} : memref<256xi32, #tpu.memory_space<vmem>>, vector<16xi32>,
      %get3A_145 = vector.shape_cast %get3A_144 : vector<16xi32> to vector<16xi32>
      %swap3A_146 = arith.constant 96 : index
      %swap3A_147 = tpu.vector_load %arg9[%swap3A_146] {strides = array<i32>} : memref<128xi32, #tpu.memory_space<vmem>>, vector<16xi32>,
      %swap3A_148 = vector.shape_cast %swap3A_147 : vector<16xi32> to vector<16xi32>
      %swap3A_149 = vector.shape_cast %get3A_145 : vector<16xi32> to vector<16xi32>
      tpu.vector_store %arg9[%swap3A_146], %swap3A_149 {strides = array<i32>} : memref<128xi32, #tpu.memory_space<vmem>>, vector<16xi32>,
      %get3A_150 = arith.constant 240 : index
      %get3A_151 = tpu.vector_load %arg7[%get3A_150] {strides = array<i32>} : memref<256xi32, #tpu.memory_space<vmem>>, vector<16xi32>,
      %get3A_152 = vector.shape_cast %get3A_151 : vector<16xi32> to vector<16xi32>
      %swap3A_153 = arith.constant 112 : index
      %swap3A_154 = tpu.vector_load %arg9[%swap3A_153] {strides = array<i32>} : memref<128xi32, #tpu.memory_space<vmem>>, vector<16xi32>,
      %swap3A_155 = vector.shape_cast %swap3A_154 : vector<16xi32> to vector<16xi32>
      %swap3A_156 = vector.shape_cast %get3A_152 : vector<16xi32> to vector<16xi32>
      tpu.vector_store %arg9[%swap3A_153], %swap3A_156 {strides = array<i32>} : memref<128xi32, #tpu.memory_space<vmem>>, vector<16xi32>,
      %dma_start3A_157 = arith.constant 0 : i32
      %dma_start3A_158 = tpu.memref_slice %arg7[%dma_start3A_157] : memref<256xi32, #tpu.memory_space<vmem>> -> memref<128xi32, #tpu.memory_space<vmem>>
      %dma_start3A_159 = arith.constant 0 : i32
      %dma_start3A_160 = arith.constant 0 : i32
      %dma_start3A_161 = tpu.memref_slice %arg2[%dma_start3A_159, %dma_start3A_160] : memref<10000x128xf32, #tpu.memory_space<hbm>> -> memref<10000x128xf32, #tpu.memory_space<hbm>>
      tpu.enqueue_indirect_dma source(%dma_start3A_161 : memref<10000x128xf32, #tpu.memory_space<hbm>>) target(%arg11 : memref<128x128xf32, #tpu.memory_space<vmem>>) offsets(%dma_start3A_158 : memref<128xi32, #tpu.memory_space<vmem>>) semaphore(%arg14 : memref<!tpu.dma_semaphore, #tpu.memory_space<semaphore_mem>>)
      %scan3A = arith.constant 0 : i32
      %scan3A_162 = arith.constant 0 : i32
      %scan3A_163 = arith.constant 23 : i32
      %scan3A_164 = arith.addi %scan3A_162, %scan3A_163 : i32
      %scan3A_165 = arith.constant 1 : i32
      scf.for %scan3A_247 = %scan3A_162 to %scan3A_164 step %scan3A_165  : i32 {
        %mul3A_248 = arith.constant 2 : i32
        %mul3A_249 = arith.muli %mul3A_248, %scan3A_247 : i32
        %dma_wait3A_250 = arith.constant 0 : i32
        %dma_wait3A_251 = arith.constant 0 : i32
        %dma_wait3A_252 = tpu.memref_slice %arg2[%dma_wait3A_250, %dma_wait3A_251] : memref<10000x128xf32, #tpu.memory_space<hbm>> -> memref<128x128xf32, #tpu.memory_space<hbm>>
        %dma_wait3A_253 = arith.constant 0 : i32
        %dma_wait3A_254 = arith.constant 0 : i32
        %dma_wait3A_255 = tpu.memref_slice %arg2[%dma_wait3A_253, %dma_wait3A_254] : memref<10000x128xf32, #tpu.memory_space<hbm>> -> memref<128x128xf32, #tpu.memory_space<hbm>>
        tpu.wait_dma2 semaphore(%arg13 : memref<!tpu.dma_semaphore, #tpu.memory_space<semaphore_mem>>) src(%dma_wait3A_255 : memref<128x128xf32, #tpu.memory_space<hbm>>) dst(%arg10 : memref<128x128xf32, #tpu.memory_space<vmem>>)
        "tpu.region"() ({
          %run_scoped3A = tpu.sem_alloc : memref<!tpu.dma_semaphore, #tpu.memory_space<semaphore_mem>>
          %dma_start3A_398 = arith.constant 0 : i32
          %dma_start3A_399 = arith.constant 0 : i32
          %dma_start3A_400 = tpu.memref_slice %arg12[%dma_start3A_398, %dma_start3A_399] : memref<10240x128xf32, #tpu.memory_space<vmem_shared>> -> memref<10240x128xf32, #tpu.memory_space<vmem_shared>>
          tpu.enqueue_indirect_dma source(%arg10 : memref<128x128xf32, #tpu.memory_space<vmem>>) target(%dma_start3A_400 : memref<10240x128xf32, #tpu.memory_space<vmem_shared>>) offsets(%arg8 : memref<128xi32, #tpu.memory_space<vmem>>) semaphore(%run_scoped3A : memref<!tpu.dma_semaphore, #tpu.memory_space<semaphore_mem>>) {add = true}
          %dma_wait3A_401 = arith.constant 0 : i32
          %dma_wait3A_402 = arith.constant 0 : i32
          %dma_wait3A_403 = tpu.memref_slice %arg12[%dma_wait3A_401, %dma_wait3A_402] : memref<10240x128xf32, #tpu.memory_space<vmem_shared>> -> memref<10240x128xf32, #tpu.memory_space<vmem_shared>>
          tpu.wait_indirect_dma semaphore(%run_scoped3A : memref<!tpu.dma_semaphore, #tpu.memory_space<semaphore_mem>>) src(%arg10 : memref<128x128xf32, #tpu.memory_space<vmem>>) dst(%dma_wait3A_403 : memref<10240x128xf32, #tpu.memory_space<vmem_shared>>)
          tpu.yield
        }) : () -> ()
        %add3A_256 = arith.constant 2 : i32
        %add3A_257 = arith.addi %mul3A_249, %add3A_256 : i32
        %mul3A_258 = arith.constant 256 : i32
        %mul3A_259 = arith.muli %add3A_257, %mul3A_258 : i32
        %add3A_260 = arith.addi %mul3A_38, %mul3A_259 : i32
        "tpu.region"() ({
          %run_scoped3A = tpu.sem_alloc : memref<!tpu.dma_semaphore, #tpu.memory_space<semaphore_mem>>
          %dma_start3A_398 = tpu.memref_slice %arg3[%add3A_260] : memref<647168xi32, #tpu.memory_space<hbm>> -> memref<256xi32, #tpu.memory_space<hbm>>
          %dma_start3A_399 = tpu.memref_slice %arg3[%add3A_260] : memref<647168xi32, #tpu.memory_space<hbm>> -> memref<256xi32, #tpu.memory_space<hbm>>
          tpu.enqueue_dma source(%dma_start3A_399 : memref<256xi32, #tpu.memory_space<hbm>>) target(%arg6 : memref<256xi32, #tpu.memory_space<vmem>>) target_semaphore(%run_scoped3A : memref<!tpu.dma_semaphore, #tpu.memory_space<semaphore_mem>>)
          %dma_wait3A_400 = tpu.memref_slice %arg3[%add3A_260] : memref<647168xi32, #tpu.memory_space<hbm>> -> memref<256xi32, #tpu.memory_space<hbm>>
          %dma_wait3A_401 = tpu.memref_slice %arg3[%add3A_260] : memref<647168xi32, #tpu.memory_space<hbm>> -> memref<256xi32, #tpu.memory_space<hbm>>
          tpu.wait_dma2 semaphore(%run_scoped3A : memref<!tpu.dma_semaphore, #tpu.memory_space<semaphore_mem>>) src(%dma_wait3A_401 : memref<256xi32, #tpu.memory_space<hbm>>) dst(%arg6 : memref<256xi32, #tpu.memory_space<vmem>>)
          tpu.yield
        }) : () -> ()
        %get3A_261 = arith.constant 128 : index
        %get3A_262 = tpu.vector_load %arg6[%get3A_261] {strides = array<i32>} : memref<256xi32, #tpu.memory_space<vmem>>, vector<16xi32>,
        %get3A_263 = vector.shape_cast %get3A_262 : vector<16xi32> to vector<16xi32>
        %swap3A_264 = arith.constant 0 : index
        %swap3A_265 = tpu.vector_load %arg8[%swap3A_264] {strides = array<i32>} : memref<128xi32, #tpu.memory_space<vmem>>, vector<16xi32>,
        %swap3A_266 = vector.shape_cast %swap3A_265 : vector<16xi32> to vector<16xi32>
        %swap3A_267 = vector.shape_cast %get3A_263 : vector<16xi32> to vector<16xi32>
        tpu.vector_store %arg8[%swap3A_264], %swap3A_267 {strides = array<i32>} : memref<128xi32, #tpu.memory_space<vmem>>, vector<16xi32>,
        %get3A_268 = arith.constant 144 : index
        %get3A_269 = tpu.vector_load %arg6[%get3A_268] {strides = array<i32>} : memref<256xi32, #tpu.memory_space<vmem>>, vector<16xi32>,
        %get3A_270 = vector.shape_cast %get3A_269 : vector<16xi32> to vector<16xi32>
        %swap3A_271 = arith.constant 16 : index
        %swap3A_272 = tpu.vector_load %arg8[%swap3A_271] {strides = array<i32>} : memref<128xi32, #tpu.memory_space<vmem>>, vector<16xi32>,
        %swap3A_273 = vector.shape_cast %swap3A_272 : vector<16xi32> to vector<16xi32>
        %swap3A_274 = vector.shape_cast %get3A_270 : vector<16xi32> to vector<16xi32>
        tpu.vector_store %arg8[%swap3A_271], %swap3A_274 {strides = array<i32>} : memref<128xi32, #tpu.memory_space<vmem>>, vector<16xi32>,
        %get3A_275 = arith.constant 160 : index
        %get3A_276 = tpu.vector_load %arg6[%get3A_275] {strides = array<i32>} : memref<256xi32, #tpu.memory_space<vmem>>, vector<16xi32>,
        %get3A_277 = vector.shape_cast %get3A_276 : vector<16xi32> to vector<16xi32>
        %swap3A_278 = arith.constant 32 : index
        %swap3A_279 = tpu.vector_load %arg8[%swap3A_278] {strides = array<i32>} : memref<128xi32, #tpu.memory_space<vmem>>, vector<16xi32>,
        %swap3A_280 = vector.shape_cast %swap3A_279 : vector<16xi32> to vector<16xi32>
        %swap3A_281 = vector.shape_cast %get3A_277 : vector<16xi32> to vector<16xi32>
        tpu.vector_store %arg8[%swap3A_278], %swap3A_281 {strides = array<i32>} : memref<128xi32, #tpu.memory_space<vmem>>, vector<16xi32>,
        %get3A_282 = arith.constant 176 : index
        %get3A_283 = tpu.vector_load %arg6[%get3A_282] {strides = array<i32>} : memref<256xi32, #tpu.memory_space<vmem>>, vector<16xi32>,
        %get3A_284 = vector.shape_cast %get3A_283 : vector<16xi32> to vector<16xi32>
        %swap3A_285 = arith.constant 48 : index
        %swap3A_286 = tpu.vector_load %arg8[%swap3A_285] {strides = array<i32>} : memref<128xi32, #tpu.memory_space<vmem>>, vector<16xi32>,
        %swap3A_287 = vector.shape_cast %swap3A_286 : vector<16xi32> to vector<16xi32>
        %swap3A_288 = vector.shape_cast %get3A_284 : vector<16xi32> to vector<16xi32>
        tpu.vector_store %arg8[%swap3A_285], %swap3A_288 {strides = array<i32>} : memref<128xi32, #tpu.memory_space<vmem>>, vector<16xi32>,
        %get3A_289 = arith.constant 192 : index
        %get3A_290 = tpu.vector_load %arg6[%get3A_289] {strides = array<i32>} : memref<256xi32, #tpu.memory_space<vmem>>, vector<16xi32>,
        %get3A_291 = vector.shape_cast %get3A_290 : vector<16xi32> to vector<16xi32>
        %swap3A_292 = arith.constant 64 : index
        %swap3A_293 = tpu.vector_load %arg8[%swap3A_292] {strides = array<i32>} : memref<128xi32, #tpu.memory_space<vmem>>, vector<16xi32>,
        %swap3A_294 = vector.shape_cast %swap3A_293 : vector<16xi32> to vector<16xi32>
        %swap3A_295 = vector.shape_cast %get3A_291 : vector<16xi32> to vector<16xi32>
        tpu.vector_store %arg8[%swap3A_292], %swap3A_295 {strides = array<i32>} : memref<128xi32, #tpu.memory_space<vmem>>, vector<16xi32>,
        %get3A_296 = arith.constant 208 : index
        %get3A_297 = tpu.vector_load %arg6[%get3A_296] {strides = array<i32>} : memref<256xi32, #tpu.memory_space<vmem>>, vector<16xi32>,
        %get3A_298 = vector.shape_cast %get3A_297 : vector<16xi32> to vector<16xi32>
        %swap3A_299 = arith.constant 80 : index
        %swap3A_300 = tpu.vector_load %arg8[%swap3A_299] {strides = array<i32>} : memref<128xi32, #tpu.memory_space<vmem>>, vector<16xi32>,
        %swap3A_301 = vector.shape_cast %swap3A_300 : vector<16xi32> to vector<16xi32>
        %swap3A_302 = vector.shape_cast %get3A_298 : vector<16xi32> to vector<16xi32>
        tpu.vector_store %arg8[%swap3A_299], %swap3A_302 {strides = array<i32>} : memref<128xi32, #tpu.memory_space<vmem>>, vector<16xi32>,
        %get3A_303 = arith.constant 224 : index
        %get3A_304 = tpu.vector_load %arg6[%get3A_303] {strides = array<i32>} : memref<256xi32, #tpu.memory_space<vmem>>, vector<16xi32>,
        %get3A_305 = vector.shape_cast %get3A_304 : vector<16xi32> to vector<16xi32>
        %swap3A_306 = arith.constant 96 : index
        %swap3A_307 = tpu.vector_load %arg8[%swap3A_306] {strides = array<i32>} : memref<128xi32, #tpu.memory_space<vmem>>, vector<16xi32>,
        %swap3A_308 = vector.shape_cast %swap3A_307 : vector<16xi32> to vector<16xi32>
        %swap3A_309 = vector.shape_cast %get3A_305 : vector<16xi32> to vector<16xi32>
        tpu.vector_store %arg8[%swap3A_306], %swap3A_309 {strides = array<i32>} : memref<128xi32, #tpu.memory_space<vmem>>, vector<16xi32>,
        %get3A_310 = arith.constant 240 : index
        %get3A_311 = tpu.vector_load %arg6[%get3A_310] {strides = array<i32>} : memref<256xi32, #tpu.memory_space<vmem>>, vector<16xi32>,
        %get3A_312 = vector.shape_cast %get3A_311 : vector<16xi32> to vector<16xi32>
        %swap3A_313 = arith.constant 112 : index
        %swap3A_314 = tpu.vector_load %arg8[%swap3A_313] {strides = array<i32>} : memref<128xi32, #tpu.memory_space<vmem>>, vector<16xi32>,
        %swap3A_315 = vector.shape_cast %swap3A_314 : vector<16xi32> to vector<16xi32>
        %swap3A_316 = vector.shape_cast %get3A_312 : vector<16xi32> to vector<16xi32>
        tpu.vector_store %arg8[%swap3A_313], %swap3A_316 {strides = array<i32>} : memref<128xi32, #tpu.memory_space<vmem>>, vector<16xi32>,
        %dma_start3A_317 = arith.constant 0 : i32
        %dma_start3A_318 = tpu.memref_slice %arg6[%dma_start3A_317] : memref<256xi32, #tpu.memory_space<vmem>> -> memref<128xi32, #tpu.memory_space<vmem>>
        %dma_start3A_319 = arith.constant 0 : i32
        %dma_start3A_320 = arith.constant 0 : i32
        %dma_start3A_321 = tpu.memref_slice %arg2[%dma_start3A_319, %dma_start3A_320] : memref<10000x128xf32, #tpu.memory_space<hbm>> -> memref<10000x128xf32, #tpu.memory_space<hbm>>
        tpu.enqueue_indirect_dma source(%dma_start3A_321 : memref<10000x128xf32, #tpu.memory_space<hbm>>) target(%arg10 : memref<128x128xf32, #tpu.memory_space<vmem>>) offsets(%dma_start3A_318 : memref<128xi32, #tpu.memory_space<vmem>>) semaphore(%arg13 : memref<!tpu.dma_semaphore, #tpu.memory_space<semaphore_mem>>)
        %mul3A_322 = arith.constant 2 : i32
        %mul3A_323 = arith.muli %mul3A_322, %scan3A_247 : i32
        %add3A_324 = arith.constant 1 : i32
        %add3A_325 = arith.addi %mul3A_323, %add3A_324 : i32
        %dma_wait3A_326 = arith.constant 0 : i32
        %dma_wait3A_327 = arith.constant 0 : i32
        %dma_wait3A_328 = tpu.memref_slice %arg2[%dma_wait3A_326, %dma_wait3A_327] : memref<10000x128xf32, #tpu.memory_space<hbm>> -> memref<128x128xf32, #tpu.memory_space<hbm>>
        %dma_wait3A_329 = arith.constant 0 : i32
        %dma_wait3A_330 = arith.constant 0 : i32
        %dma_wait3A_331 = tpu.memref_slice %arg2[%dma_wait3A_329, %dma_wait3A_330] : memref<10000x128xf32, #tpu.memory_space<hbm>> -> memref<128x128xf32, #tpu.memory_space<hbm>>
        tpu.wait_dma2 semaphore(%arg14 : memref<!tpu.dma_semaphore, #tpu.memory_space<semaphore_mem>>) src(%dma_wait3A_331 : memref<128x128xf32, #tpu.memory_space<hbm>>) dst(%arg11 : memref<128x128xf32, #tpu.memory_space<vmem>>)
        "tpu.region"() ({
          %run_scoped3A = tpu.sem_alloc : memref<!tpu.dma_semaphore, #tpu.memory_space<semaphore_mem>>
          %dma_start3A_398 = arith.constant 0 : i32
          %dma_start3A_399 = arith.constant 0 : i32
          %dma_start3A_400 = tpu.memref_slice %arg12[%dma_start3A_398, %dma_start3A_399] : memref<10240x128xf32, #tpu.memory_space<vmem_shared>> -> memref<10240x128xf32, #tpu.memory_space<vmem_shared>>
          tpu.enqueue_indirect_dma source(%arg11 : memref<128x128xf32, #tpu.memory_space<vmem>>) target(%dma_start3A_400 : memref<10240x128xf32, #tpu.memory_space<vmem_shared>>) offsets(%arg9 : memref<128xi32, #tpu.memory_space<vmem>>) semaphore(%run_scoped3A : memref<!tpu.dma_semaphore, #tpu.memory_space<semaphore_mem>>) {add = true}
          %dma_wait3A_401 = arith.constant 0 : i32
          %dma_wait3A_402 = arith.constant 0 : i32
          %dma_wait3A_403 = tpu.memref_slice %arg12[%dma_wait3A_401, %dma_wait3A_402] : memref<10240x128xf32, #tpu.memory_space<vmem_shared>> -> memref<10240x128xf32, #tpu.memory_space<vmem_shared>>
          tpu.wait_indirect_dma semaphore(%run_scoped3A : memref<!tpu.dma_semaphore, #tpu.memory_space<semaphore_mem>>) src(%arg11 : memref<128x128xf32, #tpu.memory_space<vmem>>) dst(%dma_wait3A_403 : memref<10240x128xf32, #tpu.memory_space<vmem_shared>>)
          tpu.yield
        }) : () -> ()
        %add3A_332 = arith.constant 2 : i32
        %add3A_333 = arith.addi %add3A_325, %add3A_332 : i32
        %mul3A_334 = arith.constant 256 : i32
        %mul3A_335 = arith.muli %add3A_333, %mul3A_334 : i32
        %add3A_336 = arith.addi %mul3A_38, %mul3A_335 : i32
        "tpu.region"() ({
          %run_scoped3A = tpu.sem_alloc : memref<!tpu.dma_semaphore, #tpu.memory_space<semaphore_mem>>
          %dma_start3A_398 = tpu.memref_slice %arg3[%add3A_336] : memref<647168xi32, #tpu.memory_space<hbm>> -> memref<256xi32, #tpu.memory_space<hbm>>
          %dma_start3A_399 = tpu.memref_slice %arg3[%add3A_336] : memref<647168xi32, #tpu.memory_space<hbm>> -> memref<256xi32, #tpu.memory_space<hbm>>
          tpu.enqueue_dma source(%dma_start3A_399 : memref<256xi32, #tpu.memory_space<hbm>>) target(%arg7 : memref<256xi32, #tpu.memory_space<vmem>>) target_semaphore(%run_scoped3A : memref<!tpu.dma_semaphore, #tpu.memory_space<semaphore_mem>>)
          %dma_wait3A_400 = tpu.memref_slice %arg3[%add3A_336] : memref<647168xi32, #tpu.memory_space<hbm>> -> memref<256xi32, #tpu.memory_space<hbm>>
          %dma_wait3A_401 = tpu.memref_slice %arg3[%add3A_336] : memref<647168xi32, #tpu.memory_space<hbm>> -> memref<256xi32, #tpu.memory_space<hbm>>
          tpu.wait_dma2 semaphore(%run_scoped3A : memref<!tpu.dma_semaphore, #tpu.memory_space<semaphore_mem>>) src(%dma_wait3A_401 : memref<256xi32, #tpu.memory_space<hbm>>) dst(%arg7 : memref<256xi32, #tpu.memory_space<vmem>>)
          tpu.yield
        }) : () -> ()
        %get3A_337 = arith.constant 128 : index
        %get3A_338 = tpu.vector_load %arg7[%get3A_337] {strides = array<i32>} : memref<256xi32, #tpu.memory_space<vmem>>, vector<16xi32>,
        %get3A_339 = vector.shape_cast %get3A_338 : vector<16xi32> to vector<16xi32>
        %swap3A_340 = arith.constant 0 : index
        %swap3A_341 = tpu.vector_load %arg9[%swap3A_340] {strides = array<i32>} : memref<128xi32, #tpu.memory_space<vmem>>, vector<16xi32>,
        %swap3A_342 = vector.shape_cast %swap3A_341 : vector<16xi32> to vector<16xi32>
        %swap3A_343 = vector.shape_cast %get3A_339 : vector<16xi32> to vector<16xi32>
        tpu.vector_store %arg9[%swap3A_340], %swap3A_343 {strides = array<i32>} : memref<128xi32, #tpu.memory_space<vmem>>, vector<16xi32>,
        %get3A_344 = arith.constant 144 : index
        %get3A_345 = tpu.vector_load %arg7[%get3A_344] {strides = array<i32>} : memref<256xi32, #tpu.memory_space<vmem>>, vector<16xi32>,
        %get3A_346 = vector.shape_cast %get3A_345 : vector<16xi32> to vector<16xi32>
        %swap3A_347 = arith.constant 16 : index
        %swap3A_348 = tpu.vector_load %arg9[%swap3A_347] {strides = array<i32>} : memref<128xi32, #tpu.memory_space<vmem>>, vector<16xi32>,
        %swap3A_349 = vector.shape_cast %swap3A_348 : vector<16xi32> to vector<16xi32>
        %swap3A_350 = vector.shape_cast %get3A_346 : vector<16xi32> to vector<16xi32>
        tpu.vector_store %arg9[%swap3A_347], %swap3A_350 {strides = array<i32>} : memref<128xi32, #tpu.memory_space<vmem>>, vector<16xi32>,
        %get3A_351 = arith.constant 160 : index
        %get3A_352 = tpu.vector_load %arg7[%get3A_351] {strides = array<i32>} : memref<256xi32, #tpu.memory_space<vmem>>, vector<16xi32>,
        %get3A_353 = vector.shape_cast %get3A_352 : vector<16xi32> to vector<16xi32>
        %swap3A_354 = arith.constant 32 : index
        %swap3A_355 = tpu.vector_load %arg9[%swap3A_354] {strides = array<i32>} : memref<128xi32, #tpu.memory_space<vmem>>, vector<16xi32>,
        %swap3A_356 = vector.shape_cast %swap3A_355 : vector<16xi32> to vector<16xi32>
        %swap3A_357 = vector.shape_cast %get3A_353 : vector<16xi32> to vector<16xi32>
        tpu.vector_store %arg9[%swap3A_354], %swap3A_357 {strides = array<i32>} : memref<128xi32, #tpu.memory_space<vmem>>, vector<16xi32>,
        %get3A_358 = arith.constant 176 : index
        %get3A_359 = tpu.vector_load %arg7[%get3A_358] {strides = array<i32>} : memref<256xi32, #tpu.memory_space<vmem>>, vector<16xi32>,
        %get3A_360 = vector.shape_cast %get3A_359 : vector<16xi32> to vector<16xi32>
        %swap3A_361 = arith.constant 48 : index
        %swap3A_362 = tpu.vector_load %arg9[%swap3A_361] {strides = array<i32>} : memref<128xi32, #tpu.memory_space<vmem>>, vector<16xi32>,
        %swap3A_363 = vector.shape_cast %swap3A_362 : vector<16xi32> to vector<16xi32>
        %swap3A_364 = vector.shape_cast %get3A_360 : vector<16xi32> to vector<16xi32>
        tpu.vector_store %arg9[%swap3A_361], %swap3A_364 {strides = array<i32>} : memref<128xi32, #tpu.memory_space<vmem>>, vector<16xi32>,
        %get3A_365 = arith.constant 192 : index
        %get3A_366 = tpu.vector_load %arg7[%get3A_365] {strides = array<i32>} : memref<256xi32, #tpu.memory_space<vmem>>, vector<16xi32>,
        %get3A_367 = vector.shape_cast %get3A_366 : vector<16xi32> to vector<16xi32>
        %swap3A_368 = arith.constant 64 : index
        %swap3A_369 = tpu.vector_load %arg9[%swap3A_368] {strides = array<i32>} : memref<128xi32, #tpu.memory_space<vmem>>, vector<16xi32>,
        %swap3A_370 = vector.shape_cast %swap3A_369 : vector<16xi32> to vector<16xi32>
        %swap3A_371 = vector.shape_cast %get3A_367 : vector<16xi32> to vector<16xi32>
        tpu.vector_store %arg9[%swap3A_368], %swap3A_371 {strides = array<i32>} : memref<128xi32, #tpu.memory_space<vmem>>, vector<16xi32>,
        %get3A_372 = arith.constant 208 : index
        %get3A_373 = tpu.vector_load %arg7[%get3A_372] {strides = array<i32>} : memref<256xi32, #tpu.memory_space<vmem>>, vector<16xi32>,
        %get3A_374 = vector.shape_cast %get3A_373 : vector<16xi32> to vector<16xi32>
        %swap3A_375 = arith.constant 80 : index
        %swap3A_376 = tpu.vector_load %arg9[%swap3A_375] {strides = array<i32>} : memref<128xi32, #tpu.memory_space<vmem>>, vector<16xi32>,
        %swap3A_377 = vector.shape_cast %swap3A_376 : vector<16xi32> to vector<16xi32>
        %swap3A_378 = vector.shape_cast %get3A_374 : vector<16xi32> to vector<16xi32>
        tpu.vector_store %arg9[%swap3A_375], %swap3A_378 {strides = array<i32>} : memref<128xi32, #tpu.memory_space<vmem>>, vector<16xi32>,
        %get3A_379 = arith.constant 224 : index
        %get3A_380 = tpu.vector_load %arg7[%get3A_379] {strides = array<i32>} : memref<256xi32, #tpu.memory_space<vmem>>, vector<16xi32>,
        %get3A_381 = vector.shape_cast %get3A_380 : vector<16xi32> to vector<16xi32>
        %swap3A_382 = arith.constant 96 : index
        %swap3A_383 = tpu.vector_load %arg9[%swap3A_382] {strides = array<i32>} : memref<128xi32, #tpu.memory_space<vmem>>, vector<16xi32>,
        %swap3A_384 = vector.shape_cast %swap3A_383 : vector<16xi32> to vector<16xi32>
        %swap3A_385 = vector.shape_cast %get3A_381 : vector<16xi32> to vector<16xi32>
        tpu.vector_store %arg9[%swap3A_382], %swap3A_385 {strides = array<i32>} : memref<128xi32, #tpu.memory_space<vmem>>, vector<16xi32>,
        %get3A_386 = arith.constant 240 : index
        %get3A_387 = tpu.vector_load %arg7[%get3A_386] {strides = array<i32>} : memref<256xi32, #tpu.memory_space<vmem>>, vector<16xi32>,
        %get3A_388 = vector.shape_cast %get3A_387 : vector<16xi32> to vector<16xi32>
        %swap3A_389 = arith.constant 112 : index
        %swap3A_390 = tpu.vector_load %arg9[%swap3A_389] {strides = array<i32>} : memref<128xi32, #tpu.memory_space<vmem>>, vector<16xi32>,
        %swap3A_391 = vector.shape_cast %swap3A_390 : vector<16xi32> to vector<16xi32>
        %swap3A_392 = vector.shape_cast %get3A_388 : vector<16xi32> to vector<16xi32>
        tpu.vector_store %arg9[%swap3A_389], %swap3A_392 {strides = array<i32>} : memref<128xi32, #tpu.memory_space<vmem>>, vector<16xi32>,
        %dma_start3A_393 = arith.constant 0 : i32
        %dma_start3A_394 = tpu.memref_slice %arg7[%dma_start3A_393] : memref<256xi32, #tpu.memory_space<vmem>> -> memref<128xi32, #tpu.memory_space<vmem>>
        %dma_start3A_395 = arith.constant 0 : i32
        %dma_start3A_396 = arith.constant 0 : i32
        %dma_start3A_397 = tpu.memref_slice %arg2[%dma_start3A_395, %dma_start3A_396] : memref<10000x128xf32, #tpu.memory_space<hbm>> -> memref<10000x128xf32, #tpu.memory_space<hbm>>
        tpu.enqueue_indirect_dma source(%dma_start3A_397 : memref<10000x128xf32, #tpu.memory_space<hbm>>) target(%arg11 : memref<128x128xf32, #tpu.memory_space<vmem>>) offsets(%dma_start3A_394 : memref<128xi32, #tpu.memory_space<vmem>>) semaphore(%arg14 : memref<!tpu.dma_semaphore, #tpu.memory_space<semaphore_mem>>)
      }
      %scan3A_166 = arith.constant 23 : i32
      %dma_wait3A = arith.constant 0 : i32
      %dma_wait3A_167 = arith.constant 0 : i32
      %dma_wait3A_168 = tpu.memref_slice %arg2[%dma_wait3A, %dma_wait3A_167] : memref<10000x128xf32, #tpu.memory_space<hbm>> -> memref<128x128xf32, #tpu.memory_space<hbm>>
      %dma_wait3A_169 = arith.constant 0 : i32
      %dma_wait3A_170 = arith.constant 0 : i32
      %dma_wait3A_171 = tpu.memref_slice %arg2[%dma_wait3A_169, %dma_wait3A_170] : memref<10000x128xf32, #tpu.memory_space<hbm>> -> memref<128x128xf32, #tpu.memory_space<hbm>>
      tpu.wait_dma2 semaphore(%arg13 : memref<!tpu.dma_semaphore, #tpu.memory_space<semaphore_mem>>) src(%dma_wait3A_171 : memref<128x128xf32, #tpu.memory_space<hbm>>) dst(%arg10 : memref<128x128xf32, #tpu.memory_space<vmem>>)
      "tpu.region"() ({
        %run_scoped3A = tpu.sem_alloc : memref<!tpu.dma_semaphore, #tpu.memory_space<semaphore_mem>>
        %dma_start3A_247 = arith.constant 0 : i32
        %dma_start3A_248 = arith.constant 0 : i32
        %dma_start3A_249 = tpu.memref_slice %arg12[%dma_start3A_247, %dma_start3A_248] : memref<10240x128xf32, #tpu.memory_space<vmem_shared>> -> memref<10240x128xf32, #tpu.memory_space<vmem_shared>>
        tpu.enqueue_indirect_dma source(%arg10 : memref<128x128xf32, #tpu.memory_space<vmem>>) target(%dma_start3A_249 : memref<10240x128xf32, #tpu.memory_space<vmem_shared>>) offsets(%arg8 : memref<128xi32, #tpu.memory_space<vmem>>) semaphore(%run_scoped3A : memref<!tpu.dma_semaphore, #tpu.memory_space<semaphore_mem>>) {add = true}
        %dma_wait3A_250 = arith.constant 0 : i32
        %dma_wait3A_251 = arith.constant 0 : i32
        %dma_wait3A_252 = tpu.memref_slice %arg12[%dma_wait3A_250, %dma_wait3A_251] : memref<10240x128xf32, #tpu.memory_space<vmem_shared>> -> memref<10240x128xf32, #tpu.memory_space<vmem_shared>>
        tpu.wait_indirect_dma semaphore(%run_scoped3A : memref<!tpu.dma_semaphore, #tpu.memory_space<semaphore_mem>>) src(%arg10 : memref<128x128xf32, #tpu.memory_space<vmem>>) dst(%dma_wait3A_252 : memref<10240x128xf32, #tpu.memory_space<vmem_shared>>)
        tpu.yield
      }) : () -> ()
      %add3A_172 = arith.constant 12288 : i32
      %add3A_173 = arith.addi %mul3A_38, %add3A_172 : i32
      "tpu.region"() ({
        %run_scoped3A = tpu.sem_alloc : memref<!tpu.dma_semaphore, #tpu.memory_space<semaphore_mem>>
        %dma_start3A_247 = tpu.memref_slice %arg3[%add3A_173] : memref<647168xi32, #tpu.memory_space<hbm>> -> memref<256xi32, #tpu.memory_space<hbm>>
        %dma_start3A_248 = tpu.memref_slice %arg3[%add3A_173] : memref<647168xi32, #tpu.memory_space<hbm>> -> memref<256xi32, #tpu.memory_space<hbm>>
        tpu.enqueue_dma source(%dma_start3A_248 : memref<256xi32, #tpu.memory_space<hbm>>) target(%arg6 : memref<256xi32, #tpu.memory_space<vmem>>) target_semaphore(%run_scoped3A : memref<!tpu.dma_semaphore, #tpu.memory_space<semaphore_mem>>)
        %dma_wait3A_249 = tpu.memref_slice %arg3[%add3A_173] : memref<647168xi32, #tpu.memory_space<hbm>> -> memref<256xi32, #tpu.memory_space<hbm>>
        %dma_wait3A_250 = tpu.memref_slice %arg3[%add3A_173] : memref<647168xi32, #tpu.memory_space<hbm>> -> memref<256xi32, #tpu.memory_space<hbm>>
        tpu.wait_dma2 semaphore(%run_scoped3A : memref<!tpu.dma_semaphore, #tpu.memory_space<semaphore_mem>>) src(%dma_wait3A_250 : memref<256xi32, #tpu.memory_space<hbm>>) dst(%arg6 : memref<256xi32, #tpu.memory_space<vmem>>)
        tpu.yield
      }) : () -> ()
      %get3A_174 = arith.constant 128 : index
      %get3A_175 = tpu.vector_load %arg6[%get3A_174] {strides = array<i32>} : memref<256xi32, #tpu.memory_space<vmem>>, vector<16xi32>,
      %get3A_176 = vector.shape_cast %get3A_175 : vector<16xi32> to vector<16xi32>
      %swap3A_177 = arith.constant 0 : index
      %swap3A_178 = tpu.vector_load %arg8[%swap3A_177] {strides = array<i32>} : memref<128xi32, #tpu.memory_space<vmem>>, vector<16xi32>,
      %swap3A_179 = vector.shape_cast %swap3A_178 : vector<16xi32> to vector<16xi32>
      %swap3A_180 = vector.shape_cast %get3A_176 : vector<16xi32> to vector<16xi32>
      tpu.vector_store %arg8[%swap3A_177], %swap3A_180 {strides = array<i32>} : memref<128xi32, #tpu.memory_space<vmem>>, vector<16xi32>,
      %get3A_181 = arith.constant 144 : index
      %get3A_182 = tpu.vector_load %arg6[%get3A_181] {strides = array<i32>} : memref<256xi32, #tpu.memory_space<vmem>>, vector<16xi32>,
      %get3A_183 = vector.shape_cast %get3A_182 : vector<16xi32> to vector<16xi32>
      %swap3A_184 = arith.constant 16 : index
      %swap3A_185 = tpu.vector_load %arg8[%swap3A_184] {strides = array<i32>} : memref<128xi32, #tpu.memory_space<vmem>>, vector<16xi32>,
      %swap3A_186 = vector.shape_cast %swap3A_185 : vector<16xi32> to vector<16xi32>
      %swap3A_187 = vector.shape_cast %get3A_183 : vector<16xi32> to vector<16xi32>
      tpu.vector_store %arg8[%swap3A_184], %swap3A_187 {strides = array<i32>} : memref<128xi32, #tpu.memory_space<vmem>>, vector<16xi32>,
      %get3A_188 = arith.constant 160 : index
      %get3A_189 = tpu.vector_load %arg6[%get3A_188] {strides = array<i32>} : memref<256xi32, #tpu.memory_space<vmem>>, vector<16xi32>,
      %get3A_190 = vector.shape_cast %get3A_189 : vector<16xi32> to vector<16xi32>
      %swap3A_191 = arith.constant 32 : index
      %swap3A_192 = tpu.vector_load %arg8[%swap3A_191] {strides = array<i32>} : memref<128xi32, #tpu.memory_space<vmem>>, vector<16xi32>,
      %swap3A_193 = vector.shape_cast %swap3A_192 : vector<16xi32> to vector<16xi32>
      %swap3A_194 = vector.shape_cast %get3A_190 : vector<16xi32> to vector<16xi32>
      tpu.vector_store %arg8[%swap3A_191], %swap3A_194 {strides = array<i32>} : memref<128xi32, #tpu.memory_space<vmem>>, vector<16xi32>,
      %get3A_195 = arith.constant 176 : index
      %get3A_196 = tpu.vector_load %arg6[%get3A_195] {strides = array<i32>} : memref<256xi32, #tpu.memory_space<vmem>>, vector<16xi32>,
      %get3A_197 = vector.shape_cast %get3A_196 : vector<16xi32> to vector<16xi32>
      %swap3A_198 = arith.constant 48 : index
      %swap3A_199 = tpu.vector_load %arg8[%swap3A_198] {strides = array<i32>} : memref<128xi32, #tpu.memory_space<vmem>>, vector<16xi32>,
      %swap3A_200 = vector.shape_cast %swap3A_199 : vector<16xi32> to vector<16xi32>
      %swap3A_201 = vector.shape_cast %get3A_197 : vector<16xi32> to vector<16xi32>
      tpu.vector_store %arg8[%swap3A_198], %swap3A_201 {strides = array<i32>} : memref<128xi32, #tpu.memory_space<vmem>>, vector<16xi32>,
      %get3A_202 = arith.constant 192 : index
      %get3A_203 = tpu.vector_load %arg6[%get3A_202] {strides = array<i32>} : memref<256xi32, #tpu.memory_space<vmem>>, vector<16xi32>,
      %get3A_204 = vector.shape_cast %get3A_203 : vector<16xi32> to vector<16xi32>
      %swap3A_205 = arith.constant 64 : index
      %swap3A_206 = tpu.vector_load %arg8[%swap3A_205] {strides = array<i32>} : memref<128xi32, #tpu.memory_space<vmem>>, vector<16xi32>,
      %swap3A_207 = vector.shape_cast %swap3A_206 : vector<16xi32> to vector<16xi32>
      %swap3A_208 = vector.shape_cast %get3A_204 : vector<16xi32> to vector<16xi32>
      tpu.vector_store %arg8[%swap3A_205], %swap3A_208 {strides = array<i32>} : memref<128xi32, #tpu.memory_space<vmem>>, vector<16xi32>,
      %get3A_209 = arith.constant 208 : index
      %get3A_210 = tpu.vector_load %arg6[%get3A_209] {strides = array<i32>} : memref<256xi32, #tpu.memory_space<vmem>>, vector<16xi32>,
      %get3A_211 = vector.shape_cast %get3A_210 : vector<16xi32> to vector<16xi32>
      %swap3A_212 = arith.constant 80 : index
      %swap3A_213 = tpu.vector_load %arg8[%swap3A_212] {strides = array<i32>} : memref<128xi32, #tpu.memory_space<vmem>>, vector<16xi32>,
      %swap3A_214 = vector.shape_cast %swap3A_213 : vector<16xi32> to vector<16xi32>
      %swap3A_215 = vector.shape_cast %get3A_211 : vector<16xi32> to vector<16xi32>
      tpu.vector_store %arg8[%swap3A_212], %swap3A_215 {strides = array<i32>} : memref<128xi32, #tpu.memory_space<vmem>>, vector<16xi32>,
      %get3A_216 = arith.constant 224 : index
      %get3A_217 = tpu.vector_load %arg6[%get3A_216] {strides = array<i32>} : memref<256xi32, #tpu.memory_space<vmem>>, vector<16xi32>,
      %get3A_218 = vector.shape_cast %get3A_217 : vector<16xi32> to vector<16xi32>
      %swap3A_219 = arith.constant 96 : index
      %swap3A_220 = tpu.vector_load %arg8[%swap3A_219] {strides = array<i32>} : memref<128xi32, #tpu.memory_space<vmem>>, vector<16xi32>,
      %swap3A_221 = vector.shape_cast %swap3A_220 : vector<16xi32> to vector<16xi32>
      %swap3A_222 = vector.shape_cast %get3A_218 : vector<16xi32> to vector<16xi32>
      tpu.vector_store %arg8[%swap3A_219], %swap3A_222 {strides = array<i32>} : memref<128xi32, #tpu.memory_space<vmem>>, vector<16xi32>,
      %get3A_223 = arith.constant 240 : index
      %get3A_224 = tpu.vector_load %arg6[%get3A_223] {strides = array<i32>} : memref<256xi32, #tpu.memory_space<vmem>>, vector<16xi32>,
      %get3A_225 = vector.shape_cast %get3A_224 : vector<16xi32> to vector<16xi32>
      %swap3A_226 = arith.constant 112 : index
      %swap3A_227 = tpu.vector_load %arg8[%swap3A_226] {strides = array<i32>} : memref<128xi32, #tpu.memory_space<vmem>>, vector<16xi32>,
      %swap3A_228 = vector.shape_cast %swap3A_227 : vector<16xi32> to vector<16xi32>
      %swap3A_229 = vector.shape_cast %get3A_225 : vector<16xi32> to vector<16xi32>
      tpu.vector_store %arg8[%swap3A_226], %swap3A_229 {strides = array<i32>} : memref<128xi32, #tpu.memory_space<vmem>>, vector<16xi32>,
      %dma_start3A_230 = arith.constant 0 : i32
      %dma_start3A_231 = tpu.memref_slice %arg6[%dma_start3A_230] : memref<256xi32, #tpu.memory_space<vmem>> -> memref<128xi32, #tpu.memory_space<vmem>>
      %dma_start3A_232 = arith.constant 0 : i32
      %dma_start3A_233 = arith.constant 0 : i32
      %dma_start3A_234 = tpu.memref_slice %arg2[%dma_start3A_232, %dma_start3A_233] : memref<10000x128xf32, #tpu.memory_space<hbm>> -> memref<10000x128xf32, #tpu.memory_space<hbm>>
      tpu.enqueue_indirect_dma source(%dma_start3A_234 : memref<10000x128xf32, #tpu.memory_space<hbm>>) target(%arg10 : memref<128x128xf32, #tpu.memory_space<vmem>>) offsets(%dma_start3A_231 : memref<128xi32, #tpu.memory_space<vmem>>) semaphore(%arg13 : memref<!tpu.dma_semaphore, #tpu.memory_space<semaphore_mem>>)
      %dma_wait3A_235 = arith.constant 0 : i32
      %dma_wait3A_236 = arith.constant 0 : i32
      %dma_wait3A_237 = tpu.memref_slice %arg2[%dma_wait3A_235, %dma_wait3A_236] : memref<10000x128xf32, #tpu.memory_space<hbm>> -> memref<128x128xf32, #tpu.memory_space<hbm>>
      %dma_wait3A_238 = arith.constant 0 : i32
      %dma_wait3A_239 = arith.constant 0 : i32
      %dma_wait3A_240 = tpu.memref_slice %arg2[%dma_wait3A_238, %dma_wait3A_239] : memref<10000x128xf32, #tpu.memory_space<hbm>> -> memref<128x128xf32, #tpu.memory_space<hbm>>
      tpu.wait_dma2 semaphore(%arg14 : memref<!tpu.dma_semaphore, #tpu.memory_space<semaphore_mem>>) src(%dma_wait3A_240 : memref<128x128xf32, #tpu.memory_space<hbm>>) dst(%arg11 : memref<128x128xf32, #tpu.memory_space<vmem>>)
      "tpu.region"() ({
        %run_scoped3A = tpu.sem_alloc : memref<!tpu.dma_semaphore, #tpu.memory_space<semaphore_mem>>
        %dma_start3A_247 = arith.constant 0 : i32
        %dma_start3A_248 = arith.constant 0 : i32
        %dma_start3A_249 = tpu.memref_slice %arg12[%dma_start3A_247, %dma_start3A_248] : memref<10240x128xf32, #tpu.memory_space<vmem_shared>> -> memref<10240x128xf32, #tpu.memory_space<vmem_shared>>
        tpu.enqueue_indirect_dma source(%arg11 : memref<128x128xf32, #tpu.memory_space<vmem>>) target(%dma_start3A_249 : memref<10240x128xf32, #tpu.memory_space<vmem_shared>>) offsets(%arg9 : memref<128xi32, #tpu.memory_space<vmem>>) semaphore(%run_scoped3A : memref<!tpu.dma_semaphore, #tpu.memory_space<semaphore_mem>>) {add = true}
        %dma_wait3A_250 = arith.constant 0 : i32
        %dma_wait3A_251 = arith.constant 0 : i32
        %dma_wait3A_252 = tpu.memref_slice %arg12[%dma_wait3A_250, %dma_wait3A_251] : memref<10240x128xf32, #tpu.memory_space<vmem_shared>> -> memref<10240x128xf32, #tpu.memory_space<vmem_shared>>
        tpu.wait_indirect_dma semaphore(%run_scoped3A : memref<!tpu.dma_semaphore, #tpu.memory_space<semaphore_mem>>) src(%arg11 : memref<128x128xf32, #tpu.memory_space<vmem>>) dst(%dma_wait3A_252 : memref<10240x128xf32, #tpu.memory_space<vmem_shared>>)
        tpu.yield
      }) : () -> ()
      %dma_wait3A_241 = arith.constant 0 : i32
      %dma_wait3A_242 = arith.constant 0 : i32
      %dma_wait3A_243 = tpu.memref_slice %arg2[%dma_wait3A_241, %dma_wait3A_242] : memref<10000x128xf32, #tpu.memory_space<hbm>> -> memref<128x128xf32, #tpu.memory_space<hbm>>
      %dma_wait3A_244 = arith.constant 0 : i32
      %dma_wait3A_245 = arith.constant 0 : i32
      %dma_wait3A_246 = tpu.memref_slice %arg2[%dma_wait3A_244, %dma_wait3A_245] : memref<10000x128xf32, #tpu.memory_space<hbm>> -> memref<128x128xf32, #tpu.memory_space<hbm>>
      tpu.wait_dma2 semaphore(%arg13 : memref<!tpu.dma_semaphore, #tpu.memory_space<semaphore_mem>>) src(%dma_wait3A_246 : memref<128x128xf32, #tpu.memory_space<hbm>>) dst(%arg10 : memref<128x128xf32, #tpu.memory_space<vmem>>)
      "tpu.region"() ({
        %run_scoped3A = tpu.sem_alloc : memref<!tpu.dma_semaphore, #tpu.memory_space<semaphore_mem>>
        %dma_start3A_247 = arith.constant 0 : i32
        %dma_start3A_248 = arith.constant 0 : i32
        %dma_start3A_249 = tpu.memref_slice %arg12[%dma_start3A_247, %dma_start3A_248] : memref<10240x128xf32, #tpu.memory_space<vmem_shared>> -> memref<10240x128xf32, #tpu.memory_space<vmem_shared>>
        tpu.enqueue_indirect_dma source(%arg10 : memref<128x128xf32, #tpu.memory_space<vmem>>) target(%dma_start3A_249 : memref<10240x128xf32, #tpu.memory_space<vmem_shared>>) offsets(%arg8 : memref<128xi32, #tpu.memory_space<vmem>>) semaphore(%run_scoped3A : memref<!tpu.dma_semaphore, #tpu.memory_space<semaphore_mem>>) {add = true}
        %dma_wait3A_250 = arith.constant 0 : i32
        %dma_wait3A_251 = arith.constant 0 : i32
        %dma_wait3A_252 = tpu.memref_slice %arg12[%dma_wait3A_250, %dma_wait3A_251] : memref<10240x128xf32, #tpu.memory_space<vmem_shared>> -> memref<10240x128xf32, #tpu.memory_space<vmem_shared>>
        tpu.wait_indirect_dma semaphore(%run_scoped3A : memref<!tpu.dma_semaphore, #tpu.memory_space<semaphore_mem>>) src(%arg10 : memref<128x128xf32, #tpu.memory_space<vmem>>) dst(%dma_wait3A_252 : memref<10240x128xf32, #tpu.memory_space<vmem_shared>>)
        tpu.yield
      }) : () -> ()
    } else {
    }
    %barrier3A_28 = arith.constant 0 : index
    tpu.barrier barrier_id(%barrier3A_28)
    %mul3A_29 = arith.constant 640 : i32
    %mul3A_30 = arith.muli %arg1, %mul3A_29 : i32
    %mul3A_31 = arith.constant 640 : i32
    %mul3A_32 = arith.muli %arg1, %mul3A_31 : i32
    "tpu.region"() ({
      %run_scoped3A = tpu.sem_alloc : memref<!tpu.dma_semaphore, #tpu.memory_space<semaphore_mem>>
      %dma_start3A = arith.constant 0 : i32
      %dma_start3A_33 = tpu.memref_slice %arg5[%arg0, %mul3A_32, %dma_start3A] : memref<2x10240x128xf32, #tpu.memory_space<hbm>> -> memref<1x640x128xf32, #tpu.memory_space<hbm>>
      %dma_start3A_34 = tpu.memref_squeeze %dma_start3A_33 : memref<1x640x128xf32, #tpu.memory_space<hbm>> -> memref<640x128xf32, #tpu.memory_space<hbm>>
      %dma_start3A_35 = arith.constant 0 : i32
      %dma_start3A_36 = tpu.memref_slice %arg12[%mul3A_30, %dma_start3A_35] : memref<10240x128xf32, #tpu.memory_space<vmem_shared>> -> memref<640x128xf32, #tpu.memory_space<vmem_shared>>
      tpu.enqueue_dma source(%dma_start3A_36 : memref<640x128xf32, #tpu.memory_space<vmem_shared>>) target(%dma_start3A_34 : memref<640x128xf32, #tpu.memory_space<hbm>>) target_semaphore(%run_scoped3A : memref<!tpu.dma_semaphore, #tpu.memory_space<semaphore_mem>>)
      %dma_wait3A = arith.constant 0 : i32
      %dma_wait3A_37 = tpu.memref_slice %arg5[%arg0, %mul3A_32, %dma_wait3A] : memref<2x10240x128xf32, #tpu.memory_space<hbm>> -> memref<1x640x128xf32, #tpu.memory_space<hbm>>
      %dma_wait3A_38 = tpu.memref_squeeze %dma_wait3A_37 : memref<1x640x128xf32, #tpu.memory_space<hbm>> -> memref<640x128xf32, #tpu.memory_space<hbm>>
      %dma_wait3A_39 = arith.constant 0 : i32
      %dma_wait3A_40 = tpu.memref_slice %arg12[%mul3A_30, %dma_wait3A_39] : memref<10240x128xf32, #tpu.memory_space<vmem_shared>> -> memref<640x128xf32, #tpu.memory_space<vmem_shared>>
      tpu.wait_dma2 semaphore(%run_scoped3A : memref<!tpu.dma_semaphore, #tpu.memory_space<semaphore_mem>>) src(%dma_wait3A_40 : memref<640x128xf32, #tpu.memory_space<vmem_shared>>) dst(%dma_wait3A_38 : memref<640x128xf32, #tpu.memory_space<hbm>>)
      tpu.yield
    }) : () -> ()
    return
  }
}

#map = affine_map<(d0, d1) -> (0, 0)>
#map1 = affine_map<(d0, d1) -> (0)>
#map2 = affine_map<(d0, d1) -> (0, 0, 0)>
module attributes {stable_mosaic.version = 14 : i64} {
  func.func @_sc_agg(%arg0: i32, %arg1: i32, %arg2: memref<10000x128xf32, #tpu.memory_space<hbm>>, %arg3: memref<647168xi32, #tpu.memory_space<hbm>>, %arg4: memref<128x128xf32, #tpu.memory_space<hbm>>, %arg5: memref<2x10240x128xf32, #tpu.memory_space<hbm>>, %arg6: memref<256xi32, #tpu.memory_space<vmem>>, %arg7: memref<256xi32, #tpu.memory_space<vmem>>, %arg8: memref<128xi32, #tpu.memory_space<vmem>>, %arg9: memref<128xi32, #tpu.memory_space<vmem>>, %arg10: memref<128x128xf32, #tpu.memory_space<vmem>>, %arg11: memref<128x128xf32, #tpu.memory_space<vmem>>, %arg12: memref<10240x128xf32, #tpu.memory_space<vmem_shared>>, %arg13: memref<!tpu.dma_semaphore, #tpu.memory_space<semaphore_mem>>, %arg14: memref<!tpu.dma_semaphore, #tpu.memory_space<semaphore_mem>>) attributes {dimension_semantics = [#tpu.dimension_semantics<core_parallel>, #tpu.dimension_semantics<subcore_parallel>], iteration_bounds = array<i64: 2, 16>, scalar_prefetch = 0 : i64, scratch_operands = 9 : i64, tpu.core_type = #tpu.core_type<sc_vector_subcore>, window_params = [{transform_indices = #map}, {transform_indices = #map1}, {transform_indices = #map}, {transform_indices = #map2}]} {
    %mul3A = arith.constant 16 : i32
    %mul3A_0 = arith.muli %arg0, %mul3A : i32
    %add3A = arith.addi %mul3A_0, %arg1 : i32
    "tpu.region"() ({
      %run_scoped3A = tpu.sem_alloc : memref<!tpu.dma_semaphore, #tpu.memory_space<semaphore_mem>>
      tpu.enqueue_dma source(%arg4 : memref<128x128xf32, #tpu.memory_space<hbm>>) target(%arg10 : memref<128x128xf32, #tpu.memory_space<vmem>>) target_semaphore(%run_scoped3A : memref<!tpu.dma_semaphore, #tpu.memory_space<semaphore_mem>>)
      tpu.wait_dma2 semaphore(%run_scoped3A : memref<!tpu.dma_semaphore, #tpu.memory_space<semaphore_mem>>) src(%arg4 : memref<128x128xf32, #tpu.memory_space<hbm>>) dst(%arg10 : memref<128x128xf32, #tpu.memory_space<vmem>>)
      tpu.yield
    }) : () -> ()
    %mul3A_1 = arith.constant 640 : i32
    %mul3A_2 = arith.muli %arg1, %mul3A_1 : i32
    %add3A_3 = arith.constant 0 : i32
    %add3A_4 = arith.addi %mul3A_2, %add3A_3 : i32
    "tpu.region"() ({
      %run_scoped3A = tpu.sem_alloc : memref<!tpu.dma_semaphore, #tpu.memory_space<semaphore_mem>>
      %dma_start3A = arith.constant 0 : i32
      %dma_start3A_33 = tpu.memref_slice %arg12[%add3A_4, %dma_start3A] : memref<10240x128xf32, #tpu.memory_space<vmem_shared>> -> memref<128x128xf32, #tpu.memory_space<vmem_shared>>
      %dma_start3A_34 = arith.constant 0 : i32
      %dma_start3A_35 = tpu.memref_slice %arg12[%add3A_4, %dma_start3A_34] : memref<10240x128xf32, #tpu.memory_space<vmem_shared>> -> memref<128x128xf32, #tpu.memory_space<vmem_shared>>
      tpu.enqueue_dma source(%arg10 : memref<128x128xf32, #tpu.memory_space<vmem>>) target(%dma_start3A_35 : memref<128x128xf32, #tpu.memory_space<vmem_shared>>) target_semaphore(%run_scoped3A : memref<!tpu.dma_semaphore, #tpu.memory_space<semaphore_mem>>)
      %dma_wait3A = arith.constant 0 : i32
      %dma_wait3A_36 = tpu.memref_slice %arg12[%add3A_4, %dma_wait3A] : memref<10240x128xf32, #tpu.memory_space<vmem_shared>> -> memref<128x128xf32, #tpu.memory_space<vmem_shared>>
      %dma_wait3A_37 = arith.constant 0 : i32
      %dma_wait3A_38 = tpu.memref_slice %arg12[%add3A_4, %dma_wait3A_37] : memref<10240x128xf32, #tpu.memory_space<vmem_shared>> -> memref<128x128xf32, #tpu.memory_space<vmem_shared>>
      tpu.wait_dma2 semaphore(%run_scoped3A : memref<!tpu.dma_semaphore, #tpu.memory_space<semaphore_mem>>) src(%arg10 : memref<128x128xf32, #tpu.memory_space<vmem>>) dst(%dma_wait3A_38 : memref<128x128xf32, #tpu.memory_space<vmem_shared>>)
      tpu.yield
    }) : () -> ()
    %mul3A_5 = arith.constant 640 : i32
    %mul3A_6 = arith.muli %arg1, %mul3A_5 : i32
    %add3A_7 = arith.constant 128 : i32
    %add3A_8 = arith.addi %mul3A_6, %add3A_7 : i32
    "tpu.region"() ({
      %run_scoped3A = tpu.sem_alloc : memref<!tpu.dma_semaphore, #tpu.memory_space<semaphore_mem>>
      %dma_start3A = arith.constant 0 : i32
      %dma_start3A_33 = tpu.memref_slice %arg12[%add3A_8, %dma_start3A] : memref<10240x128xf32, #tpu.memory_space<vmem_shared>> -> memref<128x128xf32, #tpu.memory_space<vmem_shared>>
      %dma_start3A_34 = arith.constant 0 : i32
      %dma_start3A_35 = tpu.memref_slice %arg12[%add3A_8, %dma_start3A_34] : memref<10240x128xf32, #tpu.memory_space<vmem_shared>> -> memref<128x128xf32, #tpu.memory_space<vmem_shared>>
      tpu.enqueue_dma source(%arg10 : memref<128x128xf32, #tpu.memory_space<vmem>>) target(%dma_start3A_35 : memref<128x128xf32, #tpu.memory_space<vmem_shared>>) target_semaphore(%run_scoped3A : memref<!tpu.dma_semaphore, #tpu.memory_space<semaphore_mem>>)
      %dma_wait3A = arith.constant 0 : i32
      %dma_wait3A_36 = tpu.memref_slice %arg12[%add3A_8, %dma_wait3A] : memref<10240x128xf32, #tpu.memory_space<vmem_shared>> -> memref<128x128xf32, #tpu.memory_space<vmem_shared>>
      %dma_wait3A_37 = arith.constant 0 : i32
      %dma_wait3A_38 = tpu.memref_slice %arg12[%add3A_8, %dma_wait3A_37] : memref<10240x128xf32, #tpu.memory_space<vmem_shared>> -> memref<128x128xf32, #tpu.memory_space<vmem_shared>>
      tpu.wait_dma2 semaphore(%run_scoped3A : memref<!tpu.dma_semaphore, #tpu.memory_space<semaphore_mem>>) src(%arg10 : memref<128x128xf32, #tpu.memory_space<vmem>>) dst(%dma_wait3A_38 : memref<128x128xf32, #tpu.memory_space<vmem_shared>>)
      tpu.yield
    }) : () -> ()
    %mul3A_9 = arith.constant 640 : i32
    %mul3A_10 = arith.muli %arg1, %mul3A_9 : i32
    %add3A_11 = arith.constant 256 : i32
    %add3A_12 = arith.addi %mul3A_10, %add3A_11 : i32
    "tpu.region"() ({
      %run_scoped3A = tpu.sem_alloc : memref<!tpu.dma_semaphore, #tpu.memory_space<semaphore_mem>>
      %dma_start3A = arith.constant 0 : i32
      %dma_start3A_33 = tpu.memref_slice %arg12[%add3A_12, %dma_start3A] : memref<10240x128xf32, #tpu.memory_space<vmem_shared>> -> memref<128x128xf32, #tpu.memory_space<vmem_shared>>
      %dma_start3A_34 = arith.constant 0 : i32
      %dma_start3A_35 = tpu.memref_slice %arg12[%add3A_12, %dma_start3A_34] : memref<10240x128xf32, #tpu.memory_space<vmem_shared>> -> memref<128x128xf32, #tpu.memory_space<vmem_shared>>
      tpu.enqueue_dma source(%arg10 : memref<128x128xf32, #tpu.memory_space<vmem>>) target(%dma_start3A_35 : memref<128x128xf32, #tpu.memory_space<vmem_shared>>) target_semaphore(%run_scoped3A : memref<!tpu.dma_semaphore, #tpu.memory_space<semaphore_mem>>)
      %dma_wait3A = arith.constant 0 : i32
      %dma_wait3A_36 = tpu.memref_slice %arg12[%add3A_12, %dma_wait3A] : memref<10240x128xf32, #tpu.memory_space<vmem_shared>> -> memref<128x128xf32, #tpu.memory_space<vmem_shared>>
      %dma_wait3A_37 = arith.constant 0 : i32
      %dma_wait3A_38 = tpu.memref_slice %arg12[%add3A_12, %dma_wait3A_37] : memref<10240x128xf32, #tpu.memory_space<vmem_shared>> -> memref<128x128xf32, #tpu.memory_space<vmem_shared>>
      tpu.wait_dma2 semaphore(%run_scoped3A : memref<!tpu.dma_semaphore, #tpu.memory_space<semaphore_mem>>) src(%arg10 : memref<128x128xf32, #tpu.memory_space<vmem>>) dst(%dma_wait3A_38 : memref<128x128xf32, #tpu.memory_space<vmem_shared>>)
      tpu.yield
    }) : () -> ()
    %mul3A_13 = arith.constant 640 : i32
    %mul3A_14 = arith.muli %arg1, %mul3A_13 : i32
    %add3A_15 = arith.constant 384 : i32
    %add3A_16 = arith.addi %mul3A_14, %add3A_15 : i32
    "tpu.region"() ({
      %run_scoped3A = tpu.sem_alloc : memref<!tpu.dma_semaphore, #tpu.memory_space<semaphore_mem>>
      %dma_start3A = arith.constant 0 : i32
      %dma_start3A_33 = tpu.memref_slice %arg12[%add3A_16, %dma_start3A] : memref<10240x128xf32, #tpu.memory_space<vmem_shared>> -> memref<128x128xf32, #tpu.memory_space<vmem_shared>>
      %dma_start3A_34 = arith.constant 0 : i32
      %dma_start3A_35 = tpu.memref_slice %arg12[%add3A_16, %dma_start3A_34] : memref<10240x128xf32, #tpu.memory_space<vmem_shared>> -> memref<128x128xf32, #tpu.memory_space<vmem_shared>>
      tpu.enqueue_dma source(%arg10 : memref<128x128xf32, #tpu.memory_space<vmem>>) target(%dma_start3A_35 : memref<128x128xf32, #tpu.memory_space<vmem_shared>>) target_semaphore(%run_scoped3A : memref<!tpu.dma_semaphore, #tpu.memory_space<semaphore_mem>>)
      %dma_wait3A = arith.constant 0 : i32
      %dma_wait3A_36 = tpu.memref_slice %arg12[%add3A_16, %dma_wait3A] : memref<10240x128xf32, #tpu.memory_space<vmem_shared>> -> memref<128x128xf32, #tpu.memory_space<vmem_shared>>
      %dma_wait3A_37 = arith.constant 0 : i32
      %dma_wait3A_38 = tpu.memref_slice %arg12[%add3A_16, %dma_wait3A_37] : memref<10240x128xf32, #tpu.memory_space<vmem_shared>> -> memref<128x128xf32, #tpu.memory_space<vmem_shared>>
      tpu.wait_dma2 semaphore(%run_scoped3A : memref<!tpu.dma_semaphore, #tpu.memory_space<semaphore_mem>>) src(%arg10 : memref<128x128xf32, #tpu.memory_space<vmem>>) dst(%dma_wait3A_38 : memref<128x128xf32, #tpu.memory_space<vmem_shared>>)
      tpu.yield
    }) : () -> ()
    %mul3A_17 = arith.constant 640 : i32
    %mul3A_18 = arith.muli %arg1, %mul3A_17 : i32
    %add3A_19 = arith.constant 512 : i32
    %add3A_20 = arith.addi %mul3A_18, %add3A_19 : i32
    "tpu.region"() ({
      %run_scoped3A = tpu.sem_alloc : memref<!tpu.dma_semaphore, #tpu.memory_space<semaphore_mem>>
      %dma_start3A = arith.constant 0 : i32
      %dma_start3A_33 = tpu.memref_slice %arg12[%add3A_20, %dma_start3A] : memref<10240x128xf32, #tpu.memory_space<vmem_shared>> -> memref<128x128xf32, #tpu.memory_space<vmem_shared>>
      %dma_start3A_34 = arith.constant 0 : i32
      %dma_start3A_35 = tpu.memref_slice %arg12[%add3A_20, %dma_start3A_34] : memref<10240x128xf32, #tpu.memory_space<vmem_shared>> -> memref<128x128xf32, #tpu.memory_space<vmem_shared>>
      tpu.enqueue_dma source(%arg10 : memref<128x128xf32, #tpu.memory_space<vmem>>) target(%dma_start3A_35 : memref<128x128xf32, #tpu.memory_space<vmem_shared>>) target_semaphore(%run_scoped3A : memref<!tpu.dma_semaphore, #tpu.memory_space<semaphore_mem>>)
      %dma_wait3A = arith.constant 0 : i32
      %dma_wait3A_36 = tpu.memref_slice %arg12[%add3A_20, %dma_wait3A] : memref<10240x128xf32, #tpu.memory_space<vmem_shared>> -> memref<128x128xf32, #tpu.memory_space<vmem_shared>>
      %dma_wait3A_37 = arith.constant 0 : i32
      %dma_wait3A_38 = tpu.memref_slice %arg12[%add3A_20, %dma_wait3A_37] : memref<10240x128xf32, #tpu.memory_space<vmem_shared>> -> memref<128x128xf32, #tpu.memory_space<vmem_shared>>
      tpu.wait_dma2 semaphore(%run_scoped3A : memref<!tpu.dma_semaphore, #tpu.memory_space<semaphore_mem>>) src(%arg10 : memref<128x128xf32, #tpu.memory_space<vmem>>) dst(%dma_wait3A_38 : memref<128x128xf32, #tpu.memory_space<vmem_shared>>)
      tpu.yield
    }) : () -> ()
    %barrier3A = arith.constant 0 : index
    tpu.barrier barrier_id(%barrier3A)
    %eq3A = arith.constant 0 : i32
    %eq3A_21 = arith.cmpi eq, %arg0, %eq3A : i32
    %convert_element_type3A = arith.extui %eq3A_21 : i1 to i32
    %cond3A = arith.constant 0 : i32
    %cond3A_22 = arith.cmpi ne, %convert_element_type3A, %cond3A : i32
    scf.if %cond3A_22 {
      %mul3A_33 = arith.constant 27904 : i32
      %mul3A_34 = arith.muli %arg1, %mul3A_33 : i32
      %add3A_35 = arith.constant 0 : i32
      %add3A_36 = arith.addi %mul3A_34, %add3A_35 : i32
      "tpu.region"() ({
        %run_scoped3A = tpu.sem_alloc : memref<!tpu.dma_semaphore, #tpu.memory_space<semaphore_mem>>
        %dma_start3A_243 = tpu.memref_slice %arg3[%add3A_36] : memref<647168xi32, #tpu.memory_space<hbm>> -> memref<256xi32, #tpu.memory_space<hbm>>
        %dma_start3A_244 = tpu.memref_slice %arg3[%add3A_36] : memref<647168xi32, #tpu.memory_space<hbm>> -> memref<256xi32, #tpu.memory_space<hbm>>
        tpu.enqueue_dma source(%dma_start3A_244 : memref<256xi32, #tpu.memory_space<hbm>>) target(%arg6 : memref<256xi32, #tpu.memory_space<vmem>>) target_semaphore(%run_scoped3A : memref<!tpu.dma_semaphore, #tpu.memory_space<semaphore_mem>>)
        %dma_wait3A_245 = tpu.memref_slice %arg3[%add3A_36] : memref<647168xi32, #tpu.memory_space<hbm>> -> memref<256xi32, #tpu.memory_space<hbm>>
        %dma_wait3A_246 = tpu.memref_slice %arg3[%add3A_36] : memref<647168xi32, #tpu.memory_space<hbm>> -> memref<256xi32, #tpu.memory_space<hbm>>
        tpu.wait_dma2 semaphore(%run_scoped3A : memref<!tpu.dma_semaphore, #tpu.memory_space<semaphore_mem>>) src(%dma_wait3A_246 : memref<256xi32, #tpu.memory_space<hbm>>) dst(%arg6 : memref<256xi32, #tpu.memory_space<vmem>>)
        tpu.yield
      }) : () -> ()
      %get3A = arith.constant 128 : index
      %get3A_37 = tpu.vector_load %arg6[%get3A] {strides = array<i32>} : memref<256xi32, #tpu.memory_space<vmem>>, vector<16xi32>,
      %get3A_38 = vector.shape_cast %get3A_37 : vector<16xi32> to vector<16xi32>
      %swap3A = arith.constant 0 : index
      %swap3A_39 = tpu.vector_load %arg8[%swap3A] {strides = array<i32>} : memref<128xi32, #tpu.memory_space<vmem>>, vector<16xi32>,
      %swap3A_40 = vector.shape_cast %swap3A_39 : vector<16xi32> to vector<16xi32>
      %swap3A_41 = vector.shape_cast %get3A_38 : vector<16xi32> to vector<16xi32>
      tpu.vector_store %arg8[%swap3A], %swap3A_41 {strides = array<i32>} : memref<128xi32, #tpu.memory_space<vmem>>, vector<16xi32>,
      %get3A_42 = arith.constant 144 : index
      %get3A_43 = tpu.vector_load %arg6[%get3A_42] {strides = array<i32>} : memref<256xi32, #tpu.memory_space<vmem>>, vector<16xi32>,
      %get3A_44 = vector.shape_cast %get3A_43 : vector<16xi32> to vector<16xi32>
      %swap3A_45 = arith.constant 16 : index
      %swap3A_46 = tpu.vector_load %arg8[%swap3A_45] {strides = array<i32>} : memref<128xi32, #tpu.memory_space<vmem>>, vector<16xi32>,
      %swap3A_47 = vector.shape_cast %swap3A_46 : vector<16xi32> to vector<16xi32>
      %swap3A_48 = vector.shape_cast %get3A_44 : vector<16xi32> to vector<16xi32>
      tpu.vector_store %arg8[%swap3A_45], %swap3A_48 {strides = array<i32>} : memref<128xi32, #tpu.memory_space<vmem>>, vector<16xi32>,
      %get3A_49 = arith.constant 160 : index
      %get3A_50 = tpu.vector_load %arg6[%get3A_49] {strides = array<i32>} : memref<256xi32, #tpu.memory_space<vmem>>, vector<16xi32>,
      %get3A_51 = vector.shape_cast %get3A_50 : vector<16xi32> to vector<16xi32>
      %swap3A_52 = arith.constant 32 : index
      %swap3A_53 = tpu.vector_load %arg8[%swap3A_52] {strides = array<i32>} : memref<128xi32, #tpu.memory_space<vmem>>, vector<16xi32>,
      %swap3A_54 = vector.shape_cast %swap3A_53 : vector<16xi32> to vector<16xi32>
      %swap3A_55 = vector.shape_cast %get3A_51 : vector<16xi32> to vector<16xi32>
      tpu.vector_store %arg8[%swap3A_52], %swap3A_55 {strides = array<i32>} : memref<128xi32, #tpu.memory_space<vmem>>, vector<16xi32>,
      %get3A_56 = arith.constant 176 : index
      %get3A_57 = tpu.vector_load %arg6[%get3A_56] {strides = array<i32>} : memref<256xi32, #tpu.memory_space<vmem>>, vector<16xi32>,
      %get3A_58 = vector.shape_cast %get3A_57 : vector<16xi32> to vector<16xi32>
      %swap3A_59 = arith.constant 48 : index
      %swap3A_60 = tpu.vector_load %arg8[%swap3A_59] {strides = array<i32>} : memref<128xi32, #tpu.memory_space<vmem>>, vector<16xi32>,
      %swap3A_61 = vector.shape_cast %swap3A_60 : vector<16xi32> to vector<16xi32>
      %swap3A_62 = vector.shape_cast %get3A_58 : vector<16xi32> to vector<16xi32>
      tpu.vector_store %arg8[%swap3A_59], %swap3A_62 {strides = array<i32>} : memref<128xi32, #tpu.memory_space<vmem>>, vector<16xi32>,
      %get3A_63 = arith.constant 192 : index
      %get3A_64 = tpu.vector_load %arg6[%get3A_63] {strides = array<i32>} : memref<256xi32, #tpu.memory_space<vmem>>, vector<16xi32>,
      %get3A_65 = vector.shape_cast %get3A_64 : vector<16xi32> to vector<16xi32>
      %swap3A_66 = arith.constant 64 : index
      %swap3A_67 = tpu.vector_load %arg8[%swap3A_66] {strides = array<i32>} : memref<128xi32, #tpu.memory_space<vmem>>, vector<16xi32>,
      %swap3A_68 = vector.shape_cast %swap3A_67 : vector<16xi32> to vector<16xi32>
      %swap3A_69 = vector.shape_cast %get3A_65 : vector<16xi32> to vector<16xi32>
      tpu.vector_store %arg8[%swap3A_66], %swap3A_69 {strides = array<i32>} : memref<128xi32, #tpu.memory_space<vmem>>, vector<16xi32>,
      %get3A_70 = arith.constant 208 : index
      %get3A_71 = tpu.vector_load %arg6[%get3A_70] {strides = array<i32>} : memref<256xi32, #tpu.memory_space<vmem>>, vector<16xi32>,
      %get3A_72 = vector.shape_cast %get3A_71 : vector<16xi32> to vector<16xi32>
      %swap3A_73 = arith.constant 80 : index
      %swap3A_74 = tpu.vector_load %arg8[%swap3A_73] {strides = array<i32>} : memref<128xi32, #tpu.memory_space<vmem>>, vector<16xi32>,
      %swap3A_75 = vector.shape_cast %swap3A_74 : vector<16xi32> to vector<16xi32>
      %swap3A_76 = vector.shape_cast %get3A_72 : vector<16xi32> to vector<16xi32>
      tpu.vector_store %arg8[%swap3A_73], %swap3A_76 {strides = array<i32>} : memref<128xi32, #tpu.memory_space<vmem>>, vector<16xi32>,
      %get3A_77 = arith.constant 224 : index
      %get3A_78 = tpu.vector_load %arg6[%get3A_77] {strides = array<i32>} : memref<256xi32, #tpu.memory_space<vmem>>, vector<16xi32>,
      %get3A_79 = vector.shape_cast %get3A_78 : vector<16xi32> to vector<16xi32>
      %swap3A_80 = arith.constant 96 : index
      %swap3A_81 = tpu.vector_load %arg8[%swap3A_80] {strides = array<i32>} : memref<128xi32, #tpu.memory_space<vmem>>, vector<16xi32>,
      %swap3A_82 = vector.shape_cast %swap3A_81 : vector<16xi32> to vector<16xi32>
      %swap3A_83 = vector.shape_cast %get3A_79 : vector<16xi32> to vector<16xi32>
      tpu.vector_store %arg8[%swap3A_80], %swap3A_83 {strides = array<i32>} : memref<128xi32, #tpu.memory_space<vmem>>, vector<16xi32>,
      %get3A_84 = arith.constant 240 : index
      %get3A_85 = tpu.vector_load %arg6[%get3A_84] {strides = array<i32>} : memref<256xi32, #tpu.memory_space<vmem>>, vector<16xi32>,
      %get3A_86 = vector.shape_cast %get3A_85 : vector<16xi32> to vector<16xi32>
      %swap3A_87 = arith.constant 112 : index
      %swap3A_88 = tpu.vector_load %arg8[%swap3A_87] {strides = array<i32>} : memref<128xi32, #tpu.memory_space<vmem>>, vector<16xi32>,
      %swap3A_89 = vector.shape_cast %swap3A_88 : vector<16xi32> to vector<16xi32>
      %swap3A_90 = vector.shape_cast %get3A_86 : vector<16xi32> to vector<16xi32>
      tpu.vector_store %arg8[%swap3A_87], %swap3A_90 {strides = array<i32>} : memref<128xi32, #tpu.memory_space<vmem>>, vector<16xi32>,
      %dma_start3A = arith.constant 0 : i32
      %dma_start3A_91 = tpu.memref_slice %arg6[%dma_start3A] : memref<256xi32, #tpu.memory_space<vmem>> -> memref<128xi32, #tpu.memory_space<vmem>>
      %dma_start3A_92 = arith.constant 0 : i32
      %dma_start3A_93 = arith.constant 0 : i32
      %dma_start3A_94 = tpu.memref_slice %arg2[%dma_start3A_92, %dma_start3A_93] : memref<10000x128xf32, #tpu.memory_space<hbm>> -> memref<10000x128xf32, #tpu.memory_space<hbm>>
      tpu.enqueue_indirect_dma source(%dma_start3A_94 : memref<10000x128xf32, #tpu.memory_space<hbm>>) target(%arg10 : memref<128x128xf32, #tpu.memory_space<vmem>>) offsets(%dma_start3A_91 : memref<128xi32, #tpu.memory_space<vmem>>) semaphore(%arg13 : memref<!tpu.dma_semaphore, #tpu.memory_space<semaphore_mem>>)
      %add3A_95 = arith.constant 256 : i32
      %add3A_96 = arith.addi %mul3A_34, %add3A_95 : i32
      "tpu.region"() ({
        %run_scoped3A = tpu.sem_alloc : memref<!tpu.dma_semaphore, #tpu.memory_space<semaphore_mem>>
        %dma_start3A_243 = tpu.memref_slice %arg3[%add3A_96] : memref<647168xi32, #tpu.memory_space<hbm>> -> memref<256xi32, #tpu.memory_space<hbm>>
        %dma_start3A_244 = tpu.memref_slice %arg3[%add3A_96] : memref<647168xi32, #tpu.memory_space<hbm>> -> memref<256xi32, #tpu.memory_space<hbm>>
        tpu.enqueue_dma source(%dma_start3A_244 : memref<256xi32, #tpu.memory_space<hbm>>) target(%arg7 : memref<256xi32, #tpu.memory_space<vmem>>) target_semaphore(%run_scoped3A : memref<!tpu.dma_semaphore, #tpu.memory_space<semaphore_mem>>)
        %dma_wait3A_245 = tpu.memref_slice %arg3[%add3A_96] : memref<647168xi32, #tpu.memory_space<hbm>> -> memref<256xi32, #tpu.memory_space<hbm>>
        %dma_wait3A_246 = tpu.memref_slice %arg3[%add3A_96] : memref<647168xi32, #tpu.memory_space<hbm>> -> memref<256xi32, #tpu.memory_space<hbm>>
        tpu.wait_dma2 semaphore(%run_scoped3A : memref<!tpu.dma_semaphore, #tpu.memory_space<semaphore_mem>>) src(%dma_wait3A_246 : memref<256xi32, #tpu.memory_space<hbm>>) dst(%arg7 : memref<256xi32, #tpu.memory_space<vmem>>)
        tpu.yield
      }) : () -> ()
      %get3A_97 = arith.constant 128 : index
      %get3A_98 = tpu.vector_load %arg7[%get3A_97] {strides = array<i32>} : memref<256xi32, #tpu.memory_space<vmem>>, vector<16xi32>,
      %get3A_99 = vector.shape_cast %get3A_98 : vector<16xi32> to vector<16xi32>
      %swap3A_100 = arith.constant 0 : index
      %swap3A_101 = tpu.vector_load %arg9[%swap3A_100] {strides = array<i32>} : memref<128xi32, #tpu.memory_space<vmem>>, vector<16xi32>,
      %swap3A_102 = vector.shape_cast %swap3A_101 : vector<16xi32> to vector<16xi32>
      %swap3A_103 = vector.shape_cast %get3A_99 : vector<16xi32> to vector<16xi32>
      tpu.vector_store %arg9[%swap3A_100], %swap3A_103 {strides = array<i32>} : memref<128xi32, #tpu.memory_space<vmem>>, vector<16xi32>,
      %get3A_104 = arith.constant 144 : index
      %get3A_105 = tpu.vector_load %arg7[%get3A_104] {strides = array<i32>} : memref<256xi32, #tpu.memory_space<vmem>>, vector<16xi32>,
      %get3A_106 = vector.shape_cast %get3A_105 : vector<16xi32> to vector<16xi32>
      %swap3A_107 = arith.constant 16 : index
      %swap3A_108 = tpu.vector_load %arg9[%swap3A_107] {strides = array<i32>} : memref<128xi32, #tpu.memory_space<vmem>>, vector<16xi32>,
      %swap3A_109 = vector.shape_cast %swap3A_108 : vector<16xi32> to vector<16xi32>
      %swap3A_110 = vector.shape_cast %get3A_106 : vector<16xi32> to vector<16xi32>
      tpu.vector_store %arg9[%swap3A_107], %swap3A_110 {strides = array<i32>} : memref<128xi32, #tpu.memory_space<vmem>>, vector<16xi32>,
      %get3A_111 = arith.constant 160 : index
      %get3A_112 = tpu.vector_load %arg7[%get3A_111] {strides = array<i32>} : memref<256xi32, #tpu.memory_space<vmem>>, vector<16xi32>,
      %get3A_113 = vector.shape_cast %get3A_112 : vector<16xi32> to vector<16xi32>
      %swap3A_114 = arith.constant 32 : index
      %swap3A_115 = tpu.vector_load %arg9[%swap3A_114] {strides = array<i32>} : memref<128xi32, #tpu.memory_space<vmem>>, vector<16xi32>,
      %swap3A_116 = vector.shape_cast %swap3A_115 : vector<16xi32> to vector<16xi32>
      %swap3A_117 = vector.shape_cast %get3A_113 : vector<16xi32> to vector<16xi32>
      tpu.vector_store %arg9[%swap3A_114], %swap3A_117 {strides = array<i32>} : memref<128xi32, #tpu.memory_space<vmem>>, vector<16xi32>,
      %get3A_118 = arith.constant 176 : index
      %get3A_119 = tpu.vector_load %arg7[%get3A_118] {strides = array<i32>} : memref<256xi32, #tpu.memory_space<vmem>>, vector<16xi32>,
      %get3A_120 = vector.shape_cast %get3A_119 : vector<16xi32> to vector<16xi32>
      %swap3A_121 = arith.constant 48 : index
      %swap3A_122 = tpu.vector_load %arg9[%swap3A_121] {strides = array<i32>} : memref<128xi32, #tpu.memory_space<vmem>>, vector<16xi32>,
      %swap3A_123 = vector.shape_cast %swap3A_122 : vector<16xi32> to vector<16xi32>
      %swap3A_124 = vector.shape_cast %get3A_120 : vector<16xi32> to vector<16xi32>
      tpu.vector_store %arg9[%swap3A_121], %swap3A_124 {strides = array<i32>} : memref<128xi32, #tpu.memory_space<vmem>>, vector<16xi32>,
      %get3A_125 = arith.constant 192 : index
      %get3A_126 = tpu.vector_load %arg7[%get3A_125] {strides = array<i32>} : memref<256xi32, #tpu.memory_space<vmem>>, vector<16xi32>,
      %get3A_127 = vector.shape_cast %get3A_126 : vector<16xi32> to vector<16xi32>
      %swap3A_128 = arith.constant 64 : index
      %swap3A_129 = tpu.vector_load %arg9[%swap3A_128] {strides = array<i32>} : memref<128xi32, #tpu.memory_space<vmem>>, vector<16xi32>,
      %swap3A_130 = vector.shape_cast %swap3A_129 : vector<16xi32> to vector<16xi32>
      %swap3A_131 = vector.shape_cast %get3A_127 : vector<16xi32> to vector<16xi32>
      tpu.vector_store %arg9[%swap3A_128], %swap3A_131 {strides = array<i32>} : memref<128xi32, #tpu.memory_space<vmem>>, vector<16xi32>,
      %get3A_132 = arith.constant 208 : index
      %get3A_133 = tpu.vector_load %arg7[%get3A_132] {strides = array<i32>} : memref<256xi32, #tpu.memory_space<vmem>>, vector<16xi32>,
      %get3A_134 = vector.shape_cast %get3A_133 : vector<16xi32> to vector<16xi32>
      %swap3A_135 = arith.constant 80 : index
      %swap3A_136 = tpu.vector_load %arg9[%swap3A_135] {strides = array<i32>} : memref<128xi32, #tpu.memory_space<vmem>>, vector<16xi32>,
      %swap3A_137 = vector.shape_cast %swap3A_136 : vector<16xi32> to vector<16xi32>
      %swap3A_138 = vector.shape_cast %get3A_134 : vector<16xi32> to vector<16xi32>
      tpu.vector_store %arg9[%swap3A_135], %swap3A_138 {strides = array<i32>} : memref<128xi32, #tpu.memory_space<vmem>>, vector<16xi32>,
      %get3A_139 = arith.constant 224 : index
      %get3A_140 = tpu.vector_load %arg7[%get3A_139] {strides = array<i32>} : memref<256xi32, #tpu.memory_space<vmem>>, vector<16xi32>,
      %get3A_141 = vector.shape_cast %get3A_140 : vector<16xi32> to vector<16xi32>
      %swap3A_142 = arith.constant 96 : index
      %swap3A_143 = tpu.vector_load %arg9[%swap3A_142] {strides = array<i32>} : memref<128xi32, #tpu.memory_space<vmem>>, vector<16xi32>,
      %swap3A_144 = vector.shape_cast %swap3A_143 : vector<16xi32> to vector<16xi32>
      %swap3A_145 = vector.shape_cast %get3A_141 : vector<16xi32> to vector<16xi32>
      tpu.vector_store %arg9[%swap3A_142], %swap3A_145 {strides = array<i32>} : memref<128xi32, #tpu.memory_space<vmem>>, vector<16xi32>,
      %get3A_146 = arith.constant 240 : index
      %get3A_147 = tpu.vector_load %arg7[%get3A_146] {strides = array<i32>} : memref<256xi32, #tpu.memory_space<vmem>>, vector<16xi32>,
      %get3A_148 = vector.shape_cast %get3A_147 : vector<16xi32> to vector<16xi32>
      %swap3A_149 = arith.constant 112 : index
      %swap3A_150 = tpu.vector_load %arg9[%swap3A_149] {strides = array<i32>} : memref<128xi32, #tpu.memory_space<vmem>>, vector<16xi32>,
      %swap3A_151 = vector.shape_cast %swap3A_150 : vector<16xi32> to vector<16xi32>
      %swap3A_152 = vector.shape_cast %get3A_148 : vector<16xi32> to vector<16xi32>
      tpu.vector_store %arg9[%swap3A_149], %swap3A_152 {strides = array<i32>} : memref<128xi32, #tpu.memory_space<vmem>>, vector<16xi32>,
      %dma_start3A_153 = arith.constant 0 : i32
      %dma_start3A_154 = tpu.memref_slice %arg7[%dma_start3A_153] : memref<256xi32, #tpu.memory_space<vmem>> -> memref<128xi32, #tpu.memory_space<vmem>>
      %dma_start3A_155 = arith.constant 0 : i32
      %dma_start3A_156 = arith.constant 0 : i32
      %dma_start3A_157 = tpu.memref_slice %arg2[%dma_start3A_155, %dma_start3A_156] : memref<10000x128xf32, #tpu.memory_space<hbm>> -> memref<10000x128xf32, #tpu.memory_space<hbm>>
      tpu.enqueue_indirect_dma source(%dma_start3A_157 : memref<10000x128xf32, #tpu.memory_space<hbm>>) target(%arg11 : memref<128x128xf32, #tpu.memory_space<vmem>>) offsets(%dma_start3A_154 : memref<128xi32, #tpu.memory_space<vmem>>) semaphore(%arg14 : memref<!tpu.dma_semaphore, #tpu.memory_space<semaphore_mem>>)
      %scan3A = arith.constant 0 : i32
      %scan3A_158 = arith.constant 0 : i32
      %scan3A_159 = arith.constant 53 : i32
      %scan3A_160 = arith.addi %scan3A_158, %scan3A_159 : i32
      %scan3A_161 = arith.constant 1 : i32
      scf.for %scan3A_243 = %scan3A_158 to %scan3A_160 step %scan3A_161  : i32 {
        %mul3A_244 = arith.constant 2 : i32
        %mul3A_245 = arith.muli %mul3A_244, %scan3A_243 : i32
        %dma_wait3A_246 = arith.constant 0 : i32
        %dma_wait3A_247 = arith.constant 0 : i32
        %dma_wait3A_248 = tpu.memref_slice %arg2[%dma_wait3A_246, %dma_wait3A_247] : memref<10000x128xf32, #tpu.memory_space<hbm>> -> memref<128x128xf32, #tpu.memory_space<hbm>>
        %dma_wait3A_249 = arith.constant 0 : i32
        %dma_wait3A_250 = arith.constant 0 : i32
        %dma_wait3A_251 = tpu.memref_slice %arg2[%dma_wait3A_249, %dma_wait3A_250] : memref<10000x128xf32, #tpu.memory_space<hbm>> -> memref<128x128xf32, #tpu.memory_space<hbm>>
        tpu.wait_dma2 semaphore(%arg13 : memref<!tpu.dma_semaphore, #tpu.memory_space<semaphore_mem>>) src(%dma_wait3A_251 : memref<128x128xf32, #tpu.memory_space<hbm>>) dst(%arg10 : memref<128x128xf32, #tpu.memory_space<vmem>>)
        "tpu.region"() ({
          %run_scoped3A = tpu.sem_alloc : memref<!tpu.dma_semaphore, #tpu.memory_space<semaphore_mem>>
          %dma_start3A_394 = arith.constant 0 : i32
          %dma_start3A_395 = arith.constant 0 : i32
          %dma_start3A_396 = tpu.memref_slice %arg12[%dma_start3A_394, %dma_start3A_395] : memref<10240x128xf32, #tpu.memory_space<vmem_shared>> -> memref<10240x128xf32, #tpu.memory_space<vmem_shared>>
          tpu.enqueue_indirect_dma source(%arg10 : memref<128x128xf32, #tpu.memory_space<vmem>>) target(%dma_start3A_396 : memref<10240x128xf32, #tpu.memory_space<vmem_shared>>) offsets(%arg8 : memref<128xi32, #tpu.memory_space<vmem>>) semaphore(%run_scoped3A : memref<!tpu.dma_semaphore, #tpu.memory_space<semaphore_mem>>) {add = true}
          %dma_wait3A_397 = arith.constant 0 : i32
          %dma_wait3A_398 = arith.constant 0 : i32
          %dma_wait3A_399 = tpu.memref_slice %arg12[%dma_wait3A_397, %dma_wait3A_398] : memref<10240x128xf32, #tpu.memory_space<vmem_shared>> -> memref<10240x128xf32, #tpu.memory_space<vmem_shared>>
          tpu.wait_indirect_dma semaphore(%run_scoped3A : memref<!tpu.dma_semaphore, #tpu.memory_space<semaphore_mem>>) src(%arg10 : memref<128x128xf32, #tpu.memory_space<vmem>>) dst(%dma_wait3A_399 : memref<10240x128xf32, #tpu.memory_space<vmem_shared>>)
          tpu.yield
        }) : () -> ()
        %add3A_252 = arith.constant 2 : i32
        %add3A_253 = arith.addi %mul3A_245, %add3A_252 : i32
        %mul3A_254 = arith.constant 256 : i32
        %mul3A_255 = arith.muli %add3A_253, %mul3A_254 : i32
        %add3A_256 = arith.addi %mul3A_34, %mul3A_255 : i32
        "tpu.region"() ({
          %run_scoped3A = tpu.sem_alloc : memref<!tpu.dma_semaphore, #tpu.memory_space<semaphore_mem>>
          %dma_start3A_394 = tpu.memref_slice %arg3[%add3A_256] : memref<647168xi32, #tpu.memory_space<hbm>> -> memref<256xi32, #tpu.memory_space<hbm>>
          %dma_start3A_395 = tpu.memref_slice %arg3[%add3A_256] : memref<647168xi32, #tpu.memory_space<hbm>> -> memref<256xi32, #tpu.memory_space<hbm>>
          tpu.enqueue_dma source(%dma_start3A_395 : memref<256xi32, #tpu.memory_space<hbm>>) target(%arg6 : memref<256xi32, #tpu.memory_space<vmem>>) target_semaphore(%run_scoped3A : memref<!tpu.dma_semaphore, #tpu.memory_space<semaphore_mem>>)
          %dma_wait3A_396 = tpu.memref_slice %arg3[%add3A_256] : memref<647168xi32, #tpu.memory_space<hbm>> -> memref<256xi32, #tpu.memory_space<hbm>>
          %dma_wait3A_397 = tpu.memref_slice %arg3[%add3A_256] : memref<647168xi32, #tpu.memory_space<hbm>> -> memref<256xi32, #tpu.memory_space<hbm>>
          tpu.wait_dma2 semaphore(%run_scoped3A : memref<!tpu.dma_semaphore, #tpu.memory_space<semaphore_mem>>) src(%dma_wait3A_397 : memref<256xi32, #tpu.memory_space<hbm>>) dst(%arg6 : memref<256xi32, #tpu.memory_space<vmem>>)
          tpu.yield
        }) : () -> ()
        %get3A_257 = arith.constant 128 : index
        %get3A_258 = tpu.vector_load %arg6[%get3A_257] {strides = array<i32>} : memref<256xi32, #tpu.memory_space<vmem>>, vector<16xi32>,
        %get3A_259 = vector.shape_cast %get3A_258 : vector<16xi32> to vector<16xi32>
        %swap3A_260 = arith.constant 0 : index
        %swap3A_261 = tpu.vector_load %arg8[%swap3A_260] {strides = array<i32>} : memref<128xi32, #tpu.memory_space<vmem>>, vector<16xi32>,
        %swap3A_262 = vector.shape_cast %swap3A_261 : vector<16xi32> to vector<16xi32>
        %swap3A_263 = vector.shape_cast %get3A_259 : vector<16xi32> to vector<16xi32>
        tpu.vector_store %arg8[%swap3A_260], %swap3A_263 {strides = array<i32>} : memref<128xi32, #tpu.memory_space<vmem>>, vector<16xi32>,
        %get3A_264 = arith.constant 144 : index
        %get3A_265 = tpu.vector_load %arg6[%get3A_264] {strides = array<i32>} : memref<256xi32, #tpu.memory_space<vmem>>, vector<16xi32>,
        %get3A_266 = vector.shape_cast %get3A_265 : vector<16xi32> to vector<16xi32>
        %swap3A_267 = arith.constant 16 : index
        %swap3A_268 = tpu.vector_load %arg8[%swap3A_267] {strides = array<i32>} : memref<128xi32, #tpu.memory_space<vmem>>, vector<16xi32>,
        %swap3A_269 = vector.shape_cast %swap3A_268 : vector<16xi32> to vector<16xi32>
        %swap3A_270 = vector.shape_cast %get3A_266 : vector<16xi32> to vector<16xi32>
        tpu.vector_store %arg8[%swap3A_267], %swap3A_270 {strides = array<i32>} : memref<128xi32, #tpu.memory_space<vmem>>, vector<16xi32>,
        %get3A_271 = arith.constant 160 : index
        %get3A_272 = tpu.vector_load %arg6[%get3A_271] {strides = array<i32>} : memref<256xi32, #tpu.memory_space<vmem>>, vector<16xi32>,
        %get3A_273 = vector.shape_cast %get3A_272 : vector<16xi32> to vector<16xi32>
        %swap3A_274 = arith.constant 32 : index
        %swap3A_275 = tpu.vector_load %arg8[%swap3A_274] {strides = array<i32>} : memref<128xi32, #tpu.memory_space<vmem>>, vector<16xi32>,
        %swap3A_276 = vector.shape_cast %swap3A_275 : vector<16xi32> to vector<16xi32>
        %swap3A_277 = vector.shape_cast %get3A_273 : vector<16xi32> to vector<16xi32>
        tpu.vector_store %arg8[%swap3A_274], %swap3A_277 {strides = array<i32>} : memref<128xi32, #tpu.memory_space<vmem>>, vector<16xi32>,
        %get3A_278 = arith.constant 176 : index
        %get3A_279 = tpu.vector_load %arg6[%get3A_278] {strides = array<i32>} : memref<256xi32, #tpu.memory_space<vmem>>, vector<16xi32>,
        %get3A_280 = vector.shape_cast %get3A_279 : vector<16xi32> to vector<16xi32>
        %swap3A_281 = arith.constant 48 : index
        %swap3A_282 = tpu.vector_load %arg8[%swap3A_281] {strides = array<i32>} : memref<128xi32, #tpu.memory_space<vmem>>, vector<16xi32>,
        %swap3A_283 = vector.shape_cast %swap3A_282 : vector<16xi32> to vector<16xi32>
        %swap3A_284 = vector.shape_cast %get3A_280 : vector<16xi32> to vector<16xi32>
        tpu.vector_store %arg8[%swap3A_281], %swap3A_284 {strides = array<i32>} : memref<128xi32, #tpu.memory_space<vmem>>, vector<16xi32>,
        %get3A_285 = arith.constant 192 : index
        %get3A_286 = tpu.vector_load %arg6[%get3A_285] {strides = array<i32>} : memref<256xi32, #tpu.memory_space<vmem>>, vector<16xi32>,
        %get3A_287 = vector.shape_cast %get3A_286 : vector<16xi32> to vector<16xi32>
        %swap3A_288 = arith.constant 64 : index
        %swap3A_289 = tpu.vector_load %arg8[%swap3A_288] {strides = array<i32>} : memref<128xi32, #tpu.memory_space<vmem>>, vector<16xi32>,
        %swap3A_290 = vector.shape_cast %swap3A_289 : vector<16xi32> to vector<16xi32>
        %swap3A_291 = vector.shape_cast %get3A_287 : vector<16xi32> to vector<16xi32>
        tpu.vector_store %arg8[%swap3A_288], %swap3A_291 {strides = array<i32>} : memref<128xi32, #tpu.memory_space<vmem>>, vector<16xi32>,
        %get3A_292 = arith.constant 208 : index
        %get3A_293 = tpu.vector_load %arg6[%get3A_292] {strides = array<i32>} : memref<256xi32, #tpu.memory_space<vmem>>, vector<16xi32>,
        %get3A_294 = vector.shape_cast %get3A_293 : vector<16xi32> to vector<16xi32>
        %swap3A_295 = arith.constant 80 : index
        %swap3A_296 = tpu.vector_load %arg8[%swap3A_295] {strides = array<i32>} : memref<128xi32, #tpu.memory_space<vmem>>, vector<16xi32>,
        %swap3A_297 = vector.shape_cast %swap3A_296 : vector<16xi32> to vector<16xi32>
        %swap3A_298 = vector.shape_cast %get3A_294 : vector<16xi32> to vector<16xi32>
        tpu.vector_store %arg8[%swap3A_295], %swap3A_298 {strides = array<i32>} : memref<128xi32, #tpu.memory_space<vmem>>, vector<16xi32>,
        %get3A_299 = arith.constant 224 : index
        %get3A_300 = tpu.vector_load %arg6[%get3A_299] {strides = array<i32>} : memref<256xi32, #tpu.memory_space<vmem>>, vector<16xi32>,
        %get3A_301 = vector.shape_cast %get3A_300 : vector<16xi32> to vector<16xi32>
        %swap3A_302 = arith.constant 96 : index
        %swap3A_303 = tpu.vector_load %arg8[%swap3A_302] {strides = array<i32>} : memref<128xi32, #tpu.memory_space<vmem>>, vector<16xi32>,
        %swap3A_304 = vector.shape_cast %swap3A_303 : vector<16xi32> to vector<16xi32>
        %swap3A_305 = vector.shape_cast %get3A_301 : vector<16xi32> to vector<16xi32>
        tpu.vector_store %arg8[%swap3A_302], %swap3A_305 {strides = array<i32>} : memref<128xi32, #tpu.memory_space<vmem>>, vector<16xi32>,
        %get3A_306 = arith.constant 240 : index
        %get3A_307 = tpu.vector_load %arg6[%get3A_306] {strides = array<i32>} : memref<256xi32, #tpu.memory_space<vmem>>, vector<16xi32>,
        %get3A_308 = vector.shape_cast %get3A_307 : vector<16xi32> to vector<16xi32>
        %swap3A_309 = arith.constant 112 : index
        %swap3A_310 = tpu.vector_load %arg8[%swap3A_309] {strides = array<i32>} : memref<128xi32, #tpu.memory_space<vmem>>, vector<16xi32>,
        %swap3A_311 = vector.shape_cast %swap3A_310 : vector<16xi32> to vector<16xi32>
        %swap3A_312 = vector.shape_cast %get3A_308 : vector<16xi32> to vector<16xi32>
        tpu.vector_store %arg8[%swap3A_309], %swap3A_312 {strides = array<i32>} : memref<128xi32, #tpu.memory_space<vmem>>, vector<16xi32>,
        %dma_start3A_313 = arith.constant 0 : i32
        %dma_start3A_314 = tpu.memref_slice %arg6[%dma_start3A_313] : memref<256xi32, #tpu.memory_space<vmem>> -> memref<128xi32, #tpu.memory_space<vmem>>
        %dma_start3A_315 = arith.constant 0 : i32
        %dma_start3A_316 = arith.constant 0 : i32
        %dma_start3A_317 = tpu.memref_slice %arg2[%dma_start3A_315, %dma_start3A_316] : memref<10000x128xf32, #tpu.memory_space<hbm>> -> memref<10000x128xf32, #tpu.memory_space<hbm>>
        tpu.enqueue_indirect_dma source(%dma_start3A_317 : memref<10000x128xf32, #tpu.memory_space<hbm>>) target(%arg10 : memref<128x128xf32, #tpu.memory_space<vmem>>) offsets(%dma_start3A_314 : memref<128xi32, #tpu.memory_space<vmem>>) semaphore(%arg13 : memref<!tpu.dma_semaphore, #tpu.memory_space<semaphore_mem>>)
        %mul3A_318 = arith.constant 2 : i32
        %mul3A_319 = arith.muli %mul3A_318, %scan3A_243 : i32
        %add3A_320 = arith.constant 1 : i32
        %add3A_321 = arith.addi %mul3A_319, %add3A_320 : i32
        %dma_wait3A_322 = arith.constant 0 : i32
        %dma_wait3A_323 = arith.constant 0 : i32
        %dma_wait3A_324 = tpu.memref_slice %arg2[%dma_wait3A_322, %dma_wait3A_323] : memref<10000x128xf32, #tpu.memory_space<hbm>> -> memref<128x128xf32, #tpu.memory_space<hbm>>
        %dma_wait3A_325 = arith.constant 0 : i32
        %dma_wait3A_326 = arith.constant 0 : i32
        %dma_wait3A_327 = tpu.memref_slice %arg2[%dma_wait3A_325, %dma_wait3A_326] : memref<10000x128xf32, #tpu.memory_space<hbm>> -> memref<128x128xf32, #tpu.memory_space<hbm>>
        tpu.wait_dma2 semaphore(%arg14 : memref<!tpu.dma_semaphore, #tpu.memory_space<semaphore_mem>>) src(%dma_wait3A_327 : memref<128x128xf32, #tpu.memory_space<hbm>>) dst(%arg11 : memref<128x128xf32, #tpu.memory_space<vmem>>)
        "tpu.region"() ({
          %run_scoped3A = tpu.sem_alloc : memref<!tpu.dma_semaphore, #tpu.memory_space<semaphore_mem>>
          %dma_start3A_394 = arith.constant 0 : i32
          %dma_start3A_395 = arith.constant 0 : i32
          %dma_start3A_396 = tpu.memref_slice %arg12[%dma_start3A_394, %dma_start3A_395] : memref<10240x128xf32, #tpu.memory_space<vmem_shared>> -> memref<10240x128xf32, #tpu.memory_space<vmem_shared>>
          tpu.enqueue_indirect_dma source(%arg11 : memref<128x128xf32, #tpu.memory_space<vmem>>) target(%dma_start3A_396 : memref<10240x128xf32, #tpu.memory_space<vmem_shared>>) offsets(%arg9 : memref<128xi32, #tpu.memory_space<vmem>>) semaphore(%run_scoped3A : memref<!tpu.dma_semaphore, #tpu.memory_space<semaphore_mem>>) {add = true}
          %dma_wait3A_397 = arith.constant 0 : i32
          %dma_wait3A_398 = arith.constant 0 : i32
          %dma_wait3A_399 = tpu.memref_slice %arg12[%dma_wait3A_397, %dma_wait3A_398] : memref<10240x128xf32, #tpu.memory_space<vmem_shared>> -> memref<10240x128xf32, #tpu.memory_space<vmem_shared>>
          tpu.wait_indirect_dma semaphore(%run_scoped3A : memref<!tpu.dma_semaphore, #tpu.memory_space<semaphore_mem>>) src(%arg11 : memref<128x128xf32, #tpu.memory_space<vmem>>) dst(%dma_wait3A_399 : memref<10240x128xf32, #tpu.memory_space<vmem_shared>>)
          tpu.yield
        }) : () -> ()
        %add3A_328 = arith.constant 2 : i32
        %add3A_329 = arith.addi %add3A_321, %add3A_328 : i32
        %mul3A_330 = arith.constant 256 : i32
        %mul3A_331 = arith.muli %add3A_329, %mul3A_330 : i32
        %add3A_332 = arith.addi %mul3A_34, %mul3A_331 : i32
        "tpu.region"() ({
          %run_scoped3A = tpu.sem_alloc : memref<!tpu.dma_semaphore, #tpu.memory_space<semaphore_mem>>
          %dma_start3A_394 = tpu.memref_slice %arg3[%add3A_332] : memref<647168xi32, #tpu.memory_space<hbm>> -> memref<256xi32, #tpu.memory_space<hbm>>
          %dma_start3A_395 = tpu.memref_slice %arg3[%add3A_332] : memref<647168xi32, #tpu.memory_space<hbm>> -> memref<256xi32, #tpu.memory_space<hbm>>
          tpu.enqueue_dma source(%dma_start3A_395 : memref<256xi32, #tpu.memory_space<hbm>>) target(%arg7 : memref<256xi32, #tpu.memory_space<vmem>>) target_semaphore(%run_scoped3A : memref<!tpu.dma_semaphore, #tpu.memory_space<semaphore_mem>>)
          %dma_wait3A_396 = tpu.memref_slice %arg3[%add3A_332] : memref<647168xi32, #tpu.memory_space<hbm>> -> memref<256xi32, #tpu.memory_space<hbm>>
          %dma_wait3A_397 = tpu.memref_slice %arg3[%add3A_332] : memref<647168xi32, #tpu.memory_space<hbm>> -> memref<256xi32, #tpu.memory_space<hbm>>
          tpu.wait_dma2 semaphore(%run_scoped3A : memref<!tpu.dma_semaphore, #tpu.memory_space<semaphore_mem>>) src(%dma_wait3A_397 : memref<256xi32, #tpu.memory_space<hbm>>) dst(%arg7 : memref<256xi32, #tpu.memory_space<vmem>>)
          tpu.yield
        }) : () -> ()
        %get3A_333 = arith.constant 128 : index
        %get3A_334 = tpu.vector_load %arg7[%get3A_333] {strides = array<i32>} : memref<256xi32, #tpu.memory_space<vmem>>, vector<16xi32>,
        %get3A_335 = vector.shape_cast %get3A_334 : vector<16xi32> to vector<16xi32>
        %swap3A_336 = arith.constant 0 : index
        %swap3A_337 = tpu.vector_load %arg9[%swap3A_336] {strides = array<i32>} : memref<128xi32, #tpu.memory_space<vmem>>, vector<16xi32>,
        %swap3A_338 = vector.shape_cast %swap3A_337 : vector<16xi32> to vector<16xi32>
        %swap3A_339 = vector.shape_cast %get3A_335 : vector<16xi32> to vector<16xi32>
        tpu.vector_store %arg9[%swap3A_336], %swap3A_339 {strides = array<i32>} : memref<128xi32, #tpu.memory_space<vmem>>, vector<16xi32>,
        %get3A_340 = arith.constant 144 : index
        %get3A_341 = tpu.vector_load %arg7[%get3A_340] {strides = array<i32>} : memref<256xi32, #tpu.memory_space<vmem>>, vector<16xi32>,
        %get3A_342 = vector.shape_cast %get3A_341 : vector<16xi32> to vector<16xi32>
        %swap3A_343 = arith.constant 16 : index
        %swap3A_344 = tpu.vector_load %arg9[%swap3A_343] {strides = array<i32>} : memref<128xi32, #tpu.memory_space<vmem>>, vector<16xi32>,
        %swap3A_345 = vector.shape_cast %swap3A_344 : vector<16xi32> to vector<16xi32>
        %swap3A_346 = vector.shape_cast %get3A_342 : vector<16xi32> to vector<16xi32>
        tpu.vector_store %arg9[%swap3A_343], %swap3A_346 {strides = array<i32>} : memref<128xi32, #tpu.memory_space<vmem>>, vector<16xi32>,
        %get3A_347 = arith.constant 160 : index
        %get3A_348 = tpu.vector_load %arg7[%get3A_347] {strides = array<i32>} : memref<256xi32, #tpu.memory_space<vmem>>, vector<16xi32>,
        %get3A_349 = vector.shape_cast %get3A_348 : vector<16xi32> to vector<16xi32>
        %swap3A_350 = arith.constant 32 : index
        %swap3A_351 = tpu.vector_load %arg9[%swap3A_350] {strides = array<i32>} : memref<128xi32, #tpu.memory_space<vmem>>, vector<16xi32>,
        %swap3A_352 = vector.shape_cast %swap3A_351 : vector<16xi32> to vector<16xi32>
        %swap3A_353 = vector.shape_cast %get3A_349 : vector<16xi32> to vector<16xi32>
        tpu.vector_store %arg9[%swap3A_350], %swap3A_353 {strides = array<i32>} : memref<128xi32, #tpu.memory_space<vmem>>, vector<16xi32>,
        %get3A_354 = arith.constant 176 : index
        %get3A_355 = tpu.vector_load %arg7[%get3A_354] {strides = array<i32>} : memref<256xi32, #tpu.memory_space<vmem>>, vector<16xi32>,
        %get3A_356 = vector.shape_cast %get3A_355 : vector<16xi32> to vector<16xi32>
        %swap3A_357 = arith.constant 48 : index
        %swap3A_358 = tpu.vector_load %arg9[%swap3A_357] {strides = array<i32>} : memref<128xi32, #tpu.memory_space<vmem>>, vector<16xi32>,
        %swap3A_359 = vector.shape_cast %swap3A_358 : vector<16xi32> to vector<16xi32>
        %swap3A_360 = vector.shape_cast %get3A_356 : vector<16xi32> to vector<16xi32>
        tpu.vector_store %arg9[%swap3A_357], %swap3A_360 {strides = array<i32>} : memref<128xi32, #tpu.memory_space<vmem>>, vector<16xi32>,
        %get3A_361 = arith.constant 192 : index
        %get3A_362 = tpu.vector_load %arg7[%get3A_361] {strides = array<i32>} : memref<256xi32, #tpu.memory_space<vmem>>, vector<16xi32>,
        %get3A_363 = vector.shape_cast %get3A_362 : vector<16xi32> to vector<16xi32>
        %swap3A_364 = arith.constant 64 : index
        %swap3A_365 = tpu.vector_load %arg9[%swap3A_364] {strides = array<i32>} : memref<128xi32, #tpu.memory_space<vmem>>, vector<16xi32>,
        %swap3A_366 = vector.shape_cast %swap3A_365 : vector<16xi32> to vector<16xi32>
        %swap3A_367 = vector.shape_cast %get3A_363 : vector<16xi32> to vector<16xi32>
        tpu.vector_store %arg9[%swap3A_364], %swap3A_367 {strides = array<i32>} : memref<128xi32, #tpu.memory_space<vmem>>, vector<16xi32>,
        %get3A_368 = arith.constant 208 : index
        %get3A_369 = tpu.vector_load %arg7[%get3A_368] {strides = array<i32>} : memref<256xi32, #tpu.memory_space<vmem>>, vector<16xi32>,
        %get3A_370 = vector.shape_cast %get3A_369 : vector<16xi32> to vector<16xi32>
        %swap3A_371 = arith.constant 80 : index
        %swap3A_372 = tpu.vector_load %arg9[%swap3A_371] {strides = array<i32>} : memref<128xi32, #tpu.memory_space<vmem>>, vector<16xi32>,
        %swap3A_373 = vector.shape_cast %swap3A_372 : vector<16xi32> to vector<16xi32>
        %swap3A_374 = vector.shape_cast %get3A_370 : vector<16xi32> to vector<16xi32>
        tpu.vector_store %arg9[%swap3A_371], %swap3A_374 {strides = array<i32>} : memref<128xi32, #tpu.memory_space<vmem>>, vector<16xi32>,
        %get3A_375 = arith.constant 224 : index
        %get3A_376 = tpu.vector_load %arg7[%get3A_375] {strides = array<i32>} : memref<256xi32, #tpu.memory_space<vmem>>, vector<16xi32>,
        %get3A_377 = vector.shape_cast %get3A_376 : vector<16xi32> to vector<16xi32>
        %swap3A_378 = arith.constant 96 : index
        %swap3A_379 = tpu.vector_load %arg9[%swap3A_378] {strides = array<i32>} : memref<128xi32, #tpu.memory_space<vmem>>, vector<16xi32>,
        %swap3A_380 = vector.shape_cast %swap3A_379 : vector<16xi32> to vector<16xi32>
        %swap3A_381 = vector.shape_cast %get3A_377 : vector<16xi32> to vector<16xi32>
        tpu.vector_store %arg9[%swap3A_378], %swap3A_381 {strides = array<i32>} : memref<128xi32, #tpu.memory_space<vmem>>, vector<16xi32>,
        %get3A_382 = arith.constant 240 : index
        %get3A_383 = tpu.vector_load %arg7[%get3A_382] {strides = array<i32>} : memref<256xi32, #tpu.memory_space<vmem>>, vector<16xi32>,
        %get3A_384 = vector.shape_cast %get3A_383 : vector<16xi32> to vector<16xi32>
        %swap3A_385 = arith.constant 112 : index
        %swap3A_386 = tpu.vector_load %arg9[%swap3A_385] {strides = array<i32>} : memref<128xi32, #tpu.memory_space<vmem>>, vector<16xi32>,
        %swap3A_387 = vector.shape_cast %swap3A_386 : vector<16xi32> to vector<16xi32>
        %swap3A_388 = vector.shape_cast %get3A_384 : vector<16xi32> to vector<16xi32>
        tpu.vector_store %arg9[%swap3A_385], %swap3A_388 {strides = array<i32>} : memref<128xi32, #tpu.memory_space<vmem>>, vector<16xi32>,
        %dma_start3A_389 = arith.constant 0 : i32
        %dma_start3A_390 = tpu.memref_slice %arg7[%dma_start3A_389] : memref<256xi32, #tpu.memory_space<vmem>> -> memref<128xi32, #tpu.memory_space<vmem>>
        %dma_start3A_391 = arith.constant 0 : i32
        %dma_start3A_392 = arith.constant 0 : i32
        %dma_start3A_393 = tpu.memref_slice %arg2[%dma_start3A_391, %dma_start3A_392] : memref<10000x128xf32, #tpu.memory_space<hbm>> -> memref<10000x128xf32, #tpu.memory_space<hbm>>
        tpu.enqueue_indirect_dma source(%dma_start3A_393 : memref<10000x128xf32, #tpu.memory_space<hbm>>) target(%arg11 : memref<128x128xf32, #tpu.memory_space<vmem>>) offsets(%dma_start3A_390 : memref<128xi32, #tpu.memory_space<vmem>>) semaphore(%arg14 : memref<!tpu.dma_semaphore, #tpu.memory_space<semaphore_mem>>)
      }
      %scan3A_162 = arith.constant 53 : i32
      %dma_wait3A = arith.constant 0 : i32
      %dma_wait3A_163 = arith.constant 0 : i32
      %dma_wait3A_164 = tpu.memref_slice %arg2[%dma_wait3A, %dma_wait3A_163] : memref<10000x128xf32, #tpu.memory_space<hbm>> -> memref<128x128xf32, #tpu.memory_space<hbm>>
      %dma_wait3A_165 = arith.constant 0 : i32
      %dma_wait3A_166 = arith.constant 0 : i32
      %dma_wait3A_167 = tpu.memref_slice %arg2[%dma_wait3A_165, %dma_wait3A_166] : memref<10000x128xf32, #tpu.memory_space<hbm>> -> memref<128x128xf32, #tpu.memory_space<hbm>>
      tpu.wait_dma2 semaphore(%arg13 : memref<!tpu.dma_semaphore, #tpu.memory_space<semaphore_mem>>) src(%dma_wait3A_167 : memref<128x128xf32, #tpu.memory_space<hbm>>) dst(%arg10 : memref<128x128xf32, #tpu.memory_space<vmem>>)
      "tpu.region"() ({
        %run_scoped3A = tpu.sem_alloc : memref<!tpu.dma_semaphore, #tpu.memory_space<semaphore_mem>>
        %dma_start3A_243 = arith.constant 0 : i32
        %dma_start3A_244 = arith.constant 0 : i32
        %dma_start3A_245 = tpu.memref_slice %arg12[%dma_start3A_243, %dma_start3A_244] : memref<10240x128xf32, #tpu.memory_space<vmem_shared>> -> memref<10240x128xf32, #tpu.memory_space<vmem_shared>>
        tpu.enqueue_indirect_dma source(%arg10 : memref<128x128xf32, #tpu.memory_space<vmem>>) target(%dma_start3A_245 : memref<10240x128xf32, #tpu.memory_space<vmem_shared>>) offsets(%arg8 : memref<128xi32, #tpu.memory_space<vmem>>) semaphore(%run_scoped3A : memref<!tpu.dma_semaphore, #tpu.memory_space<semaphore_mem>>) {add = true}
        %dma_wait3A_246 = arith.constant 0 : i32
        %dma_wait3A_247 = arith.constant 0 : i32
        %dma_wait3A_248 = tpu.memref_slice %arg12[%dma_wait3A_246, %dma_wait3A_247] : memref<10240x128xf32, #tpu.memory_space<vmem_shared>> -> memref<10240x128xf32, #tpu.memory_space<vmem_shared>>
        tpu.wait_indirect_dma semaphore(%run_scoped3A : memref<!tpu.dma_semaphore, #tpu.memory_space<semaphore_mem>>) src(%arg10 : memref<128x128xf32, #tpu.memory_space<vmem>>) dst(%dma_wait3A_248 : memref<10240x128xf32, #tpu.memory_space<vmem_shared>>)
        tpu.yield
      }) : () -> ()
      %add3A_168 = arith.constant 27648 : i32
      %add3A_169 = arith.addi %mul3A_34, %add3A_168 : i32
      "tpu.region"() ({
        %run_scoped3A = tpu.sem_alloc : memref<!tpu.dma_semaphore, #tpu.memory_space<semaphore_mem>>
        %dma_start3A_243 = tpu.memref_slice %arg3[%add3A_169] : memref<647168xi32, #tpu.memory_space<hbm>> -> memref<256xi32, #tpu.memory_space<hbm>>
        %dma_start3A_244 = tpu.memref_slice %arg3[%add3A_169] : memref<647168xi32, #tpu.memory_space<hbm>> -> memref<256xi32, #tpu.memory_space<hbm>>
        tpu.enqueue_dma source(%dma_start3A_244 : memref<256xi32, #tpu.memory_space<hbm>>) target(%arg6 : memref<256xi32, #tpu.memory_space<vmem>>) target_semaphore(%run_scoped3A : memref<!tpu.dma_semaphore, #tpu.memory_space<semaphore_mem>>)
        %dma_wait3A_245 = tpu.memref_slice %arg3[%add3A_169] : memref<647168xi32, #tpu.memory_space<hbm>> -> memref<256xi32, #tpu.memory_space<hbm>>
        %dma_wait3A_246 = tpu.memref_slice %arg3[%add3A_169] : memref<647168xi32, #tpu.memory_space<hbm>> -> memref<256xi32, #tpu.memory_space<hbm>>
        tpu.wait_dma2 semaphore(%run_scoped3A : memref<!tpu.dma_semaphore, #tpu.memory_space<semaphore_mem>>) src(%dma_wait3A_246 : memref<256xi32, #tpu.memory_space<hbm>>) dst(%arg6 : memref<256xi32, #tpu.memory_space<vmem>>)
        tpu.yield
      }) : () -> ()
      %get3A_170 = arith.constant 128 : index
      %get3A_171 = tpu.vector_load %arg6[%get3A_170] {strides = array<i32>} : memref<256xi32, #tpu.memory_space<vmem>>, vector<16xi32>,
      %get3A_172 = vector.shape_cast %get3A_171 : vector<16xi32> to vector<16xi32>
      %swap3A_173 = arith.constant 0 : index
      %swap3A_174 = tpu.vector_load %arg8[%swap3A_173] {strides = array<i32>} : memref<128xi32, #tpu.memory_space<vmem>>, vector<16xi32>,
      %swap3A_175 = vector.shape_cast %swap3A_174 : vector<16xi32> to vector<16xi32>
      %swap3A_176 = vector.shape_cast %get3A_172 : vector<16xi32> to vector<16xi32>
      tpu.vector_store %arg8[%swap3A_173], %swap3A_176 {strides = array<i32>} : memref<128xi32, #tpu.memory_space<vmem>>, vector<16xi32>,
      %get3A_177 = arith.constant 144 : index
      %get3A_178 = tpu.vector_load %arg6[%get3A_177] {strides = array<i32>} : memref<256xi32, #tpu.memory_space<vmem>>, vector<16xi32>,
      %get3A_179 = vector.shape_cast %get3A_178 : vector<16xi32> to vector<16xi32>
      %swap3A_180 = arith.constant 16 : index
      %swap3A_181 = tpu.vector_load %arg8[%swap3A_180] {strides = array<i32>} : memref<128xi32, #tpu.memory_space<vmem>>, vector<16xi32>,
      %swap3A_182 = vector.shape_cast %swap3A_181 : vector<16xi32> to vector<16xi32>
      %swap3A_183 = vector.shape_cast %get3A_179 : vector<16xi32> to vector<16xi32>
      tpu.vector_store %arg8[%swap3A_180], %swap3A_183 {strides = array<i32>} : memref<128xi32, #tpu.memory_space<vmem>>, vector<16xi32>,
      %get3A_184 = arith.constant 160 : index
      %get3A_185 = tpu.vector_load %arg6[%get3A_184] {strides = array<i32>} : memref<256xi32, #tpu.memory_space<vmem>>, vector<16xi32>,
      %get3A_186 = vector.shape_cast %get3A_185 : vector<16xi32> to vector<16xi32>
      %swap3A_187 = arith.constant 32 : index
      %swap3A_188 = tpu.vector_load %arg8[%swap3A_187] {strides = array<i32>} : memref<128xi32, #tpu.memory_space<vmem>>, vector<16xi32>,
      %swap3A_189 = vector.shape_cast %swap3A_188 : vector<16xi32> to vector<16xi32>
      %swap3A_190 = vector.shape_cast %get3A_186 : vector<16xi32> to vector<16xi32>
      tpu.vector_store %arg8[%swap3A_187], %swap3A_190 {strides = array<i32>} : memref<128xi32, #tpu.memory_space<vmem>>, vector<16xi32>,
      %get3A_191 = arith.constant 176 : index
      %get3A_192 = tpu.vector_load %arg6[%get3A_191] {strides = array<i32>} : memref<256xi32, #tpu.memory_space<vmem>>, vector<16xi32>,
      %get3A_193 = vector.shape_cast %get3A_192 : vector<16xi32> to vector<16xi32>
      %swap3A_194 = arith.constant 48 : index
      %swap3A_195 = tpu.vector_load %arg8[%swap3A_194] {strides = array<i32>} : memref<128xi32, #tpu.memory_space<vmem>>, vector<16xi32>,
      %swap3A_196 = vector.shape_cast %swap3A_195 : vector<16xi32> to vector<16xi32>
      %swap3A_197 = vector.shape_cast %get3A_193 : vector<16xi32> to vector<16xi32>
      tpu.vector_store %arg8[%swap3A_194], %swap3A_197 {strides = array<i32>} : memref<128xi32, #tpu.memory_space<vmem>>, vector<16xi32>,
      %get3A_198 = arith.constant 192 : index
      %get3A_199 = tpu.vector_load %arg6[%get3A_198] {strides = array<i32>} : memref<256xi32, #tpu.memory_space<vmem>>, vector<16xi32>,
      %get3A_200 = vector.shape_cast %get3A_199 : vector<16xi32> to vector<16xi32>
      %swap3A_201 = arith.constant 64 : index
      %swap3A_202 = tpu.vector_load %arg8[%swap3A_201] {strides = array<i32>} : memref<128xi32, #tpu.memory_space<vmem>>, vector<16xi32>,
      %swap3A_203 = vector.shape_cast %swap3A_202 : vector<16xi32> to vector<16xi32>
      %swap3A_204 = vector.shape_cast %get3A_200 : vector<16xi32> to vector<16xi32>
      tpu.vector_store %arg8[%swap3A_201], %swap3A_204 {strides = array<i32>} : memref<128xi32, #tpu.memory_space<vmem>>, vector<16xi32>,
      %get3A_205 = arith.constant 208 : index
      %get3A_206 = tpu.vector_load %arg6[%get3A_205] {strides = array<i32>} : memref<256xi32, #tpu.memory_space<vmem>>, vector<16xi32>,
      %get3A_207 = vector.shape_cast %get3A_206 : vector<16xi32> to vector<16xi32>
      %swap3A_208 = arith.constant 80 : index
      %swap3A_209 = tpu.vector_load %arg8[%swap3A_208] {strides = array<i32>} : memref<128xi32, #tpu.memory_space<vmem>>, vector<16xi32>,
      %swap3A_210 = vector.shape_cast %swap3A_209 : vector<16xi32> to vector<16xi32>
      %swap3A_211 = vector.shape_cast %get3A_207 : vector<16xi32> to vector<16xi32>
      tpu.vector_store %arg8[%swap3A_208], %swap3A_211 {strides = array<i32>} : memref<128xi32, #tpu.memory_space<vmem>>, vector<16xi32>,
      %get3A_212 = arith.constant 224 : index
      %get3A_213 = tpu.vector_load %arg6[%get3A_212] {strides = array<i32>} : memref<256xi32, #tpu.memory_space<vmem>>, vector<16xi32>,
      %get3A_214 = vector.shape_cast %get3A_213 : vector<16xi32> to vector<16xi32>
      %swap3A_215 = arith.constant 96 : index
      %swap3A_216 = tpu.vector_load %arg8[%swap3A_215] {strides = array<i32>} : memref<128xi32, #tpu.memory_space<vmem>>, vector<16xi32>,
      %swap3A_217 = vector.shape_cast %swap3A_216 : vector<16xi32> to vector<16xi32>
      %swap3A_218 = vector.shape_cast %get3A_214 : vector<16xi32> to vector<16xi32>
      tpu.vector_store %arg8[%swap3A_215], %swap3A_218 {strides = array<i32>} : memref<128xi32, #tpu.memory_space<vmem>>, vector<16xi32>,
      %get3A_219 = arith.constant 240 : index
      %get3A_220 = tpu.vector_load %arg6[%get3A_219] {strides = array<i32>} : memref<256xi32, #tpu.memory_space<vmem>>, vector<16xi32>,
      %get3A_221 = vector.shape_cast %get3A_220 : vector<16xi32> to vector<16xi32>
      %swap3A_222 = arith.constant 112 : index
      %swap3A_223 = tpu.vector_load %arg8[%swap3A_222] {strides = array<i32>} : memref<128xi32, #tpu.memory_space<vmem>>, vector<16xi32>,
      %swap3A_224 = vector.shape_cast %swap3A_223 : vector<16xi32> to vector<16xi32>
      %swap3A_225 = vector.shape_cast %get3A_221 : vector<16xi32> to vector<16xi32>
      tpu.vector_store %arg8[%swap3A_222], %swap3A_225 {strides = array<i32>} : memref<128xi32, #tpu.memory_space<vmem>>, vector<16xi32>,
      %dma_start3A_226 = arith.constant 0 : i32
      %dma_start3A_227 = tpu.memref_slice %arg6[%dma_start3A_226] : memref<256xi32, #tpu.memory_space<vmem>> -> memref<128xi32, #tpu.memory_space<vmem>>
      %dma_start3A_228 = arith.constant 0 : i32
      %dma_start3A_229 = arith.constant 0 : i32
      %dma_start3A_230 = tpu.memref_slice %arg2[%dma_start3A_228, %dma_start3A_229] : memref<10000x128xf32, #tpu.memory_space<hbm>> -> memref<10000x128xf32, #tpu.memory_space<hbm>>
      tpu.enqueue_indirect_dma source(%dma_start3A_230 : memref<10000x128xf32, #tpu.memory_space<hbm>>) target(%arg10 : memref<128x128xf32, #tpu.memory_space<vmem>>) offsets(%dma_start3A_227 : memref<128xi32, #tpu.memory_space<vmem>>) semaphore(%arg13 : memref<!tpu.dma_semaphore, #tpu.memory_space<semaphore_mem>>)
      %dma_wait3A_231 = arith.constant 0 : i32
      %dma_wait3A_232 = arith.constant 0 : i32
      %dma_wait3A_233 = tpu.memref_slice %arg2[%dma_wait3A_231, %dma_wait3A_232] : memref<10000x128xf32, #tpu.memory_space<hbm>> -> memref<128x128xf32, #tpu.memory_space<hbm>>
      %dma_wait3A_234 = arith.constant 0 : i32
      %dma_wait3A_235 = arith.constant 0 : i32
      %dma_wait3A_236 = tpu.memref_slice %arg2[%dma_wait3A_234, %dma_wait3A_235] : memref<10000x128xf32, #tpu.memory_space<hbm>> -> memref<128x128xf32, #tpu.memory_space<hbm>>
      tpu.wait_dma2 semaphore(%arg14 : memref<!tpu.dma_semaphore, #tpu.memory_space<semaphore_mem>>) src(%dma_wait3A_236 : memref<128x128xf32, #tpu.memory_space<hbm>>) dst(%arg11 : memref<128x128xf32, #tpu.memory_space<vmem>>)
      "tpu.region"() ({
        %run_scoped3A = tpu.sem_alloc : memref<!tpu.dma_semaphore, #tpu.memory_space<semaphore_mem>>
        %dma_start3A_243 = arith.constant 0 : i32
        %dma_start3A_244 = arith.constant 0 : i32
        %dma_start3A_245 = tpu.memref_slice %arg12[%dma_start3A_243, %dma_start3A_244] : memref<10240x128xf32, #tpu.memory_space<vmem_shared>> -> memref<10240x128xf32, #tpu.memory_space<vmem_shared>>
        tpu.enqueue_indirect_dma source(%arg11 : memref<128x128xf32, #tpu.memory_space<vmem>>) target(%dma_start3A_245 : memref<10240x128xf32, #tpu.memory_space<vmem_shared>>) offsets(%arg9 : memref<128xi32, #tpu.memory_space<vmem>>) semaphore(%run_scoped3A : memref<!tpu.dma_semaphore, #tpu.memory_space<semaphore_mem>>) {add = true}
        %dma_wait3A_246 = arith.constant 0 : i32
        %dma_wait3A_247 = arith.constant 0 : i32
        %dma_wait3A_248 = tpu.memref_slice %arg12[%dma_wait3A_246, %dma_wait3A_247] : memref<10240x128xf32, #tpu.memory_space<vmem_shared>> -> memref<10240x128xf32, #tpu.memory_space<vmem_shared>>
        tpu.wait_indirect_dma semaphore(%run_scoped3A : memref<!tpu.dma_semaphore, #tpu.memory_space<semaphore_mem>>) src(%arg11 : memref<128x128xf32, #tpu.memory_space<vmem>>) dst(%dma_wait3A_248 : memref<10240x128xf32, #tpu.memory_space<vmem_shared>>)
        tpu.yield
      }) : () -> ()
      %dma_wait3A_237 = arith.constant 0 : i32
      %dma_wait3A_238 = arith.constant 0 : i32
      %dma_wait3A_239 = tpu.memref_slice %arg2[%dma_wait3A_237, %dma_wait3A_238] : memref<10000x128xf32, #tpu.memory_space<hbm>> -> memref<128x128xf32, #tpu.memory_space<hbm>>
      %dma_wait3A_240 = arith.constant 0 : i32
      %dma_wait3A_241 = arith.constant 0 : i32
      %dma_wait3A_242 = tpu.memref_slice %arg2[%dma_wait3A_240, %dma_wait3A_241] : memref<10000x128xf32, #tpu.memory_space<hbm>> -> memref<128x128xf32, #tpu.memory_space<hbm>>
      tpu.wait_dma2 semaphore(%arg13 : memref<!tpu.dma_semaphore, #tpu.memory_space<semaphore_mem>>) src(%dma_wait3A_242 : memref<128x128xf32, #tpu.memory_space<hbm>>) dst(%arg10 : memref<128x128xf32, #tpu.memory_space<vmem>>)
      "tpu.region"() ({
        %run_scoped3A = tpu.sem_alloc : memref<!tpu.dma_semaphore, #tpu.memory_space<semaphore_mem>>
        %dma_start3A_243 = arith.constant 0 : i32
        %dma_start3A_244 = arith.constant 0 : i32
        %dma_start3A_245 = tpu.memref_slice %arg12[%dma_start3A_243, %dma_start3A_244] : memref<10240x128xf32, #tpu.memory_space<vmem_shared>> -> memref<10240x128xf32, #tpu.memory_space<vmem_shared>>
        tpu.enqueue_indirect_dma source(%arg10 : memref<128x128xf32, #tpu.memory_space<vmem>>) target(%dma_start3A_245 : memref<10240x128xf32, #tpu.memory_space<vmem_shared>>) offsets(%arg8 : memref<128xi32, #tpu.memory_space<vmem>>) semaphore(%run_scoped3A : memref<!tpu.dma_semaphore, #tpu.memory_space<semaphore_mem>>) {add = true}
        %dma_wait3A_246 = arith.constant 0 : i32
        %dma_wait3A_247 = arith.constant 0 : i32
        %dma_wait3A_248 = tpu.memref_slice %arg12[%dma_wait3A_246, %dma_wait3A_247] : memref<10240x128xf32, #tpu.memory_space<vmem_shared>> -> memref<10240x128xf32, #tpu.memory_space<vmem_shared>>
        tpu.wait_indirect_dma semaphore(%run_scoped3A : memref<!tpu.dma_semaphore, #tpu.memory_space<semaphore_mem>>) src(%arg10 : memref<128x128xf32, #tpu.memory_space<vmem>>) dst(%dma_wait3A_248 : memref<10240x128xf32, #tpu.memory_space<vmem_shared>>)
        tpu.yield
      }) : () -> ()
    } else {
    }
    %eq3A_23 = arith.constant 1 : i32
    %eq3A_24 = arith.cmpi eq, %arg0, %eq3A_23 : i32
    %convert_element_type3A_25 = arith.extui %eq3A_24 : i1 to i32
    %cond3A_26 = arith.constant 0 : i32
    %cond3A_27 = arith.cmpi ne, %convert_element_type3A_25, %cond3A_26 : i32
    scf.if %cond3A_27 {
      %mul3A_33 = arith.constant 49 : i32
      %mul3A_34 = arith.muli %arg1, %mul3A_33 : i32
      %add3A_35 = arith.constant 1744 : i32
      %add3A_36 = arith.addi %add3A_35, %mul3A_34 : i32
      %mul3A_37 = arith.constant 256 : i32
      %mul3A_38 = arith.muli %add3A_36, %mul3A_37 : i32
      %add3A_39 = arith.constant 0 : i32
      %add3A_40 = arith.addi %mul3A_38, %add3A_39 : i32
      "tpu.region"() ({
        %run_scoped3A = tpu.sem_alloc : memref<!tpu.dma_semaphore, #tpu.memory_space<semaphore_mem>>
        %dma_start3A_247 = tpu.memref_slice %arg3[%add3A_40] : memref<647168xi32, #tpu.memory_space<hbm>> -> memref<256xi32, #tpu.memory_space<hbm>>
        %dma_start3A_248 = tpu.memref_slice %arg3[%add3A_40] : memref<647168xi32, #tpu.memory_space<hbm>> -> memref<256xi32, #tpu.memory_space<hbm>>
        tpu.enqueue_dma source(%dma_start3A_248 : memref<256xi32, #tpu.memory_space<hbm>>) target(%arg6 : memref<256xi32, #tpu.memory_space<vmem>>) target_semaphore(%run_scoped3A : memref<!tpu.dma_semaphore, #tpu.memory_space<semaphore_mem>>)
        %dma_wait3A_249 = tpu.memref_slice %arg3[%add3A_40] : memref<647168xi32, #tpu.memory_space<hbm>> -> memref<256xi32, #tpu.memory_space<hbm>>
        %dma_wait3A_250 = tpu.memref_slice %arg3[%add3A_40] : memref<647168xi32, #tpu.memory_space<hbm>> -> memref<256xi32, #tpu.memory_space<hbm>>
        tpu.wait_dma2 semaphore(%run_scoped3A : memref<!tpu.dma_semaphore, #tpu.memory_space<semaphore_mem>>) src(%dma_wait3A_250 : memref<256xi32, #tpu.memory_space<hbm>>) dst(%arg6 : memref<256xi32, #tpu.memory_space<vmem>>)
        tpu.yield
      }) : () -> ()
      %get3A = arith.constant 128 : index
      %get3A_41 = tpu.vector_load %arg6[%get3A] {strides = array<i32>} : memref<256xi32, #tpu.memory_space<vmem>>, vector<16xi32>,
      %get3A_42 = vector.shape_cast %get3A_41 : vector<16xi32> to vector<16xi32>
      %swap3A = arith.constant 0 : index
      %swap3A_43 = tpu.vector_load %arg8[%swap3A] {strides = array<i32>} : memref<128xi32, #tpu.memory_space<vmem>>, vector<16xi32>,
      %swap3A_44 = vector.shape_cast %swap3A_43 : vector<16xi32> to vector<16xi32>
      %swap3A_45 = vector.shape_cast %get3A_42 : vector<16xi32> to vector<16xi32>
      tpu.vector_store %arg8[%swap3A], %swap3A_45 {strides = array<i32>} : memref<128xi32, #tpu.memory_space<vmem>>, vector<16xi32>,
      %get3A_46 = arith.constant 144 : index
      %get3A_47 = tpu.vector_load %arg6[%get3A_46] {strides = array<i32>} : memref<256xi32, #tpu.memory_space<vmem>>, vector<16xi32>,
      %get3A_48 = vector.shape_cast %get3A_47 : vector<16xi32> to vector<16xi32>
      %swap3A_49 = arith.constant 16 : index
      %swap3A_50 = tpu.vector_load %arg8[%swap3A_49] {strides = array<i32>} : memref<128xi32, #tpu.memory_space<vmem>>, vector<16xi32>,
      %swap3A_51 = vector.shape_cast %swap3A_50 : vector<16xi32> to vector<16xi32>
      %swap3A_52 = vector.shape_cast %get3A_48 : vector<16xi32> to vector<16xi32>
      tpu.vector_store %arg8[%swap3A_49], %swap3A_52 {strides = array<i32>} : memref<128xi32, #tpu.memory_space<vmem>>, vector<16xi32>,
      %get3A_53 = arith.constant 160 : index
      %get3A_54 = tpu.vector_load %arg6[%get3A_53] {strides = array<i32>} : memref<256xi32, #tpu.memory_space<vmem>>, vector<16xi32>,
      %get3A_55 = vector.shape_cast %get3A_54 : vector<16xi32> to vector<16xi32>
      %swap3A_56 = arith.constant 32 : index
      %swap3A_57 = tpu.vector_load %arg8[%swap3A_56] {strides = array<i32>} : memref<128xi32, #tpu.memory_space<vmem>>, vector<16xi32>,
      %swap3A_58 = vector.shape_cast %swap3A_57 : vector<16xi32> to vector<16xi32>
      %swap3A_59 = vector.shape_cast %get3A_55 : vector<16xi32> to vector<16xi32>
      tpu.vector_store %arg8[%swap3A_56], %swap3A_59 {strides = array<i32>} : memref<128xi32, #tpu.memory_space<vmem>>, vector<16xi32>,
      %get3A_60 = arith.constant 176 : index
      %get3A_61 = tpu.vector_load %arg6[%get3A_60] {strides = array<i32>} : memref<256xi32, #tpu.memory_space<vmem>>, vector<16xi32>,
      %get3A_62 = vector.shape_cast %get3A_61 : vector<16xi32> to vector<16xi32>
      %swap3A_63 = arith.constant 48 : index
      %swap3A_64 = tpu.vector_load %arg8[%swap3A_63] {strides = array<i32>} : memref<128xi32, #tpu.memory_space<vmem>>, vector<16xi32>,
      %swap3A_65 = vector.shape_cast %swap3A_64 : vector<16xi32> to vector<16xi32>
      %swap3A_66 = vector.shape_cast %get3A_62 : vector<16xi32> to vector<16xi32>
      tpu.vector_store %arg8[%swap3A_63], %swap3A_66 {strides = array<i32>} : memref<128xi32, #tpu.memory_space<vmem>>, vector<16xi32>,
      %get3A_67 = arith.constant 192 : index
      %get3A_68 = tpu.vector_load %arg6[%get3A_67] {strides = array<i32>} : memref<256xi32, #tpu.memory_space<vmem>>, vector<16xi32>,
      %get3A_69 = vector.shape_cast %get3A_68 : vector<16xi32> to vector<16xi32>
      %swap3A_70 = arith.constant 64 : index
      %swap3A_71 = tpu.vector_load %arg8[%swap3A_70] {strides = array<i32>} : memref<128xi32, #tpu.memory_space<vmem>>, vector<16xi32>,
      %swap3A_72 = vector.shape_cast %swap3A_71 : vector<16xi32> to vector<16xi32>
      %swap3A_73 = vector.shape_cast %get3A_69 : vector<16xi32> to vector<16xi32>
      tpu.vector_store %arg8[%swap3A_70], %swap3A_73 {strides = array<i32>} : memref<128xi32, #tpu.memory_space<vmem>>, vector<16xi32>,
      %get3A_74 = arith.constant 208 : index
      %get3A_75 = tpu.vector_load %arg6[%get3A_74] {strides = array<i32>} : memref<256xi32, #tpu.memory_space<vmem>>, vector<16xi32>,
      %get3A_76 = vector.shape_cast %get3A_75 : vector<16xi32> to vector<16xi32>
      %swap3A_77 = arith.constant 80 : index
      %swap3A_78 = tpu.vector_load %arg8[%swap3A_77] {strides = array<i32>} : memref<128xi32, #tpu.memory_space<vmem>>, vector<16xi32>,
      %swap3A_79 = vector.shape_cast %swap3A_78 : vector<16xi32> to vector<16xi32>
      %swap3A_80 = vector.shape_cast %get3A_76 : vector<16xi32> to vector<16xi32>
      tpu.vector_store %arg8[%swap3A_77], %swap3A_80 {strides = array<i32>} : memref<128xi32, #tpu.memory_space<vmem>>, vector<16xi32>,
      %get3A_81 = arith.constant 224 : index
      %get3A_82 = tpu.vector_load %arg6[%get3A_81] {strides = array<i32>} : memref<256xi32, #tpu.memory_space<vmem>>, vector<16xi32>,
      %get3A_83 = vector.shape_cast %get3A_82 : vector<16xi32> to vector<16xi32>
      %swap3A_84 = arith.constant 96 : index
      %swap3A_85 = tpu.vector_load %arg8[%swap3A_84] {strides = array<i32>} : memref<128xi32, #tpu.memory_space<vmem>>, vector<16xi32>,
      %swap3A_86 = vector.shape_cast %swap3A_85 : vector<16xi32> to vector<16xi32>
      %swap3A_87 = vector.shape_cast %get3A_83 : vector<16xi32> to vector<16xi32>
      tpu.vector_store %arg8[%swap3A_84], %swap3A_87 {strides = array<i32>} : memref<128xi32, #tpu.memory_space<vmem>>, vector<16xi32>,
      %get3A_88 = arith.constant 240 : index
      %get3A_89 = tpu.vector_load %arg6[%get3A_88] {strides = array<i32>} : memref<256xi32, #tpu.memory_space<vmem>>, vector<16xi32>,
      %get3A_90 = vector.shape_cast %get3A_89 : vector<16xi32> to vector<16xi32>
      %swap3A_91 = arith.constant 112 : index
      %swap3A_92 = tpu.vector_load %arg8[%swap3A_91] {strides = array<i32>} : memref<128xi32, #tpu.memory_space<vmem>>, vector<16xi32>,
      %swap3A_93 = vector.shape_cast %swap3A_92 : vector<16xi32> to vector<16xi32>
      %swap3A_94 = vector.shape_cast %get3A_90 : vector<16xi32> to vector<16xi32>
      tpu.vector_store %arg8[%swap3A_91], %swap3A_94 {strides = array<i32>} : memref<128xi32, #tpu.memory_space<vmem>>, vector<16xi32>,
      %dma_start3A = arith.constant 0 : i32
      %dma_start3A_95 = tpu.memref_slice %arg6[%dma_start3A] : memref<256xi32, #tpu.memory_space<vmem>> -> memref<128xi32, #tpu.memory_space<vmem>>
      %dma_start3A_96 = arith.constant 0 : i32
      %dma_start3A_97 = arith.constant 0 : i32
      %dma_start3A_98 = tpu.memref_slice %arg2[%dma_start3A_96, %dma_start3A_97] : memref<10000x128xf32, #tpu.memory_space<hbm>> -> memref<10000x128xf32, #tpu.memory_space<hbm>>
      tpu.enqueue_indirect_dma source(%dma_start3A_98 : memref<10000x128xf32, #tpu.memory_space<hbm>>) target(%arg10 : memref<128x128xf32, #tpu.memory_space<vmem>>) offsets(%dma_start3A_95 : memref<128xi32, #tpu.memory_space<vmem>>) semaphore(%arg13 : memref<!tpu.dma_semaphore, #tpu.memory_space<semaphore_mem>>)
      %add3A_99 = arith.constant 256 : i32
      %add3A_100 = arith.addi %mul3A_38, %add3A_99 : i32
      "tpu.region"() ({
        %run_scoped3A = tpu.sem_alloc : memref<!tpu.dma_semaphore, #tpu.memory_space<semaphore_mem>>
        %dma_start3A_247 = tpu.memref_slice %arg3[%add3A_100] : memref<647168xi32, #tpu.memory_space<hbm>> -> memref<256xi32, #tpu.memory_space<hbm>>
        %dma_start3A_248 = tpu.memref_slice %arg3[%add3A_100] : memref<647168xi32, #tpu.memory_space<hbm>> -> memref<256xi32, #tpu.memory_space<hbm>>
        tpu.enqueue_dma source(%dma_start3A_248 : memref<256xi32, #tpu.memory_space<hbm>>) target(%arg7 : memref<256xi32, #tpu.memory_space<vmem>>) target_semaphore(%run_scoped3A : memref<!tpu.dma_semaphore, #tpu.memory_space<semaphore_mem>>)
        %dma_wait3A_249 = tpu.memref_slice %arg3[%add3A_100] : memref<647168xi32, #tpu.memory_space<hbm>> -> memref<256xi32, #tpu.memory_space<hbm>>
        %dma_wait3A_250 = tpu.memref_slice %arg3[%add3A_100] : memref<647168xi32, #tpu.memory_space<hbm>> -> memref<256xi32, #tpu.memory_space<hbm>>
        tpu.wait_dma2 semaphore(%run_scoped3A : memref<!tpu.dma_semaphore, #tpu.memory_space<semaphore_mem>>) src(%dma_wait3A_250 : memref<256xi32, #tpu.memory_space<hbm>>) dst(%arg7 : memref<256xi32, #tpu.memory_space<vmem>>)
        tpu.yield
      }) : () -> ()
      %get3A_101 = arith.constant 128 : index
      %get3A_102 = tpu.vector_load %arg7[%get3A_101] {strides = array<i32>} : memref<256xi32, #tpu.memory_space<vmem>>, vector<16xi32>,
      %get3A_103 = vector.shape_cast %get3A_102 : vector<16xi32> to vector<16xi32>
      %swap3A_104 = arith.constant 0 : index
      %swap3A_105 = tpu.vector_load %arg9[%swap3A_104] {strides = array<i32>} : memref<128xi32, #tpu.memory_space<vmem>>, vector<16xi32>,
      %swap3A_106 = vector.shape_cast %swap3A_105 : vector<16xi32> to vector<16xi32>
      %swap3A_107 = vector.shape_cast %get3A_103 : vector<16xi32> to vector<16xi32>
      tpu.vector_store %arg9[%swap3A_104], %swap3A_107 {strides = array<i32>} : memref<128xi32, #tpu.memory_space<vmem>>, vector<16xi32>,
      %get3A_108 = arith.constant 144 : index
      %get3A_109 = tpu.vector_load %arg7[%get3A_108] {strides = array<i32>} : memref<256xi32, #tpu.memory_space<vmem>>, vector<16xi32>,
      %get3A_110 = vector.shape_cast %get3A_109 : vector<16xi32> to vector<16xi32>
      %swap3A_111 = arith.constant 16 : index
      %swap3A_112 = tpu.vector_load %arg9[%swap3A_111] {strides = array<i32>} : memref<128xi32, #tpu.memory_space<vmem>>, vector<16xi32>,
      %swap3A_113 = vector.shape_cast %swap3A_112 : vector<16xi32> to vector<16xi32>
      %swap3A_114 = vector.shape_cast %get3A_110 : vector<16xi32> to vector<16xi32>
      tpu.vector_store %arg9[%swap3A_111], %swap3A_114 {strides = array<i32>} : memref<128xi32, #tpu.memory_space<vmem>>, vector<16xi32>,
      %get3A_115 = arith.constant 160 : index
      %get3A_116 = tpu.vector_load %arg7[%get3A_115] {strides = array<i32>} : memref<256xi32, #tpu.memory_space<vmem>>, vector<16xi32>,
      %get3A_117 = vector.shape_cast %get3A_116 : vector<16xi32> to vector<16xi32>
      %swap3A_118 = arith.constant 32 : index
      %swap3A_119 = tpu.vector_load %arg9[%swap3A_118] {strides = array<i32>} : memref<128xi32, #tpu.memory_space<vmem>>, vector<16xi32>,
      %swap3A_120 = vector.shape_cast %swap3A_119 : vector<16xi32> to vector<16xi32>
      %swap3A_121 = vector.shape_cast %get3A_117 : vector<16xi32> to vector<16xi32>
      tpu.vector_store %arg9[%swap3A_118], %swap3A_121 {strides = array<i32>} : memref<128xi32, #tpu.memory_space<vmem>>, vector<16xi32>,
      %get3A_122 = arith.constant 176 : index
      %get3A_123 = tpu.vector_load %arg7[%get3A_122] {strides = array<i32>} : memref<256xi32, #tpu.memory_space<vmem>>, vector<16xi32>,
      %get3A_124 = vector.shape_cast %get3A_123 : vector<16xi32> to vector<16xi32>
      %swap3A_125 = arith.constant 48 : index
      %swap3A_126 = tpu.vector_load %arg9[%swap3A_125] {strides = array<i32>} : memref<128xi32, #tpu.memory_space<vmem>>, vector<16xi32>,
      %swap3A_127 = vector.shape_cast %swap3A_126 : vector<16xi32> to vector<16xi32>
      %swap3A_128 = vector.shape_cast %get3A_124 : vector<16xi32> to vector<16xi32>
      tpu.vector_store %arg9[%swap3A_125], %swap3A_128 {strides = array<i32>} : memref<128xi32, #tpu.memory_space<vmem>>, vector<16xi32>,
      %get3A_129 = arith.constant 192 : index
      %get3A_130 = tpu.vector_load %arg7[%get3A_129] {strides = array<i32>} : memref<256xi32, #tpu.memory_space<vmem>>, vector<16xi32>,
      %get3A_131 = vector.shape_cast %get3A_130 : vector<16xi32> to vector<16xi32>
      %swap3A_132 = arith.constant 64 : index
      %swap3A_133 = tpu.vector_load %arg9[%swap3A_132] {strides = array<i32>} : memref<128xi32, #tpu.memory_space<vmem>>, vector<16xi32>,
      %swap3A_134 = vector.shape_cast %swap3A_133 : vector<16xi32> to vector<16xi32>
      %swap3A_135 = vector.shape_cast %get3A_131 : vector<16xi32> to vector<16xi32>
      tpu.vector_store %arg9[%swap3A_132], %swap3A_135 {strides = array<i32>} : memref<128xi32, #tpu.memory_space<vmem>>, vector<16xi32>,
      %get3A_136 = arith.constant 208 : index
      %get3A_137 = tpu.vector_load %arg7[%get3A_136] {strides = array<i32>} : memref<256xi32, #tpu.memory_space<vmem>>, vector<16xi32>,
      %get3A_138 = vector.shape_cast %get3A_137 : vector<16xi32> to vector<16xi32>
      %swap3A_139 = arith.constant 80 : index
      %swap3A_140 = tpu.vector_load %arg9[%swap3A_139] {strides = array<i32>} : memref<128xi32, #tpu.memory_space<vmem>>, vector<16xi32>,
      %swap3A_141 = vector.shape_cast %swap3A_140 : vector<16xi32> to vector<16xi32>
      %swap3A_142 = vector.shape_cast %get3A_138 : vector<16xi32> to vector<16xi32>
      tpu.vector_store %arg9[%swap3A_139], %swap3A_142 {strides = array<i32>} : memref<128xi32, #tpu.memory_space<vmem>>, vector<16xi32>,
      %get3A_143 = arith.constant 224 : index
      %get3A_144 = tpu.vector_load %arg7[%get3A_143] {strides = array<i32>} : memref<256xi32, #tpu.memory_space<vmem>>, vector<16xi32>,
      %get3A_145 = vector.shape_cast %get3A_144 : vector<16xi32> to vector<16xi32>
      %swap3A_146 = arith.constant 96 : index
      %swap3A_147 = tpu.vector_load %arg9[%swap3A_146] {strides = array<i32>} : memref<128xi32, #tpu.memory_space<vmem>>, vector<16xi32>,
      %swap3A_148 = vector.shape_cast %swap3A_147 : vector<16xi32> to vector<16xi32>
      %swap3A_149 = vector.shape_cast %get3A_145 : vector<16xi32> to vector<16xi32>
      tpu.vector_store %arg9[%swap3A_146], %swap3A_149 {strides = array<i32>} : memref<128xi32, #tpu.memory_space<vmem>>, vector<16xi32>,
      %get3A_150 = arith.constant 240 : index
      %get3A_151 = tpu.vector_load %arg7[%get3A_150] {strides = array<i32>} : memref<256xi32, #tpu.memory_space<vmem>>, vector<16xi32>,
      %get3A_152 = vector.shape_cast %get3A_151 : vector<16xi32> to vector<16xi32>
      %swap3A_153 = arith.constant 112 : index
      %swap3A_154 = tpu.vector_load %arg9[%swap3A_153] {strides = array<i32>} : memref<128xi32, #tpu.memory_space<vmem>>, vector<16xi32>,
      %swap3A_155 = vector.shape_cast %swap3A_154 : vector<16xi32> to vector<16xi32>
      %swap3A_156 = vector.shape_cast %get3A_152 : vector<16xi32> to vector<16xi32>
      tpu.vector_store %arg9[%swap3A_153], %swap3A_156 {strides = array<i32>} : memref<128xi32, #tpu.memory_space<vmem>>, vector<16xi32>,
      %dma_start3A_157 = arith.constant 0 : i32
      %dma_start3A_158 = tpu.memref_slice %arg7[%dma_start3A_157] : memref<256xi32, #tpu.memory_space<vmem>> -> memref<128xi32, #tpu.memory_space<vmem>>
      %dma_start3A_159 = arith.constant 0 : i32
      %dma_start3A_160 = arith.constant 0 : i32
      %dma_start3A_161 = tpu.memref_slice %arg2[%dma_start3A_159, %dma_start3A_160] : memref<10000x128xf32, #tpu.memory_space<hbm>> -> memref<10000x128xf32, #tpu.memory_space<hbm>>
      tpu.enqueue_indirect_dma source(%dma_start3A_161 : memref<10000x128xf32, #tpu.memory_space<hbm>>) target(%arg11 : memref<128x128xf32, #tpu.memory_space<vmem>>) offsets(%dma_start3A_158 : memref<128xi32, #tpu.memory_space<vmem>>) semaphore(%arg14 : memref<!tpu.dma_semaphore, #tpu.memory_space<semaphore_mem>>)
      %scan3A = arith.constant 0 : i32
      %scan3A_162 = arith.constant 0 : i32
      %scan3A_163 = arith.constant 23 : i32
      %scan3A_164 = arith.addi %scan3A_162, %scan3A_163 : i32
      %scan3A_165 = arith.constant 1 : i32
      scf.for %scan3A_247 = %scan3A_162 to %scan3A_164 step %scan3A_165  : i32 {
        %mul3A_248 = arith.constant 2 : i32
        %mul3A_249 = arith.muli %mul3A_248, %scan3A_247 : i32
        %dma_wait3A_250 = arith.constant 0 : i32
        %dma_wait3A_251 = arith.constant 0 : i32
        %dma_wait3A_252 = tpu.memref_slice %arg2[%dma_wait3A_250, %dma_wait3A_251] : memref<10000x128xf32, #tpu.memory_space<hbm>> -> memref<128x128xf32, #tpu.memory_space<hbm>>
        %dma_wait3A_253 = arith.constant 0 : i32
        %dma_wait3A_254 = arith.constant 0 : i32
        %dma_wait3A_255 = tpu.memref_slice %arg2[%dma_wait3A_253, %dma_wait3A_254] : memref<10000x128xf32, #tpu.memory_space<hbm>> -> memref<128x128xf32, #tpu.memory_space<hbm>>
        tpu.wait_dma2 semaphore(%arg13 : memref<!tpu.dma_semaphore, #tpu.memory_space<semaphore_mem>>) src(%dma_wait3A_255 : memref<128x128xf32, #tpu.memory_space<hbm>>) dst(%arg10 : memref<128x128xf32, #tpu.memory_space<vmem>>)
        "tpu.region"() ({
          %run_scoped3A = tpu.sem_alloc : memref<!tpu.dma_semaphore, #tpu.memory_space<semaphore_mem>>
          %dma_start3A_398 = arith.constant 0 : i32
          %dma_start3A_399 = arith.constant 0 : i32
          %dma_start3A_400 = tpu.memref_slice %arg12[%dma_start3A_398, %dma_start3A_399] : memref<10240x128xf32, #tpu.memory_space<vmem_shared>> -> memref<10240x128xf32, #tpu.memory_space<vmem_shared>>
          tpu.enqueue_indirect_dma source(%arg10 : memref<128x128xf32, #tpu.memory_space<vmem>>) target(%dma_start3A_400 : memref<10240x128xf32, #tpu.memory_space<vmem_shared>>) offsets(%arg8 : memref<128xi32, #tpu.memory_space<vmem>>) semaphore(%run_scoped3A : memref<!tpu.dma_semaphore, #tpu.memory_space<semaphore_mem>>) {add = true}
          %dma_wait3A_401 = arith.constant 0 : i32
          %dma_wait3A_402 = arith.constant 0 : i32
          %dma_wait3A_403 = tpu.memref_slice %arg12[%dma_wait3A_401, %dma_wait3A_402] : memref<10240x128xf32, #tpu.memory_space<vmem_shared>> -> memref<10240x128xf32, #tpu.memory_space<vmem_shared>>
          tpu.wait_indirect_dma semaphore(%run_scoped3A : memref<!tpu.dma_semaphore, #tpu.memory_space<semaphore_mem>>) src(%arg10 : memref<128x128xf32, #tpu.memory_space<vmem>>) dst(%dma_wait3A_403 : memref<10240x128xf32, #tpu.memory_space<vmem_shared>>)
          tpu.yield
        }) : () -> ()
        %add3A_256 = arith.constant 2 : i32
        %add3A_257 = arith.addi %mul3A_249, %add3A_256 : i32
        %mul3A_258 = arith.constant 256 : i32
        %mul3A_259 = arith.muli %add3A_257, %mul3A_258 : i32
        %add3A_260 = arith.addi %mul3A_38, %mul3A_259 : i32
        "tpu.region"() ({
          %run_scoped3A = tpu.sem_alloc : memref<!tpu.dma_semaphore, #tpu.memory_space<semaphore_mem>>
          %dma_start3A_398 = tpu.memref_slice %arg3[%add3A_260] : memref<647168xi32, #tpu.memory_space<hbm>> -> memref<256xi32, #tpu.memory_space<hbm>>
          %dma_start3A_399 = tpu.memref_slice %arg3[%add3A_260] : memref<647168xi32, #tpu.memory_space<hbm>> -> memref<256xi32, #tpu.memory_space<hbm>>
          tpu.enqueue_dma source(%dma_start3A_399 : memref<256xi32, #tpu.memory_space<hbm>>) target(%arg6 : memref<256xi32, #tpu.memory_space<vmem>>) target_semaphore(%run_scoped3A : memref<!tpu.dma_semaphore, #tpu.memory_space<semaphore_mem>>)
          %dma_wait3A_400 = tpu.memref_slice %arg3[%add3A_260] : memref<647168xi32, #tpu.memory_space<hbm>> -> memref<256xi32, #tpu.memory_space<hbm>>
          %dma_wait3A_401 = tpu.memref_slice %arg3[%add3A_260] : memref<647168xi32, #tpu.memory_space<hbm>> -> memref<256xi32, #tpu.memory_space<hbm>>
          tpu.wait_dma2 semaphore(%run_scoped3A : memref<!tpu.dma_semaphore, #tpu.memory_space<semaphore_mem>>) src(%dma_wait3A_401 : memref<256xi32, #tpu.memory_space<hbm>>) dst(%arg6 : memref<256xi32, #tpu.memory_space<vmem>>)
          tpu.yield
        }) : () -> ()
        %get3A_261 = arith.constant 128 : index
        %get3A_262 = tpu.vector_load %arg6[%get3A_261] {strides = array<i32>} : memref<256xi32, #tpu.memory_space<vmem>>, vector<16xi32>,
        %get3A_263 = vector.shape_cast %get3A_262 : vector<16xi32> to vector<16xi32>
        %swap3A_264 = arith.constant 0 : index
        %swap3A_265 = tpu.vector_load %arg8[%swap3A_264] {strides = array<i32>} : memref<128xi32, #tpu.memory_space<vmem>>, vector<16xi32>,
        %swap3A_266 = vector.shape_cast %swap3A_265 : vector<16xi32> to vector<16xi32>
        %swap3A_267 = vector.shape_cast %get3A_263 : vector<16xi32> to vector<16xi32>
        tpu.vector_store %arg8[%swap3A_264], %swap3A_267 {strides = array<i32>} : memref<128xi32, #tpu.memory_space<vmem>>, vector<16xi32>,
        %get3A_268 = arith.constant 144 : index
        %get3A_269 = tpu.vector_load %arg6[%get3A_268] {strides = array<i32>} : memref<256xi32, #tpu.memory_space<vmem>>, vector<16xi32>,
        %get3A_270 = vector.shape_cast %get3A_269 : vector<16xi32> to vector<16xi32>
        %swap3A_271 = arith.constant 16 : index
        %swap3A_272 = tpu.vector_load %arg8[%swap3A_271] {strides = array<i32>} : memref<128xi32, #tpu.memory_space<vmem>>, vector<16xi32>,
        %swap3A_273 = vector.shape_cast %swap3A_272 : vector<16xi32> to vector<16xi32>
        %swap3A_274 = vector.shape_cast %get3A_270 : vector<16xi32> to vector<16xi32>
        tpu.vector_store %arg8[%swap3A_271], %swap3A_274 {strides = array<i32>} : memref<128xi32, #tpu.memory_space<vmem>>, vector<16xi32>,
        %get3A_275 = arith.constant 160 : index
        %get3A_276 = tpu.vector_load %arg6[%get3A_275] {strides = array<i32>} : memref<256xi32, #tpu.memory_space<vmem>>, vector<16xi32>,
        %get3A_277 = vector.shape_cast %get3A_276 : vector<16xi32> to vector<16xi32>
        %swap3A_278 = arith.constant 32 : index
        %swap3A_279 = tpu.vector_load %arg8[%swap3A_278] {strides = array<i32>} : memref<128xi32, #tpu.memory_space<vmem>>, vector<16xi32>,
        %swap3A_280 = vector.shape_cast %swap3A_279 : vector<16xi32> to vector<16xi32>
        %swap3A_281 = vector.shape_cast %get3A_277 : vector<16xi32> to vector<16xi32>
        tpu.vector_store %arg8[%swap3A_278], %swap3A_281 {strides = array<i32>} : memref<128xi32, #tpu.memory_space<vmem>>, vector<16xi32>,
        %get3A_282 = arith.constant 176 : index
        %get3A_283 = tpu.vector_load %arg6[%get3A_282] {strides = array<i32>} : memref<256xi32, #tpu.memory_space<vmem>>, vector<16xi32>,
        %get3A_284 = vector.shape_cast %get3A_283 : vector<16xi32> to vector<16xi32>
        %swap3A_285 = arith.constant 48 : index
        %swap3A_286 = tpu.vector_load %arg8[%swap3A_285] {strides = array<i32>} : memref<128xi32, #tpu.memory_space<vmem>>, vector<16xi32>,
        %swap3A_287 = vector.shape_cast %swap3A_286 : vector<16xi32> to vector<16xi32>
        %swap3A_288 = vector.shape_cast %get3A_284 : vector<16xi32> to vector<16xi32>
        tpu.vector_store %arg8[%swap3A_285], %swap3A_288 {strides = array<i32>} : memref<128xi32, #tpu.memory_space<vmem>>, vector<16xi32>,
        %get3A_289 = arith.constant 192 : index
        %get3A_290 = tpu.vector_load %arg6[%get3A_289] {strides = array<i32>} : memref<256xi32, #tpu.memory_space<vmem>>, vector<16xi32>,
        %get3A_291 = vector.shape_cast %get3A_290 : vector<16xi32> to vector<16xi32>
        %swap3A_292 = arith.constant 64 : index
        %swap3A_293 = tpu.vector_load %arg8[%swap3A_292] {strides = array<i32>} : memref<128xi32, #tpu.memory_space<vmem>>, vector<16xi32>,
        %swap3A_294 = vector.shape_cast %swap3A_293 : vector<16xi32> to vector<16xi32>
        %swap3A_295 = vector.shape_cast %get3A_291 : vector<16xi32> to vector<16xi32>
        tpu.vector_store %arg8[%swap3A_292], %swap3A_295 {strides = array<i32>} : memref<128xi32, #tpu.memory_space<vmem>>, vector<16xi32>,
        %get3A_296 = arith.constant 208 : index
        %get3A_297 = tpu.vector_load %arg6[%get3A_296] {strides = array<i32>} : memref<256xi32, #tpu.memory_space<vmem>>, vector<16xi32>,
        %get3A_298 = vector.shape_cast %get3A_297 : vector<16xi32> to vector<16xi32>
        %swap3A_299 = arith.constant 80 : index
        %swap3A_300 = tpu.vector_load %arg8[%swap3A_299] {strides = array<i32>} : memref<128xi32, #tpu.memory_space<vmem>>, vector<16xi32>,
        %swap3A_301 = vector.shape_cast %swap3A_300 : vector<16xi32> to vector<16xi32>
        %swap3A_302 = vector.shape_cast %get3A_298 : vector<16xi32> to vector<16xi32>
        tpu.vector_store %arg8[%swap3A_299], %swap3A_302 {strides = array<i32>} : memref<128xi32, #tpu.memory_space<vmem>>, vector<16xi32>,
        %get3A_303 = arith.constant 224 : index
        %get3A_304 = tpu.vector_load %arg6[%get3A_303] {strides = array<i32>} : memref<256xi32, #tpu.memory_space<vmem>>, vector<16xi32>,
        %get3A_305 = vector.shape_cast %get3A_304 : vector<16xi32> to vector<16xi32>
        %swap3A_306 = arith.constant 96 : index
        %swap3A_307 = tpu.vector_load %arg8[%swap3A_306] {strides = array<i32>} : memref<128xi32, #tpu.memory_space<vmem>>, vector<16xi32>,
        %swap3A_308 = vector.shape_cast %swap3A_307 : vector<16xi32> to vector<16xi32>
        %swap3A_309 = vector.shape_cast %get3A_305 : vector<16xi32> to vector<16xi32>
        tpu.vector_store %arg8[%swap3A_306], %swap3A_309 {strides = array<i32>} : memref<128xi32, #tpu.memory_space<vmem>>, vector<16xi32>,
        %get3A_310 = arith.constant 240 : index
        %get3A_311 = tpu.vector_load %arg6[%get3A_310] {strides = array<i32>} : memref<256xi32, #tpu.memory_space<vmem>>, vector<16xi32>,
        %get3A_312 = vector.shape_cast %get3A_311 : vector<16xi32> to vector<16xi32>
        %swap3A_313 = arith.constant 112 : index
        %swap3A_314 = tpu.vector_load %arg8[%swap3A_313] {strides = array<i32>} : memref<128xi32, #tpu.memory_space<vmem>>, vector<16xi32>,
        %swap3A_315 = vector.shape_cast %swap3A_314 : vector<16xi32> to vector<16xi32>
        %swap3A_316 = vector.shape_cast %get3A_312 : vector<16xi32> to vector<16xi32>
        tpu.vector_store %arg8[%swap3A_313], %swap3A_316 {strides = array<i32>} : memref<128xi32, #tpu.memory_space<vmem>>, vector<16xi32>,
        %dma_start3A_317 = arith.constant 0 : i32
        %dma_start3A_318 = tpu.memref_slice %arg6[%dma_start3A_317] : memref<256xi32, #tpu.memory_space<vmem>> -> memref<128xi32, #tpu.memory_space<vmem>>
        %dma_start3A_319 = arith.constant 0 : i32
        %dma_start3A_320 = arith.constant 0 : i32
        %dma_start3A_321 = tpu.memref_slice %arg2[%dma_start3A_319, %dma_start3A_320] : memref<10000x128xf32, #tpu.memory_space<hbm>> -> memref<10000x128xf32, #tpu.memory_space<hbm>>
        tpu.enqueue_indirect_dma source(%dma_start3A_321 : memref<10000x128xf32, #tpu.memory_space<hbm>>) target(%arg10 : memref<128x128xf32, #tpu.memory_space<vmem>>) offsets(%dma_start3A_318 : memref<128xi32, #tpu.memory_space<vmem>>) semaphore(%arg13 : memref<!tpu.dma_semaphore, #tpu.memory_space<semaphore_mem>>)
        %mul3A_322 = arith.constant 2 : i32
        %mul3A_323 = arith.muli %mul3A_322, %scan3A_247 : i32
        %add3A_324 = arith.constant 1 : i32
        %add3A_325 = arith.addi %mul3A_323, %add3A_324 : i32
        %dma_wait3A_326 = arith.constant 0 : i32
        %dma_wait3A_327 = arith.constant 0 : i32
        %dma_wait3A_328 = tpu.memref_slice %arg2[%dma_wait3A_326, %dma_wait3A_327] : memref<10000x128xf32, #tpu.memory_space<hbm>> -> memref<128x128xf32, #tpu.memory_space<hbm>>
        %dma_wait3A_329 = arith.constant 0 : i32
        %dma_wait3A_330 = arith.constant 0 : i32
        %dma_wait3A_331 = tpu.memref_slice %arg2[%dma_wait3A_329, %dma_wait3A_330] : memref<10000x128xf32, #tpu.memory_space<hbm>> -> memref<128x128xf32, #tpu.memory_space<hbm>>
        tpu.wait_dma2 semaphore(%arg14 : memref<!tpu.dma_semaphore, #tpu.memory_space<semaphore_mem>>) src(%dma_wait3A_331 : memref<128x128xf32, #tpu.memory_space<hbm>>) dst(%arg11 : memref<128x128xf32, #tpu.memory_space<vmem>>)
        "tpu.region"() ({
          %run_scoped3A = tpu.sem_alloc : memref<!tpu.dma_semaphore, #tpu.memory_space<semaphore_mem>>
          %dma_start3A_398 = arith.constant 0 : i32
          %dma_start3A_399 = arith.constant 0 : i32
          %dma_start3A_400 = tpu.memref_slice %arg12[%dma_start3A_398, %dma_start3A_399] : memref<10240x128xf32, #tpu.memory_space<vmem_shared>> -> memref<10240x128xf32, #tpu.memory_space<vmem_shared>>
          tpu.enqueue_indirect_dma source(%arg11 : memref<128x128xf32, #tpu.memory_space<vmem>>) target(%dma_start3A_400 : memref<10240x128xf32, #tpu.memory_space<vmem_shared>>) offsets(%arg9 : memref<128xi32, #tpu.memory_space<vmem>>) semaphore(%run_scoped3A : memref<!tpu.dma_semaphore, #tpu.memory_space<semaphore_mem>>) {add = true}
          %dma_wait3A_401 = arith.constant 0 : i32
          %dma_wait3A_402 = arith.constant 0 : i32
          %dma_wait3A_403 = tpu.memref_slice %arg12[%dma_wait3A_401, %dma_wait3A_402] : memref<10240x128xf32, #tpu.memory_space<vmem_shared>> -> memref<10240x128xf32, #tpu.memory_space<vmem_shared>>
          tpu.wait_indirect_dma semaphore(%run_scoped3A : memref<!tpu.dma_semaphore, #tpu.memory_space<semaphore_mem>>) src(%arg11 : memref<128x128xf32, #tpu.memory_space<vmem>>) dst(%dma_wait3A_403 : memref<10240x128xf32, #tpu.memory_space<vmem_shared>>)
          tpu.yield
        }) : () -> ()
        %add3A_332 = arith.constant 2 : i32
        %add3A_333 = arith.addi %add3A_325, %add3A_332 : i32
        %mul3A_334 = arith.constant 256 : i32
        %mul3A_335 = arith.muli %add3A_333, %mul3A_334 : i32
        %add3A_336 = arith.addi %mul3A_38, %mul3A_335 : i32
        "tpu.region"() ({
          %run_scoped3A = tpu.sem_alloc : memref<!tpu.dma_semaphore, #tpu.memory_space<semaphore_mem>>
          %dma_start3A_398 = tpu.memref_slice %arg3[%add3A_336] : memref<647168xi32, #tpu.memory_space<hbm>> -> memref<256xi32, #tpu.memory_space<hbm>>
          %dma_start3A_399 = tpu.memref_slice %arg3[%add3A_336] : memref<647168xi32, #tpu.memory_space<hbm>> -> memref<256xi32, #tpu.memory_space<hbm>>
          tpu.enqueue_dma source(%dma_start3A_399 : memref<256xi32, #tpu.memory_space<hbm>>) target(%arg7 : memref<256xi32, #tpu.memory_space<vmem>>) target_semaphore(%run_scoped3A : memref<!tpu.dma_semaphore, #tpu.memory_space<semaphore_mem>>)
          %dma_wait3A_400 = tpu.memref_slice %arg3[%add3A_336] : memref<647168xi32, #tpu.memory_space<hbm>> -> memref<256xi32, #tpu.memory_space<hbm>>
          %dma_wait3A_401 = tpu.memref_slice %arg3[%add3A_336] : memref<647168xi32, #tpu.memory_space<hbm>> -> memref<256xi32, #tpu.memory_space<hbm>>
          tpu.wait_dma2 semaphore(%run_scoped3A : memref<!tpu.dma_semaphore, #tpu.memory_space<semaphore_mem>>) src(%dma_wait3A_401 : memref<256xi32, #tpu.memory_space<hbm>>) dst(%arg7 : memref<256xi32, #tpu.memory_space<vmem>>)
          tpu.yield
        }) : () -> ()
        %get3A_337 = arith.constant 128 : index
        %get3A_338 = tpu.vector_load %arg7[%get3A_337] {strides = array<i32>} : memref<256xi32, #tpu.memory_space<vmem>>, vector<16xi32>,
        %get3A_339 = vector.shape_cast %get3A_338 : vector<16xi32> to vector<16xi32>
        %swap3A_340 = arith.constant 0 : index
        %swap3A_341 = tpu.vector_load %arg9[%swap3A_340] {strides = array<i32>} : memref<128xi32, #tpu.memory_space<vmem>>, vector<16xi32>,
        %swap3A_342 = vector.shape_cast %swap3A_341 : vector<16xi32> to vector<16xi32>
        %swap3A_343 = vector.shape_cast %get3A_339 : vector<16xi32> to vector<16xi32>
        tpu.vector_store %arg9[%swap3A_340], %swap3A_343 {strides = array<i32>} : memref<128xi32, #tpu.memory_space<vmem>>, vector<16xi32>,
        %get3A_344 = arith.constant 144 : index
        %get3A_345 = tpu.vector_load %arg7[%get3A_344] {strides = array<i32>} : memref<256xi32, #tpu.memory_space<vmem>>, vector<16xi32>,
        %get3A_346 = vector.shape_cast %get3A_345 : vector<16xi32> to vector<16xi32>
        %swap3A_347 = arith.constant 16 : index
        %swap3A_348 = tpu.vector_load %arg9[%swap3A_347] {strides = array<i32>} : memref<128xi32, #tpu.memory_space<vmem>>, vector<16xi32>,
        %swap3A_349 = vector.shape_cast %swap3A_348 : vector<16xi32> to vector<16xi32>
        %swap3A_350 = vector.shape_cast %get3A_346 : vector<16xi32> to vector<16xi32>
        tpu.vector_store %arg9[%swap3A_347], %swap3A_350 {strides = array<i32>} : memref<128xi32, #tpu.memory_space<vmem>>, vector<16xi32>,
        %get3A_351 = arith.constant 160 : index
        %get3A_352 = tpu.vector_load %arg7[%get3A_351] {strides = array<i32>} : memref<256xi32, #tpu.memory_space<vmem>>, vector<16xi32>,
        %get3A_353 = vector.shape_cast %get3A_352 : vector<16xi32> to vector<16xi32>
        %swap3A_354 = arith.constant 32 : index
        %swap3A_355 = tpu.vector_load %arg9[%swap3A_354] {strides = array<i32>} : memref<128xi32, #tpu.memory_space<vmem>>, vector<16xi32>,
        %swap3A_356 = vector.shape_cast %swap3A_355 : vector<16xi32> to vector<16xi32>
        %swap3A_357 = vector.shape_cast %get3A_353 : vector<16xi32> to vector<16xi32>
        tpu.vector_store %arg9[%swap3A_354], %swap3A_357 {strides = array<i32>} : memref<128xi32, #tpu.memory_space<vmem>>, vector<16xi32>,
        %get3A_358 = arith.constant 176 : index
        %get3A_359 = tpu.vector_load %arg7[%get3A_358] {strides = array<i32>} : memref<256xi32, #tpu.memory_space<vmem>>, vector<16xi32>,
        %get3A_360 = vector.shape_cast %get3A_359 : vector<16xi32> to vector<16xi32>
        %swap3A_361 = arith.constant 48 : index
        %swap3A_362 = tpu.vector_load %arg9[%swap3A_361] {strides = array<i32>} : memref<128xi32, #tpu.memory_space<vmem>>, vector<16xi32>,
        %swap3A_363 = vector.shape_cast %swap3A_362 : vector<16xi32> to vector<16xi32>
        %swap3A_364 = vector.shape_cast %get3A_360 : vector<16xi32> to vector<16xi32>
        tpu.vector_store %arg9[%swap3A_361], %swap3A_364 {strides = array<i32>} : memref<128xi32, #tpu.memory_space<vmem>>, vector<16xi32>,
        %get3A_365 = arith.constant 192 : index
        %get3A_366 = tpu.vector_load %arg7[%get3A_365] {strides = array<i32>} : memref<256xi32, #tpu.memory_space<vmem>>, vector<16xi32>,
        %get3A_367 = vector.shape_cast %get3A_366 : vector<16xi32> to vector<16xi32>
        %swap3A_368 = arith.constant 64 : index
        %swap3A_369 = tpu.vector_load %arg9[%swap3A_368] {strides = array<i32>} : memref<128xi32, #tpu.memory_space<vmem>>, vector<16xi32>,
        %swap3A_370 = vector.shape_cast %swap3A_369 : vector<16xi32> to vector<16xi32>
        %swap3A_371 = vector.shape_cast %get3A_367 : vector<16xi32> to vector<16xi32>
        tpu.vector_store %arg9[%swap3A_368], %swap3A_371 {strides = array<i32>} : memref<128xi32, #tpu.memory_space<vmem>>, vector<16xi32>,
        %get3A_372 = arith.constant 208 : index
        %get3A_373 = tpu.vector_load %arg7[%get3A_372] {strides = array<i32>} : memref<256xi32, #tpu.memory_space<vmem>>, vector<16xi32>,
        %get3A_374 = vector.shape_cast %get3A_373 : vector<16xi32> to vector<16xi32>
        %swap3A_375 = arith.constant 80 : index
        %swap3A_376 = tpu.vector_load %arg9[%swap3A_375] {strides = array<i32>} : memref<128xi32, #tpu.memory_space<vmem>>, vector<16xi32>,
        %swap3A_377 = vector.shape_cast %swap3A_376 : vector<16xi32> to vector<16xi32>
        %swap3A_378 = vector.shape_cast %get3A_374 : vector<16xi32> to vector<16xi32>
        tpu.vector_store %arg9[%swap3A_375], %swap3A_378 {strides = array<i32>} : memref<128xi32, #tpu.memory_space<vmem>>, vector<16xi32>,
        %get3A_379 = arith.constant 224 : index
        %get3A_380 = tpu.vector_load %arg7[%get3A_379] {strides = array<i32>} : memref<256xi32, #tpu.memory_space<vmem>>, vector<16xi32>,
        %get3A_381 = vector.shape_cast %get3A_380 : vector<16xi32> to vector<16xi32>
        %swap3A_382 = arith.constant 96 : index
        %swap3A_383 = tpu.vector_load %arg9[%swap3A_382] {strides = array<i32>} : memref<128xi32, #tpu.memory_space<vmem>>, vector<16xi32>,
        %swap3A_384 = vector.shape_cast %swap3A_383 : vector<16xi32> to vector<16xi32>
        %swap3A_385 = vector.shape_cast %get3A_381 : vector<16xi32> to vector<16xi32>
        tpu.vector_store %arg9[%swap3A_382], %swap3A_385 {strides = array<i32>} : memref<128xi32, #tpu.memory_space<vmem>>, vector<16xi32>,
        %get3A_386 = arith.constant 240 : index
        %get3A_387 = tpu.vector_load %arg7[%get3A_386] {strides = array<i32>} : memref<256xi32, #tpu.memory_space<vmem>>, vector<16xi32>,
        %get3A_388 = vector.shape_cast %get3A_387 : vector<16xi32> to vector<16xi32>
        %swap3A_389 = arith.constant 112 : index
        %swap3A_390 = tpu.vector_load %arg9[%swap3A_389] {strides = array<i32>} : memref<128xi32, #tpu.memory_space<vmem>>, vector<16xi32>,
        %swap3A_391 = vector.shape_cast %swap3A_390 : vector<16xi32> to vector<16xi32>
        %swap3A_392 = vector.shape_cast %get3A_388 : vector<16xi32> to vector<16xi32>
        tpu.vector_store %arg9[%swap3A_389], %swap3A_392 {strides = array<i32>} : memref<128xi32, #tpu.memory_space<vmem>>, vector<16xi32>,
        %dma_start3A_393 = arith.constant 0 : i32
        %dma_start3A_394 = tpu.memref_slice %arg7[%dma_start3A_393] : memref<256xi32, #tpu.memory_space<vmem>> -> memref<128xi32, #tpu.memory_space<vmem>>
        %dma_start3A_395 = arith.constant 0 : i32
        %dma_start3A_396 = arith.constant 0 : i32
        %dma_start3A_397 = tpu.memref_slice %arg2[%dma_start3A_395, %dma_start3A_396] : memref<10000x128xf32, #tpu.memory_space<hbm>> -> memref<10000x128xf32, #tpu.memory_space<hbm>>
        tpu.enqueue_indirect_dma source(%dma_start3A_397 : memref<10000x128xf32, #tpu.memory_space<hbm>>) target(%arg11 : memref<128x128xf32, #tpu.memory_space<vmem>>) offsets(%dma_start3A_394 : memref<128xi32, #tpu.memory_space<vmem>>) semaphore(%arg14 : memref<!tpu.dma_semaphore, #tpu.memory_space<semaphore_mem>>)
      }
      %scan3A_166 = arith.constant 23 : i32
      %dma_wait3A = arith.constant 0 : i32
      %dma_wait3A_167 = arith.constant 0 : i32
      %dma_wait3A_168 = tpu.memref_slice %arg2[%dma_wait3A, %dma_wait3A_167] : memref<10000x128xf32, #tpu.memory_space<hbm>> -> memref<128x128xf32, #tpu.memory_space<hbm>>
      %dma_wait3A_169 = arith.constant 0 : i32
      %dma_wait3A_170 = arith.constant 0 : i32
      %dma_wait3A_171 = tpu.memref_slice %arg2[%dma_wait3A_169, %dma_wait3A_170] : memref<10000x128xf32, #tpu.memory_space<hbm>> -> memref<128x128xf32, #tpu.memory_space<hbm>>
      tpu.wait_dma2 semaphore(%arg13 : memref<!tpu.dma_semaphore, #tpu.memory_space<semaphore_mem>>) src(%dma_wait3A_171 : memref<128x128xf32, #tpu.memory_space<hbm>>) dst(%arg10 : memref<128x128xf32, #tpu.memory_space<vmem>>)
      "tpu.region"() ({
        %run_scoped3A = tpu.sem_alloc : memref<!tpu.dma_semaphore, #tpu.memory_space<semaphore_mem>>
        %dma_start3A_247 = arith.constant 0 : i32
        %dma_start3A_248 = arith.constant 0 : i32
        %dma_start3A_249 = tpu.memref_slice %arg12[%dma_start3A_247, %dma_start3A_248] : memref<10240x128xf32, #tpu.memory_space<vmem_shared>> -> memref<10240x128xf32, #tpu.memory_space<vmem_shared>>
        tpu.enqueue_indirect_dma source(%arg10 : memref<128x128xf32, #tpu.memory_space<vmem>>) target(%dma_start3A_249 : memref<10240x128xf32, #tpu.memory_space<vmem_shared>>) offsets(%arg8 : memref<128xi32, #tpu.memory_space<vmem>>) semaphore(%run_scoped3A : memref<!tpu.dma_semaphore, #tpu.memory_space<semaphore_mem>>) {add = true}
        %dma_wait3A_250 = arith.constant 0 : i32
        %dma_wait3A_251 = arith.constant 0 : i32
        %dma_wait3A_252 = tpu.memref_slice %arg12[%dma_wait3A_250, %dma_wait3A_251] : memref<10240x128xf32, #tpu.memory_space<vmem_shared>> -> memref<10240x128xf32, #tpu.memory_space<vmem_shared>>
        tpu.wait_indirect_dma semaphore(%run_scoped3A : memref<!tpu.dma_semaphore, #tpu.memory_space<semaphore_mem>>) src(%arg10 : memref<128x128xf32, #tpu.memory_space<vmem>>) dst(%dma_wait3A_252 : memref<10240x128xf32, #tpu.memory_space<vmem_shared>>)
        tpu.yield
      }) : () -> ()
      %add3A_172 = arith.constant 12288 : i32
      %add3A_173 = arith.addi %mul3A_38, %add3A_172 : i32
      "tpu.region"() ({
        %run_scoped3A = tpu.sem_alloc : memref<!tpu.dma_semaphore, #tpu.memory_space<semaphore_mem>>
        %dma_start3A_247 = tpu.memref_slice %arg3[%add3A_173] : memref<647168xi32, #tpu.memory_space<hbm>> -> memref<256xi32, #tpu.memory_space<hbm>>
        %dma_start3A_248 = tpu.memref_slice %arg3[%add3A_173] : memref<647168xi32, #tpu.memory_space<hbm>> -> memref<256xi32, #tpu.memory_space<hbm>>
        tpu.enqueue_dma source(%dma_start3A_248 : memref<256xi32, #tpu.memory_space<hbm>>) target(%arg6 : memref<256xi32, #tpu.memory_space<vmem>>) target_semaphore(%run_scoped3A : memref<!tpu.dma_semaphore, #tpu.memory_space<semaphore_mem>>)
        %dma_wait3A_249 = tpu.memref_slice %arg3[%add3A_173] : memref<647168xi32, #tpu.memory_space<hbm>> -> memref<256xi32, #tpu.memory_space<hbm>>
        %dma_wait3A_250 = tpu.memref_slice %arg3[%add3A_173] : memref<647168xi32, #tpu.memory_space<hbm>> -> memref<256xi32, #tpu.memory_space<hbm>>
        tpu.wait_dma2 semaphore(%run_scoped3A : memref<!tpu.dma_semaphore, #tpu.memory_space<semaphore_mem>>) src(%dma_wait3A_250 : memref<256xi32, #tpu.memory_space<hbm>>) dst(%arg6 : memref<256xi32, #tpu.memory_space<vmem>>)
        tpu.yield
      }) : () -> ()
      %get3A_174 = arith.constant 128 : index
      %get3A_175 = tpu.vector_load %arg6[%get3A_174] {strides = array<i32>} : memref<256xi32, #tpu.memory_space<vmem>>, vector<16xi32>,
      %get3A_176 = vector.shape_cast %get3A_175 : vector<16xi32> to vector<16xi32>
      %swap3A_177 = arith.constant 0 : index
      %swap3A_178 = tpu.vector_load %arg8[%swap3A_177] {strides = array<i32>} : memref<128xi32, #tpu.memory_space<vmem>>, vector<16xi32>,
      %swap3A_179 = vector.shape_cast %swap3A_178 : vector<16xi32> to vector<16xi32>
      %swap3A_180 = vector.shape_cast %get3A_176 : vector<16xi32> to vector<16xi32>
      tpu.vector_store %arg8[%swap3A_177], %swap3A_180 {strides = array<i32>} : memref<128xi32, #tpu.memory_space<vmem>>, vector<16xi32>,
      %get3A_181 = arith.constant 144 : index
      %get3A_182 = tpu.vector_load %arg6[%get3A_181] {strides = array<i32>} : memref<256xi32, #tpu.memory_space<vmem>>, vector<16xi32>,
      %get3A_183 = vector.shape_cast %get3A_182 : vector<16xi32> to vector<16xi32>
      %swap3A_184 = arith.constant 16 : index
      %swap3A_185 = tpu.vector_load %arg8[%swap3A_184] {strides = array<i32>} : memref<128xi32, #tpu.memory_space<vmem>>, vector<16xi32>,
      %swap3A_186 = vector.shape_cast %swap3A_185 : vector<16xi32> to vector<16xi32>
      %swap3A_187 = vector.shape_cast %get3A_183 : vector<16xi32> to vector<16xi32>
      tpu.vector_store %arg8[%swap3A_184], %swap3A_187 {strides = array<i32>} : memref<128xi32, #tpu.memory_space<vmem>>, vector<16xi32>,
      %get3A_188 = arith.constant 160 : index
      %get3A_189 = tpu.vector_load %arg6[%get3A_188] {strides = array<i32>} : memref<256xi32, #tpu.memory_space<vmem>>, vector<16xi32>,
      %get3A_190 = vector.shape_cast %get3A_189 : vector<16xi32> to vector<16xi32>
      %swap3A_191 = arith.constant 32 : index
      %swap3A_192 = tpu.vector_load %arg8[%swap3A_191] {strides = array<i32>} : memref<128xi32, #tpu.memory_space<vmem>>, vector<16xi32>,
      %swap3A_193 = vector.shape_cast %swap3A_192 : vector<16xi32> to vector<16xi32>
      %swap3A_194 = vector.shape_cast %get3A_190 : vector<16xi32> to vector<16xi32>
      tpu.vector_store %arg8[%swap3A_191], %swap3A_194 {strides = array<i32>} : memref<128xi32, #tpu.memory_space<vmem>>, vector<16xi32>,
      %get3A_195 = arith.constant 176 : index
      %get3A_196 = tpu.vector_load %arg6[%get3A_195] {strides = array<i32>} : memref<256xi32, #tpu.memory_space<vmem>>, vector<16xi32>,
      %get3A_197 = vector.shape_cast %get3A_196 : vector<16xi32> to vector<16xi32>
      %swap3A_198 = arith.constant 48 : index
      %swap3A_199 = tpu.vector_load %arg8[%swap3A_198] {strides = array<i32>} : memref<128xi32, #tpu.memory_space<vmem>>, vector<16xi32>,
      %swap3A_200 = vector.shape_cast %swap3A_199 : vector<16xi32> to vector<16xi32>
      %swap3A_201 = vector.shape_cast %get3A_197 : vector<16xi32> to vector<16xi32>
      tpu.vector_store %arg8[%swap3A_198], %swap3A_201 {strides = array<i32>} : memref<128xi32, #tpu.memory_space<vmem>>, vector<16xi32>,
      %get3A_202 = arith.constant 192 : index
      %get3A_203 = tpu.vector_load %arg6[%get3A_202] {strides = array<i32>} : memref<256xi32, #tpu.memory_space<vmem>>, vector<16xi32>,
      %get3A_204 = vector.shape_cast %get3A_203 : vector<16xi32> to vector<16xi32>
      %swap3A_205 = arith.constant 64 : index
      %swap3A_206 = tpu.vector_load %arg8[%swap3A_205] {strides = array<i32>} : memref<128xi32, #tpu.memory_space<vmem>>, vector<16xi32>,
      %swap3A_207 = vector.shape_cast %swap3A_206 : vector<16xi32> to vector<16xi32>
      %swap3A_208 = vector.shape_cast %get3A_204 : vector<16xi32> to vector<16xi32>
      tpu.vector_store %arg8[%swap3A_205], %swap3A_208 {strides = array<i32>} : memref<128xi32, #tpu.memory_space<vmem>>, vector<16xi32>,
      %get3A_209 = arith.constant 208 : index
      %get3A_210 = tpu.vector_load %arg6[%get3A_209] {strides = array<i32>} : memref<256xi32, #tpu.memory_space<vmem>>, vector<16xi32>,
      %get3A_211 = vector.shape_cast %get3A_210 : vector<16xi32> to vector<16xi32>
      %swap3A_212 = arith.constant 80 : index
      %swap3A_213 = tpu.vector_load %arg8[%swap3A_212] {strides = array<i32>} : memref<128xi32, #tpu.memory_space<vmem>>, vector<16xi32>,
      %swap3A_214 = vector.shape_cast %swap3A_213 : vector<16xi32> to vector<16xi32>
      %swap3A_215 = vector.shape_cast %get3A_211 : vector<16xi32> to vector<16xi32>
      tpu.vector_store %arg8[%swap3A_212], %swap3A_215 {strides = array<i32>} : memref<128xi32, #tpu.memory_space<vmem>>, vector<16xi32>,
      %get3A_216 = arith.constant 224 : index
      %get3A_217 = tpu.vector_load %arg6[%get3A_216] {strides = array<i32>} : memref<256xi32, #tpu.memory_space<vmem>>, vector<16xi32>,
      %get3A_218 = vector.shape_cast %get3A_217 : vector<16xi32> to vector<16xi32>
      %swap3A_219 = arith.constant 96 : index
      %swap3A_220 = tpu.vector_load %arg8[%swap3A_219] {strides = array<i32>} : memref<128xi32, #tpu.memory_space<vmem>>, vector<16xi32>,
      %swap3A_221 = vector.shape_cast %swap3A_220 : vector<16xi32> to vector<16xi32>
      %swap3A_222 = vector.shape_cast %get3A_218 : vector<16xi32> to vector<16xi32>
      tpu.vector_store %arg8[%swap3A_219], %swap3A_222 {strides = array<i32>} : memref<128xi32, #tpu.memory_space<vmem>>, vector<16xi32>,
      %get3A_223 = arith.constant 240 : index
      %get3A_224 = tpu.vector_load %arg6[%get3A_223] {strides = array<i32>} : memref<256xi32, #tpu.memory_space<vmem>>, vector<16xi32>,
      %get3A_225 = vector.shape_cast %get3A_224 : vector<16xi32> to vector<16xi32>
      %swap3A_226 = arith.constant 112 : index
      %swap3A_227 = tpu.vector_load %arg8[%swap3A_226] {strides = array<i32>} : memref<128xi32, #tpu.memory_space<vmem>>, vector<16xi32>,
      %swap3A_228 = vector.shape_cast %swap3A_227 : vector<16xi32> to vector<16xi32>
      %swap3A_229 = vector.shape_cast %get3A_225 : vector<16xi32> to vector<16xi32>
      tpu.vector_store %arg8[%swap3A_226], %swap3A_229 {strides = array<i32>} : memref<128xi32, #tpu.memory_space<vmem>>, vector<16xi32>,
      %dma_start3A_230 = arith.constant 0 : i32
      %dma_start3A_231 = tpu.memref_slice %arg6[%dma_start3A_230] : memref<256xi32, #tpu.memory_space<vmem>> -> memref<128xi32, #tpu.memory_space<vmem>>
      %dma_start3A_232 = arith.constant 0 : i32
      %dma_start3A_233 = arith.constant 0 : i32
      %dma_start3A_234 = tpu.memref_slice %arg2[%dma_start3A_232, %dma_start3A_233] : memref<10000x128xf32, #tpu.memory_space<hbm>> -> memref<10000x128xf32, #tpu.memory_space<hbm>>
      tpu.enqueue_indirect_dma source(%dma_start3A_234 : memref<10000x128xf32, #tpu.memory_space<hbm>>) target(%arg10 : memref<128x128xf32, #tpu.memory_space<vmem>>) offsets(%dma_start3A_231 : memref<128xi32, #tpu.memory_space<vmem>>) semaphore(%arg13 : memref<!tpu.dma_semaphore, #tpu.memory_space<semaphore_mem>>)
      %dma_wait3A_235 = arith.constant 0 : i32
      %dma_wait3A_236 = arith.constant 0 : i32
      %dma_wait3A_237 = tpu.memref_slice %arg2[%dma_wait3A_235, %dma_wait3A_236] : memref<10000x128xf32, #tpu.memory_space<hbm>> -> memref<128x128xf32, #tpu.memory_space<hbm>>
      %dma_wait3A_238 = arith.constant 0 : i32
      %dma_wait3A_239 = arith.constant 0 : i32
      %dma_wait3A_240 = tpu.memref_slice %arg2[%dma_wait3A_238, %dma_wait3A_239] : memref<10000x128xf32, #tpu.memory_space<hbm>> -> memref<128x128xf32, #tpu.memory_space<hbm>>
      tpu.wait_dma2 semaphore(%arg14 : memref<!tpu.dma_semaphore, #tpu.memory_space<semaphore_mem>>) src(%dma_wait3A_240 : memref<128x128xf32, #tpu.memory_space<hbm>>) dst(%arg11 : memref<128x128xf32, #tpu.memory_space<vmem>>)
      "tpu.region"() ({
        %run_scoped3A = tpu.sem_alloc : memref<!tpu.dma_semaphore, #tpu.memory_space<semaphore_mem>>
        %dma_start3A_247 = arith.constant 0 : i32
        %dma_start3A_248 = arith.constant 0 : i32
        %dma_start3A_249 = tpu.memref_slice %arg12[%dma_start3A_247, %dma_start3A_248] : memref<10240x128xf32, #tpu.memory_space<vmem_shared>> -> memref<10240x128xf32, #tpu.memory_space<vmem_shared>>
        tpu.enqueue_indirect_dma source(%arg11 : memref<128x128xf32, #tpu.memory_space<vmem>>) target(%dma_start3A_249 : memref<10240x128xf32, #tpu.memory_space<vmem_shared>>) offsets(%arg9 : memref<128xi32, #tpu.memory_space<vmem>>) semaphore(%run_scoped3A : memref<!tpu.dma_semaphore, #tpu.memory_space<semaphore_mem>>) {add = true}
        %dma_wait3A_250 = arith.constant 0 : i32
        %dma_wait3A_251 = arith.constant 0 : i32
        %dma_wait3A_252 = tpu.memref_slice %arg12[%dma_wait3A_250, %dma_wait3A_251] : memref<10240x128xf32, #tpu.memory_space<vmem_shared>> -> memref<10240x128xf32, #tpu.memory_space<vmem_shared>>
        tpu.wait_indirect_dma semaphore(%run_scoped3A : memref<!tpu.dma_semaphore, #tpu.memory_space<semaphore_mem>>) src(%arg11 : memref<128x128xf32, #tpu.memory_space<vmem>>) dst(%dma_wait3A_252 : memref<10240x128xf32, #tpu.memory_space<vmem_shared>>)
        tpu.yield
      }) : () -> ()
      %dma_wait3A_241 = arith.constant 0 : i32
      %dma_wait3A_242 = arith.constant 0 : i32
      %dma_wait3A_243 = tpu.memref_slice %arg2[%dma_wait3A_241, %dma_wait3A_242] : memref<10000x128xf32, #tpu.memory_space<hbm>> -> memref<128x128xf32, #tpu.memory_space<hbm>>
      %dma_wait3A_244 = arith.constant 0 : i32
      %dma_wait3A_245 = arith.constant 0 : i32
      %dma_wait3A_246 = tpu.memref_slice %arg2[%dma_wait3A_244, %dma_wait3A_245] : memref<10000x128xf32, #tpu.memory_space<hbm>> -> memref<128x128xf32, #tpu.memory_space<hbm>>
      tpu.wait_dma2 semaphore(%arg13 : memref<!tpu.dma_semaphore, #tpu.memory_space<semaphore_mem>>) src(%dma_wait3A_246 : memref<128x128xf32, #tpu.memory_space<hbm>>) dst(%arg10 : memref<128x128xf32, #tpu.memory_space<vmem>>)
      "tpu.region"() ({
        %run_scoped3A = tpu.sem_alloc : memref<!tpu.dma_semaphore, #tpu.memory_space<semaphore_mem>>
        %dma_start3A_247 = arith.constant 0 : i32
        %dma_start3A_248 = arith.constant 0 : i32
        %dma_start3A_249 = tpu.memref_slice %arg12[%dma_start3A_247, %dma_start3A_248] : memref<10240x128xf32, #tpu.memory_space<vmem_shared>> -> memref<10240x128xf32, #tpu.memory_space<vmem_shared>>
        tpu.enqueue_indirect_dma source(%arg10 : memref<128x128xf32, #tpu.memory_space<vmem>>) target(%dma_start3A_249 : memref<10240x128xf32, #tpu.memory_space<vmem_shared>>) offsets(%arg8 : memref<128xi32, #tpu.memory_space<vmem>>) semaphore(%run_scoped3A : memref<!tpu.dma_semaphore, #tpu.memory_space<semaphore_mem>>) {add = true}
        %dma_wait3A_250 = arith.constant 0 : i32
        %dma_wait3A_251 = arith.constant 0 : i32
        %dma_wait3A_252 = tpu.memref_slice %arg12[%dma_wait3A_250, %dma_wait3A_251] : memref<10240x128xf32, #tpu.memory_space<vmem_shared>> -> memref<10240x128xf32, #tpu.memory_space<vmem_shared>>
        tpu.wait_indirect_dma semaphore(%run_scoped3A : memref<!tpu.dma_semaphore, #tpu.memory_space<semaphore_mem>>) src(%arg10 : memref<128x128xf32, #tpu.memory_space<vmem>>) dst(%dma_wait3A_252 : memref<10240x128xf32, #tpu.memory_space<vmem_shared>>)
        tpu.yield
      }) : () -> ()
    } else {
    }
    %barrier3A_28 = arith.constant 0 : index
    tpu.barrier barrier_id(%barrier3A_28)
    %mul3A_29 = arith.constant 640 : i32
    %mul3A_30 = arith.muli %arg1, %mul3A_29 : i32
    %mul3A_31 = arith.constant 640 : i32
    %mul3A_32 = arith.muli %arg1, %mul3A_31 : i32
    "tpu.region"() ({
      %run_scoped3A = tpu.sem_alloc : memref<!tpu.dma_semaphore, #tpu.memory_space<semaphore_mem>>
      %dma_start3A = arith.constant 0 : i32
      %dma_start3A_33 = tpu.memref_slice %arg5[%arg0, %mul3A_32, %dma_start3A] : memref<2x10240x128xf32, #tpu.memory_space<hbm>> -> memref<1x640x128xf32, #tpu.memory_space<hbm>>
      %dma_start3A_34 = tpu.memref_squeeze %dma_start3A_33 : memref<1x640x128xf32, #tpu.memory_space<hbm>> -> memref<640x128xf32, #tpu.memory_space<hbm>>
      %dma_start3A_35 = arith.constant 0 : i32
      %dma_start3A_36 = tpu.memref_slice %arg12[%mul3A_30, %dma_start3A_35] : memref<10240x128xf32, #tpu.memory_space<vmem_shared>> -> memref<640x128xf32, #tpu.memory_space<vmem_shared>>
      tpu.enqueue_dma source(%dma_start3A_36 : memref<640x128xf32, #tpu.memory_space<vmem_shared>>) target(%dma_start3A_34 : memref<640x128xf32, #tpu.memory_space<hbm>>) target_semaphore(%run_scoped3A : memref<!tpu.dma_semaphore, #tpu.memory_space<semaphore_mem>>)
      %dma_wait3A = arith.constant 0 : i32
      %dma_wait3A_37 = tpu.memref_slice %arg5[%arg0, %mul3A_32, %dma_wait3A] : memref<2x10240x128xf32, #tpu.memory_space<hbm>> -> memref<1x640x128xf32, #tpu.memory_space<hbm>>
      %dma_wait3A_38 = tpu.memref_squeeze %dma_wait3A_37 : memref<1x640x128xf32, #tpu.memory_space<hbm>> -> memref<640x128xf32, #tpu.memory_space<hbm>>
      %dma_wait3A_39 = arith.constant 0 : i32
      %dma_wait3A_40 = tpu.memref_slice %arg12[%mul3A_30, %dma_wait3A_39] : memref<10240x128xf32, #tpu.memory_space<vmem_shared>> -> memref<640x128xf32, #tpu.memory_space<vmem_shared>>
      tpu.wait_dma2 semaphore(%run_scoped3A : memref<!tpu.dma_semaphore, #tpu.memory_space<semaphore_mem>>) src(%dma_wait3A_40 : memref<640x128xf32, #tpu.memory_space<vmem_shared>>) dst(%dma_wait3A_38 : memref<640x128xf32, #tpu.memory_space<hbm>>)
      tpu.yield
    }) : () -> ()
    return
  }
}

module attributes {stable_mosaic.version = 14 : i64} {
  func.func @_tc_mlp1_body(%arg0: i32, %arg1: memref<1000x128xf32, #tpu.memory_space<vmem>>, %arg2: memref<2x1000x128xf32, #tpu.memory_space<vmem>>, %arg3: memref<128x128xf32, #tpu.memory_space<vmem>>, %arg4: memref<1x128xf32, #tpu.memory_space<vmem>>, %arg5: memref<128x128xf32, #tpu.memory_space<vmem>>, %arg6: memref<1x128xf32, #tpu.memory_space<vmem>>, %arg7: memref<1000x128xf32, #tpu.memory_space<vmem>>) attributes {dimension_semantics = [#tpu.dimension_semantics<arbitrary>], iteration_bounds = array<i64: 10>, scalar_prefetch = 0 : i64, scratch_operands = 0 : i64, tpu.core_type = #tpu.core_type<tc>, window_params = [{transform_indices = @transform_0, window_bounds = array<i64: 1000, 128>}, {transform_indices = @transform_1, window_bounds = array<i64: 2, 1000, 128>}, {pipeline_mode = #tpu.pipeline_mode<synchronous>, transform_indices = @transform_2, window_bounds = array<i64: 128, 128>}, {pipeline_mode = #tpu.pipeline_mode<synchronous>, transform_indices = @transform_3, window_bounds = array<i64: 1, 128>}, {pipeline_mode = #tpu.pipeline_mode<synchronous>, transform_indices = @transform_4, window_bounds = array<i64: 128, 128>}, {pipeline_mode = #tpu.pipeline_mode<synchronous>, transform_indices = @transform_5, window_bounds = array<i64: 1, 128>}, {transform_indices = @transform_6, window_bounds = array<i64: 1000, 128>}]} {
    %get3A = arith.constant 0 : index
    %get3A_0 = arith.constant 0 : index
    %get3A_1 = vector.load %arg1[%get3A, %get3A_0] : memref<1000x128xf32, #tpu.memory_space<vmem>>, vector<1000x128xf32>
    %get3A_2 = arith.constant 0 : index
    %get3A_3 = arith.constant 0 : index
    %get3A_4 = arith.constant 0 : index
    %get3A_5 = vector.load %arg2[%get3A_2, %get3A_3, %get3A_4] : memref<2x1000x128xf32, #tpu.memory_space<vmem>>, vector<1x1000x128xf32>
    %get3A_6 = vector.shape_cast %get3A_5 : vector<1x1000x128xf32> to vector<1000x128xf32>
    %add3A = arith.addf %get3A_1, %get3A_6 : vector<1000x128xf32>
    %get3A_7 = arith.constant 1 : index
    %get3A_8 = arith.constant 0 : index
    %get3A_9 = arith.constant 0 : index
    %get3A_10 = vector.load %arg2[%get3A_7, %get3A_8, %get3A_9] : memref<2x1000x128xf32, #tpu.memory_space<vmem>>, vector<1x1000x128xf32>
    %get3A_11 = vector.shape_cast %get3A_10 : vector<1x1000x128xf32> to vector<1000x128xf32>
    %add3A_12 = arith.addf %add3A, %get3A_11 : vector<1000x128xf32>
    %get3A_13 = arith.constant 0 : index
    %get3A_14 = arith.constant 0 : index
    %get3A_15 = vector.load %arg3[%get3A_13, %get3A_14] : memref<128x128xf32, #tpu.memory_space<vmem>>, vector<128x128xf32>
    %dot_general3A = arith.constant dense<0.000000e+00> : vector<1000x128xf32>
    %dot_general3A_16 = tpu.matmul %add3A_12, %get3A_15, %dot_general3A {dimension_numbers = #tpu.dot_dimension_numbers<[1], [0], [0], [1], [0, 0, 1, 1], [], []>, transpose_lhs_hint = false} : vector<1000x128xf32>, vector<128x128xf32>, vector<1000x128xf32> -> vector<1000x128xf32>
    %get3A_17 = arith.constant 0 : index
    %get3A_18 = arith.constant 0 : index
    %get3A_19 = vector.load %arg4[%get3A_17, %get3A_18] : memref<1x128xf32, #tpu.memory_space<vmem>>, vector<1x128xf32>
    %add3A_20 = vector.broadcast %get3A_19 : vector<1x128xf32> to vector<1000x128xf32>
    %add3A_21 = arith.addf %dot_general3A_16, %add3A_20 : vector<1000x128xf32>
    %max3A = arith.constant 0.000000e+00 : f32
    %max3A_22 = vector.broadcast %max3A : f32 to vector<1000x128xf32>
    %max3A_23 = arith.maximumf %add3A_21, %max3A_22 : vector<1000x128xf32>
    %get3A_24 = arith.constant 0 : index
    %get3A_25 = arith.constant 0 : index
    %get3A_26 = vector.load %arg5[%get3A_24, %get3A_25] : memref<128x128xf32, #tpu.memory_space<vmem>>, vector<128x128xf32>
    %dot_general3A_27 = arith.constant dense<0.000000e+00> : vector<1000x128xf32>
    %dot_general3A_28 = tpu.matmul %max3A_23, %get3A_26, %dot_general3A_27 {dimension_numbers = #tpu.dot_dimension_numbers<[1], [0], [0], [1], [0, 0, 1, 1], [], []>, transpose_lhs_hint = false} : vector<1000x128xf32>, vector<128x128xf32>, vector<1000x128xf32> -> vector<1000x128xf32>
    %get3A_29 = arith.constant 0 : index
    %get3A_30 = arith.constant 0 : index
    %get3A_31 = vector.load %arg6[%get3A_29, %get3A_30] : memref<1x128xf32, #tpu.memory_space<vmem>>, vector<1x128xf32>
    %add3A_32 = vector.broadcast %get3A_31 : vector<1x128xf32> to vector<1000x128xf32>
    %add3A_33 = arith.addf %dot_general3A_28, %add3A_32 : vector<1000x128xf32>
    %max3A_34 = arith.constant 0.000000e+00 : f32
    %max3A_35 = vector.broadcast %max3A_34 : f32 to vector<1000x128xf32>
    %max3A_36 = arith.maximumf %add3A_33, %max3A_35 : vector<1000x128xf32>
    %swap3A = arith.constant 0 : index
    %swap3A_37 = arith.constant 0 : index
    %swap3A_38 = vector.load %arg7[%swap3A, %swap3A_37] : memref<1000x128xf32, #tpu.memory_space<vmem>>, vector<1000x128xf32>
    tpu.vector_store %arg7[%swap3A, %swap3A_37], %max3A_36 {strides = array<i32>} : memref<1000x128xf32, #tpu.memory_space<vmem>>, vector<1000x128xf32>,
    return
  }
  func.func @transform_0(%arg0: i32) -> (i32, i32) {
    %c0_i32 = arith.constant 0 : i32
    %c0_i32_0 = arith.constant 0 : i32
    return %arg0, %c0_i32 : i32, i32
  }
  func.func @transform_1(%arg0: i32) -> (i32, i32, i32) {
    %c0_i32 = arith.constant 0 : i32
    %c0_i32_0 = arith.constant 0 : i32
    %c0_i32_1 = arith.constant 0 : i32
    return %c0_i32, %arg0, %c0_i32_0 : i32, i32, i32
  }
  func.func @transform_2(%arg0: i32) -> (i32, i32) {
    %c0_i32 = arith.constant 0 : i32
    %c0_i32_0 = arith.constant 0 : i32
    %c0_i32_1 = arith.constant 0 : i32
    return %c0_i32, %c0_i32_0 : i32, i32
  }
  func.func @transform_3(%arg0: i32) -> (i32, i32) {
    %c0_i32 = arith.constant 0 : i32
    %c0_i32_0 = arith.constant 0 : i32
    %c0_i32_1 = arith.constant 0 : i32
    return %c0_i32, %c0_i32_0 : i32, i32
  }
  func.func @transform_4(%arg0: i32) -> (i32, i32) {
    %c0_i32 = arith.constant 0 : i32
    %c0_i32_0 = arith.constant 0 : i32
    %c0_i32_1 = arith.constant 0 : i32
    return %c0_i32, %c0_i32_0 : i32, i32
  }
  func.func @transform_5(%arg0: i32) -> (i32, i32) {
    %c0_i32 = arith.constant 0 : i32
    %c0_i32_0 = arith.constant 0 : i32
    %c0_i32_1 = arith.constant 0 : i32
    return %c0_i32, %c0_i32_0 : i32, i32
  }
  func.func @transform_6(%arg0: i32) -> (i32, i32) {
    %c0_i32 = arith.constant 0 : i32
    %c0_i32_0 = arith.constant 0 : i32
    return %arg0, %c0_i32 : i32, i32
  }
}

module attributes {stable_mosaic.version = 14 : i64} {
  func.func @_tc_mlp2_body(%arg0: i32, %arg1: memref<1000x128xf32, #tpu.memory_space<vmem>>, %arg2: memref<2x1000x128xf32, #tpu.memory_space<vmem>>, %arg3: memref<128x128xf32, #tpu.memory_space<vmem>>, %arg4: memref<1x128xf32, #tpu.memory_space<vmem>>, %arg5: memref<128x128xf32, #tpu.memory_space<vmem>>, %arg6: memref<1x128xf32, #tpu.memory_space<vmem>>, %arg7: memref<128x128xf32, #tpu.memory_space<vmem>>, %arg8: memref<1x128xf32, #tpu.memory_space<vmem>>, %arg9: memref<1000x128xf32, #tpu.memory_space<vmem>>) attributes {dimension_semantics = [#tpu.dimension_semantics<arbitrary>], iteration_bounds = array<i64: 10>, scalar_prefetch = 0 : i64, scratch_operands = 0 : i64, tpu.core_type = #tpu.core_type<tc>, window_params = [{transform_indices = @transform_0, window_bounds = array<i64: 1000, 128>}, {transform_indices = @transform_1, window_bounds = array<i64: 2, 1000, 128>}, {pipeline_mode = #tpu.pipeline_mode<synchronous>, transform_indices = @transform_2, window_bounds = array<i64: 128, 128>}, {pipeline_mode = #tpu.pipeline_mode<synchronous>, transform_indices = @transform_3, window_bounds = array<i64: 1, 128>}, {pipeline_mode = #tpu.pipeline_mode<synchronous>, transform_indices = @transform_4, window_bounds = array<i64: 128, 128>}, {pipeline_mode = #tpu.pipeline_mode<synchronous>, transform_indices = @transform_5, window_bounds = array<i64: 1, 128>}, {pipeline_mode = #tpu.pipeline_mode<synchronous>, transform_indices = @transform_6, window_bounds = array<i64: 128, 128>}, {pipeline_mode = #tpu.pipeline_mode<synchronous>, transform_indices = @transform_7, window_bounds = array<i64: 1, 128>}, {transform_indices = @transform_8, window_bounds = array<i64: 1000, 128>}]} {
    %get3A = arith.constant 0 : index
    %get3A_0 = arith.constant 0 : index
    %get3A_1 = vector.load %arg1[%get3A, %get3A_0] : memref<1000x128xf32, #tpu.memory_space<vmem>>, vector<1000x128xf32>
    %get3A_2 = arith.constant 0 : index
    %get3A_3 = arith.constant 0 : index
    %get3A_4 = arith.constant 0 : index
    %get3A_5 = vector.load %arg2[%get3A_2, %get3A_3, %get3A_4] : memref<2x1000x128xf32, #tpu.memory_space<vmem>>, vector<1x1000x128xf32>
    %get3A_6 = vector.shape_cast %get3A_5 : vector<1x1000x128xf32> to vector<1000x128xf32>
    %add3A = arith.addf %get3A_1, %get3A_6 : vector<1000x128xf32>
    %get3A_7 = arith.constant 1 : index
    %get3A_8 = arith.constant 0 : index
    %get3A_9 = arith.constant 0 : index
    %get3A_10 = vector.load %arg2[%get3A_7, %get3A_8, %get3A_9] : memref<2x1000x128xf32, #tpu.memory_space<vmem>>, vector<1x1000x128xf32>
    %get3A_11 = vector.shape_cast %get3A_10 : vector<1x1000x128xf32> to vector<1000x128xf32>
    %add3A_12 = arith.addf %add3A, %get3A_11 : vector<1000x128xf32>
    %get3A_13 = arith.constant 0 : index
    %get3A_14 = arith.constant 0 : index
    %get3A_15 = vector.load %arg3[%get3A_13, %get3A_14] : memref<128x128xf32, #tpu.memory_space<vmem>>, vector<128x128xf32>
    %dot_general3A = arith.constant dense<0.000000e+00> : vector<1000x128xf32>
    %dot_general3A_16 = tpu.matmul %add3A_12, %get3A_15, %dot_general3A {dimension_numbers = #tpu.dot_dimension_numbers<[1], [0], [0], [1], [0, 0, 1, 1], [], []>, transpose_lhs_hint = false} : vector<1000x128xf32>, vector<128x128xf32>, vector<1000x128xf32> -> vector<1000x128xf32>
    %get3A_17 = arith.constant 0 : index
    %get3A_18 = arith.constant 0 : index
    %get3A_19 = vector.load %arg4[%get3A_17, %get3A_18] : memref<1x128xf32, #tpu.memory_space<vmem>>, vector<1x128xf32>
    %add3A_20 = vector.broadcast %get3A_19 : vector<1x128xf32> to vector<1000x128xf32>
    %add3A_21 = arith.addf %dot_general3A_16, %add3A_20 : vector<1000x128xf32>
    %max3A = arith.constant 0.000000e+00 : f32
    %max3A_22 = vector.broadcast %max3A : f32 to vector<1000x128xf32>
    %max3A_23 = arith.maximumf %add3A_21, %max3A_22 : vector<1000x128xf32>
    %get3A_24 = arith.constant 0 : index
    %get3A_25 = arith.constant 0 : index
    %get3A_26 = vector.load %arg5[%get3A_24, %get3A_25] : memref<128x128xf32, #tpu.memory_space<vmem>>, vector<128x128xf32>
    %dot_general3A_27 = arith.constant dense<0.000000e+00> : vector<1000x128xf32>
    %dot_general3A_28 = tpu.matmul %max3A_23, %get3A_26, %dot_general3A_27 {dimension_numbers = #tpu.dot_dimension_numbers<[1], [0], [0], [1], [0, 0, 1, 1], [], []>, transpose_lhs_hint = false} : vector<1000x128xf32>, vector<128x128xf32>, vector<1000x128xf32> -> vector<1000x128xf32>
    %get3A_29 = arith.constant 0 : index
    %get3A_30 = arith.constant 0 : index
    %get3A_31 = vector.load %arg6[%get3A_29, %get3A_30] : memref<1x128xf32, #tpu.memory_space<vmem>>, vector<1x128xf32>
    %add3A_32 = vector.broadcast %get3A_31 : vector<1x128xf32> to vector<1000x128xf32>
    %add3A_33 = arith.addf %dot_general3A_28, %add3A_32 : vector<1000x128xf32>
    %get3A_34 = arith.constant 0 : index
    %get3A_35 = arith.constant 0 : index
    %get3A_36 = vector.load %arg7[%get3A_34, %get3A_35] : memref<128x128xf32, #tpu.memory_space<vmem>>, vector<128x128xf32>
    %dot_general3A_37 = arith.constant dense<0.000000e+00> : vector<1000x128xf32>
    %dot_general3A_38 = tpu.matmul %add3A_33, %get3A_36, %dot_general3A_37 {dimension_numbers = #tpu.dot_dimension_numbers<[1], [0], [0], [1], [0, 0, 1, 1], [], []>, transpose_lhs_hint = false} : vector<1000x128xf32>, vector<128x128xf32>, vector<1000x128xf32> -> vector<1000x128xf32>
    %get3A_39 = arith.constant 0 : index
    %get3A_40 = arith.constant 0 : index
    %get3A_41 = vector.load %arg8[%get3A_39, %get3A_40] : memref<1x128xf32, #tpu.memory_space<vmem>>, vector<1x128xf32>
    %add3A_42 = vector.broadcast %get3A_41 : vector<1x128xf32> to vector<1000x128xf32>
    %add3A_43 = arith.addf %dot_general3A_38, %add3A_42 : vector<1000x128xf32>
    %reduce_max3A = arith.constant dense<0xFF800000> : vector<1000xf32>
    %reduce_max3A_44 = vector.multi_reduction <maximumf>, %add3A_43, %reduce_max3A [1] : vector<1000x128xf32> to vector<1000xf32>
    %broadcast_in_dim3A = vector.shape_cast %reduce_max3A_44 : vector<1000xf32> to vector<1000x1xf32>
    %sub3A = vector.broadcast %broadcast_in_dim3A : vector<1000x1xf32> to vector<1000x128xf32>
    %sub3A_45 = arith.subf %add3A_43, %sub3A : vector<1000x128xf32>
    %exp3A = math.exp %sub3A_45 : vector<1000x128xf32>
    %reduce_sum3A = arith.constant dense<0.000000e+00> : vector<1000xf32>
    %reduce_sum3A_46 = vector.multi_reduction <add>, %exp3A, %reduce_sum3A [1] : vector<1000x128xf32> to vector<1000xf32>
    %broadcast_in_dim3A_47 = vector.shape_cast %reduce_sum3A_46 : vector<1000xf32> to vector<1000x1xf32>
    %sub3A_48 = vector.broadcast %broadcast_in_dim3A : vector<1000x1xf32> to vector<1000x128xf32>
    %sub3A_49 = arith.subf %add3A_43, %sub3A_48 : vector<1000x128xf32>
    %log3A = math.log %broadcast_in_dim3A_47 : vector<1000x1xf32>
    %sub3A_50 = vector.broadcast %log3A : vector<1000x1xf32> to vector<1000x128xf32>
    %sub3A_51 = arith.subf %sub3A_49, %sub3A_50 : vector<1000x128xf32>
    %swap3A = arith.constant 0 : index
    %swap3A_52 = arith.constant 0 : index
    %swap3A_53 = vector.load %arg9[%swap3A, %swap3A_52] : memref<1000x128xf32, #tpu.memory_space<vmem>>, vector<1000x128xf32>
    tpu.vector_store %arg9[%swap3A, %swap3A_52], %sub3A_51 {strides = array<i32>} : memref<1000x128xf32, #tpu.memory_space<vmem>>, vector<1000x128xf32>,
    return
  }
  func.func @transform_0(%arg0: i32) -> (i32, i32) {
    %c0_i32 = arith.constant 0 : i32
    %c0_i32_0 = arith.constant 0 : i32
    return %arg0, %c0_i32 : i32, i32
  }
  func.func @transform_1(%arg0: i32) -> (i32, i32, i32) {
    %c0_i32 = arith.constant 0 : i32
    %c0_i32_0 = arith.constant 0 : i32
    %c0_i32_1 = arith.constant 0 : i32
    return %c0_i32, %arg0, %c0_i32_0 : i32, i32, i32
  }
  func.func @transform_2(%arg0: i32) -> (i32, i32) {
    %c0_i32 = arith.constant 0 : i32
    %c0_i32_0 = arith.constant 0 : i32
    %c0_i32_1 = arith.constant 0 : i32
    return %c0_i32, %c0_i32_0 : i32, i32
  }
  func.func @transform_3(%arg0: i32) -> (i32, i32) {
    %c0_i32 = arith.constant 0 : i32
    %c0_i32_0 = arith.constant 0 : i32
    %c0_i32_1 = arith.constant 0 : i32
    return %c0_i32, %c0_i32_0 : i32, i32
  }
  func.func @transform_4(%arg0: i32) -> (i32, i32) {
    %c0_i32 = arith.constant 0 : i32
    %c0_i32_0 = arith.constant 0 : i32
    %c0_i32_1 = arith.constant 0 : i32
    return %c0_i32, %c0_i32_0 : i32, i32
  }
  func.func @transform_5(%arg0: i32) -> (i32, i32) {
    %c0_i32 = arith.constant 0 : i32
    %c0_i32_0 = arith.constant 0 : i32
    %c0_i32_1 = arith.constant 0 : i32
    return %c0_i32, %c0_i32_0 : i32, i32
  }
  func.func @transform_6(%arg0: i32) -> (i32, i32) {
    %c0_i32 = arith.constant 0 : i32
    %c0_i32_0 = arith.constant 0 : i32
    %c0_i32_1 = arith.constant 0 : i32
    return %c0_i32, %c0_i32_0 : i32, i32
  }
  func.func @transform_7(%arg0: i32) -> (i32, i32) {
    %c0_i32 = arith.constant 0 : i32
    %c0_i32_0 = arith.constant 0 : i32
    %c0_i32_1 = arith.constant 0 : i32
    return %c0_i32, %c0_i32_0 : i32, i32
  }
  func.func @transform_8(%arg0: i32) -> (i32, i32) {
    %c0_i32 = arith.constant 0 : i32
    %c0_i32_0 = arith.constant 0 : i32
    return %arg0, %c0_i32 : i32, i32
  }
}

</mosaic_0001>

<sc_bundles>
// kernel: kernel.6.cloned.1.call-start
scs
__scs_entry_jumppad:
0x0: {  	(pc) =	sbr.rel $0x88, $3  }
0x1: {  	(tag) =	ssettag $0x0;
	lr =	simm.s32 $0x1  }
0x2: {  	[smem:$0x3F95] =	sst lr;
	_ =	strace $0xD0000000  }
0x3: {  	_ = 	snop  }
0x4: {  	_ = 	snop  }
0x5: {  	_ = 	snop  }
0x6: {  	_ = 	snop  }
0x7: {  	_ = 	snop  }
__scs_overlays_trampoline_lowered:
0x8: {  	[smem:$0x3FA4] =	sst s0  }
0x9: {  	[smem:$0x3FA5] =	sst s1  }
0xa: {  	[smem:$0x3FA6] =	sst s2  }
0xb: {  	[smem:$0x3FA7] =	sst s3  }
0xc: {  	[smem:$0x3FA8] =	sst s4  }
0xd: {  	[smem:$0x3FA9] =	sst s5  }
0xe: {  	[smem:$0x3FAA] =	sst s6  }
0xf: {  	[smem:$0x3FAB] =	sst s7  }
0x10: {  	[smem:$0x3FAC] =	sst s8  }
0x11: {  	[smem:$0x3FAD] =	sst s9;
	s0 =	simm.s32 @!p0 $0x0  }
0x12: {  	s1 =	sld [smem:$0x3F93];
	s0 =	simm.s32 @p0 $0x1  }
0x13: {  	[smem:$0x3FAE] =	sst s0;
	s0 =	simm.s32 @!p1 $0x0  }
0x14: {  	s2 =	sld [smem:$0x3F92];
	s0 =	simm.s32 @p1 $0x1  }
0x15: {  	[smem:$0x3FAF] =	sst s0;
	s0 =	simm.s32 @!p2 $0x0  }
0x16: {  	s3 =	sld [smem:$0x3FDB];
	s0 =	simm.s32 @p2 $0x1  }
0x17: {  	s4 =	simm.s32 $0x1BF5;
	[smem:$0x3FB1] =	sst s0  }
0x18: {  	s0 =	sld [smem:$0x3F94];
	_ =	swait.ge [sflag:s4], $0x0  }
0x19: {  	s7 =	sld [smem:$0x3F95]  }
0x1a: {  	s8 =	sadd.s32 $0xFFFFE003, lr  }
0x1b: {  	s9 =	sadd.s32 $0xFFFFFEF7, lr;
	s5 =	simm.s32 $0xFFFFFFFF;
	p2 =	slt.u32 s8, $0xFFFFF086  }
0x1c: {  	p1 =	slt.u32 s9, $0xF7A;
	s5 =	simm.s32 @!p2 $0x0  }
0x1d: {  	s5 =	simm.s32 @p1 $0x1;
	p0 =	seq.s32 s7, s2  }
0x1e: {  	s7 =	smul.u32 @!p0 $0xF7A, s2;
	p2 =	seq.s32 @!p0 s5, $0x0  }
0x1f: {  	s9 =	smul.u32 $0xF7A, s1;
	s8 =	simm.s32 @!p0 $0x1BF5;
	p2 =	por !p2, p0  }
0x20: {  	[sflag:s8] =	ssyncset.s32 @!p0 $0xFFFFF086;
	s6 =	sadd.s32 @!p0 s3, s7;
	s7 =	simm.s32 @!p0 $0x108  }
0x21: {  	s3 =	sadd.s32 s3, s9;
	s6 =	sadd.s32 @!p0 $0x88, s6;
	s7 =	simm.s32 @p2 $0x1082  }
0x22: {  	[simem:s7], [sflag:s8] =	dma.local @!p0 [hbm:s6], $0xF7A  }
0x23: {  	s9 =	sor.u32 $0xD0000000, s2;
	s6 =	simm.s32 $0x108;
	_ =	swait.ge @!p0 [sflag:s8], $0x0  }
0x24: {  	s3 =	sadd.s32 $0x88, s3;
	s6 =	simm.s32 @!p1 $0x1082;
	[sflag:s4] =	ssyncset.s32 $0xFFFFF086  }
0x25: {  	[simem:s6], [sflag:s4] =	dma.local [hbm:s3], $0xF7A  }
0x26: {  	[smem:$0x3F95] =	sst s1;
	(tag) =	ssettag s2;
	_ =	strace s9  }
0x27: {  	s1 =	sld [smem:$0x3FA5]  }
0x28: {  	s2 =	sld [smem:$0x3FA6]  }
0x29: {  	s4 =	sld [smem:$0x3FA8]  }
0x2a: {  	p0 =	seq.s32 s5, $0x0;
	s5 =	sld [smem:$0x3FA9]  }
0x2b: {  	s6 =	sld [smem:$0x3FAA]  }
0x2c: {  	s7 =	sld [smem:$0x3FAB]  }
0x2d: {  	s3 =	simm.s32 $0x108;
	s8 =	sld [smem:$0x3FAC]  }
0x2e: {  	s3 =	simm.s32 @!p0 $0x1082;
	s9 =	sld [smem:$0x3FAD]  }
0x2f: {  	lr =	sadd.s32 s0, s3;
	s0 =	sld [smem:$0x3FA4]  }
0x30: {  	s3 =	sld [smem:$0x3FA7]  }
0x31: {  	[smem:$0x3FB0] =	sst s10  }
0x32: {  	s10 =	sld [smem:$0x3FAE];
	_ =	sdelay $0x3  }
0x33: {  	p0 =	seq.s32 s10, $0x1;
	s10 =	sld [smem:$0x3FB0];
	_ =	sdelay $0x3  }
0x34: {  	[smem:$0x3FB0] =	sst s10  }
0x35: {  	s10 =	sld [smem:$0x3FAF];
	_ =	sdelay $0x3  }
0x36: {  	p1 =	seq.s32 s10, $0x1;
	s10 =	sld [smem:$0x3FB0];
	_ =	sdelay $0x3  }
0x37: {  	[smem:$0x3FB0] =	sst s10  }
0x38: {  	s10 =	sld [smem:$0x3FB1]  }
0x39: {  	_ = 	snop;
	(pc) =	sbr.ind lr, $3  }
0x3a: {  	_ = 	snop  }
0x3b: {  	_ = 	snop  }
0x3c: {  	p2 =	seq.s32 s10, $0x1;
	s10 =	sld [smem:$0x3FB0]  }
0x3d: {  	_ =	shalt  }
0x3e: {  	_ =	shalt  }
0x3f: {  	_ =	shalt  }
0x40: {  	_ =	shalt  }
0x41: {  	_ =	shalt  }
0x42: {  	_ =	shalt  }
0x43: {  	_ =	shalt  }
0x44: {  	_ =	shalt  }
0x45: {  	_ =	shalt  }
0x46: {  	_ =	shalt  }
0x47: {  	_ =	shalt  }
0x48: {  	_ =	shalt  }
0x49: {  	_ =	shalt  }
0x4a: {  	_ =	shalt  }
0x4b: {  	_ =	shalt  }
0x4c: {  	_ =	shalt  }
0x4d: {  	_ =	shalt  }
0x4e: {  	_ =	shalt  }
0x4f: {  	_ =	shalt  }
0x50: {  	_ =	shalt  }
0x51: {  	_ =	shalt  }
0x52: {  	_ =	shalt  }
0x53: {  	_ =	shalt  }
0x54: {  	_ =	shalt  }
0x55: {  	_ =	shalt  }
0x56: {  	_ =	shalt  }
0x57: {  	_ =	shalt  }
0x58: {  	_ =	shalt  }
0x59: {  	_ =	shalt  }
0x5a: {  	_ =	shalt  }
0x5b: {  	_ =	shalt  }
0x5c: {  	_ =	shalt  }
0x5d: {  	_ =	shalt  }
0x5e: {  	_ =	shalt  }
0x5f: {  	_ =	shalt  }
0x60: {  	_ =	shalt  }
0x61: {  	_ =	shalt  }
0x62: {  	_ =	shalt  }
0x63: {  	_ =	shalt  }
0x64: {  	_ =	shalt  }
0x65: {  	_ =	shalt  }
0x66: {  	_ =	shalt  }
0x67: {  	_ =	shalt  }
0x68: {  	_ =	shalt  }
0x69: {  	_ =	shalt  }
0x6a: {  	_ =	shalt  }
0x6b: {  	_ =	shalt  }
0x6c: {  	_ =	shalt  }
0x6d: {  	_ =	shalt  }
0x6e: {  	_ =	shalt  }
0x6f: {  	_ =	shalt  }
0x70: {  	_ =	shalt  }
0x71: {  	_ =	shalt  }
0x72: {  	_ =	shalt  }
0x73: {  	_ =	shalt  }
0x74: {  	_ =	shalt  }
0x75: {  	_ =	shalt  }
0x76: {  	_ =	shalt  }
0x77: {  	_ =	shalt  }
0x78: {  	_ =	shalt  }
0x79: {  	_ =	shalt  }
0x7a: {  	_ =	shalt  }
0x7b: {  	_ =	shalt  }
0x7c: {  	_ =	shalt  }
0x7d: {  	_ =	shalt  }
0x7e: {  	_ =	shalt  }
0x7f: {  	_ =	shalt  }
0x80: {  	_ =	shalt  }
0x81: {  	_ =	shalt  }
0x82: {  	_ =	shalt  }
0x83: {  	_ =	shalt  }
0x84: {  	_ =	shalt  }
0x85: {  	_ =	shalt  }
0x86: {  	_ =	shalt  }
0x87: {  	_ =	shalt  }
.Lfunc_end0:
.L_simem_size_0:
called_computation_lowered:
.L_overlay_start_0:
0x88: {  	s2 =	sld [smem:$0x3FD9]  }
0x89: {  	s3 =	sld [smem:$0x3FFE];
	_ =	sdelay $0x1  }
0x8a: {  	s1 =	srdreg.scid  }
0x8b: {  	s0 =	sand.u32 $0x1, s1  }
0x8c: {  	s17 =	sshll.u32 s0, $0xA;
	s2 =	sadd.s32 s3, s2  }
0x8d: {  	s2 =	sadd.s32 s2, s17  }
0x8e: {  	[smem:$0x3FBC] =	sst s2  }
0x8f: {  	_ = 	snop  }
0x90: {  	s2 =	sld [smem:$0x3FC9]  }
0x91: {  	s18 =	sld [smem:$0x3FD0];
	(tm) =	ssettm $0x1  }
0x92: {  	s4 =	sld [smem:$0x3FFB];
	_ =	sdelay $0x3  }
0x93: {  	_ =	strace s4  }
0x94: {  	s4 =	sld [smem:$0x3FFC];
	_ =	sdelay $0x3  }
0x95: {  	_ =	strace s4  }
0x96: {  	s4 =	sld [smem:$0x3FFD];
	_ =	sdelay $0x3  }
0x97: {  	_ =	strace s4  }
0x98: {  	_ =	strace $0x8FFFFFFF  }
0x99: {  	s19 =	sld [smem:$0x3FDB];
	_ =	sdelay $0x1  }
0x9a: {  	s5 =	simm.s32 $_scs_section_size  }
0x9b: {  	s6 =	simm.s32 $_size__tile_overlayer_lowered;
	s7 =	simm.s32 $_tile_overlayer_lowered  }
0x9c: {  	s22 =	simm.s32 $0x1BFF;
	s21 =	sshll.u32 s7, $0x1;
	s4 =	sadd.s32 s5, s19  }
0x9d: {  	s8 =	simm.s32 $0x0;
	s20 =	sshll.u32 s6, $0x1;
	s6 =	sadd.s32 s21, s4  }
0x9e: {  	[timem:s8], [sflag:s22] =	dma.local [hbm:s6], s20  }
0x9f: {  	_ =	swait.ge [sflag:s22], s20  }
0xa0: {  	s5 =	ssub.s32 $0x0, s20;
	[sflag:s22] =	ssyncset.done $0x0  }
0xa1: {  	[sflag:s22] =	ssyncadd.s32 s5;
	_ =	sdelay $0x1  }
0xa2: {  	s23 =	simm.s32 $0x1B8B  }
0xa3: {  	_ =	swait.ge [sflag:s23], $0x1  }
0xa4: {  	[sflag:s23] =	ssyncset.done $0x0  }
0xa5: {  	s25 =	simm.s32 $0x1B8E;
	s24 =	sld [smem:$0x3FFE];
	[sflag:s23] =	ssyncadd.s32 $0xFFFFFFFF  }
0xa6: {  	s26 =	simm.s32 $execute0_lowered;
	[smem:$0x3FD2] =	sst s25  }
0xa7: {  	s6 =	sshll.u32 s26, $0x1;
	_ =	strace $0x80000046;
	[dreg:$0x1] =	wrdreg $0xFFFFFFFF  }
0xa8: {  	s28 =	simm.s32 $_size_execute0_lowered;
	s4 =	sadd.s32 s4, s6;
	[dreg:$0x0] =	wrdreg $0x0  }
0xa9: {  	s6 =	sshll.u32 s28, $0x1;
	[dreg:$0x2] =	wrdreg s4  }
0xaa: {  	[dreg:$0x3] =	wrdreg s6  }
0xab: {  	[dreg:$0x4] =	wrdreg $0xC0  }
0xac: {  	_ =	task [dreg:s8], $0x5FFFF  }
0xad: {  	[dreg:$0x1] =	wrdreg $0xFFFFFFFF  }
0xae: {  	[dreg:$0x0] =	wrdreg $0x60  }
0xaf: {  	[dreg:$0x2] =	wrdreg s2  }
0xb0: {  	[dreg:$0x3] =	wrdreg s24  }
0xb1: {  	[dreg:$0x4] =	wrdreg s18  }
0xb2: {  	[dreg:$0x5] =	wrdreg $0x83000  }
0xb3: {  	[dreg:$0x6] =	wrdreg $0x9  }
0xb4: {  	_ =	task.clear_ibuf [dreg:s8], $0x7FFFF;
	_ =	strace $0x90000046  }
0xb5: {  	s29 =	simm.s32 $0x9;
	_ =	strace $0x80000048  }
0xb6: {  	_ =	swait.ge [sflag:s29], $0x1  }
0xb7: {  	[sflag:s29] =	ssyncadd.s32 $0xFFFFFFFF  }
0xb8: {  	_ =	strace $0x90000048  }
0xb9: {  	_ =	sfence  }
0xba: {  	s30 =	sld [smem:$0x0];
	_ =	sdelay $0x2  }
0xbb: {  	s31 =	sshll.u32 s1, $0xD;
	s1 =	sshrl.u32 s1, $0x2  }
0xbc: {  	s3 =	sand.u32 $0x4000, s31;
	s1 =	sadd.s32 s1, s30  }
0xbd: {  	s0 =	sor.u32 s3, s0;
	s1 =	sshll.u32 s1, $0x11  }
0xbe: {  	s0 =	sor.u32 s1, s0  }
0xbf: {  	s0 =	sadd.s32 $0x8F2B, s0  }
0xc0: {  	[sflag:s0] =	ssyncadd.remote.s32 $0x1  }
0xc1: {  	_ =	sfence.sel $0xFFFF  }
0xc2: {  	[dreg:$0x0] =	wrdreg $0xFFFFFFFF;
	(pc) =	sbr.abs _section_cstart, $3  }
0xc3: {  	[dreg:$0x1] =	wrdreg $0xFFFFFFFF  }
0xc4: {  	_ =	task.clear_ibuf [dreg:s8], $0x2FFFF;
	_ =	strace $0x9FFFFFFF  }
0xc5: {  	(tm) =	ssettm $0x7FFFFFFF  }
tec
execute0_lowered:
.L_overlay_start_1:
0x0: {  	(tag) =	ssettag $0x1  }
0x1: {  	s0 =	rddreg [dreg:$0x0];
	s2 =	srdreg.scid  }
0x2: {  	s1 =	rddreg [dreg:$0x1];
	s3 =	sand.u32 $0x1, s2  }
0x3: {  	s2 =	stileid.u32;
	s7 =	smul.u32 $0x140000, s3  }
0x4: {  	s4 =	rddreg [dreg:$0x3];
	s5 =	simm.s32 $0x0;
	s8 =	smul.u32 $0x14000, s2  }
0x5: {  	s28 =	simm.s32 $0x1;
	s29 =	simm.s32 $0x200;
	s9 =	smul.u32 $0x50000, s2  }
0x6: {  	s30 =	simm.s32 $0x2;
	s31 =	simm.s32 $0x280;
	s13 =	smul.u32 $0x6D00, s2  }
0x7: {  	[smem:$0x7FF] =	sst s5;
	s6 =	sadd.s32 $0x1E00, s1;
	s17 =	smul.u32 $0x3100, s2  }
0x8: {  	_ =	strace $0x80000047;
	s10 =	ssub.s32 $0x2, s3;
	s25 =	smul.u32 $0xDA0, s2  }
0x9: {  	p0 =	seq.s32 s3, $0x1;
	s26 =	smul.u32 $0x620, s2;
	s22 =	sshrl.u32 s10, $0x1  }
0xa: {  	s7 =	sadd.s32 s8, s7;
	s21 =	sshrl.u32 s9, $0x2;
	s19 =	ssub.s32 s10, s22  }
0xb: {  	s12 =	sshrl.u32 s13, $0x3;
	s24 =	sshrl.u32 s17, $0x3;
	s14 =	sadd.s32 $0x6C00, s13  }
0xc: {  	s17 =	sadd.s32 $0x70000, s17;
	s20 =	sadd.s32 s25, s6;
	s22 =	simm.s32 $0x300  }
0xd: {  	s25 =	simm.s32 $0x100;
	s8 =	sshrl.u32 s7, $0x3;
	s7 =	sadd.s32 s21, s4  }
0xe: {  	s12 =	sadd.s32 s6, s12;
	s3 =	sadd.s32 s6, s24;
	s19 =	smax.u32 s19, $0x1  }
0xf: {  	s21 =	sadd.s32 s26, s6;
	s24 =	simm.s32 $0x80;
	s26 =	simm.s32 $0x4300  }
.Ltmp0:
0x10: {  	s1 =	sadd.s32 s8, s1;
	s23 =	sadd.s32 $0x20, s12;
	(pc) =	sbr.rel .LBB2_1-.Ltmp0, $4  }
0x11: {  	s8 =	sadd.s32 $0x4000, s7;
	s15 =	sadd.s32 $0xDA00, s3;
	[dreg:$0x5] =	wrdreg s23  }
0x12: {  	s9 =	sadd.s32 $0x8000, s7;
	s3 =	sadd.s32 $0xDA20, s3;
	[dreg:$0x6] =	wrdreg s15  }
0x13: {  	s10 =	sadd.s32 $0xC000, s7;
	s11 =	sadd.s32 $0x10000, s7;
	[dreg:$0x7] =	wrdreg s3  }
0x14: {  	s18 =	sadd.s32 $0x15A00, s1;
	s23 =	simm.s32 $0x3;
	s1 =	simm.s32 $0x0  }
.LBB2_7:
0x15: {  	[sflag:s23] =	ssyncset.done $0x0;
	s3 =	sadd.s32 s3, s21  }
0x16: {  	[sflag:s23] =	ssyncadd.s32 $0xFFFFC000;
	s13 =	sadd.s32 $0xE000, s3  }
0x17: {  	[tilespmem:s5], [sflag:$0x3] =	stream.linear.gather [hbm4b:s13+s5], $0x100, $0x38;
	[tilespmem:$0x1C300] =	vst v63  }
0x18: {  	_ =	swait.ge [sflag:s23], $0x100  }
0x19: {  	[sflag:s23] =	ssyncset.done $0x0  }
0x1a: {  	[sflag:s23] =	ssyncadd.s32 $0xFFFFFF00  }
0x1b: {  	v0 =	vld [tilespmem:$0xC0]  }
0x1c: {  	v1 =	vld [tilespmem:$0xF0]  }
0x1d: {  	v2 =	vld [tilespmem:$0xE0]  }
0x1e: {  	v3 =	vld [tilespmem:$0xD0]  }
0x1f: {  	v4 =	vld [tilespmem:$0xB0]  }
0x20: {  	v5 =	vld [tilespmem:$0xA0];
	[tilespmem:$0x240] =	vst v0  }
0x21: {  	v54 =	vld [tilespmem:$0x80];
	[tilespmem:$0x270] =	vst v1  }
0x22: {  	v55 =	vld [tilespmem:$0x90];
	[tilespmem:$0x260] =	vst v2  }
0x23: {  	[tilespmem:$0x250] =	vst v3  }
0x24: {  	[tilespmem:$0x230] =	vst v4  }
0x25: {  	[tilespmem:$0x220] =	vst v5  }
0x26: {  	[tilespmem:$0x200] =	vst v54  }
0x27: {  	[tilespmem:$0x210] =	vst v55  }
0x28: {  	[tilespmem:s22], [sflag:$0x1] =	stream.indirect.gather [hbm4b:s0+s24], $0x80, s5, s24, $0xb8;
	[tilespmem:$0x1C300] =	vst v63  }
0x29: {  	_ =	swait.ge [sflag:s30], $0x4000  }
0x2a: {  	[sflag:s30] =	ssyncset.done $0x0  }
0x2b: {  	[sflag:s30] =	ssyncadd.s32 $0xFFFFC000  }
0x2c: {  	[spmem:s4] =	stream.indirect.scatter.add.f32 [tilespmem:s26], [sflag:$0x3], $0x80, s31, s24, $0xb8;
	[tilespmem:$0x1C300] =	vst v63  }
0x2d: {  	_ =	swait.ge [sflag:s23], $0x4000  }
0x2e: {  	[sflag:s23] =	ssyncset.done $0x0  }
0x2f: {  	s3 =	sadd.s32 $0xE020, s3;
	[sflag:s23] =	ssyncadd.s32 $0xFFFFC000  }
0x30: {  	[tilespmem:s25], [sflag:$0x3] =	stream.linear.gather [hbm4b:s3+s5], $0x100, $0x38;
	[tilespmem:$0x1C300] =	vst v63  }
0x31: {  	_ =	swait.ge [sflag:s23], $0x100  }
0x32: {  	[sflag:s23] =	ssyncset.done $0x0  }
0x33: {  	[sflag:s23] =	ssyncadd.s32 $0xFFFFFF00  }
0x34: {  	v56 =	vld [tilespmem:$0x180]  }
0x35: {  	v57 =	vld [tilespmem:$0x1F0]  }
0x36: {  	v58 =	vld [tilespmem:$0x1E0]  }
0x37: {  	v59 =	vld [tilespmem:$0x1D0]  }
0x38: {  	v60 =	vld [tilespmem:$0x190]  }
0x39: {  	v61 =	vld [tilespmem:$0x1B0];
	[tilespmem:$0x280] =	vst v56  }
0x3a: {  	v62 =	vld [tilespmem:$0x1A0];
	[tilespmem:$0x2F0] =	vst v57  }
0x3b: {  	v63 =	vld [tilespmem:$0x1C0];
	[tilespmem:$0x2E0] =	vst v58  }
0x3c: {  	[tilespmem:$0x2D0] =	vst v59  }
0x3d: {  	[tilespmem:$0x290] =	vst v60  }
0x3e: {  	[tilespmem:$0x2B0] =	vst v61  }
0x3f: {  	[tilespmem:$0x2A0] =	vst v62  }
0x40: {  	s3 =	smov.u32 s17;
	[tilespmem:$0x2C0] =	vst v63  }
0x41: {  	[tilespmem:s26], [sflag:$0x2] =	stream.indirect.gather [hbm4b:s0+s24], $0x80, s25, s24, $0xb8;
	[tilespmem:$0x1C300] =	vst v63  }
.LBB2_8:
0x42: {  	_ =	swait.ge [sflag:s28], $0x4000  }
0x43: {  	[sflag:s28] =	ssyncset.done $0x0  }
0x44: {  	[sflag:s28] =	ssyncadd.s32 $0xFFFFC000  }
0x45: {  	[spmem:s4] =	stream.indirect.scatter.add.f32 [tilespmem:s22], [sflag:$0x3], $0x80, s29, s24, $0xb8;
	[tilespmem:$0x1C300] =	vst v63  }
0x46: {  	_ =	swait.ge [sflag:s23], $0x4000  }
0x47: {  	s3 =	sshrl.u32 s3, $0x3;
	[sflag:s23] =	ssyncset.done $0x0  }
0x48: {  	s3 =	sadd.s32 s6, s3;
	[sflag:s23] =	ssyncadd.s32 $0xFFFFC000  }
0x49: {  	[tilespmem:s5], [sflag:$0x3] =	stream.linear.gather [hbm4b:s3+s5], $0x100, $0x38;
	[tilespmem:$0x1C300] =	vst v63  }
0x4a: {  	_ =	swait.ge [sflag:s23], $0x100  }
0x4b: {  	[sflag:s23] =	ssyncset.done $0x0  }
0x4c: {  	[sflag:s23] =	ssyncadd.s32 $0xFFFFFF00  }
0x4d: {  	v0 =	vld [tilespmem:$0x80]  }
0x4e: {  	v1 =	vld [tilespmem:$0x90]  }
0x4f: {  	v2 =	vld [tilespmem:$0xA0]  }
0x50: {  	v3 =	vld [tilespmem:$0xB0]  }
0x51: {  	v4 =	vld [tilespmem:$0xC0]  }
0x52: {  	v61 =	vld [tilespmem:$0xD0];
	[tilespmem:$0x200] =	vst v0  }
0x53: {  	v62 =	vld [tilespmem:$0xE0];
	[tilespmem:$0x210] =	vst v1  }
0x54: {  	v63 =	vld [tilespmem:$0xF0];
	[tilespmem:$0x220] =	vst v2  }
0x55: {  	[tilespmem:$0x230] =	vst v3  }
0x56: {  	[tilespmem:$0x240] =	vst v4  }
0x57: {  	[tilespmem:$0x250] =	vst v61  }
0x58: {  	[tilespmem:$0x260] =	vst v62  }
0x59: {  	[tilespmem:$0x270] =	vst v63  }
0x5a: {  	[tilespmem:s22], [sflag:$0x1] =	stream.indirect.gather [hbm4b:s0+s24], $0x80, s5, s24, $0xb8;
	[tilespmem:$0x1C300] =	vst v63  }
0x5b: {  	_ =	swait.ge [sflag:s30], $0x4000  }
0x5c: {  	[sflag:s30] =	ssyncset.done $0x0  }
0x5d: {  	[sflag:s30] =	ssyncadd.s32 $0xFFFFC000  }
0x5e: {  	[spmem:s4] =	stream.indirect.scatter.add.f32 [tilespmem:s26], [sflag:$0x3], $0x80, s31, s24, $0xb8;
	[tilespmem:$0x1C300] =	vst v63  }
0x5f: {  	_ =	swait.ge [sflag:s23], $0x4000  }
0x60: {  	[sflag:s23] =	ssyncset.done $0x0  }
0x61: {  	[sflag:s23] =	ssyncadd.s32 $0xFFFFC000  }
0x62: {  	_ =	swait.ge [sflag:s28], $0x4000  }
0x63: {  	[sflag:s28] =	ssyncset.done $0x0  }
0x64: {  	[sflag:s28] =	ssyncadd.s32 $0xFFFFC000  }
0x65: {  	[spmem:s4] =	stream.indirect.scatter.add.f32 [tilespmem:s22], [sflag:$0x3], $0x80, s29, s24, $0xb8;
	[tilespmem:$0x1C300] =	vst v63  }
0x66: {  	_ =	swait.ge [sflag:s23], $0x4000  }
0x67: {  	s16 =	sshll.u32 s2, $0x6;
	s1 =	sadd.s32 $0x1, s1;
	[sflag:s23] =	ssyncset.done $0x0  }
0x68: {  	s13 =	sshrl.u32 s7, $0x3;
	p1 =	sne.s32 s1, s19;
	[sflag:s23] =	ssyncadd.s32 $0xFFFFC000  }
.Ltmp1:
0x69: {  	s3 =	sor.u32 $0x1C03, s16;
	[bflag:$0x0] =	sbarrier.arrive $0xFFFF;
	(pc) =	sbr.rel @!p1 .LBB2_9-.Ltmp1, $4  }
0x6a: {  	[hbm:s18], [sflag:s3] =	dma.local [spmem:s13], $0x2800  }
0x6b: {  	_ =	swait.ge [sflag:s23], $0x2800  }
0x6c: {  	[sflag:s23] =	ssyncset.done $0x0  }
0x6d: {  	[sflag:s23] =	ssyncadd.s32 $0xFFFFD800  }
.LBB2_1:
0x6e: {  	s3 =	rddreg [dreg:$0x2]  }
0x6f: {  	[tilespmem:s22], [sflag:$0x3] =	stream.linear.gather [hbm4b:s3+s5], $0x4000, $0x38;
	[tilespmem:$0x1C300] =	vst v63  }
0x70: {  	_ =	swait.ge [sflag:s23], $0x4000  }
0x71: {  	[sflag:s23] =	ssyncset.done $0x0  }
0x72: {  	[sflag:s23] =	ssyncadd.s32 $0xFFFFC000  }
0x73: {  	[spmem:s7] =	stream.linear.scatter [tilespmem:s22], [sflag:$0x3], $0x4000, $0x38;
	[tilespmem:$0x1C300] =	vst v63  }
0x74: {  	_ =	swait.ge [sflag:s23], $0x4000  }
0x75: {  	[sflag:s23] =	ssyncset.done $0x0  }
0x76: {  	[sflag:s23] =	ssyncadd.s32 $0xFFFFC000  }
0x77: {  	[spmem:s8] =	stream.linear.scatter [tilespmem:s22], [sflag:$0x3], $0x4000, $0x38;
	[tilespmem:$0x1C300] =	vst v63  }
0x78: {  	_ =	swait.ge [sflag:s23], $0x4000  }
0x79: {  	[sflag:s23] =	ssyncset.done $0x0  }
0x7a: {  	[sflag:s23] =	ssyncadd.s32 $0xFFFFC000  }
0x7b: {  	[spmem:s9] =	stream.linear.scatter [tilespmem:s22], [sflag:$0x3], $0x4000, $0x38;
	[tilespmem:$0x1C300] =	vst v63  }
0x7c: {  	_ =	swait.ge [sflag:s23], $0x4000  }
0x7d: {  	[sflag:s23] =	ssyncset.done $0x0  }
0x7e: {  	[sflag:s23] =	ssyncadd.s32 $0xFFFFC000  }
0x7f: {  	[spmem:s10] =	stream.linear.scatter [tilespmem:s22], [sflag:$0x3], $0x4000, $0x38;
	[tilespmem:$0x1C300] =	vst v63  }
0x80: {  	_ =	swait.ge [sflag:s23], $0x4000  }
0x81: {  	[sflag:s23] =	ssyncset.done $0x0  }
0x82: {  	[sflag:s23] =	ssyncadd.s32 $0xFFFFC000  }
0x83: {  	[spmem:s11] =	stream.linear.scatter [tilespmem:s22], [sflag:$0x3], $0x4000, $0x38;
	[tilespmem:$0x1C300] =	vst v63  }
.Ltmp2:
0x84: {  	_ =	swait.ge [sflag:s23], $0x4000;
	(pc) =	sbr.rel @!p0 .LBB2_2-.Ltmp2, $3  }
0x85: {  	[sflag:s23] =	ssyncset.done $0x0  }
0x86: {  	[sflag:s23] =	ssyncadd.s32 $0xFFFFC000  }
0x87: {  	[bflag:$0x0] =	sbarrier.arrive $0xFFFF;
	_ =	sdelay $0x1  }
0x88: {  	s3 =	rddreg [dreg:$0x6]  }
0x89: {  	[tilespmem:s5], [sflag:$0x3] =	stream.linear.gather [hbm4b:s3+s5], $0x100, $0x38;
	[tilespmem:$0x1C300] =	vst v63  }
0x8a: {  	_ =	swait.ge [sflag:s23], $0x100  }
0x8b: {  	[sflag:s23] =	ssyncset.done $0x0  }
0x8c: {  	[sflag:s23] =	ssyncadd.s32 $0xFFFFFF00  }
0x8d: {  	v0 =	vld [tilespmem:$0x80]  }
0x8e: {  	v1 =	vld [tilespmem:$0x90]  }
0x8f: {  	v2 =	vld [tilespmem:$0xA0]  }
0x90: {  	v3 =	vld [tilespmem:$0xB0]  }
0x91: {  	v4 =	vld [tilespmem:$0xC0]  }
0x92: {  	v53 =	vld [tilespmem:$0xD0];
	[tilespmem:$0x200] =	vst v0  }
0x93: {  	v54 =	vld [tilespmem:$0xE0];
	[tilespmem:$0x210] =	vst v1  }
0x94: {  	v55 =	vld [tilespmem:$0xF0];
	[tilespmem:$0x220] =	vst v2  }
0x95: {  	[tilespmem:$0x230] =	vst v3  }
0x96: {  	[tilespmem:$0x240] =	vst v4  }
0x97: {  	[tilespmem:$0x250] =	vst v53  }
0x98: {  	[tilespmem:$0x260] =	vst v54  }
0x99: {  	[tilespmem:$0x270] =	vst v55  }
0x9a: {  	[tilespmem:s22], [sflag:$0x1] =	stream.indirect.gather [hbm4b:s0+s24], $0x80, s5, s24, $0xb8;
	[tilespmem:$0x1C300] =	vst v63  }
0x9b: {  	s16 =	rddreg [dreg:$0x7]  }
0x9c: {  	[tilespmem:s25], [sflag:$0x3] =	stream.linear.gather [hbm4b:s16+s5], $0x100, $0x38;
	[tilespmem:$0x1C300] =	vst v63  }
0x9d: {  	_ =	swait.ge [sflag:s23], $0x100  }
0x9e: {  	[sflag:s23] =	ssyncset.done $0x0  }
0x9f: {  	[sflag:s23] =	ssyncadd.s32 $0xFFFFFF00  }
0xa0: {  	v56 =	vld [tilespmem:$0x180]  }
0xa1: {  	v57 =	vld [tilespmem:$0x190]  }
0xa2: {  	v58 =	vld [tilespmem:$0x1A0]  }
0xa3: {  	v59 =	vld [tilespmem:$0x1B0]  }
0xa4: {  	v60 =	vld [tilespmem:$0x1C0]  }
0xa5: {  	v61 =	vld [tilespmem:$0x1D0];
	[tilespmem:$0x280] =	vst v56  }
0xa6: {  	v62 =	vld [tilespmem:$0x1E0];
	[tilespmem:$0x290] =	vst v57  }
0xa7: {  	v63 =	vld [tilespmem:$0x1F0];
	[tilespmem:$0x2A0] =	vst v58  }
0xa8: {  	[tilespmem:$0x2B0] =	vst v59  }
0xa9: {  	[tilespmem:$0x2C0] =	vst v60  }
0xaa: {  	[tilespmem:$0x2D0] =	vst v61  }
0xab: {  	[tilespmem:$0x2E0] =	vst v62  }
0xac: {  	[tilespmem:$0x2F0] =	vst v63  }
0xad: {  	[tilespmem:s26], [sflag:$0x2] =	stream.indirect.gather [hbm4b:s0+s24], $0x80, s25, s24, $0xb8;
	[tilespmem:$0x1C300] =	vst v63  }
0xae: {  	_ =	swait.ge [sflag:s28], $0x4000  }
0xaf: {  	[sflag:s28] =	ssyncset.done $0x0  }
0xb0: {  	[sflag:s28] =	ssyncadd.s32 $0xFFFFC000  }
0xb1: {  	[spmem:s4] =	stream.indirect.scatter.add.f32 [tilespmem:s22], [sflag:$0x3], $0x80, s29, s24, $0xb8;
	[tilespmem:$0x1C300] =	vst v63  }
0xb2: {  	s13 =	simm.s32 $0xFFFFFA80;
	s3 =	simm.s32 $0xFFFFFA40;
	_ =	swait.ge [sflag:s23], $0x4000  }
.LBB2_6:
0xb3: {  	p1 =	sne.s32 s13, $0xFFFFFFC0  }
0xb4: {  	[sflag:s23] =	ssyncset.done $0x0;
	s15 =	sadd.s32 s3, s21;
	s3 =	smov.u32 s13  }
0xb5: {  	s13 =	sadd.s32 $0x40, s13;
	[sflag:s23] =	ssyncadd.s32 $0xFFFFC000;
	s16 =	sadd.s32 $0xE000, s15  }
0xb6: {  	[tilespmem:s5], [sflag:$0x3] =	stream.linear.gather [hbm4b:s16+s5], $0x100, $0x38;
	[tilespmem:$0x1C300] =	vst v63  }
0xb7: {  	_ =	swait.ge [sflag:s23], $0x100  }
0xb8: {  	[sflag:s23] =	ssyncset.done $0x0  }
0xb9: {  	[sflag:s23] =	ssyncadd.s32 $0xFFFFFF00  }
0xba: {  	v0 =	vld [tilespmem:$0xC0]  }
0xbb: {  	v1 =	vld [tilespmem:$0xF0]  }
0xbc: {  	v2 =	vld [tilespmem:$0xE0]  }
0xbd: {  	v3 =	vld [tilespmem:$0xD0]  }
0xbe: {  	v4 =	vld [tilespmem:$0xB0]  }
0xbf: {  	v5 =	vld [tilespmem:$0xA0];
	[tilespmem:$0x240] =	vst v0  }
0xc0: {  	v0 =	vld [tilespmem:$0x80];
	[tilespmem:$0x270] =	vst v1  }
0xc1: {  	v1 =	vld [tilespmem:$0x90];
	[tilespmem:$0x260] =	vst v2  }
0xc2: {  	[tilespmem:$0x250] =	vst v3  }
0xc3: {  	[tilespmem:$0x230] =	vst v4  }
0xc4: {  	[tilespmem:$0x220] =	vst v5  }
0xc5: {  	[tilespmem:$0x200] =	vst v0  }
0xc6: {  	[tilespmem:$0x210] =	vst v1  }
0xc7: {  	[tilespmem:s22], [sflag:$0x1] =	stream.indirect.gather [hbm4b:s0+s24], $0x80, s5, s24, $0xb8;
	[tilespmem:$0x1C300] =	vst v63  }
0xc8: {  	_ =	swait.ge [sflag:s30], $0x4000  }
0xc9: {  	[sflag:s30] =	ssyncset.done $0x0  }
0xca: {  	[sflag:s30] =	ssyncadd.s32 $0xFFFFC000  }
0xcb: {  	[spmem:s4] =	stream.indirect.scatter.add.f32 [tilespmem:s26], [sflag:$0x3], $0x80, s31, s24, $0xb8;
	[tilespmem:$0x1C300] =	vst v63  }
0xcc: {  	_ =	swait.ge [sflag:s23], $0x4000  }
0xcd: {  	[sflag:s23] =	ssyncset.done $0x0  }
0xce: {  	s15 =	sadd.s32 $0xE020, s15;
	[sflag:s23] =	ssyncadd.s32 $0xFFFFC000  }
0xcf: {  	[tilespmem:s25], [sflag:$0x3] =	stream.linear.gather [hbm4b:s15+s5], $0x100, $0x38;
	[tilespmem:$0x1C300] =	vst v63  }
0xd0: {  	_ =	swait.ge [sflag:s23], $0x100  }
0xd1: {  	[sflag:s23] =	ssyncset.done $0x0  }
0xd2: {  	[sflag:s23] =	ssyncadd.s32 $0xFFFFFF00  }
0xd3: {  	v0 =	vld [tilespmem:$0x180]  }
0xd4: {  	v1 =	vld [tilespmem:$0x1F0]  }
0xd5: {  	v2 =	vld [tilespmem:$0x1E0]  }
0xd6: {  	v3 =	vld [tilespmem:$0x1D0]  }
0xd7: {  	v4 =	vld [tilespmem:$0x190]  }
0xd8: {  	[tilespmem:$0x280] =	vst v0;
	v0 =	vld [tilespmem:$0x1B0]  }
0xd9: {  	v5 =	vld [tilespmem:$0x1A0];
	[tilespmem:$0x2F0] =	vst v1  }
0xda: {  	v1 =	vld [tilespmem:$0x1C0];
	[tilespmem:$0x2E0] =	vst v2  }
0xdb: {  	[tilespmem:$0x2D0] =	vst v3  }
0xdc: {  	[tilespmem:$0x290] =	vst v4  }
0xdd: {  	[tilespmem:$0x2B0] =	vst v0  }
0xde: {  	[tilespmem:$0x2A0] =	vst v5  }
0xdf: {  	[tilespmem:$0x2C0] =	vst v1  }
0xe0: {  	[tilespmem:s26], [sflag:$0x2] =	stream.indirect.gather [hbm4b:s0+s24], $0x80, s25, s24, $0xb8;
	[tilespmem:$0x1C300] =	vst v63  }
.Ltmp3:
0xe1: {  	_ =	swait.ge [sflag:s28], $0x4000;
	(pc) =	sbr.rel @p1 .LBB2_6-.Ltmp3, $4  }
0xe2: {  	[sflag:s28] =	ssyncset.done $0x0  }
0xe3: {  	[sflag:s28] =	ssyncadd.s32 $0xFFFFC000  }
0xe4: {  	[spmem:s4] =	stream.indirect.scatter.add.f32 [tilespmem:s22], [sflag:$0x3], $0x80, s29, s24, $0xb8;
	[tilespmem:$0x1C300] =	vst v63  }
0xe5: {  	_ =	swait.ge [sflag:s23], $0x4000  }
.Ltmp4:
0xe6: {  	_ = 	snop;
	(pc) =	sbr.rel .LBB2_7-.Ltmp4, $1  }
0xe7: {  	_ =	sdelay $0x3  }
.LBB2_2:
0xe8: {  	[tilespmem:s5], [sflag:$0x3] =	stream.linear.gather [hbm4b:s12+s5], $0x100, $0x38;
	[tilespmem:$0x1C300] =	vst v63  }
0xe9: {  	_ =	swait.ge [sflag:s23], $0x100  }
0xea: {  	[sflag:s23] =	ssyncset.done $0x0  }
0xeb: {  	[sflag:s23] =	ssyncadd.s32 $0xFFFFFF00  }
0xec: {  	v0 =	vld [tilespmem:$0x80]  }
0xed: {  	v1 =	vld [tilespmem:$0x90]  }
0xee: {  	v2 =	vld [tilespmem:$0xA0]  }
0xef: {  	v3 =	vld [tilespmem:$0xB0]  }
0xf0: {  	v4 =	vld [tilespmem:$0xC0]  }
0xf1: {  	v53 =	vld [tilespmem:$0xD0];
	[tilespmem:$0x200] =	vst v0  }
0xf2: {  	v54 =	vld [tilespmem:$0xE0];
	[tilespmem:$0x210] =	vst v1  }
0xf3: {  	v55 =	vld [tilespmem:$0xF0];
	[tilespmem:$0x220] =	vst v2  }
0xf4: {  	[tilespmem:$0x230] =	vst v3  }
0xf5: {  	[tilespmem:$0x240] =	vst v4  }
0xf6: {  	[tilespmem:$0x250] =	vst v53  }
0xf7: {  	[tilespmem:$0x260] =	vst v54  }
0xf8: {  	[tilespmem:$0x270] =	vst v55  }
0xf9: {  	[tilespmem:s22], [sflag:$0x1] =	stream.indirect.gather [hbm4b:s0+s24], $0x80, s5, s24, $0xb8;
	[tilespmem:$0x1C300] =	vst v63  }
0xfa: {  	s3 =	rddreg [dreg:$0x5]  }
0xfb: {  	[tilespmem:s25], [sflag:$0x3] =	stream.linear.gather [hbm4b:s3+s5], $0x100, $0x38;
	[tilespmem:$0x1C300] =	vst v63  }
0xfc: {  	_ =	swait.ge [sflag:s23], $0x100  }
0xfd: {  	[sflag:s23] =	ssyncset.done $0x0  }
0xfe: {  	[sflag:s23] =	ssyncadd.s32 $0xFFFFFF00  }
0xff: {  	v56 =	vld [tilespmem:$0x180]  }
0x100: {  	v57 =	vld [tilespmem:$0x190]  }
0x101: {  	v58 =	vld [tilespmem:$0x1A0]  }
0x102: {  	v59 =	vld [tilespmem:$0x1B0]  }
0x103: {  	v60 =	vld [tilespmem:$0x1C0]  }
0x104: {  	v61 =	vld [tilespmem:$0x1D0];
	[tilespmem:$0x280] =	vst v56  }
0x105: {  	v62 =	vld [tilespmem:$0x1E0];
	[tilespmem:$0x290] =	vst v57  }
0x106: {  	v63 =	vld [tilespmem:$0x1F0];
	[tilespmem:$0x2A0] =	vst v58  }
0x107: {  	[tilespmem:$0x2B0] =	vst v59  }
0x108: {  	[tilespmem:$0x2C0] =	vst v60  }
0x109: {  	[tilespmem:$0x2D0] =	vst v61  }
0x10a: {  	[tilespmem:$0x2E0] =	vst v62  }
0x10b: {  	[tilespmem:$0x2F0] =	vst v63  }
0x10c: {  	[tilespmem:s26], [sflag:$0x2] =	stream.indirect.gather [hbm4b:s0+s24], $0x80, s25, s24, $0xb8;
	[tilespmem:$0x1C300] =	vst v63  }
0x10d: {  	_ =	swait.ge [sflag:s28], $0x4000  }
0x10e: {  	[sflag:s28] =	ssyncset.done $0x0  }
0x10f: {  	[sflag:s28] =	ssyncadd.s32 $0xFFFFC000  }
0x110: {  	[spmem:s4] =	stream.indirect.scatter.add.f32 [tilespmem:s22], [sflag:$0x3], $0x80, s29, s24, $0xb8;
	[tilespmem:$0x1C300] =	vst v63  }
0x111: {  	s13 =	simm.s32 $0xFFFFF300;
	s3 =	simm.s32 $0xFFFFF2C0;
	_ =	swait.ge [sflag:s23], $0x4000  }
.LBB2_3:
0x112: {  	p1 =	seq.s32 s13, $0xFFFFFFC0  }
0x113: {  	[sflag:s23] =	ssyncset.done $0x0;
	s15 =	sadd.s32 s3, s20;
	s3 =	smov.u32 s13  }
0x114: {  	s13 =	sadd.s32 $0x40, s13;
	[sflag:s23] =	ssyncadd.s32 $0xFFFFC000;
	s16 =	sadd.s32 $0xD80, s15  }
0x115: {  	[tilespmem:s5], [sflag:$0x3] =	stream.linear.gather [hbm4b:s16+s5], $0x100, $0x38;
	[tilespmem:$0x1C300] =	vst v63  }
0x116: {  	_ =	swait.ge [sflag:s23], $0x100  }
0x117: {  	[sflag:s23] =	ssyncset.done $0x0  }
0x118: {  	[sflag:s23] =	ssyncadd.s32 $0xFFFFFF00  }
0x119: {  	v0 =	vld [tilespmem:$0xC0]  }
0x11a: {  	v1 =	vld [tilespmem:$0xF0]  }
0x11b: {  	v2 =	vld [tilespmem:$0xE0]  }
0x11c: {  	v3 =	vld [tilespmem:$0xD0]  }
0x11d: {  	v4 =	vld [tilespmem:$0xB0]  }
0x11e: {  	v5 =	vld [tilespmem:$0xA0];
	[tilespmem:$0x240] =	vst v0  }
0x11f: {  	v0 =	vld [tilespmem:$0x80];
	[tilespmem:$0x270] =	vst v1  }
0x120: {  	v1 =	vld [tilespmem:$0x90];
	[tilespmem:$0x260] =	vst v2  }
0x121: {  	[tilespmem:$0x250] =	vst v3  }
0x122: {  	[tilespmem:$0x230] =	vst v4  }
0x123: {  	[tilespmem:$0x220] =	vst v5  }
0x124: {  	[tilespmem:$0x200] =	vst v0  }
0x125: {  	[tilespmem:$0x210] =	vst v1  }
0x126: {  	[tilespmem:s22], [sflag:$0x1] =	stream.indirect.gather [hbm4b:s0+s24], $0x80, s5, s24, $0xb8;
	[tilespmem:$0x1C300] =	vst v63  }
0x127: {  	_ =	swait.ge [sflag:s30], $0x4000  }
0x128: {  	[sflag:s30] =	ssyncset.done $0x0  }
0x129: {  	[sflag:s30] =	ssyncadd.s32 $0xFFFFC000  }
0x12a: {  	[spmem:s4] =	stream.indirect.scatter.add.f32 [tilespmem:s26], [sflag:$0x3], $0x80, s31, s24, $0xb8;
	[tilespmem:$0x1C300] =	vst v63  }
0x12b: {  	_ =	swait.ge [sflag:s23], $0x4000  }
0x12c: {  	[sflag:s23] =	ssyncset.done $0x0  }
0x12d: {  	s15 =	sadd.s32 $0xDA0, s15;
	[sflag:s23] =	ssyncadd.s32 $0xFFFFC000  }
0x12e: {  	[tilespmem:s25], [sflag:$0x3] =	stream.linear.gather [hbm4b:s15+s5], $0x100, $0x38;
	[tilespmem:$0x1C300] =	vst v63  }
0x12f: {  	_ =	swait.ge [sflag:s23], $0x100  }
0x130: {  	[sflag:s23] =	ssyncset.done $0x0  }
0x131: {  	[sflag:s23] =	ssyncadd.s32 $0xFFFFFF00  }
0x132: {  	v0 =	vld [tilespmem:$0x180]  }
0x133: {  	v1 =	vld [tilespmem:$0x1F0]  }
0x134: {  	v2 =	vld [tilespmem:$0x1E0]  }
0x135: {  	v3 =	vld [tilespmem:$0x1D0]  }
0x136: {  	v4 =	vld [tilespmem:$0x190]  }
0x137: {  	[tilespmem:$0x280] =	vst v0;
	v0 =	vld [tilespmem:$0x1B0]  }
0x138: {  	v5 =	vld [tilespmem:$0x1A0];
	[tilespmem:$0x2F0] =	vst v1  }
0x139: {  	v1 =	vld [tilespmem:$0x1C0];
	[tilespmem:$0x2E0] =	vst v2  }
0x13a: {  	[tilespmem:$0x2D0] =	vst v3  }
0x13b: {  	[tilespmem:$0x290] =	vst v4  }
0x13c: {  	[tilespmem:$0x2B0] =	vst v0  }
0x13d: {  	[tilespmem:$0x2A0] =	vst v5  }
0x13e: {  	[tilespmem:$0x2C0] =	vst v1  }
0x13f: {  	[tilespmem:s26], [sflag:$0x2] =	stream.indirect.gather [hbm4b:s0+s24], $0x80, s25, s24, $0xb8;
	[tilespmem:$0x1C300] =	vst v63  }
.Ltmp5:
0x140: {  	_ =	swait.ge [sflag:s28], $0x4000;
	(pc) =	sbr.rel @!p1 .LBB2_3-.Ltmp5, $4  }
0x141: {  	[sflag:s28] =	ssyncset.done $0x0  }
0x142: {  	[sflag:s28] =	ssyncadd.s32 $0xFFFFC000  }
0x143: {  	[spmem:s4] =	stream.indirect.scatter.add.f32 [tilespmem:s22], [sflag:$0x3], $0x80, s29, s24, $0xb8;
	[tilespmem:$0x1C300] =	vst v63  }
0x144: {  	_ =	swait.ge [sflag:s23], $0x4000  }
0x145: {  	[sflag:s23] =	ssyncset.done $0x0;
	s3 =	sadd.s32 s3, s20  }
0x146: {  	[sflag:s23] =	ssyncadd.s32 $0xFFFFC000;
	s13 =	sadd.s32 $0xD80, s3  }
0x147: {  	[tilespmem:s5], [sflag:$0x3] =	stream.linear.gather [hbm4b:s13+s5], $0x100, $0x38;
	[tilespmem:$0x1C300] =	vst v63  }
0x148: {  	_ =	swait.ge [sflag:s23], $0x100  }
0x149: {  	[sflag:s23] =	ssyncset.done $0x0  }
0x14a: {  	[sflag:s23] =	ssyncadd.s32 $0xFFFFFF00  }
0x14b: {  	v0 =	vld [tilespmem:$0xC0]  }
0x14c: {  	v1 =	vld [tilespmem:$0xF0]  }
0x14d: {  	v2 =	vld [tilespmem:$0xE0]  }
0x14e: {  	v3 =	vld [tilespmem:$0xD0]  }
0x14f: {  	v4 =	vld [tilespmem:$0xB0]  }
0x150: {  	v5 =	vld [tilespmem:$0xA0];
	[tilespmem:$0x240] =	vst v0  }
0x151: {  	v54 =	vld [tilespmem:$0x80];
	[tilespmem:$0x270] =	vst v1  }
0x152: {  	v55 =	vld [tilespmem:$0x90];
	[tilespmem:$0x260] =	vst v2  }
0x153: {  	[tilespmem:$0x250] =	vst v3  }
0x154: {  	[tilespmem:$0x230] =	vst v4  }
0x155: {  	[tilespmem:$0x220] =	vst v5  }
0x156: {  	[tilespmem:$0x200] =	vst v54  }
0x157: {  	[tilespmem:$0x210] =	vst v55  }
0x158: {  	[tilespmem:s22], [sflag:$0x1] =	stream.indirect.gather [hbm4b:s0+s24], $0x80, s5, s24, $0xb8;
	[tilespmem:$0x1C300] =	vst v63  }
0x159: {  	_ =	swait.ge [sflag:s30], $0x4000  }
0x15a: {  	[sflag:s30] =	ssyncset.done $0x0  }
0x15b: {  	[sflag:s30] =	ssyncadd.s32 $0xFFFFC000  }
0x15c: {  	[spmem:s4] =	stream.indirect.scatter.add.f32 [tilespmem:s26], [sflag:$0x3], $0x80, s31, s24, $0xb8;
	[tilespmem:$0x1C300] =	vst v63  }
0x15d: {  	_ =	swait.ge [sflag:s23], $0x4000  }
0x15e: {  	[sflag:s23] =	ssyncset.done $0x0  }
0x15f: {  	s3 =	sadd.s32 $0xDA0, s3;
	[sflag:s23] =	ssyncadd.s32 $0xFFFFC000  }
0x160: {  	[tilespmem:s25], [sflag:$0x3] =	stream.linear.gather [hbm4b:s3+s5], $0x100, $0x38;
	[tilespmem:$0x1C300] =	vst v63  }
0x161: {  	_ =	swait.ge [sflag:s23], $0x100  }
0x162: {  	[sflag:s23] =	ssyncset.done $0x0  }
0x163: {  	[sflag:s23] =	ssyncadd.s32 $0xFFFFFF00  }
0x164: {  	v56 =	vld [tilespmem:$0x180]  }
0x165: {  	v57 =	vld [tilespmem:$0x1F0]  }
0x166: {  	v58 =	vld [tilespmem:$0x1E0]  }
0x167: {  	v59 =	vld [tilespmem:$0x1D0]  }
0x168: {  	v60 =	vld [tilespmem:$0x190]  }
0x169: {  	v61 =	vld [tilespmem:$0x1B0];
	[tilespmem:$0x280] =	vst v56  }
0x16a: {  	v62 =	vld [tilespmem:$0x1A0];
	[tilespmem:$0x2F0] =	vst v57  }
0x16b: {  	v63 =	vld [tilespmem:$0x1C0];
	[tilespmem:$0x2E0] =	vst v58  }
0x16c: {  	[tilespmem:$0x2D0] =	vst v59  }
.Ltmp6:
0x16d: {  	[tilespmem:$0x290] =	vst v60;
	(pc) =	sbr.rel .LBB2_8-.Ltmp6, $4  }
0x16e: {  	[tilespmem:$0x2B0] =	vst v61  }
0x16f: {  	[tilespmem:$0x2A0] =	vst v62  }
0x170: {  	s3 =	smov.u32 s14;
	[tilespmem:$0x2C0] =	vst v63  }
0x171: {  	[tilespmem:s26], [sflag:$0x2] =	stream.indirect.gather [hbm4b:s0+s24], $0x80, s25, s24, $0xb8;
	[tilespmem:$0x1C300] =	vst v63  }
.LBB2_9:
0x172: {  	_ =	sfence.sel $0x180000  }
0x173: {  	[bflag:$0x0] =	sbarrier.arrive $0xFFFF  }
0x174: {  	_ =	strace $0x90000047  }
0x175: {  	[bflag:$0x2] =	sbarrier.arrive $0xFFFF  }
0x176: {  	p0 =	sne.s32 s2, $0x0;
	s0 =	rddreg [dreg:$0x4]  }
0x177: {  	s0 =	sadd.s32 @!p0 $0x100000, s0  }
0x178: {  	[sflag:s0] =	ssyncadd.tile.s32 @!p0 $0x1;
	_ =	shalt  }
.Lfunc_end2:
_tile_overlayer_lowered:
.L_overlay_start_2:
0x179: {  	(tag) =	ssettag $0x2  }
0x17a: {  	s0 =	rddreg [dreg:$0x0];
	s2 =	stileid.u32  }
0x17b: {  	s1 =	rddreg [dreg:$0x1];
	p0 =	sne.s32 s2, $0x0  }
0x17c: {  	s3 =	rddreg [dreg:$0x2];
	[bflag:$0x3] =	sbarrier.arrive $0xFFFF;
	s2 =	simm.s32 @!p0 $0x1C03  }
0x17d: {  	[timem:s3], [sflag:s2] =	dma.local @!p0 [hbm:s0], s1  }
0x17e: {  	s0 =	simm.s32 @!p0 $0x3  }
0x17f: {  	_ =	swait.ge @!p0 [sflag:s0], s1  }
0x180: {  	s1 =	ssub.s32 @!p0 $0x0, s1;
	[sflag:s0] =	ssyncset.done @!p0 $0x0  }
0x181: {  	[sflag:s0] =	ssyncadd.s32 @!p0 s1  }
0x182: {  	[bflag:$0x3] =	sbarrier.arrive $0xFFFF  }
0x183: {  	_ =	shalt  }

// kernel: kernel.9.cloned.1.call-start
scs
__scs_entry_jumppad:
0x0: {  	(pc) =	sbr.rel $0x88, $3  }
0x1: {  	(tag) =	ssettag $0x0;
	lr =	simm.s32 $0x1  }
0x2: {  	[smem:$0x3F95] =	sst lr;
	_ =	strace $0xD0000000  }
0x3: {  	_ = 	snop  }
0x4: {  	_ = 	snop  }
0x5: {  	_ = 	snop  }
0x6: {  	_ = 	snop  }
0x7: {  	_ = 	snop  }
__scs_overlays_trampoline_lowered:
0x8: {  	[smem:$0x3FA4] =	sst s0  }
0x9: {  	[smem:$0x3FA5] =	sst s1  }
0xa: {  	[smem:$0x3FA6] =	sst s2  }
0xb: {  	[smem:$0x3FA7] =	sst s3  }
0xc: {  	[smem:$0x3FA8] =	sst s4  }
0xd: {  	[smem:$0x3FA9] =	sst s5  }
0xe: {  	[smem:$0x3FAA] =	sst s6  }
0xf: {  	[smem:$0x3FAB] =	sst s7  }
0x10: {  	[smem:$0x3FAC] =	sst s8  }
0x11: {  	[smem:$0x3FAD] =	sst s9;
	s0 =	simm.s32 @!p0 $0x0  }
0x12: {  	s1 =	sld [smem:$0x3F93];
	s0 =	simm.s32 @p0 $0x1  }
0x13: {  	[smem:$0x3FAE] =	sst s0;
	s0 =	simm.s32 @!p1 $0x0  }
0x14: {  	s2 =	sld [smem:$0x3F92];
	s0 =	simm.s32 @p1 $0x1  }
0x15: {  	[smem:$0x3FAF] =	sst s0;
	s0 =	simm.s32 @!p2 $0x0  }
0x16: {  	s3 =	sld [smem:$0x3FDB];
	s0 =	simm.s32 @p2 $0x1  }
0x17: {  	s4 =	simm.s32 $0x1BF5;
	[smem:$0x3FB1] =	sst s0  }
0x18: {  	s0 =	sld [smem:$0x3F94];
	_ =	swait.ge [sflag:s4], $0x0  }
0x19: {  	s7 =	sld [smem:$0x3F95]  }
0x1a: {  	s8 =	sadd.s32 $0xFFFFE003, lr  }
0x1b: {  	s9 =	sadd.s32 $0xFFFFFEF7, lr;
	s5 =	simm.s32 $0xFFFFFFFF;
	p2 =	slt.u32 s8, $0xFFFFF086  }
0x1c: {  	p1 =	slt.u32 s9, $0xF7A;
	s5 =	simm.s32 @!p2 $0x0  }
0x1d: {  	s5 =	simm.s32 @p1 $0x1;
	p0 =	seq.s32 s7, s2  }
0x1e: {  	s7 =	smul.u32 @!p0 $0xF7A, s2;
	p2 =	seq.s32 @!p0 s5, $0x0  }
0x1f: {  	s9 =	smul.u32 $0xF7A, s1;
	s8 =	simm.s32 @!p0 $0x1BF5;
	p2 =	por !p2, p0  }
0x20: {  	[sflag:s8] =	ssyncset.s32 @!p0 $0xFFFFF086;
	s6 =	sadd.s32 @!p0 s3, s7;
	s7 =	simm.s32 @!p0 $0x108  }
0x21: {  	s3 =	sadd.s32 s3, s9;
	s6 =	sadd.s32 @!p0 $0x88, s6;
	s7 =	simm.s32 @p2 $0x1082  }
0x22: {  	[simem:s7], [sflag:s8] =	dma.local @!p0 [hbm:s6], $0xF7A  }
0x23: {  	s9 =	sor.u32 $0xD0000000, s2;
	s6 =	simm.s32 $0x108;
	_ =	swait.ge @!p0 [sflag:s8], $0x0  }
0x24: {  	s3 =	sadd.s32 $0x88, s3;
	s6 =	simm.s32 @!p1 $0x1082;
	[sflag:s4] =	ssyncset.s32 $0xFFFFF086  }
0x25: {  	[simem:s6], [sflag:s4] =	dma.local [hbm:s3], $0xF7A  }
0x26: {  	[smem:$0x3F95] =	sst s1;
	(tag) =	ssettag s2;
	_ =	strace s9  }
0x27: {  	s1 =	sld [smem:$0x3FA5]  }
0x28: {  	s2 =	sld [smem:$0x3FA6]  }
0x29: {  	s4 =	sld [smem:$0x3FA8]  }
0x2a: {  	p0 =	seq.s32 s5, $0x0;
	s5 =	sld [smem:$0x3FA9]  }
0x2b: {  	s6 =	sld [smem:$0x3FAA]  }
0x2c: {  	s7 =	sld [smem:$0x3FAB]  }
0x2d: {  	s3 =	simm.s32 $0x108;
	s8 =	sld [smem:$0x3FAC]  }
0x2e: {  	s3 =	simm.s32 @!p0 $0x1082;
	s9 =	sld [smem:$0x3FAD]  }
0x2f: {  	lr =	sadd.s32 s0, s3;
	s0 =	sld [smem:$0x3FA4]  }
0x30: {  	s3 =	sld [smem:$0x3FA7]  }
0x31: {  	[smem:$0x3FB0] =	sst s10  }
0x32: {  	s10 =	sld [smem:$0x3FAE];
	_ =	sdelay $0x3  }
0x33: {  	p0 =	seq.s32 s10, $0x1;
	s10 =	sld [smem:$0x3FB0];
	_ =	sdelay $0x3  }
0x34: {  	[smem:$0x3FB0] =	sst s10  }
0x35: {  	s10 =	sld [smem:$0x3FAF];
	_ =	sdelay $0x3  }
0x36: {  	p1 =	seq.s32 s10, $0x1;
	s10 =	sld [smem:$0x3FB0];
	_ =	sdelay $0x3  }
0x37: {  	[smem:$0x3FB0] =	sst s10  }
0x38: {  	s10 =	sld [smem:$0x3FB1]  }
0x39: {  	_ = 	snop;
	(pc) =	sbr.ind lr, $3  }
0x3a: {  	_ = 	snop  }
0x3b: {  	_ = 	snop  }
0x3c: {  	p2 =	seq.s32 s10, $0x1;
	s10 =	sld [smem:$0x3FB0]  }
0x3d: {  	_ =	shalt  }
0x3e: {  	_ =	shalt  }
0x3f: {  	_ =	shalt  }
0x40: {  	_ =	shalt  }
0x41: {  	_ =	shalt  }
0x42: {  	_ =	shalt  }
0x43: {  	_ =	shalt  }
0x44: {  	_ =	shalt  }
0x45: {  	_ =	shalt  }
0x46: {  	_ =	shalt  }
0x47: {  	_ =	shalt  }
0x48: {  	_ =	shalt  }
0x49: {  	_ =	shalt  }
0x4a: {  	_ =	shalt  }
0x4b: {  	_ =	shalt  }
0x4c: {  	_ =	shalt  }
0x4d: {  	_ =	shalt  }
0x4e: {  	_ =	shalt  }
0x4f: {  	_ =	shalt  }
0x50: {  	_ =	shalt  }
0x51: {  	_ =	shalt  }
0x52: {  	_ =	shalt  }
0x53: {  	_ =	shalt  }
0x54: {  	_ =	shalt  }
0x55: {  	_ =	shalt  }
0x56: {  	_ =	shalt  }
0x57: {  	_ =	shalt  }
0x58: {  	_ =	shalt  }
0x59: {  	_ =	shalt  }
0x5a: {  	_ =	shalt  }
0x5b: {  	_ =	shalt  }
0x5c: {  	_ =	shalt  }
0x5d: {  	_ =	shalt  }
0x5e: {  	_ =	shalt  }
0x5f: {  	_ =	shalt  }
0x60: {  	_ =	shalt  }
0x61: {  	_ =	shalt  }
0x62: {  	_ =	shalt  }
0x63: {  	_ =	shalt  }
0x64: {  	_ =	shalt  }
0x65: {  	_ =	shalt  }
0x66: {  	_ =	shalt  }
0x67: {  	_ =	shalt  }
0x68: {  	_ =	shalt  }
0x69: {  	_ =	shalt  }
0x6a: {  	_ =	shalt  }
0x6b: {  	_ =	shalt  }
0x6c: {  	_ =	shalt  }
0x6d: {  	_ =	shalt  }
0x6e: {  	_ =	shalt  }
0x6f: {  	_ =	shalt  }
0x70: {  	_ =	shalt  }
0x71: {  	_ =	shalt  }
0x72: {  	_ =	shalt  }
0x73: {  	_ =	shalt  }
0x74: {  	_ =	shalt  }
0x75: {  	_ =	shalt  }
0x76: {  	_ =	shalt  }
0x77: {  	_ =	shalt  }
0x78: {  	_ =	shalt  }
0x79: {  	_ =	shalt  }
0x7a: {  	_ =	shalt  }
0x7b: {  	_ =	shalt  }
0x7c: {  	_ =	shalt  }
0x7d: {  	_ =	shalt  }
0x7e: {  	_ =	shalt  }
0x7f: {  	_ =	shalt  }
0x80: {  	_ =	shalt  }
0x81: {  	_ =	shalt  }
0x82: {  	_ =	shalt  }
0x83: {  	_ =	shalt  }
0x84: {  	_ =	shalt  }
0x85: {  	_ =	shalt  }
0x86: {  	_ =	shalt  }
0x87: {  	_ =	shalt  }
.Lfunc_end0:
.L_simem_size_0:
called_computation.1_lowered:
.L_overlay_start_0:
0x88: {  	s2 =	sld [smem:$0x3FD9]  }
0x89: {  	s3 =	sld [smem:$0x3FFE];
	_ =	sdelay $0x1  }
0x8a: {  	s1 =	srdreg.scid  }
0x8b: {  	s0 =	sand.u32 $0x1, s1  }
0x8c: {  	s17 =	sshll.u32 s0, $0xA;
	s2 =	sadd.s32 s3, s2  }
0x8d: {  	s2 =	sadd.s32 s2, s17  }
0x8e: {  	[smem:$0x3FBC] =	sst s2  }
0x8f: {  	_ = 	snop  }
0x90: {  	s2 =	sld [smem:$0x3FD0];
	(tm) =	ssettm $0x1  }
0x91: {  	s18 =	sld [smem:$0x3FFB];
	_ =	sdelay $0x3  }
0x92: {  	_ =	strace s18  }
0x93: {  	s3 =	sld [smem:$0x3FFC];
	_ =	sdelay $0x3  }
0x94: {  	_ =	strace s3  }
0x95: {  	s3 =	sld [smem:$0x3FFD];
	_ =	sdelay $0x3  }
0x96: {  	_ =	strace s3  }
0x97: {  	_ =	strace $0x8FFFFFFF  }
0x98: {  	s19 =	sld [smem:$0x3FDB];
	_ =	sdelay $0x1  }
0x99: {  	s4 =	simm.s32 $_scs_section_size  }
0x9a: {  	s5 =	simm.s32 $_size__tile_overlayer_lowered;
	s6 =	simm.s32 $_tile_overlayer_lowered  }
0x9b: {  	s22 =	simm.s32 $0x1BFF;
	s21 =	sshll.u32 s6, $0x1;
	s3 =	sadd.s32 s4, s19  }
0x9c: {  	s7 =	simm.s32 $0x0;
	s20 =	sshll.u32 s5, $0x1;
	s5 =	sadd.s32 s21, s3  }
0x9d: {  	[timem:s7], [sflag:s22] =	dma.local [hbm:s5], s20  }
0x9e: {  	_ =	swait.ge [sflag:s22], s20  }
0x9f: {  	s4 =	ssub.s32 $0x0, s20;
	[sflag:s22] =	ssyncset.done $0x0  }
0xa0: {  	[sflag:s22] =	ssyncadd.s32 s4;
	_ =	sdelay $0x1  }
0xa1: {  	s23 =	simm.s32 $0x1B8B  }
0xa2: {  	_ =	swait.ge [sflag:s23], $0x1  }
0xa3: {  	[sflag:s23] =	ssyncset.done $0x0  }
0xa4: {  	s25 =	simm.s32 $0x1B8E;
	s24 =	sld [smem:$0x3FFE];
	[sflag:s23] =	ssyncadd.s32 $0xFFFFFFFF  }
0xa5: {  	s26 =	simm.s32 $execute0_lowered;
	[smem:$0x3FD2] =	sst s25  }
0xa6: {  	s5 =	sshll.u32 s26, $0x1;
	_ =	strace $0x80000049;
	[dreg:$0x1] =	wrdreg $0xFFFFFFFF  }
0xa7: {  	s28 =	simm.s32 $_size_execute0_lowered;
	s3 =	sadd.s32 s3, s5;
	[dreg:$0x0] =	wrdreg $0x0  }
0xa8: {  	s5 =	sshll.u32 s28, $0x1;
	[dreg:$0x2] =	wrdreg s3  }
0xa9: {  	[dreg:$0x3] =	wrdreg s5  }
0xaa: {  	[dreg:$0x4] =	wrdreg $0xC0  }
0xab: {  	_ =	task [dreg:s7], $0x5FFFF  }
0xac: {  	[dreg:$0x1] =	wrdreg $0xFFFFFFFF  }
0xad: {  	[dreg:$0x0] =	wrdreg $0x60  }
0xae: {  	[dreg:$0x2] =	wrdreg s24  }
0xaf: {  	[dreg:$0x3] =	wrdreg s2  }
0xb0: {  	[dreg:$0x4] =	wrdreg $0x83000  }
0xb1: {  	[dreg:$0x5] =	wrdreg $0x9  }
0xb2: {  	_ =	task.clear_ibuf [dreg:s7], $0x6FFFF;
	_ =	strace $0x90000049  }
0xb3: {  	s29 =	simm.s32 $0x9;
	_ =	strace $0x8000004B  }
0xb4: {  	_ =	swait.ge [sflag:s29], $0x1  }
0xb5: {  	[sflag:s29] =	ssyncadd.s32 $0xFFFFFFFF  }
0xb6: {  	_ =	strace $0x9000004B  }
0xb7: {  	_ =	sfence  }
0xb8: {  	s30 =	sld [smem:$0x0];
	_ =	sdelay $0x2  }
0xb9: {  	s31 =	sshll.u32 s1, $0xD;
	s1 =	sshrl.u32 s1, $0x2  }
0xba: {  	s3 =	sand.u32 $0x4000, s31;
	s1 =	sadd.s32 s1, s30  }
0xbb: {  	s0 =	sor.u32 s3, s0;
	s1 =	sshll.u32 s1, $0x11  }
0xbc: {  	s0 =	sor.u32 s1, s0  }
0xbd: {  	s0 =	sadd.s32 $0x8F2B, s0  }
0xbe: {  	[sflag:s0] =	ssyncadd.remote.s32 $0x1  }
0xbf: {  	_ =	sfence.sel $0xFFFF  }
0xc0: {  	[dreg:$0x0] =	wrdreg $0xFFFFFFFF;
	(pc) =	sbr.abs _section_cstart, $3  }
0xc1: {  	[dreg:$0x1] =	wrdreg $0xFFFFFFFF  }
0xc2: {  	_ =	task.clear_ibuf [dreg:s7], $0x2FFFF;
	_ =	strace $0x9FFFFFFF  }
0xc3: {  	(tm) =	ssettm $0x7FFFFFFF  }
tec
execute0_lowered:
.L_overlay_start_1:
0x0: {  	(tag) =	ssettag $0x1  }
0x1: {  	s0 =	rddreg [dreg:$0x0];
	s3 =	stileid.u32  }
0x2: {  	s2 =	rddreg [dreg:$0x2];
	s8 =	smul.u32 $0x14000, s3  }
0x3: {  	s1 =	srdreg.scid;
	s9 =	smul.u32 $0x50000, s3  }
0x4: {  	s4 =	simm.s32 $0x0;
	s28 =	simm.s32 $0x1;
	s13 =	smul.u32 $0x6D00, s3  }
0x5: {  	s29 =	simm.s32 $0x200;
	s30 =	simm.s32 $0x2;
	s17 =	smul.u32 $0x3100, s3  }
0x6: {  	s31 =	simm.s32 $0x280;
	s1 =	sand.u32 $0x1, s1;
	s25 =	smul.u32 $0xDA0, s3  }
0x7: {  	[smem:$0x7FF] =	sst s4;
	s5 =	sadd.s32 $0x15A00, s0;
	s26 =	smul.u32 $0x620, s3  }
0x8: {  	s6 =	sadd.s32 $0x1E00, s0;
	s7 =	smul.u32 $0x140000, s1;
	_ =	strace $0x8000004A  }
0x9: {  	s10 =	ssub.s32 $0x2, s1;
	p0 =	seq.s32 s1, $0x1;
	s21 =	sshrl.u32 s9, $0x2  }
0xa: {  	s22 =	sshrl.u32 s10, $0x1;
	s12 =	sshrl.u32 s13, $0x3;
	s24 =	sshrl.u32 s17, $0x3  }
0xb: {  	s14 =	sadd.s32 $0x6C00, s13;
	s17 =	sadd.s32 $0x70000, s17;
	s20 =	sadd.s32 s25, s6  }
0xc: {  	s25 =	simm.s32 $0x100;
	s7 =	sadd.s32 s8, s7;
	s19 =	ssub.s32 s10, s22  }
0xd: {  	s12 =	sadd.s32 s6, s12;
	s1 =	sadd.s32 s6, s24;
	s22 =	simm.s32 $0x300  }
0xe: {  	s24 =	simm.s32 $0x80;
	s8 =	sshrl.u32 s7, $0x3;
	s7 =	sadd.s32 s21, s2  }
0xf: {  	s23 =	sadd.s32 $0x20, s12;
	s15 =	sadd.s32 $0xDA00, s1;
	s1 =	sadd.s32 $0xDA20, s1  }
.Ltmp0:
0x10: {  	s19 =	smax.u32 s19, $0x1;
	s21 =	sadd.s32 s26, s6;
	(pc) =	sbr.rel .LBB2_1-.Ltmp0, $4  }
0x11: {  	s26 =	simm.s32 $0x4300;
	s0 =	sadd.s32 s8, s0;
	[dreg:$0x4] =	wrdreg s23  }
0x12: {  	s8 =	sadd.s32 $0x4000, s7;
	s9 =	sadd.s32 $0x8000, s7;
	[dreg:$0x5] =	wrdreg s15  }
0x13: {  	s10 =	sadd.s32 $0xC000, s7;
	s11 =	sadd.s32 $0x10000, s7;
	[dreg:$0x6] =	wrdreg s1  }
0x14: {  	s23 =	simm.s32 $0x3;
	s18 =	sadd.s32 $0x3CC00, s0;
	s0 =	simm.s32 $0x0  }
.LBB2_7:
0x15: {  	[sflag:s23] =	ssyncset.done $0x0;
	s1 =	sadd.s32 s1, s21  }
0x16: {  	[sflag:s23] =	ssyncadd.s32 $0xFFFFC000;
	s13 =	sadd.s32 $0xE000, s1  }
0x17: {  	[tilespmem:s4], [sflag:$0x3] =	stream.linear.gather [hbm4b:s13+s4], $0x100, $0x38;
	[tilespmem:$0x1C300] =	vst v63  }
0x18: {  	_ =	swait.ge [sflag:s23], $0x100  }
0x19: {  	[sflag:s23] =	ssyncset.done $0x0  }
0x1a: {  	[sflag:s23] =	ssyncadd.s32 $0xFFFFFF00  }
0x1b: {  	v0 =	vld [tilespmem:$0xC0]  }
0x1c: {  	v1 =	vld [tilespmem:$0xF0]  }
0x1d: {  	v2 =	vld [tilespmem:$0xE0]  }
0x1e: {  	v3 =	vld [tilespmem:$0xD0]  }
0x1f: {  	v4 =	vld [tilespmem:$0xB0]  }
0x20: {  	v5 =	vld [tilespmem:$0xA0];
	[tilespmem:$0x240] =	vst v0  }
0x21: {  	v54 =	vld [tilespmem:$0x80];
	[tilespmem:$0x270] =	vst v1  }
0x22: {  	v55 =	vld [tilespmem:$0x90];
	[tilespmem:$0x260] =	vst v2  }
0x23: {  	[tilespmem:$0x250] =	vst v3  }
0x24: {  	[tilespmem:$0x230] =	vst v4  }
0x25: {  	[tilespmem:$0x220] =	vst v5  }
0x26: {  	[tilespmem:$0x200] =	vst v54  }
0x27: {  	[tilespmem:$0x210] =	vst v55  }
0x28: {  	[tilespmem:s22], [sflag:$0x1] =	stream.indirect.gather [hbm4b:s5+s24], $0x80, s4, s24, $0xb8;
	[tilespmem:$0x1C300] =	vst v63  }
0x29: {  	_ =	swait.ge [sflag:s30], $0x4000  }
0x2a: {  	[sflag:s30] =	ssyncset.done $0x0  }
0x2b: {  	[sflag:s30] =	ssyncadd.s32 $0xFFFFC000  }
0x2c: {  	[spmem:s2] =	stream.indirect.scatter.add.f32 [tilespmem:s26], [sflag:$0x3], $0x80, s31, s24, $0xb8;
	[tilespmem:$0x1C300] =	vst v63  }
0x2d: {  	_ =	swait.ge [sflag:s23], $0x4000  }
0x2e: {  	[sflag:s23] =	ssyncset.done $0x0  }
0x2f: {  	s1 =	sadd.s32 $0xE020, s1;
	[sflag:s23] =	ssyncadd.s32 $0xFFFFC000  }
0x30: {  	[tilespmem:s25], [sflag:$0x3] =	stream.linear.gather [hbm4b:s1+s4], $0x100, $0x38;
	[tilespmem:$0x1C300] =	vst v63  }
0x31: {  	_ =	swait.ge [sflag:s23], $0x100  }
0x32: {  	[sflag:s23] =	ssyncset.done $0x0  }
0x33: {  	[sflag:s23] =	ssyncadd.s32 $0xFFFFFF00  }
0x34: {  	v56 =	vld [tilespmem:$0x180]  }
0x35: {  	v57 =	vld [tilespmem:$0x1F0]  }
0x36: {  	v58 =	vld [tilespmem:$0x1E0]  }
0x37: {  	v59 =	vld [tilespmem:$0x1D0]  }
0x38: {  	v60 =	vld [tilespmem:$0x190]  }
0x39: {  	v61 =	vld [tilespmem:$0x1B0];
	[tilespmem:$0x280] =	vst v56  }
0x3a: {  	v62 =	vld [tilespmem:$0x1A0];
	[tilespmem:$0x2F0] =	vst v57  }
0x3b: {  	v63 =	vld [tilespmem:$0x1C0];
	[tilespmem:$0x2E0] =	vst v58  }
0x3c: {  	[tilespmem:$0x2D0] =	vst v59  }
0x3d: {  	[tilespmem:$0x290] =	vst v60  }
0x3e: {  	[tilespmem:$0x2B0] =	vst v61  }
0x3f: {  	[tilespmem:$0x2A0] =	vst v62  }
0x40: {  	s1 =	smov.u32 s17;
	[tilespmem:$0x2C0] =	vst v63  }
0x41: {  	[tilespmem:s26], [sflag:$0x2] =	stream.indirect.gather [hbm4b:s5+s24], $0x80, s25, s24, $0xb8;
	[tilespmem:$0x1C300] =	vst v63  }
.LBB2_8:
0x42: {  	_ =	swait.ge [sflag:s28], $0x4000  }
0x43: {  	[sflag:s28] =	ssyncset.done $0x0  }
0x44: {  	[sflag:s28] =	ssyncadd.s32 $0xFFFFC000  }
0x45: {  	[spmem:s2] =	stream.indirect.scatter.add.f32 [tilespmem:s22], [sflag:$0x3], $0x80, s29, s24, $0xb8;
	[tilespmem:$0x1C300] =	vst v63  }
0x46: {  	_ =	swait.ge [sflag:s23], $0x4000  }
0x47: {  	s1 =	sshrl.u32 s1, $0x3;
	[sflag:s23] =	ssyncset.done $0x0  }
0x48: {  	s1 =	sadd.s32 s6, s1;
	[sflag:s23] =	ssyncadd.s32 $0xFFFFC000  }
0x49: {  	[tilespmem:s4], [sflag:$0x3] =	stream.linear.gather [hbm4b:s1+s4], $0x100, $0x38;
	[tilespmem:$0x1C300] =	vst v63  }
0x4a: {  	_ =	swait.ge [sflag:s23], $0x100  }
0x4b: {  	[sflag:s23] =	ssyncset.done $0x0  }
0x4c: {  	[sflag:s23] =	ssyncadd.s32 $0xFFFFFF00  }
0x4d: {  	v0 =	vld [tilespmem:$0x80]  }
0x4e: {  	v1 =	vld [tilespmem:$0x90]  }
0x4f: {  	v2 =	vld [tilespmem:$0xA0]  }
0x50: {  	v3 =	vld [tilespmem:$0xB0]  }
0x51: {  	v4 =	vld [tilespmem:$0xC0]  }
0x52: {  	v61 =	vld [tilespmem:$0xD0];
	[tilespmem:$0x200] =	vst v0  }
0x53: {  	v62 =	vld [tilespmem:$0xE0];
	[tilespmem:$0x210] =	vst v1  }
0x54: {  	v63 =	vld [tilespmem:$0xF0];
	[tilespmem:$0x220] =	vst v2  }
0x55: {  	[tilespmem:$0x230] =	vst v3  }
0x56: {  	[tilespmem:$0x240] =	vst v4  }
0x57: {  	[tilespmem:$0x250] =	vst v61  }
0x58: {  	[tilespmem:$0x260] =	vst v62  }
0x59: {  	[tilespmem:$0x270] =	vst v63  }
0x5a: {  	[tilespmem:s22], [sflag:$0x1] =	stream.indirect.gather [hbm4b:s5+s24], $0x80, s4, s24, $0xb8;
	[tilespmem:$0x1C300] =	vst v63  }
0x5b: {  	_ =	swait.ge [sflag:s30], $0x4000  }
0x5c: {  	[sflag:s30] =	ssyncset.done $0x0  }
0x5d: {  	[sflag:s30] =	ssyncadd.s32 $0xFFFFC000  }
0x5e: {  	[spmem:s2] =	stream.indirect.scatter.add.f32 [tilespmem:s26], [sflag:$0x3], $0x80, s31, s24, $0xb8;
	[tilespmem:$0x1C300] =	vst v63  }
0x5f: {  	_ =	swait.ge [sflag:s23], $0x4000  }
0x60: {  	[sflag:s23] =	ssyncset.done $0x0  }
0x61: {  	[sflag:s23] =	ssyncadd.s32 $0xFFFFC000  }
0x62: {  	_ =	swait.ge [sflag:s28], $0x4000  }
0x63: {  	[sflag:s28] =	ssyncset.done $0x0  }
0x64: {  	[sflag:s28] =	ssyncadd.s32 $0xFFFFC000  }
0x65: {  	[spmem:s2] =	stream.indirect.scatter.add.f32 [tilespmem:s22], [sflag:$0x3], $0x80, s29, s24, $0xb8;
	[tilespmem:$0x1C300] =	vst v63  }
0x66: {  	_ =	swait.ge [sflag:s23], $0x4000  }
0x67: {  	s16 =	sshll.u32 s3, $0x6;
	s0 =	sadd.s32 $0x1, s0;
	[sflag:s23] =	ssyncset.done $0x0  }
0x68: {  	s13 =	sshrl.u32 s7, $0x3;
	p1 =	sne.s32 s0, s19;
	[sflag:s23] =	ssyncadd.s32 $0xFFFFC000  }
.Ltmp1:
0x69: {  	s1 =	sor.u32 $0x1C03, s16;
	[bflag:$0x0] =	sbarrier.arrive $0xFFFF;
	(pc) =	sbr.rel @!p1 .LBB2_9-.Ltmp1, $4  }
0x6a: {  	[hbm:s18], [sflag:s1] =	dma.local [spmem:s13], $0x2800  }
0x6b: {  	_ =	swait.ge [sflag:s23], $0x2800  }
0x6c: {  	[sflag:s23] =	ssyncset.done $0x0  }
0x6d: {  	[sflag:s23] =	ssyncadd.s32 $0xFFFFD800  }
.LBB2_1:
0x6e: {  	s1 =	rddreg [dreg:$0x1]  }
0x6f: {  	[tilespmem:s22], [sflag:$0x3] =	stream.linear.gather [hbm4b:s1+s4], $0x4000, $0x38;
	[tilespmem:$0x1C300] =	vst v63  }
0x70: {  	_ =	swait.ge [sflag:s23], $0x4000  }
0x71: {  	[sflag:s23] =	ssyncset.done $0x0  }
0x72: {  	[sflag:s23] =	ssyncadd.s32 $0xFFFFC000  }
0x73: {  	[spmem:s7] =	stream.linear.scatter [tilespmem:s22], [sflag:$0x3], $0x4000, $0x38;
	[tilespmem:$0x1C300] =	vst v63  }
0x74: {  	_ =	swait.ge [sflag:s23], $0x4000  }
0x75: {  	[sflag:s23] =	ssyncset.done $0x0  }
0x76: {  	[sflag:s23] =	ssyncadd.s32 $0xFFFFC000  }
0x77: {  	[spmem:s8] =	stream.linear.scatter [tilespmem:s22], [sflag:$0x3], $0x4000, $0x38;
	[tilespmem:$0x1C300] =	vst v63  }
0x78: {  	_ =	swait.ge [sflag:s23], $0x4000  }
0x79: {  	[sflag:s23] =	ssyncset.done $0x0  }
0x7a: {  	[sflag:s23] =	ssyncadd.s32 $0xFFFFC000  }
0x7b: {  	[spmem:s9] =	stream.linear.scatter [tilespmem:s22], [sflag:$0x3], $0x4000, $0x38;
	[tilespmem:$0x1C300] =	vst v63  }
0x7c: {  	_ =	swait.ge [sflag:s23], $0x4000  }
0x7d: {  	[sflag:s23] =	ssyncset.done $0x0  }
0x7e: {  	[sflag:s23] =	ssyncadd.s32 $0xFFFFC000  }
0x7f: {  	[spmem:s10] =	stream.linear.scatter [tilespmem:s22], [sflag:$0x3], $0x4000, $0x38;
	[tilespmem:$0x1C300] =	vst v63  }
0x80: {  	_ =	swait.ge [sflag:s23], $0x4000  }
0x81: {  	[sflag:s23] =	ssyncset.done $0x0  }
0x82: {  	[sflag:s23] =	ssyncadd.s32 $0xFFFFC000  }
0x83: {  	[spmem:s11] =	stream.linear.scatter [tilespmem:s22], [sflag:$0x3], $0x4000, $0x38;
	[tilespmem:$0x1C300] =	vst v63  }
.Ltmp2:
0x84: {  	_ =	swait.ge [sflag:s23], $0x4000;
	(pc) =	sbr.rel @!p0 .LBB2_2-.Ltmp2, $3  }
0x85: {  	[sflag:s23] =	ssyncset.done $0x0  }
0x86: {  	[sflag:s23] =	ssyncadd.s32 $0xFFFFC000  }
0x87: {  	[bflag:$0x0] =	sbarrier.arrive $0xFFFF;
	_ =	sdelay $0x1  }
0x88: {  	s1 =	rddreg [dreg:$0x5]  }
0x89: {  	[tilespmem:s4], [sflag:$0x3] =	stream.linear.gather [hbm4b:s1+s4], $0x100, $0x38;
	[tilespmem:$0x1C300] =	vst v63  }
0x8a: {  	_ =	swait.ge [sflag:s23], $0x100  }
0x8b: {  	[sflag:s23] =	ssyncset.done $0x0  }
0x8c: {  	[sflag:s23] =	ssyncadd.s32 $0xFFFFFF00  }
0x8d: {  	v0 =	vld [tilespmem:$0x80]  }
0x8e: {  	v1 =	vld [tilespmem:$0x90]  }
0x8f: {  	v2 =	vld [tilespmem:$0xA0]  }
0x90: {  	v3 =	vld [tilespmem:$0xB0]  }
0x91: {  	v4 =	vld [tilespmem:$0xC0]  }
0x92: {  	v53 =	vld [tilespmem:$0xD0];
	[tilespmem:$0x200] =	vst v0  }
0x93: {  	v54 =	vld [tilespmem:$0xE0];
	[tilespmem:$0x210] =	vst v1  }
0x94: {  	v55 =	vld [tilespmem:$0xF0];
	[tilespmem:$0x220] =	vst v2  }
0x95: {  	[tilespmem:$0x230] =	vst v3  }
0x96: {  	[tilespmem:$0x240] =	vst v4  }
0x97: {  	[tilespmem:$0x250] =	vst v53  }
0x98: {  	[tilespmem:$0x260] =	vst v54  }
0x99: {  	[tilespmem:$0x270] =	vst v55  }
0x9a: {  	[tilespmem:s22], [sflag:$0x1] =	stream.indirect.gather [hbm4b:s5+s24], $0x80, s4, s24, $0xb8;
	[tilespmem:$0x1C300] =	vst v63  }
0x9b: {  	s16 =	rddreg [dreg:$0x6]  }
0x9c: {  	[tilespmem:s25], [sflag:$0x3] =	stream.linear.gather [hbm4b:s16+s4], $0x100, $0x38;
	[tilespmem:$0x1C300] =	vst v63  }
0x9d: {  	_ =	swait.ge [sflag:s23], $0x100  }
0x9e: {  	[sflag:s23] =	ssyncset.done $0x0  }
0x9f: {  	[sflag:s23] =	ssyncadd.s32 $0xFFFFFF00  }
0xa0: {  	v56 =	vld [tilespmem:$0x180]  }
0xa1: {  	v57 =	vld [tilespmem:$0x190]  }
0xa2: {  	v58 =	vld [tilespmem:$0x1A0]  }
0xa3: {  	v59 =	vld [tilespmem:$0x1B0]  }
0xa4: {  	v60 =	vld [tilespmem:$0x1C0]  }
0xa5: {  	v61 =	vld [tilespmem:$0x1D0];
	[tilespmem:$0x280] =	vst v56  }
0xa6: {  	v62 =	vld [tilespmem:$0x1E0];
	[tilespmem:$0x290] =	vst v57  }
0xa7: {  	v63 =	vld [tilespmem:$0x1F0];
	[tilespmem:$0x2A0] =	vst v58  }
0xa8: {  	[tilespmem:$0x2B0] =	vst v59  }
0xa9: {  	[tilespmem:$0x2C0] =	vst v60  }
0xaa: {  	[tilespmem:$0x2D0] =	vst v61  }
0xab: {  	[tilespmem:$0x2E0] =	vst v62  }
0xac: {  	[tilespmem:$0x2F0] =	vst v63  }
0xad: {  	[tilespmem:s26], [sflag:$0x2] =	stream.indirect.gather [hbm4b:s5+s24], $0x80, s25, s24, $0xb8;
	[tilespmem:$0x1C300] =	vst v63  }
0xae: {  	_ =	swait.ge [sflag:s28], $0x4000  }
0xaf: {  	[sflag:s28] =	ssyncset.done $0x0  }
0xb0: {  	[sflag:s28] =	ssyncadd.s32 $0xFFFFC000  }
0xb1: {  	[spmem:s2] =	stream.indirect.scatter.add.f32 [tilespmem:s22], [sflag:$0x3], $0x80, s29, s24, $0xb8;
	[tilespmem:$0x1C300] =	vst v63  }
0xb2: {  	s13 =	simm.s32 $0xFFFFFA80;
	s1 =	simm.s32 $0xFFFFFA40;
	_ =	swait.ge [sflag:s23], $0x4000  }
.LBB2_6:
0xb3: {  	p1 =	sne.s32 s13, $0xFFFFFFC0  }
0xb4: {  	[sflag:s23] =	ssyncset.done $0x0;
	s15 =	sadd.s32 s1, s21;
	s1 =	smov.u32 s13  }
0xb5: {  	s13 =	sadd.s32 $0x40, s13;
	[sflag:s23] =	ssyncadd.s32 $0xFFFFC000;
	s16 =	sadd.s32 $0xE000, s15  }
0xb6: {  	[tilespmem:s4], [sflag:$0x3] =	stream.linear.gather [hbm4b:s16+s4], $0x100, $0x38;
	[tilespmem:$0x1C300] =	vst v63  }
0xb7: {  	_ =	swait.ge [sflag:s23], $0x100  }
0xb8: {  	[sflag:s23] =	ssyncset.done $0x0  }
0xb9: {  	[sflag:s23] =	ssyncadd.s32 $0xFFFFFF00  }
0xba: {  	v0 =	vld [tilespmem:$0xC0]  }
0xbb: {  	v1 =	vld [tilespmem:$0xF0]  }
0xbc: {  	v2 =	vld [tilespmem:$0xE0]  }
0xbd: {  	v3 =	vld [tilespmem:$0xD0]  }
0xbe: {  	v4 =	vld [tilespmem:$0xB0]  }
0xbf: {  	v5 =	vld [tilespmem:$0xA0];
	[tilespmem:$0x240] =	vst v0  }
0xc0: {  	v0 =	vld [tilespmem:$0x80];
	[tilespmem:$0x270] =	vst v1  }
0xc1: {  	v1 =	vld [tilespmem:$0x90];
	[tilespmem:$0x260] =	vst v2  }
0xc2: {  	[tilespmem:$0x250] =	vst v3  }
0xc3: {  	[tilespmem:$0x230] =	vst v4  }
0xc4: {  	[tilespmem:$0x220] =	vst v5  }
0xc5: {  	[tilespmem:$0x200] =	vst v0  }
0xc6: {  	[tilespmem:$0x210] =	vst v1  }
0xc7: {  	[tilespmem:s22], [sflag:$0x1] =	stream.indirect.gather [hbm4b:s5+s24], $0x80, s4, s24, $0xb8;
	[tilespmem:$0x1C300] =	vst v63  }
0xc8: {  	_ =	swait.ge [sflag:s30], $0x4000  }
0xc9: {  	[sflag:s30] =	ssyncset.done $0x0  }
0xca: {  	[sflag:s30] =	ssyncadd.s32 $0xFFFFC000  }
0xcb: {  	[spmem:s2] =	stream.indirect.scatter.add.f32 [tilespmem:s26], [sflag:$0x3], $0x80, s31, s24, $0xb8;
	[tilespmem:$0x1C300] =	vst v63  }
0xcc: {  	_ =	swait.ge [sflag:s23], $0x4000  }
0xcd: {  	[sflag:s23] =	ssyncset.done $0x0  }
0xce: {  	s15 =	sadd.s32 $0xE020, s15;
	[sflag:s23] =	ssyncadd.s32 $0xFFFFC000  }
0xcf: {  	[tilespmem:s25], [sflag:$0x3] =	stream.linear.gather [hbm4b:s15+s4], $0x100, $0x38;
	[tilespmem:$0x1C300] =	vst v63  }
0xd0: {  	_ =	swait.ge [sflag:s23], $0x100  }
0xd1: {  	[sflag:s23] =	ssyncset.done $0x0  }
0xd2: {  	[sflag:s23] =	ssyncadd.s32 $0xFFFFFF00  }
0xd3: {  	v0 =	vld [tilespmem:$0x180]  }
0xd4: {  	v1 =	vld [tilespmem:$0x1F0]  }
0xd5: {  	v2 =	vld [tilespmem:$0x1E0]  }
0xd6: {  	v3 =	vld [tilespmem:$0x1D0]  }
0xd7: {  	v4 =	vld [tilespmem:$0x190]  }
0xd8: {  	[tilespmem:$0x280] =	vst v0;
	v0 =	vld [tilespmem:$0x1B0]  }
0xd9: {  	v5 =	vld [tilespmem:$0x1A0];
	[tilespmem:$0x2F0] =	vst v1  }
0xda: {  	v1 =	vld [tilespmem:$0x1C0];
	[tilespmem:$0x2E0] =	vst v2  }
0xdb: {  	[tilespmem:$0x2D0] =	vst v3  }
0xdc: {  	[tilespmem:$0x290] =	vst v4  }
0xdd: {  	[tilespmem:$0x2B0] =	vst v0  }
0xde: {  	[tilespmem:$0x2A0] =	vst v5  }
0xdf: {  	[tilespmem:$0x2C0] =	vst v1  }
0xe0: {  	[tilespmem:s26], [sflag:$0x2] =	stream.indirect.gather [hbm4b:s5+s24], $0x80, s25, s24, $0xb8;
	[tilespmem:$0x1C300] =	vst v63  }
.Ltmp3:
0xe1: {  	_ =	swait.ge [sflag:s28], $0x4000;
	(pc) =	sbr.rel @p1 .LBB2_6-.Ltmp3, $4  }
0xe2: {  	[sflag:s28] =	ssyncset.done $0x0  }
0xe3: {  	[sflag:s28] =	ssyncadd.s32 $0xFFFFC000  }
0xe4: {  	[spmem:s2] =	stream.indirect.scatter.add.f32 [tilespmem:s22], [sflag:$0x3], $0x80, s29, s24, $0xb8;
	[tilespmem:$0x1C300] =	vst v63  }
0xe5: {  	_ =	swait.ge [sflag:s23], $0x4000  }
.Ltmp4:
0xe6: {  	_ = 	snop;
	(pc) =	sbr.rel .LBB2_7-.Ltmp4, $1  }
0xe7: {  	_ =	sdelay $0x3  }
.LBB2_2:
0xe8: {  	[tilespmem:s4], [sflag:$0x3] =	stream.linear.gather [hbm4b:s12+s4], $0x100, $0x38;
	[tilespmem:$0x1C300] =	vst v63  }
0xe9: {  	_ =	swait.ge [sflag:s23], $0x100  }
0xea: {  	[sflag:s23] =	ssyncset.done $0x0  }
0xeb: {  	[sflag:s23] =	ssyncadd.s32 $0xFFFFFF00  }
0xec: {  	v0 =	vld [tilespmem:$0x80]  }
0xed: {  	v1 =	vld [tilespmem:$0x90]  }
0xee: {  	v2 =	vld [tilespmem:$0xA0]  }
0xef: {  	v3 =	vld [tilespmem:$0xB0]  }
0xf0: {  	v4 =	vld [tilespmem:$0xC0]  }
0xf1: {  	v53 =	vld [tilespmem:$0xD0];
	[tilespmem:$0x200] =	vst v0  }
0xf2: {  	v54 =	vld [tilespmem:$0xE0];
	[tilespmem:$0x210] =	vst v1  }
0xf3: {  	v55 =	vld [tilespmem:$0xF0];
	[tilespmem:$0x220] =	vst v2  }
0xf4: {  	[tilespmem:$0x230] =	vst v3  }
0xf5: {  	[tilespmem:$0x240] =	vst v4  }
0xf6: {  	[tilespmem:$0x250] =	vst v53  }
0xf7: {  	[tilespmem:$0x260] =	vst v54  }
0xf8: {  	[tilespmem:$0x270] =	vst v55  }
0xf9: {  	[tilespmem:s22], [sflag:$0x1] =	stream.indirect.gather [hbm4b:s5+s24], $0x80, s4, s24, $0xb8;
	[tilespmem:$0x1C300] =	vst v63  }
0xfa: {  	s1 =	rddreg [dreg:$0x4]  }
0xfb: {  	[tilespmem:s25], [sflag:$0x3] =	stream.linear.gather [hbm4b:s1+s4], $0x100, $0x38;
	[tilespmem:$0x1C300] =	vst v63  }
0xfc: {  	_ =	swait.ge [sflag:s23], $0x100  }
0xfd: {  	[sflag:s23] =	ssyncset.done $0x0  }
0xfe: {  	[sflag:s23] =	ssyncadd.s32 $0xFFFFFF00  }
0xff: {  	v56 =	vld [tilespmem:$0x180]  }
0x100: {  	v57 =	vld [tilespmem:$0x190]  }
0x101: {  	v58 =	vld [tilespmem:$0x1A0]  }
0x102: {  	v59 =	vld [tilespmem:$0x1B0]  }
0x103: {  	v60 =	vld [tilespmem:$0x1C0]  }
0x104: {  	v61 =	vld [tilespmem:$0x1D0];
	[tilespmem:$0x280] =	vst v56  }
0x105: {  	v62 =	vld [tilespmem:$0x1E0];
	[tilespmem:$0x290] =	vst v57  }
0x106: {  	v63 =	vld [tilespmem:$0x1F0];
	[tilespmem:$0x2A0] =	vst v58  }
0x107: {  	[tilespmem:$0x2B0] =	vst v59  }
0x108: {  	[tilespmem:$0x2C0] =	vst v60  }
0x109: {  	[tilespmem:$0x2D0] =	vst v61  }
0x10a: {  	[tilespmem:$0x2E0] =	vst v62  }
0x10b: {  	[tilespmem:$0x2F0] =	vst v63  }
0x10c: {  	[tilespmem:s26], [sflag:$0x2] =	stream.indirect.gather [hbm4b:s5+s24], $0x80, s25, s24, $0xb8;
	[tilespmem:$0x1C300] =	vst v63  }
0x10d: {  	_ =	swait.ge [sflag:s28], $0x4000  }
0x10e: {  	[sflag:s28] =	ssyncset.done $0x0  }
0x10f: {  	[sflag:s28] =	ssyncadd.s32 $0xFFFFC000  }
0x110: {  	[spmem:s2] =	stream.indirect.scatter.add.f32 [tilespmem:s22], [sflag:$0x3], $0x80, s29, s24, $0xb8;
	[tilespmem:$0x1C300] =	vst v63  }
0x111: {  	s13 =	simm.s32 $0xFFFFF300;
	s1 =	simm.s32 $0xFFFFF2C0;
	_ =	swait.ge [sflag:s23], $0x4000  }
.LBB2_3:
0x112: {  	p1 =	seq.s32 s13, $0xFFFFFFC0  }
0x113: {  	[sflag:s23] =	ssyncset.done $0x0;
	s15 =	sadd.s32 s1, s20;
	s1 =	smov.u32 s13  }
0x114: {  	s13 =	sadd.s32 $0x40, s13;
	[sflag:s23] =	ssyncadd.s32 $0xFFFFC000;
	s16 =	sadd.s32 $0xD80, s15  }
0x115: {  	[tilespmem:s4], [sflag:$0x3] =	stream.linear.gather [hbm4b:s16+s4], $0x100, $0x38;
	[tilespmem:$0x1C300] =	vst v63  }
0x116: {  	_ =	swait.ge [sflag:s23], $0x100  }
0x117: {  	[sflag:s23] =	ssyncset.done $0x0  }
0x118: {  	[sflag:s23] =	ssyncadd.s32 $0xFFFFFF00  }
0x119: {  	v0 =	vld [tilespmem:$0xC0]  }
0x11a: {  	v1 =	vld [tilespmem:$0xF0]  }
0x11b: {  	v2 =	vld [tilespmem:$0xE0]  }
0x11c: {  	v3 =	vld [tilespmem:$0xD0]  }
0x11d: {  	v4 =	vld [tilespmem:$0xB0]  }
0x11e: {  	v5 =	vld [tilespmem:$0xA0];
	[tilespmem:$0x240] =	vst v0  }
0x11f: {  	v0 =	vld [tilespmem:$0x80];
	[tilespmem:$0x270] =	vst v1  }
0x120: {  	v1 =	vld [tilespmem:$0x90];
	[tilespmem:$0x260] =	vst v2  }
0x121: {  	[tilespmem:$0x250] =	vst v3  }
0x122: {  	[tilespmem:$0x230] =	vst v4  }
0x123: {  	[tilespmem:$0x220] =	vst v5  }
0x124: {  	[tilespmem:$0x200] =	vst v0  }
0x125: {  	[tilespmem:$0x210] =	vst v1  }
0x126: {  	[tilespmem:s22], [sflag:$0x1] =	stream.indirect.gather [hbm4b:s5+s24], $0x80, s4, s24, $0xb8;
	[tilespmem:$0x1C300] =	vst v63  }
0x127: {  	_ =	swait.ge [sflag:s30], $0x4000  }
0x128: {  	[sflag:s30] =	ssyncset.done $0x0  }
0x129: {  	[sflag:s30] =	ssyncadd.s32 $0xFFFFC000  }
0x12a: {  	[spmem:s2] =	stream.indirect.scatter.add.f32 [tilespmem:s26], [sflag:$0x3], $0x80, s31, s24, $0xb8;
	[tilespmem:$0x1C300] =	vst v63  }
0x12b: {  	_ =	swait.ge [sflag:s23], $0x4000  }
0x12c: {  	[sflag:s23] =	ssyncset.done $0x0  }
0x12d: {  	s15 =	sadd.s32 $0xDA0, s15;
	[sflag:s23] =	ssyncadd.s32 $0xFFFFC000  }
0x12e: {  	[tilespmem:s25], [sflag:$0x3] =	stream.linear.gather [hbm4b:s15+s4], $0x100, $0x38;
	[tilespmem:$0x1C300] =	vst v63  }
0x12f: {  	_ =	swait.ge [sflag:s23], $0x100  }
0x130: {  	[sflag:s23] =	ssyncset.done $0x0  }
0x131: {  	[sflag:s23] =	ssyncadd.s32 $0xFFFFFF00  }
0x132: {  	v0 =	vld [tilespmem:$0x180]  }
0x133: {  	v1 =	vld [tilespmem:$0x1F0]  }
0x134: {  	v2 =	vld [tilespmem:$0x1E0]  }
0x135: {  	v3 =	vld [tilespmem:$0x1D0]  }
0x136: {  	v4 =	vld [tilespmem:$0x190]  }
0x137: {  	[tilespmem:$0x280] =	vst v0;
	v0 =	vld [tilespmem:$0x1B0]  }
0x138: {  	v5 =	vld [tilespmem:$0x1A0];
	[tilespmem:$0x2F0] =	vst v1  }
0x139: {  	v1 =	vld [tilespmem:$0x1C0];
	[tilespmem:$0x2E0] =	vst v2  }
0x13a: {  	[tilespmem:$0x2D0] =	vst v3  }
0x13b: {  	[tilespmem:$0x290] =	vst v4  }
0x13c: {  	[tilespmem:$0x2B0] =	vst v0  }
0x13d: {  	[tilespmem:$0x2A0] =	vst v5  }
0x13e: {  	[tilespmem:$0x2C0] =	vst v1  }
0x13f: {  	[tilespmem:s26], [sflag:$0x2] =	stream.indirect.gather [hbm4b:s5+s24], $0x80, s25, s24, $0xb8;
	[tilespmem:$0x1C300] =	vst v63  }
.Ltmp5:
0x140: {  	_ =	swait.ge [sflag:s28], $0x4000;
	(pc) =	sbr.rel @!p1 .LBB2_3-.Ltmp5, $4  }
0x141: {  	[sflag:s28] =	ssyncset.done $0x0  }
0x142: {  	[sflag:s28] =	ssyncadd.s32 $0xFFFFC000  }
0x143: {  	[spmem:s2] =	stream.indirect.scatter.add.f32 [tilespmem:s22], [sflag:$0x3], $0x80, s29, s24, $0xb8;
	[tilespmem:$0x1C300] =	vst v63  }
0x144: {  	_ =	swait.ge [sflag:s23], $0x4000  }
0x145: {  	[sflag:s23] =	ssyncset.done $0x0;
	s1 =	sadd.s32 s1, s20  }
0x146: {  	[sflag:s23] =	ssyncadd.s32 $0xFFFFC000;
	s13 =	sadd.s32 $0xD80, s1  }
0x147: {  	[tilespmem:s4], [sflag:$0x3] =	stream.linear.gather [hbm4b:s13+s4], $0x100, $0x38;
	[tilespmem:$0x1C300] =	vst v63  }
0x148: {  	_ =	swait.ge [sflag:s23], $0x100  }
0x149: {  	[sflag:s23] =	ssyncset.done $0x0  }
0x14a: {  	[sflag:s23] =	ssyncadd.s32 $0xFFFFFF00  }
0x14b: {  	v0 =	vld [tilespmem:$0xC0]  }
0x14c: {  	v1 =	vld [tilespmem:$0xF0]  }
0x14d: {  	v2 =	vld [tilespmem:$0xE0]  }
0x14e: {  	v3 =	vld [tilespmem:$0xD0]  }
0x14f: {  	v4 =	vld [tilespmem:$0xB0]  }
0x150: {  	v5 =	vld [tilespmem:$0xA0];
	[tilespmem:$0x240] =	vst v0  }
0x151: {  	v54 =	vld [tilespmem:$0x80];
	[tilespmem:$0x270] =	vst v1  }
0x152: {  	v55 =	vld [tilespmem:$0x90];
	[tilespmem:$0x260] =	vst v2  }
0x153: {  	[tilespmem:$0x250] =	vst v3  }
0x154: {  	[tilespmem:$0x230] =	vst v4  }
0x155: {  	[tilespmem:$0x220] =	vst v5  }
0x156: {  	[tilespmem:$0x200] =	vst v54  }
0x157: {  	[tilespmem:$0x210] =	vst v55  }
0x158: {  	[tilespmem:s22], [sflag:$0x1] =	stream.indirect.gather [hbm4b:s5+s24], $0x80, s4, s24, $0xb8;
	[tilespmem:$0x1C300] =	vst v63  }
0x159: {  	_ =	swait.ge [sflag:s30], $0x4000  }
0x15a: {  	[sflag:s30] =	ssyncset.done $0x0  }
0x15b: {  	[sflag:s30] =	ssyncadd.s32 $0xFFFFC000  }
0x15c: {  	[spmem:s2] =	stream.indirect.scatter.add.f32 [tilespmem:s26], [sflag:$0x3], $0x80, s31, s24, $0xb8;
	[tilespmem:$0x1C300] =	vst v63  }
0x15d: {  	_ =	swait.ge [sflag:s23], $0x4000  }
0x15e: {  	[sflag:s23] =	ssyncset.done $0x0  }
0x15f: {  	s1 =	sadd.s32 $0xDA0, s1;
	[sflag:s23] =	ssyncadd.s32 $0xFFFFC000  }
0x160: {  	[tilespmem:s25], [sflag:$0x3] =	stream.linear.gather [hbm4b:s1+s4], $0x100, $0x38;
	[tilespmem:$0x1C300] =	vst v63  }
0x161: {  	_ =	swait.ge [sflag:s23], $0x100  }
0x162: {  	[sflag:s23] =	ssyncset.done $0x0  }
0x163: {  	[sflag:s23] =	ssyncadd.s32 $0xFFFFFF00  }
0x164: {  	v56 =	vld [tilespmem:$0x180]  }
0x165: {  	v57 =	vld [tilespmem:$0x1F0]  }
0x166: {  	v58 =	vld [tilespmem:$0x1E0]  }
0x167: {  	v59 =	vld [tilespmem:$0x1D0]  }
0x168: {  	v60 =	vld [tilespmem:$0x190]  }
0x169: {  	v61 =	vld [tilespmem:$0x1B0];
	[tilespmem:$0x280] =	vst v56  }
0x16a: {  	v62 =	vld [tilespmem:$0x1A0];
	[tilespmem:$0x2F0] =	vst v57  }
0x16b: {  	v63 =	vld [tilespmem:$0x1C0];
	[tilespmem:$0x2E0] =	vst v58  }
0x16c: {  	[tilespmem:$0x2D0] =	vst v59  }
.Ltmp6:
0x16d: {  	[tilespmem:$0x290] =	vst v60;
	(pc) =	sbr.rel .LBB2_8-.Ltmp6, $4  }
0x16e: {  	[tilespmem:$0x2B0] =	vst v61  }
0x16f: {  	[tilespmem:$0x2A0] =	vst v62  }
0x170: {  	s1 =	smov.u32 s14;
	[tilespmem:$0x2C0] =	vst v63  }
0x171: {  	[tilespmem:s26], [sflag:$0x2] =	stream.indirect.gather [hbm4b:s5+s24], $0x80, s25, s24, $0xb8;
	[tilespmem:$0x1C300] =	vst v63  }
.LBB2_9:
0x172: {  	_ =	sfence.sel $0x180000  }
0x173: {  	[bflag:$0x0] =	sbarrier.arrive $0xFFFF  }
0x174: {  	_ =	strace $0x9000004A  }
0x175: {  	[bflag:$0x2] =	sbarrier.arrive $0xFFFF  }
0x176: {  	p0 =	sne.s32 s3, $0x0;
	s0 =	rddreg [dreg:$0x3]  }
0x177: {  	s0 =	sadd.s32 @!p0 $0x100000, s0  }
0x178: {  	[sflag:s0] =	ssyncadd.tile.s32 @!p0 $0x1;
	_ =	shalt  }
.Lfunc_end2:
_tile_overlayer_lowered:
.L_overlay_start_2:
0x179: {  	(tag) =	ssettag $0x2  }
0x17a: {  	s0 =	rddreg [dreg:$0x0];
	s2 =	stileid.u32  }
0x17b: {  	s1 =	rddreg [dreg:$0x1];
	p0 =	sne.s32 s2, $0x0  }
0x17c: {  	s3 =	rddreg [dreg:$0x2];
	[bflag:$0x3] =	sbarrier.arrive $0xFFFF;
	s2 =	simm.s32 @!p0 $0x1C03  }
0x17d: {  	[timem:s3], [sflag:s2] =	dma.local @!p0 [hbm:s0], s1  }
0x17e: {  	s0 =	simm.s32 @!p0 $0x3  }
0x17f: {  	_ =	swait.ge @!p0 [sflag:s0], s1  }
0x180: {  	s1 =	ssub.s32 @!p0 $0x0, s1;
	[sflag:s0] =	ssyncset.done @!p0 $0x0  }
0x181: {  	[sflag:s0] =	ssyncadd.s32 @!p0 s1  }
0x182: {  	[bflag:$0x3] =	sbarrier.arrive $0xFFFF  }
0x183: {  	_ =	shalt  }

</sc_bundles>
